<compile_context>
chip_gen: v7x
topology: tpu7x:2x2x1
jax: 0.10.2.dev20260603
libtpu: 0.0.44.dev20260713+nightly
codegen_flags: <defaults>
</compile_context>

<pallas_src>
import functools

import jax
import jax.numpy as jnp
from jax import lax
from jax.experimental import pallas as pl
from jax.experimental.pallas import tpu as pltpu
from jax.experimental.pallas import tpu_sc as plsc

N_CORES = 2
N_SUB = 16

N_PHASE = 3
PH = 3336
OWN = 209
CAP = 10240
CH = 80
N_CHUNKS = CAP // CH


def _make_sc_agg(n_nodes, fh):
    accr = PH + 8
    rps = (PH // N_SUB) // 8 * 8
    zlast = accr - 15 * rps
    mesh = plsc.VectorSubcoreMesh(core_axis_name="c", subcore_axis_name="s")
    phase_rows = []
    for p in range(N_PHASE):
        valid = min(PH, n_nodes - p * PH)
        phase_rows.append(valid - 15 * rps)

    @functools.partial(
        pl.kernel,
        mesh=mesh,
        out_type=jax.ShapeDtypeStruct((2 * n_nodes, fh), jnp.float32),
        scratch_types=[
            pltpu.VMEM((N_CHUNKS, CH), jnp.int32),
            pltpu.VMEM((N_CHUNKS, CH), jnp.int32),
            pltpu.VMEM((CH, fh), jnp.float32),
            pltpu.VMEM((CH, fh), jnp.float32),
            pltpu.VMEM_SHARED((accr, fh), jnp.float32),
            pltpu.SemaphoreType.DMA,
            pltpu.SemaphoreType.DMA,
        ],
        name="sc_edge_segment_sum",
    )
    def sc_agg(table, src_r, dst_r, zeros, out, idxb, dstb, buf_a, buf_b,
               acc, sem_a, sem_b):
        c = lax.axis_index("c")
        s = lax.axis_index("s")

        for p in range(N_PHASE):
            @pl.when(s < N_SUB - 1)
            def _():
                pltpu.sync_copy(zeros.at[pl.ds(0, rps)],
                                acc.at[pl.ds(s * rps, rps)])

            @pl.when(s == N_SUB - 1)
            def _():
                pltpu.sync_copy(zeros.at[pl.ds(0, zlast)],
                                acc.at[pl.ds((N_SUB - 1) * rps, zlast)])

            pltpu.sync_copy(src_r.at[c, p, s], idxb)
            pltpu.sync_copy(dst_r.at[p, s], dstb)
            plsc.subcore_barrier()

            pltpu.async_copy(table.at[idxb.at[0]], buf_a, sem_a)
            pltpu.async_copy(table.at[idxb.at[1]], buf_b, sem_b)

            def body(k2, carry):
                ka = 2 * k2
                kb = 2 * k2 + 1
                pltpu.make_async_copy(table.at[idxb.at[ka]], buf_a,
                                      sem_a).wait()
                pltpu.sync_copy(buf_a, acc.at[dstb.at[ka]], add=True)

                @pl.when(ka + 2 < N_CHUNKS)
                def _():
                    pltpu.async_copy(table.at[idxb.at[ka + 2]], buf_a, sem_a)

                pltpu.make_async_copy(table.at[idxb.at[kb]], buf_b,
                                      sem_b).wait()
                pltpu.sync_copy(buf_b, acc.at[dstb.at[kb]], add=True)

                @pl.when(kb + 2 < N_CHUNKS)
                def _():
                    pltpu.async_copy(table.at[idxb.at[kb + 2]], buf_b, sem_b)

                return carry

            lax.fori_loop(0, N_CHUNKS // 2, body, 0)
            plsc.subcore_barrier()

            obase = c * n_nodes + p * PH
            rl = phase_rows[p]

            @pl.when(s < N_SUB - 1)
            def _():
                pltpu.sync_copy(acc.at[pl.ds(s * rps, rps)],
                                out.at[pl.ds(obase + s * rps, rps)])

            @pl.when(s == N_SUB - 1)
            def _():
                pltpu.sync_copy(
                    acc.at[pl.ds((N_SUB - 1) * rps, rl)],
                    out.at[pl.ds(obase + (N_SUB - 1) * rps, rl)])

    return sc_agg


def _tc_dot(lhs, w, b, relu, rows):
    n, k = lhs.shape
    m = w.shape[1]
    grid = n // rows

    def body(l_ref, w_ref, b_ref, o_ref):
        t = jnp.dot(l_ref[...], w_ref[...],
                    preferred_element_type=jnp.float32) + b_ref[...]
        o_ref[...] = jnp.maximum(t, 0.0) if relu else t

    return pl.pallas_call(
        body,
        grid=(grid,),
        in_specs=[pl.BlockSpec((rows, k), lambda i: (i, 0)),
                  pl.BlockSpec((k, m), lambda i: (0, 0)),
                  pl.BlockSpec((1, m), lambda i: (0, 0))],
        out_specs=pl.BlockSpec((rows, m), lambda i: (i, 0)),
        out_shape=jax.ShapeDtypeStruct((n, m), jnp.float32),
        name="tc_dot",
    )(lhs, w, b)


def _tc_add1(x, ragg3):
    n, f = x.shape
    rows = 1000

    def body(x_ref, r_ref, o_ref):
        o_ref[...] = x_ref[...] + r_ref[0]

    return pl.pallas_call(
        body,
        grid=(n // rows,),
        in_specs=[pl.BlockSpec((rows, f), lambda i: (i, 0)),
                  pl.BlockSpec((2, rows, f), lambda i: (0, i, 0))],
        out_specs=pl.BlockSpec((rows, f), lambda i: (i, 0)),
        out_shape=jax.ShapeDtypeStruct((n, f), jnp.float32),
        name="tc_add1",
    )(x, ragg3)


def _tc_addg(x, ragg3):
    n, f = x.shape
    fh = f // 2
    rows = 1000

    def body(x_ref, r_ref, o_ref):
        o_ref[...] = x_ref[...] + jnp.concatenate([r_ref[0], r_ref[1]],
                                                  axis=1)

    return pl.pallas_call(
        body,
        grid=(n // rows,),
        in_specs=[pl.BlockSpec((rows, f), lambda i: (i, 0)),
                  pl.BlockSpec((2, rows, fh), lambda i: (0, i, 0))],
        out_specs=pl.BlockSpec((rows, f), lambda i: (i, 0)),
        out_shape=jax.ShapeDtypeStruct((n, f), jnp.float32),
        name="tc_addg",
    )(x, ragg3)


def _tc_split(x):
    n, f = x.shape
    fh = f // 2
    rows = 1000

    def body(x_ref, t_ref):
        t_ref[0] = x_ref[:, :fh]
        t_ref[1] = x_ref[:, fh:]

    return pl.pallas_call(
        body,
        grid=(n // rows,),
        in_specs=[pl.BlockSpec((rows, f), lambda i: (i, 0))],
        out_specs=pl.BlockSpec((2, rows, fh), lambda i: (0, i, 0)),
        out_shape=jax.ShapeDtypeStruct((2, n, fh), jnp.float32),
        name="tc_split",
    )(x)


def _tc_pool(x, batch2, bp):
    n, f = x.shape
    rows = 1000

    def body(x_ref, b_ref, o_ref, pool_s):
        i = pl.program_id(0)

        @pl.when(i == 0)
        def _():
            pool_s[...] = jnp.zeros_like(pool_s)

        ids = lax.broadcasted_iota(jnp.int32, (rows, bp), 1)
        onehot = (b_ref[...] == ids).astype(jnp.float32)
        pool_s[...] += lax.dot_general(
            onehot, x_ref[...], (((0,), (0,)), ((), ())),
            preferred_element_type=jnp.float32,
            precision=lax.Precision.HIGHEST)

        @pl.when(i == pl.num_programs(0) - 1)
        def _():
            o_ref[...] = pool_s[...]

    return pl.pallas_call(
        body,
        grid=(n // rows,),
        in_specs=[pl.BlockSpec((rows, f), lambda i: (i, 0)),
                  pl.BlockSpec((rows, 1), lambda i: (i, 0))],
        out_specs=pl.BlockSpec((bp, f), lambda i: (0, 0)),
        out_shape=jax.ShapeDtypeStruct((bp, f), jnp.float32),
        scratch_shapes=[pltpu.VMEM((bp, f), jnp.float32)],
        name="tc_pool",
    )(x, batch2)


def _bucketize(src, dst, n):
    e = src.shape[0]
    p = dst // PH
    local = dst - p * PH
    s = local // OWN
    key = (p * N_SUB + s).astype(jnp.int32)
    order = jnp.argsort(key, stable=True)
    skey = key[order]
    start = jnp.searchsorted(skey,
                             jnp.arange(N_PHASE * N_SUB, dtype=skey.dtype))
    rank = jnp.arange(e, dtype=jnp.int32) - start[skey].astype(jnp.int32)
    slot = skey * CAP + rank
    slot = jnp.where(rank < CAP, slot, 2 ** 30)
    tot = N_PHASE * N_SUB * CAP
    src_pad = jnp.zeros((tot,), jnp.int32).at[slot].set(
        src[order], mode="drop")
    dst_pad = jnp.full((tot,), PH, jnp.int32).at[slot].set(
        local[order], mode="drop")
    src_r = jnp.stack([src_pad, src_pad + n]).reshape(
        2, N_PHASE, N_SUB, N_CHUNKS, CH)
    dst_r = dst_pad.reshape(N_PHASE, N_SUB, N_CHUNKS, CH)
    return src_r, dst_r


def kernel(x, edge_index, batch,
           l1_W1, l1_b1, l1_W2, l1_b2, l1_g, l1_be,
           l2_W1, l2_b1, l2_W2, l2_b2, l2_g, l2_be,
           l3_W1, l3_b1, l3_W2, l3_b2, l3_g, l3_be,
           l4_W1, l4_b1, l4_W2, l4_b2, l4_g, l4_be,
           l5_W1, l5_b1, l5_W2, l5_b2, l5_g, l5_be,
           l6_W1, l6_b1, l6_W2, l6_b2, l6_g, l6_be,
           fcxd_W, fcxd_b, fc1_W, fc1_b, fc2_W, fc2_b, out_W, out_b):
    n, f_in = x.shape
    dim = l1_W1.shape[1]
    fh = dim // 2
    n_graphs = 300
    bp = 384

    src = edge_index[0]
    dst = edge_index[1]
    src_r, dst_r = _bucketize(src, dst, n)
    zeros_t = jnp.zeros((PH + 8 - 15 * ((PH // N_SUB) // 8 * 8), fh),
                        jnp.float32)

    sc_agg_a = _make_sc_agg(n, fh)
    sc_agg_b = _make_sc_agg(n, fh)

    tab1 = jnp.concatenate([x, x], axis=0)
    ragg3 = sc_agg_a(tab1, src_r, dst_r, zeros_t).reshape(2, n, fh)
    z = _tc_add1(x, ragg3)
    y1 = _tc_dot(z, l1_W1, l1_b1.reshape(1, -1), True, 1000)
    h = _tc_dot(y1, l1_W2, l1_b2.reshape(1, -1), True, 1000)
    mu = jnp.mean(h, axis=0)
    var = jnp.var(h, axis=0)
    xx = l1_g * (h - mu) / jnp.sqrt(var + 1e-5) + l1_be

    w1s = jnp.stack([l2_W1, l3_W1, l4_W1, l5_W1, l6_W1])
    b1s = jnp.stack([l2_b1, l3_b1, l4_b1, l5_b1, l6_b1])
    w2s = jnp.stack([l2_W2, l3_W2, l4_W2, l5_W2, l6_W2])
    b2s = jnp.stack([l2_b2, l3_b2, l4_b2, l5_b2, l6_b2])
    gs = jnp.stack([l2_g, l3_g, l4_g, l5_g, l6_g])
    bes = jnp.stack([l2_be, l3_be, l4_be, l5_be, l6_be])

    def step(carry, ws):
        xx = carry
        w1, b1, w2, b2, g, be = ws
        tab3 = _tc_split(xx)
        ragg3 = sc_agg_b(tab3.reshape(2 * n, fh), src_r, dst_r,
                         zeros_t).reshape(2, n, fh)
        z = _tc_addg(xx, ragg3)
        y1 = _tc_dot(z, w1, b1.reshape(1, -1), True, 1000)
        h = _tc_dot(y1, w2, b2.reshape(1, -1), True, 1000)
        mu = jnp.mean(h, axis=0)
        var = jnp.var(h, axis=0)
        return g * (h - mu) / jnp.sqrt(var + 1e-5) + be, 0.0

    xx, _ = lax.scan(step, xx, (w1s, b1s, w2s, b2s, gs, bes))

    pooled = _tc_pool(xx, batch.reshape(n, 1), bp)
    t = _tc_dot(pooled, fcxd_W, fcxd_b.reshape(1, -1), True, bp)
    t = _tc_dot(t, fc1_W, fc1_b.reshape(1, -1), True, bp)
    t = _tc_dot(t, fc2_W, fc2_b.reshape(1, -1), True, bp)
    o = _tc_dot(t, out_W, out_b.reshape(1, -1), False, bp)
    return o[:n_graphs, 0]

# --- scband reference (transcript-rebuilt; emitter-appended) ---
"""Pipeline reference for scband-molecular-graph-network-29094108463229 (READ-ONLY COPY).

The authoritative reference and input builder live on the scoring server;
editing this copy changes nothing except your own understanding.
"""

import jax, jax.numpy as jnp
import numpy as np

N = 10000
E = 320000
F_IN = 128
DIM = 256
B = 300

def _linear_init(key, fan_in, fan_out):
    k1, k2 = jax.random.split(key)
    bound = 1.0 / np.sqrt(fan_in)
    W = jax.random.uniform(k1, (fan_in, fan_out), minval=-bound, maxval=bound, dtype=jnp.float32)
    b = jax.random.uniform(k2, (fan_out,), minval=-bound, maxval=bound, dtype=jnp.float32)
    return W, b

def setup_inputs(seed: int = 0):
    key = jax.random.key(seed)
    keys = jax.random.split(key, 64)
    inp = {}
    inp["x"] = jax.random.normal(keys[0], (N, F_IN), dtype=jnp.float32)
    inp["edge_index"] = jax.random.randint(keys[1], (2, E), 0, N, dtype=jnp.int32)
    inp["batch"] = jnp.sort(jax.random.randint(keys[2], (N,), 0, B, dtype=jnp.int32))
    ki = 3
    for i in range(1, 7):
        fin = F_IN if i == 1 else DIM
        W1, b1 = _linear_init(keys[ki], fin, DIM); ki += 1
        W2, b2 = _linear_init(keys[ki], DIM, DIM); ki += 1
        inp["l%d_W1" % i] = W1; inp["l%d_b1" % i] = b1
        inp["l%d_W2" % i] = W2; inp["l%d_b2" % i] = b2
        inp["l%d_g" % i] = jnp.ones((DIM,), jnp.float32)
        inp["l%d_be" % i] = jnp.zeros((DIM,), jnp.float32)
    W, b = _linear_init(keys[ki], DIM, 128); ki += 1
    inp["fcxd_W"] = W; inp["fcxd_b"] = b
    W, b = _linear_init(keys[ki], 128, 1024); ki += 1
    inp["fc1_W"] = W; inp["fc1_b"] = b
    W, b = _linear_init(keys[ki], 1024, 256); ki += 1
    inp["fc2_W"] = W; inp["fc2_b"] = b
    W, b = _linear_init(keys[ki], 256, 1); ki += 1
    inp["out_W"] = W; inp["out_b"] = b
    return inp

def _bn(h, g, be):
    mu = jnp.mean(h, axis=0)
    var = jnp.var(h, axis=0)
    return g * (h - mu) / jnp.sqrt(var + 1e-5) + be

def _forward(x, edge_index, batch, p):
    src = edge_index[0]
    dst = edge_index[1]
    n = x.shape[0]
    for i in range(1, 7):
        agg = jax.ops.segment_sum(x[src], dst, num_segments=n)
        h = x + agg
        h = jnp.maximum(h @ p["l%d_W1" % i] + p["l%d_b1" % i], 0.0)
        h = h @ p["l%d_W2" % i] + p["l%d_b2" % i]
        h = jnp.maximum(h, 0.0)
        x = _bn(h, p["l%d_g" % i], p["l%d_be" % i])
    pooled = jax.ops.segment_sum(x, batch, num_segments=B)
    x = jnp.maximum(pooled @ p["fcxd_W"] + p["fcxd_b"], 0.0)
    x = jnp.maximum(x @ p["fc1_W"] + p["fc1_b"], 0.0)
    x = jnp.maximum(x @ p["fc2_W"] + p["fc2_b"], 0.0)
    out = x @ p["out_W"] + p["out_b"]
    return jnp.squeeze(out, axis=-1)

def reference(x, edge_index, batch,
              l1_W1, l1_b1, l1_W2, l1_b2, l1_g, l1_be,
              l2_W1, l2_b1, l2_W2, l2_b2, l2_g, l2_be,
              l3_W1, l3_b1, l3_W2, l3_b2, l3_g, l3_be,
              l4_W1, l4_b1, l4_W2, l4_b2, l4_g, l4_be,
              l5_W1, l5_b1, l5_W2, l5_b2, l5_g, l5_be,
              l6_W1, l6_b1, l6_W2, l6_b2, l6_g, l6_be,
              fcxd_W, fcxd_b, fc1_W, fc1_b, fc2_W, fc2_b, out_W, out_b):
    p = {
        "l1_W1": l1_W1, "l1_b1": l1_b1, "l1_W2": l1_W2, "l1_b2": l1_b2, "l1_g": l1_g, "l1_be": l1_be,
        "l2_W1": l2_W1, "l2_b1": l2_b1, "l2_W2": l2_W2, "l2_b2": l2_b2, "l2_g": l2_g, "l2_be": l2_be,
        "l3_W1": l3_W1, "l3_b1": l3_b1, "l3_W2": l3_W2, "l3_b2": l3_b2, "l3_g": l3_g, "l3_be": l3_be,
        "l4_W1": l4_W1, "l4_b1": l4_b1, "l4_W2": l4_W2, "l4_b2": l4_b2, "l4_g": l4_g, "l4_be": l4_be,
        "l5_W1": l5_W1, "l5_b1": l5_b1, "l5_W2": l5_W2, "l5_b2": l5_b2, "l5_g": l5_g, "l5_be": l5_be,
        "l6_W1": l6_W1, "l6_b1": l6_b1, "l6_W2": l6_W2, "l6_b2": l6_b2, "l6_g": l6_g, "l6_be": l6_be,
        "fcxd_W": fcxd_W, "fcxd_b": fcxd_b,
        "fc1_W": fc1_W, "fc1_b": fc1_b,
        "fc2_W": fc2_W, "fc2_b": fc2_b,
        "out_W": out_W, "out_b": out_b,
    }
    return _forward(x, edge_index, batch, p)

if __name__ == "__main__":
    import jax
    _d = setup_inputs()
    print(jax.jit(kernel)(*tuple(_d.values())))

</pallas_src>

<mosaic_0001>
#map = affine_map<(d0, d1) -> (0, 0)>
#map1 = affine_map<(d0, d1) -> (0, 0, 0, 0, 0)>
#map2 = affine_map<(d0, d1) -> (0, 0, 0, 0)>
module attributes {stable_mosaic.version = 14 : i64} {
  func.func @sc_edge_segment_sum(%arg0: i32, %arg1: i32, %arg2: memref<20000x128xf32, #tpu.memory_space<hbm>>, %arg3: memref<2x3x16x128x80xi32, #tpu.memory_space<hbm>>, %arg4: memref<3x16x128x80xi32, #tpu.memory_space<hbm>>, %arg5: memref<224x128xf32, #tpu.memory_space<hbm>>, %arg6: memref<20000x128xf32, #tpu.memory_space<hbm>>, %arg7: memref<128x80xi32, #tpu.memory_space<vmem>>, %arg8: memref<128x80xi32, #tpu.memory_space<vmem>>, %arg9: memref<80x128xf32, #tpu.memory_space<vmem>>, %arg10: memref<80x128xf32, #tpu.memory_space<vmem>>, %arg11: memref<3344x128xf32, #tpu.memory_space<vmem_shared>>, %arg12: memref<!tpu.dma_semaphore, #tpu.memory_space<semaphore_mem>>, %arg13: memref<!tpu.dma_semaphore, #tpu.memory_space<semaphore_mem>>) attributes {dimension_semantics = [#tpu.dimension_semantics<core_parallel>, #tpu.dimension_semantics<subcore_parallel>], iteration_bounds = array<i64: 2, 16>, scalar_prefetch = 0 : i64, scratch_operands = 7 : i64, tpu.core_type = #tpu.core_type<sc_vector_subcore>, window_params = [{transform_indices = #map}, {transform_indices = #map1}, {transform_indices = #map2}, {transform_indices = #map}, {transform_indices = #map}]} {
    %lt3A = arith.constant 15 : i32
    %lt3A_0 = arith.cmpi slt, %arg1, %lt3A : i32
    %convert_element_type3A = arith.extui %lt3A_0 : i1 to i32
    %cond3A = arith.constant 0 : i32
    %cond3A_1 = arith.cmpi ne, %convert_element_type3A, %cond3A : i32
    scf.if %cond3A_1 {
      %mul3A_134 = arith.constant 208 : i32
      %mul3A_135 = arith.muli %arg1, %mul3A_134 : i32
      "tpu.region"() ({
        %run_scoped3A_136 = tpu.sem_alloc : memref<!tpu.dma_semaphore, #tpu.memory_space<semaphore_mem>>
        %dma_start3A_137 = arith.constant 0 : i32
        %dma_start3A_138 = tpu.memref_slice %arg11[%mul3A_135, %dma_start3A_137] : memref<3344x128xf32, #tpu.memory_space<vmem_shared>> -> memref<208x128xf32, #tpu.memory_space<vmem_shared>>
        %dma_start3A_139 = arith.constant 0 : i32
        %dma_start3A_140 = arith.constant 0 : i32
        %dma_start3A_141 = tpu.memref_slice %arg5[%dma_start3A_139, %dma_start3A_140] : memref<224x128xf32, #tpu.memory_space<hbm>> -> memref<208x128xf32, #tpu.memory_space<hbm>>
        tpu.enqueue_dma source(%dma_start3A_141 : memref<208x128xf32, #tpu.memory_space<hbm>>) target(%dma_start3A_138 : memref<208x128xf32, #tpu.memory_space<vmem_shared>>) target_semaphore(%run_scoped3A_136 : memref<!tpu.dma_semaphore, #tpu.memory_space<semaphore_mem>>)
        %dma_wait3A = arith.constant 0 : i32
        %dma_wait3A_142 = tpu.memref_slice %arg11[%mul3A_135, %dma_wait3A] : memref<3344x128xf32, #tpu.memory_space<vmem_shared>> -> memref<208x128xf32, #tpu.memory_space<vmem_shared>>
        %dma_wait3A_143 = arith.constant 0 : i32
        %dma_wait3A_144 = arith.constant 0 : i32
        %dma_wait3A_145 = tpu.memref_slice %arg5[%dma_wait3A_143, %dma_wait3A_144] : memref<224x128xf32, #tpu.memory_space<hbm>> -> memref<208x128xf32, #tpu.memory_space<hbm>>
        tpu.wait_dma2 semaphore(%run_scoped3A_136 : memref<!tpu.dma_semaphore, #tpu.memory_space<semaphore_mem>>) src(%dma_wait3A_145 : memref<208x128xf32, #tpu.memory_space<hbm>>) dst(%dma_wait3A_142 : memref<208x128xf32, #tpu.memory_space<vmem_shared>>)
        tpu.yield
      }) : () -> ()
    } else {
    }
    %eq3A = arith.constant 15 : i32
    %eq3A_2 = arith.cmpi eq, %arg1, %eq3A : i32
    %convert_element_type3A_3 = arith.extui %eq3A_2 : i1 to i32
    %cond3A_4 = arith.constant 0 : i32
    %cond3A_5 = arith.cmpi ne, %convert_element_type3A_3, %cond3A_4 : i32
    scf.if %cond3A_5 {
      "tpu.region"() ({
        %run_scoped3A_134 = tpu.sem_alloc : memref<!tpu.dma_semaphore, #tpu.memory_space<semaphore_mem>>
        %dma_start3A_135 = arith.constant 3120 : i32
        %dma_start3A_136 = arith.constant 0 : i32
        %dma_start3A_137 = tpu.memref_slice %arg11[%dma_start3A_135, %dma_start3A_136] : memref<3344x128xf32, #tpu.memory_space<vmem_shared>> -> memref<224x128xf32, #tpu.memory_space<vmem_shared>>
        %dma_start3A_138 = arith.constant 0 : i32
        %dma_start3A_139 = arith.constant 0 : i32
        %dma_start3A_140 = tpu.memref_slice %arg5[%dma_start3A_138, %dma_start3A_139] : memref<224x128xf32, #tpu.memory_space<hbm>> -> memref<224x128xf32, #tpu.memory_space<hbm>>
        tpu.enqueue_dma source(%dma_start3A_140 : memref<224x128xf32, #tpu.memory_space<hbm>>) target(%dma_start3A_137 : memref<224x128xf32, #tpu.memory_space<vmem_shared>>) target_semaphore(%run_scoped3A_134 : memref<!tpu.dma_semaphore, #tpu.memory_space<semaphore_mem>>)
        %dma_wait3A = arith.constant 3120 : i32
        %dma_wait3A_141 = arith.constant 0 : i32
        %dma_wait3A_142 = tpu.memref_slice %arg11[%dma_wait3A, %dma_wait3A_141] : memref<3344x128xf32, #tpu.memory_space<vmem_shared>> -> memref<224x128xf32, #tpu.memory_space<vmem_shared>>
        %dma_wait3A_143 = arith.constant 0 : i32
        %dma_wait3A_144 = arith.constant 0 : i32
        %dma_wait3A_145 = tpu.memref_slice %arg5[%dma_wait3A_143, %dma_wait3A_144] : memref<224x128xf32, #tpu.memory_space<hbm>> -> memref<224x128xf32, #tpu.memory_space<hbm>>
        tpu.wait_dma2 semaphore(%run_scoped3A_134 : memref<!tpu.dma_semaphore, #tpu.memory_space<semaphore_mem>>) src(%dma_wait3A_145 : memref<224x128xf32, #tpu.memory_space<hbm>>) dst(%dma_wait3A_142 : memref<224x128xf32, #tpu.memory_space<vmem_shared>>)
        tpu.yield
      }) : () -> ()
    } else {
    }
    %run_scoped3A = arith.constant 0 : i32
    "tpu.region"() ({
      %run_scoped3A_134 = tpu.sem_alloc : memref<!tpu.dma_semaphore, #tpu.memory_space<semaphore_mem>>
      %dma_start3A_135 = arith.constant 0 : i32
      %dma_start3A_136 = arith.constant 0 : i32
      %dma_start3A_137 = tpu.memref_slice %arg3[%arg0, %run_scoped3A, %arg1, %dma_start3A_135, %dma_start3A_136] : memref<2x3x16x128x80xi32, #tpu.memory_space<hbm>> -> memref<1x1x1x128x80xi32, #tpu.memory_space<hbm>>
      %dma_start3A_138 = tpu.memref_squeeze %dma_start3A_137 : memref<1x1x1x128x80xi32, #tpu.memory_space<hbm>> -> memref<128x80xi32, #tpu.memory_space<hbm>>
      %dma_start3A_139 = arith.constant 0 : i32
      %dma_start3A_140 = arith.constant 0 : i32
      %dma_start3A_141 = tpu.memref_slice %arg3[%arg0, %run_scoped3A, %arg1, %dma_start3A_139, %dma_start3A_140] : memref<2x3x16x128x80xi32, #tpu.memory_space<hbm>> -> memref<1x1x1x128x80xi32, #tpu.memory_space<hbm>>
      %dma_start3A_142 = tpu.memref_squeeze %dma_start3A_141 : memref<1x1x1x128x80xi32, #tpu.memory_space<hbm>> -> memref<128x80xi32, #tpu.memory_space<hbm>>
      tpu.enqueue_dma source(%dma_start3A_142 : memref<128x80xi32, #tpu.memory_space<hbm>>) target(%arg7 : memref<128x80xi32, #tpu.memory_space<vmem>>) target_semaphore(%run_scoped3A_134 : memref<!tpu.dma_semaphore, #tpu.memory_space<semaphore_mem>>)
      %dma_wait3A = arith.constant 0 : i32
      %dma_wait3A_143 = arith.constant 0 : i32
      %dma_wait3A_144 = tpu.memref_slice %arg3[%arg0, %run_scoped3A, %arg1, %dma_wait3A, %dma_wait3A_143] : memref<2x3x16x128x80xi32, #tpu.memory_space<hbm>> -> memref<1x1x1x128x80xi32, #tpu.memory_space<hbm>>
      %dma_wait3A_145 = tpu.memref_squeeze %dma_wait3A_144 : memref<1x1x1x128x80xi32, #tpu.memory_space<hbm>> -> memref<128x80xi32, #tpu.memory_space<hbm>>
      %dma_wait3A_146 = arith.constant 0 : i32
      %dma_wait3A_147 = arith.constant 0 : i32
      %dma_wait3A_148 = tpu.memref_slice %arg3[%arg0, %run_scoped3A, %arg1, %dma_wait3A_146, %dma_wait3A_147] : memref<2x3x16x128x80xi32, #tpu.memory_space<hbm>> -> memref<1x1x1x128x80xi32, #tpu.memory_space<hbm>>
      %dma_wait3A_149 = tpu.memref_squeeze %dma_wait3A_148 : memref<1x1x1x128x80xi32, #tpu.memory_space<hbm>> -> memref<128x80xi32, #tpu.memory_space<hbm>>
      tpu.wait_dma2 semaphore(%run_scoped3A_134 : memref<!tpu.dma_semaphore, #tpu.memory_space<semaphore_mem>>) src(%dma_wait3A_149 : memref<128x80xi32, #tpu.memory_space<hbm>>) dst(%arg7 : memref<128x80xi32, #tpu.memory_space<vmem>>)
      tpu.yield
    }) : () -> ()
    %run_scoped3A_6 = arith.constant 0 : i32
    "tpu.region"() ({
      %run_scoped3A_134 = tpu.sem_alloc : memref<!tpu.dma_semaphore, #tpu.memory_space<semaphore_mem>>
      %dma_start3A_135 = arith.constant 0 : i32
      %dma_start3A_136 = arith.constant 0 : i32
      %dma_start3A_137 = tpu.memref_slice %arg4[%run_scoped3A_6, %arg1, %dma_start3A_135, %dma_start3A_136] : memref<3x16x128x80xi32, #tpu.memory_space<hbm>> -> memref<1x1x128x80xi32, #tpu.memory_space<hbm>>
      %dma_start3A_138 = tpu.memref_squeeze %dma_start3A_137 : memref<1x1x128x80xi32, #tpu.memory_space<hbm>> -> memref<128x80xi32, #tpu.memory_space<hbm>>
      %dma_start3A_139 = arith.constant 0 : i32
      %dma_start3A_140 = arith.constant 0 : i32
      %dma_start3A_141 = tpu.memref_slice %arg4[%run_scoped3A_6, %arg1, %dma_start3A_139, %dma_start3A_140] : memref<3x16x128x80xi32, #tpu.memory_space<hbm>> -> memref<1x1x128x80xi32, #tpu.memory_space<hbm>>
      %dma_start3A_142 = tpu.memref_squeeze %dma_start3A_141 : memref<1x1x128x80xi32, #tpu.memory_space<hbm>> -> memref<128x80xi32, #tpu.memory_space<hbm>>
      tpu.enqueue_dma source(%dma_start3A_142 : memref<128x80xi32, #tpu.memory_space<hbm>>) target(%arg8 : memref<128x80xi32, #tpu.memory_space<vmem>>) target_semaphore(%run_scoped3A_134 : memref<!tpu.dma_semaphore, #tpu.memory_space<semaphore_mem>>)
      %dma_wait3A = arith.constant 0 : i32
      %dma_wait3A_143 = arith.constant 0 : i32
      %dma_wait3A_144 = tpu.memref_slice %arg4[%run_scoped3A_6, %arg1, %dma_wait3A, %dma_wait3A_143] : memref<3x16x128x80xi32, #tpu.memory_space<hbm>> -> memref<1x1x128x80xi32, #tpu.memory_space<hbm>>
      %dma_wait3A_145 = tpu.memref_squeeze %dma_wait3A_144 : memref<1x1x128x80xi32, #tpu.memory_space<hbm>> -> memref<128x80xi32, #tpu.memory_space<hbm>>
      %dma_wait3A_146 = arith.constant 0 : i32
      %dma_wait3A_147 = arith.constant 0 : i32
      %dma_wait3A_148 = tpu.memref_slice %arg4[%run_scoped3A_6, %arg1, %dma_wait3A_146, %dma_wait3A_147] : memref<3x16x128x80xi32, #tpu.memory_space<hbm>> -> memref<1x1x128x80xi32, #tpu.memory_space<hbm>>
      %dma_wait3A_149 = tpu.memref_squeeze %dma_wait3A_148 : memref<1x1x128x80xi32, #tpu.memory_space<hbm>> -> memref<128x80xi32, #tpu.memory_space<hbm>>
      tpu.wait_dma2 semaphore(%run_scoped3A_134 : memref<!tpu.dma_semaphore, #tpu.memory_space<semaphore_mem>>) src(%dma_wait3A_149 : memref<128x80xi32, #tpu.memory_space<hbm>>) dst(%arg8 : memref<128x80xi32, #tpu.memory_space<vmem>>)
      tpu.yield
    }) : () -> ()
    %barrier3A = arith.constant 0 : index
    tpu.barrier barrier_id(%barrier3A)
    %dma_start3A = arith.constant 0 : i32
    %dma_start3A_7 = arith.constant 0 : i32
    %dma_start3A_8 = tpu.memref_slice %arg7[%dma_start3A, %dma_start3A_7] : memref<128x80xi32, #tpu.memory_space<vmem>> -> memref<1x80xi32, #tpu.memory_space<vmem>>
    %dma_start3A_9 = tpu.memref_squeeze %dma_start3A_8 : memref<1x80xi32, #tpu.memory_space<vmem>> -> memref<80xi32, #tpu.memory_space<vmem>>
    %dma_start3A_10 = arith.constant 0 : i32
    %dma_start3A_11 = arith.constant 0 : i32
    %dma_start3A_12 = tpu.memref_slice %arg2[%dma_start3A_10, %dma_start3A_11] : memref<20000x128xf32, #tpu.memory_space<hbm>> -> memref<20000x128xf32, #tpu.memory_space<hbm>>
    tpu.enqueue_indirect_dma source(%dma_start3A_12 : memref<20000x128xf32, #tpu.memory_space<hbm>>) target(%arg9 : memref<80x128xf32, #tpu.memory_space<vmem>>) offsets(%dma_start3A_9 : memref<80xi32, #tpu.memory_space<vmem>>) semaphore(%arg12 : memref<!tpu.dma_semaphore, #tpu.memory_space<semaphore_mem>>)
    %dma_start3A_13 = arith.constant 1 : i32
    %dma_start3A_14 = arith.constant 0 : i32
    %dma_start3A_15 = tpu.memref_slice %arg7[%dma_start3A_13, %dma_start3A_14] : memref<128x80xi32, #tpu.memory_space<vmem>> -> memref<1x80xi32, #tpu.memory_space<vmem>>
    %dma_start3A_16 = tpu.memref_squeeze %dma_start3A_15 : memref<1x80xi32, #tpu.memory_space<vmem>> -> memref<80xi32, #tpu.memory_space<vmem>>
    %dma_start3A_17 = arith.constant 0 : i32
    %dma_start3A_18 = arith.constant 0 : i32
    %dma_start3A_19 = tpu.memref_slice %arg2[%dma_start3A_17, %dma_start3A_18] : memref<20000x128xf32, #tpu.memory_space<hbm>> -> memref<20000x128xf32, #tpu.memory_space<hbm>>
    tpu.enqueue_indirect_dma source(%dma_start3A_19 : memref<20000x128xf32, #tpu.memory_space<hbm>>) target(%arg10 : memref<80x128xf32, #tpu.memory_space<vmem>>) offsets(%dma_start3A_16 : memref<80xi32, #tpu.memory_space<vmem>>) semaphore(%arg13 : memref<!tpu.dma_semaphore, #tpu.memory_space<semaphore_mem>>)
    %scan3A = arith.constant 0 : i32
    %scan3A_20 = arith.constant 0 : i32
    %scan3A_21 = arith.constant 64 : i32
    %scan3A_22 = arith.addi %scan3A_20, %scan3A_21 : i32
    %scan3A_23 = arith.constant 1 : i32
    scf.for %scan3A_134 = %scan3A_20 to %scan3A_22 step %scan3A_23  : i32 {
      %mul3A_135 = arith.constant 2 : i32
      %mul3A_136 = arith.muli %mul3A_135, %scan3A_134 : i32
      %mul3A_137 = arith.constant 2 : i32
      %mul3A_138 = arith.muli %mul3A_137, %scan3A_134 : i32
      %add3A_139 = arith.constant 1 : i32
      %add3A_140 = arith.addi %mul3A_138, %add3A_139 : i32
      %dma_wait3A = arith.constant 0 : i32
      %dma_wait3A_141 = tpu.memref_slice %arg7[%mul3A_136, %dma_wait3A] : memref<128x80xi32, #tpu.memory_space<vmem>> -> memref<1x80xi32, #tpu.memory_space<vmem>>
      %dma_wait3A_142 = tpu.memref_squeeze %dma_wait3A_141 : memref<1x80xi32, #tpu.memory_space<vmem>> -> memref<80xi32, #tpu.memory_space<vmem>>
      %dma_wait3A_143 = arith.constant 0 : i32
      %dma_wait3A_144 = arith.constant 0 : i32
      %dma_wait3A_145 = tpu.memref_slice %arg2[%dma_wait3A_143, %dma_wait3A_144] : memref<20000x128xf32, #tpu.memory_space<hbm>> -> memref<20000x128xf32, #tpu.memory_space<hbm>>
      tpu.wait_indirect_dma semaphore(%arg12 : memref<!tpu.dma_semaphore, #tpu.memory_space<semaphore_mem>>) src(%dma_wait3A_145 : memref<20000x128xf32, #tpu.memory_space<hbm>>) dst(%arg9 : memref<80x128xf32, #tpu.memory_space<vmem>>)
      "tpu.region"() ({
        %run_scoped3A_166 = tpu.sem_alloc : memref<!tpu.dma_semaphore, #tpu.memory_space<semaphore_mem>>
        %dma_start3A_167 = arith.constant 0 : i32
        %dma_start3A_168 = tpu.memref_slice %arg8[%mul3A_136, %dma_start3A_167] : memref<128x80xi32, #tpu.memory_space<vmem>> -> memref<1x80xi32, #tpu.memory_space<vmem>>
        %dma_start3A_169 = tpu.memref_squeeze %dma_start3A_168 : memref<1x80xi32, #tpu.memory_space<vmem>> -> memref<80xi32, #tpu.memory_space<vmem>>
        %dma_start3A_170 = arith.constant 0 : i32
        %dma_start3A_171 = arith.constant 0 : i32
        %dma_start3A_172 = tpu.memref_slice %arg11[%dma_start3A_170, %dma_start3A_171] : memref<3344x128xf32, #tpu.memory_space<vmem_shared>> -> memref<3344x128xf32, #tpu.memory_space<vmem_shared>>
        tpu.enqueue_indirect_dma source(%arg9 : memref<80x128xf32, #tpu.memory_space<vmem>>) target(%dma_start3A_172 : memref<3344x128xf32, #tpu.memory_space<vmem_shared>>) offsets(%dma_start3A_169 : memref<80xi32, #tpu.memory_space<vmem>>) semaphore(%run_scoped3A_166 : memref<!tpu.dma_semaphore, #tpu.memory_space<semaphore_mem>>) {add = true}
        %dma_wait3A_173 = arith.constant 0 : i32
        %dma_wait3A_174 = tpu.memref_slice %arg8[%mul3A_136, %dma_wait3A_173] : memref<128x80xi32, #tpu.memory_space<vmem>> -> memref<1x80xi32, #tpu.memory_space<vmem>>
        %dma_wait3A_175 = tpu.memref_squeeze %dma_wait3A_174 : memref<1x80xi32, #tpu.memory_space<vmem>> -> memref<80xi32, #tpu.memory_space<vmem>>
        %dma_wait3A_176 = arith.constant 0 : i32
        %dma_wait3A_177 = arith.constant 0 : i32
        %dma_wait3A_178 = tpu.memref_slice %arg11[%dma_wait3A_176, %dma_wait3A_177] : memref<3344x128xf32, #tpu.memory_space<vmem_shared>> -> memref<3344x128xf32, #tpu.memory_space<vmem_shared>>
        tpu.wait_indirect_dma semaphore(%run_scoped3A_166 : memref<!tpu.dma_semaphore, #tpu.memory_space<semaphore_mem>>) src(%arg9 : memref<80x128xf32, #tpu.memory_space<vmem>>) dst(%dma_wait3A_178 : memref<3344x128xf32, #tpu.memory_space<vmem_shared>>)
        tpu.yield
      }) : () -> ()
      %add3A_146 = arith.constant 2 : i32
      %add3A_147 = arith.addi %mul3A_136, %add3A_146 : i32
      %lt3A_148 = arith.constant 128 : i32
      %lt3A_149 = arith.cmpi slt, %add3A_147, %lt3A_148 : i32
      %convert_element_type3A_150 = arith.extui %lt3A_149 : i1 to i32
      %cond3A_151 = arith.constant 0 : i32
      %cond3A_152 = arith.cmpi ne, %convert_element_type3A_150, %cond3A_151 : i32
      scf.if %cond3A_152 {
        %add3A_166 = arith.constant 2 : i32
        %add3A_167 = arith.addi %mul3A_136, %add3A_166 : i32
        %dma_start3A_168 = arith.constant 0 : i32
        %dma_start3A_169 = tpu.memref_slice %arg7[%add3A_167, %dma_start3A_168] : memref<128x80xi32, #tpu.memory_space<vmem>> -> memref<1x80xi32, #tpu.memory_space<vmem>>
        %dma_start3A_170 = tpu.memref_squeeze %dma_start3A_169 : memref<1x80xi32, #tpu.memory_space<vmem>> -> memref<80xi32, #tpu.memory_space<vmem>>
        %dma_start3A_171 = arith.constant 0 : i32
        %dma_start3A_172 = arith.constant 0 : i32
        %dma_start3A_173 = tpu.memref_slice %arg2[%dma_start3A_171, %dma_start3A_172] : memref<20000x128xf32, #tpu.memory_space<hbm>> -> memref<20000x128xf32, #tpu.memory_space<hbm>>
        tpu.enqueue_indirect_dma source(%dma_start3A_173 : memref<20000x128xf32, #tpu.memory_space<hbm>>) target(%arg9 : memref<80x128xf32, #tpu.memory_space<vmem>>) offsets(%dma_start3A_170 : memref<80xi32, #tpu.memory_space<vmem>>) semaphore(%arg12 : memref<!tpu.dma_semaphore, #tpu.memory_space<semaphore_mem>>)
      } else {
      }
      %dma_wait3A_153 = arith.constant 0 : i32
      %dma_wait3A_154 = tpu.memref_slice %arg7[%add3A_140, %dma_wait3A_153] : memref<128x80xi32, #tpu.memory_space<vmem>> -> memref<1x80xi32, #tpu.memory_space<vmem>>
      %dma_wait3A_155 = tpu.memref_squeeze %dma_wait3A_154 : memref<1x80xi32, #tpu.memory_space<vmem>> -> memref<80xi32, #tpu.memory_space<vmem>>
      %dma_wait3A_156 = arith.constant 0 : i32
      %dma_wait3A_157 = arith.constant 0 : i32
      %dma_wait3A_158 = tpu.memref_slice %arg2[%dma_wait3A_156, %dma_wait3A_157] : memref<20000x128xf32, #tpu.memory_space<hbm>> -> memref<20000x128xf32, #tpu.memory_space<hbm>>
      tpu.wait_indirect_dma semaphore(%arg13 : memref<!tpu.dma_semaphore, #tpu.memory_space<semaphore_mem>>) src(%dma_wait3A_158 : memref<20000x128xf32, #tpu.memory_space<hbm>>) dst(%arg10 : memref<80x128xf32, #tpu.memory_space<vmem>>)
      "tpu.region"() ({
        %run_scoped3A_166 = tpu.sem_alloc : memref<!tpu.dma_semaphore, #tpu.memory_space<semaphore_mem>>
        %dma_start3A_167 = arith.constant 0 : i32
        %dma_start3A_168 = tpu.memref_slice %arg8[%add3A_140, %dma_start3A_167] : memref<128x80xi32, #tpu.memory_space<vmem>> -> memref<1x80xi32, #tpu.memory_space<vmem>>
        %dma_start3A_169 = tpu.memref_squeeze %dma_start3A_168 : memref<1x80xi32, #tpu.memory_space<vmem>> -> memref<80xi32, #tpu.memory_space<vmem>>
        %dma_start3A_170 = arith.constant 0 : i32
        %dma_start3A_171 = arith.constant 0 : i32
        %dma_start3A_172 = tpu.memref_slice %arg11[%dma_start3A_170, %dma_start3A_171] : memref<3344x128xf32, #tpu.memory_space<vmem_shared>> -> memref<3344x128xf32, #tpu.memory_space<vmem_shared>>
        tpu.enqueue_indirect_dma source(%arg10 : memref<80x128xf32, #tpu.memory_space<vmem>>) target(%dma_start3A_172 : memref<3344x128xf32, #tpu.memory_space<vmem_shared>>) offsets(%dma_start3A_169 : memref<80xi32, #tpu.memory_space<vmem>>) semaphore(%run_scoped3A_166 : memref<!tpu.dma_semaphore, #tpu.memory_space<semaphore_mem>>) {add = true}
        %dma_wait3A_173 = arith.constant 0 : i32
        %dma_wait3A_174 = tpu.memref_slice %arg8[%add3A_140, %dma_wait3A_173] : memref<128x80xi32, #tpu.memory_space<vmem>> -> memref<1x80xi32, #tpu.memory_space<vmem>>
        %dma_wait3A_175 = tpu.memref_squeeze %dma_wait3A_174 : memref<1x80xi32, #tpu.memory_space<vmem>> -> memref<80xi32, #tpu.memory_space<vmem>>
        %dma_wait3A_176 = arith.constant 0 : i32
        %dma_wait3A_177 = arith.constant 0 : i32
        %dma_wait3A_178 = tpu.memref_slice %arg11[%dma_wait3A_176, %dma_wait3A_177] : memref<3344x128xf32, #tpu.memory_space<vmem_shared>> -> memref<3344x128xf32, #tpu.memory_space<vmem_shared>>
        tpu.wait_indirect_dma semaphore(%run_scoped3A_166 : memref<!tpu.dma_semaphore, #tpu.memory_space<semaphore_mem>>) src(%arg10 : memref<80x128xf32, #tpu.memory_space<vmem>>) dst(%dma_wait3A_178 : memref<3344x128xf32, #tpu.memory_space<vmem_shared>>)
        tpu.yield
      }) : () -> ()
      %add3A_159 = arith.constant 2 : i32
      %add3A_160 = arith.addi %add3A_140, %add3A_159 : i32
      %lt3A_161 = arith.constant 128 : i32
      %lt3A_162 = arith.cmpi slt, %add3A_160, %lt3A_161 : i32
      %convert_element_type3A_163 = arith.extui %lt3A_162 : i1 to i32
      %cond3A_164 = arith.constant 0 : i32
      %cond3A_165 = arith.cmpi ne, %convert_element_type3A_163, %cond3A_164 : i32
      scf.if %cond3A_165 {
        %add3A_166 = arith.constant 2 : i32
        %add3A_167 = arith.addi %add3A_140, %add3A_166 : i32
        %dma_start3A_168 = arith.constant 0 : i32
        %dma_start3A_169 = tpu.memref_slice %arg7[%add3A_167, %dma_start3A_168] : memref<128x80xi32, #tpu.memory_space<vmem>> -> memref<1x80xi32, #tpu.memory_space<vmem>>
        %dma_start3A_170 = tpu.memref_squeeze %dma_start3A_169 : memref<1x80xi32, #tpu.memory_space<vmem>> -> memref<80xi32, #tpu.memory_space<vmem>>
        %dma_start3A_171 = arith.constant 0 : i32
        %dma_start3A_172 = arith.constant 0 : i32
        %dma_start3A_173 = tpu.memref_slice %arg2[%dma_start3A_171, %dma_start3A_172] : memref<20000x128xf32, #tpu.memory_space<hbm>> -> memref<20000x128xf32, #tpu.memory_space<hbm>>
        tpu.enqueue_indirect_dma source(%dma_start3A_173 : memref<20000x128xf32, #tpu.memory_space<hbm>>) target(%arg10 : memref<80x128xf32, #tpu.memory_space<vmem>>) offsets(%dma_start3A_170 : memref<80xi32, #tpu.memory_space<vmem>>) semaphore(%arg13 : memref<!tpu.dma_semaphore, #tpu.memory_space<semaphore_mem>>)
      } else {
      }
    }
    %scan3A_24 = arith.constant 64 : i32
    %barrier3A_25 = arith.constant 0 : index
    tpu.barrier barrier_id(%barrier3A_25)
    %mul3A = arith.constant 10000 : i32
    %mul3A_26 = arith.muli %arg0, %mul3A : i32
    %add3A = arith.constant 0 : i32
    %add3A_27 = arith.addi %mul3A_26, %add3A : i32
    %lt3A_28 = arith.constant 15 : i32
    %lt3A_29 = arith.cmpi slt, %arg1, %lt3A_28 : i32
    %convert_element_type3A_30 = arith.extui %lt3A_29 : i1 to i32
    %cond3A_31 = arith.constant 0 : i32
    %cond3A_32 = arith.cmpi ne, %convert_element_type3A_30, %cond3A_31 : i32
    scf.if %cond3A_32 {
      %mul3A_134 = arith.constant 208 : i32
      %mul3A_135 = arith.muli %arg1, %mul3A_134 : i32
      %mul3A_136 = arith.constant 208 : i32
      %mul3A_137 = arith.muli %arg1, %mul3A_136 : i32
      %add3A_138 = arith.addi %add3A_27, %mul3A_137 : i32
      "tpu.region"() ({
        %run_scoped3A_139 = tpu.sem_alloc : memref<!tpu.dma_semaphore, #tpu.memory_space<semaphore_mem>>
        %dma_start3A_140 = arith.constant 0 : i32
        %dma_start3A_141 = tpu.memref_slice %arg6[%add3A_138, %dma_start3A_140] : memref<20000x128xf32, #tpu.memory_space<hbm>> -> memref<208x128xf32, #tpu.memory_space<hbm>>
        %dma_start3A_142 = arith.constant 0 : i32
        %dma_start3A_143 = tpu.memref_slice %arg11[%mul3A_135, %dma_start3A_142] : memref<3344x128xf32, #tpu.memory_space<vmem_shared>> -> memref<208x128xf32, #tpu.memory_space<vmem_shared>>
        tpu.enqueue_dma source(%dma_start3A_143 : memref<208x128xf32, #tpu.memory_space<vmem_shared>>) target(%dma_start3A_141 : memref<208x128xf32, #tpu.memory_space<hbm>>) target_semaphore(%run_scoped3A_139 : memref<!tpu.dma_semaphore, #tpu.memory_space<semaphore_mem>>)
        %dma_wait3A = arith.constant 0 : i32
        %dma_wait3A_144 = tpu.memref_slice %arg6[%add3A_138, %dma_wait3A] : memref<20000x128xf32, #tpu.memory_space<hbm>> -> memref<208x128xf32, #tpu.memory_space<hbm>>
        %dma_wait3A_145 = arith.constant 0 : i32
        %dma_wait3A_146 = tpu.memref_slice %arg11[%mul3A_135, %dma_wait3A_145] : memref<3344x128xf32, #tpu.memory_space<vmem_shared>> -> memref<208x128xf32, #tpu.memory_space<vmem_shared>>
        tpu.wait_dma2 semaphore(%run_scoped3A_139 : memref<!tpu.dma_semaphore, #tpu.memory_space<semaphore_mem>>) src(%dma_wait3A_146 : memref<208x128xf32, #tpu.memory_space<vmem_shared>>) dst(%dma_wait3A_144 : memref<208x128xf32, #tpu.memory_space<hbm>>)
        tpu.yield
      }) : () -> ()
    } else {
    }
    %eq3A_33 = arith.constant 15 : i32
    %eq3A_34 = arith.cmpi eq, %arg1, %eq3A_33 : i32
    %convert_element_type3A_35 = arith.extui %eq3A_34 : i1 to i32
    %cond3A_36 = arith.constant 0 : i32
    %cond3A_37 = arith.cmpi ne, %convert_element_type3A_35, %cond3A_36 : i32
    scf.if %cond3A_37 {
      %add3A_134 = arith.constant 3120 : i32
      %add3A_135 = arith.addi %add3A_27, %add3A_134 : i32
      "tpu.region"() ({
        %run_scoped3A_136 = tpu.sem_alloc : memref<!tpu.dma_semaphore, #tpu.memory_space<semaphore_mem>>
        %dma_start3A_137 = arith.constant 0 : i32
        %dma_start3A_138 = tpu.memref_slice %arg6[%add3A_135, %dma_start3A_137] : memref<20000x128xf32, #tpu.memory_space<hbm>> -> memref<216x128xf32, #tpu.memory_space<hbm>>
        %dma_start3A_139 = arith.constant 3120 : i32
        %dma_start3A_140 = arith.constant 0 : i32
        %dma_start3A_141 = tpu.memref_slice %arg11[%dma_start3A_139, %dma_start3A_140] : memref<3344x128xf32, #tpu.memory_space<vmem_shared>> -> memref<216x128xf32, #tpu.memory_space<vmem_shared>>
        tpu.enqueue_dma source(%dma_start3A_141 : memref<216x128xf32, #tpu.memory_space<vmem_shared>>) target(%dma_start3A_138 : memref<216x128xf32, #tpu.memory_space<hbm>>) target_semaphore(%run_scoped3A_136 : memref<!tpu.dma_semaphore, #tpu.memory_space<semaphore_mem>>)
        %dma_wait3A = arith.constant 0 : i32
        %dma_wait3A_142 = tpu.memref_slice %arg6[%add3A_135, %dma_wait3A] : memref<20000x128xf32, #tpu.memory_space<hbm>> -> memref<216x128xf32, #tpu.memory_space<hbm>>
        %dma_wait3A_143 = arith.constant 3120 : i32
        %dma_wait3A_144 = arith.constant 0 : i32
        %dma_wait3A_145 = tpu.memref_slice %arg11[%dma_wait3A_143, %dma_wait3A_144] : memref<3344x128xf32, #tpu.memory_space<vmem_shared>> -> memref<216x128xf32, #tpu.memory_space<vmem_shared>>
        tpu.wait_dma2 semaphore(%run_scoped3A_136 : memref<!tpu.dma_semaphore, #tpu.memory_space<semaphore_mem>>) src(%dma_wait3A_145 : memref<216x128xf32, #tpu.memory_space<vmem_shared>>) dst(%dma_wait3A_142 : memref<216x128xf32, #tpu.memory_space<hbm>>)
        tpu.yield
      }) : () -> ()
    } else {
    }
    %lt3A_38 = arith.constant 15 : i32
    %lt3A_39 = arith.cmpi slt, %arg1, %lt3A_38 : i32
    %convert_element_type3A_40 = arith.extui %lt3A_39 : i1 to i32
    %cond3A_41 = arith.constant 0 : i32
    %cond3A_42 = arith.cmpi ne, %convert_element_type3A_40, %cond3A_41 : i32
    scf.if %cond3A_42 {
      %mul3A_134 = arith.constant 208 : i32
      %mul3A_135 = arith.muli %arg1, %mul3A_134 : i32
      "tpu.region"() ({
        %run_scoped3A_136 = tpu.sem_alloc : memref<!tpu.dma_semaphore, #tpu.memory_space<semaphore_mem>>
        %dma_start3A_137 = arith.constant 0 : i32
        %dma_start3A_138 = tpu.memref_slice %arg11[%mul3A_135, %dma_start3A_137] : memref<3344x128xf32, #tpu.memory_space<vmem_shared>> -> memref<208x128xf32, #tpu.memory_space<vmem_shared>>
        %dma_start3A_139 = arith.constant 0 : i32
        %dma_start3A_140 = arith.constant 0 : i32
        %dma_start3A_141 = tpu.memref_slice %arg5[%dma_start3A_139, %dma_start3A_140] : memref<224x128xf32, #tpu.memory_space<hbm>> -> memref<208x128xf32, #tpu.memory_space<hbm>>
        tpu.enqueue_dma source(%dma_start3A_141 : memref<208x128xf32, #tpu.memory_space<hbm>>) target(%dma_start3A_138 : memref<208x128xf32, #tpu.memory_space<vmem_shared>>) target_semaphore(%run_scoped3A_136 : memref<!tpu.dma_semaphore, #tpu.memory_space<semaphore_mem>>)
        %dma_wait3A = arith.constant 0 : i32
        %dma_wait3A_142 = tpu.memref_slice %arg11[%mul3A_135, %dma_wait3A] : memref<3344x128xf32, #tpu.memory_space<vmem_shared>> -> memref<208x128xf32, #tpu.memory_space<vmem_shared>>
        %dma_wait3A_143 = arith.constant 0 : i32
        %dma_wait3A_144 = arith.constant 0 : i32
        %dma_wait3A_145 = tpu.memref_slice %arg5[%dma_wait3A_143, %dma_wait3A_144] : memref<224x128xf32, #tpu.memory_space<hbm>> -> memref<208x128xf32, #tpu.memory_space<hbm>>
        tpu.wait_dma2 semaphore(%run_scoped3A_136 : memref<!tpu.dma_semaphore, #tpu.memory_space<semaphore_mem>>) src(%dma_wait3A_145 : memref<208x128xf32, #tpu.memory_space<hbm>>) dst(%dma_wait3A_142 : memref<208x128xf32, #tpu.memory_space<vmem_shared>>)
        tpu.yield
      }) : () -> ()
    } else {
    }
    %eq3A_43 = arith.constant 15 : i32
    %eq3A_44 = arith.cmpi eq, %arg1, %eq3A_43 : i32
    %convert_element_type3A_45 = arith.extui %eq3A_44 : i1 to i32
    %cond3A_46 = arith.constant 0 : i32
    %cond3A_47 = arith.cmpi ne, %convert_element_type3A_45, %cond3A_46 : i32
    scf.if %cond3A_47 {
      "tpu.region"() ({
        %run_scoped3A_134 = tpu.sem_alloc : memref<!tpu.dma_semaphore, #tpu.memory_space<semaphore_mem>>
        %dma_start3A_135 = arith.constant 3120 : i32
        %dma_start3A_136 = arith.constant 0 : i32
        %dma_start3A_137 = tpu.memref_slice %arg11[%dma_start3A_135, %dma_start3A_136] : memref<3344x128xf32, #tpu.memory_space<vmem_shared>> -> memref<224x128xf32, #tpu.memory_space<vmem_shared>>
        %dma_start3A_138 = arith.constant 0 : i32
        %dma_start3A_139 = arith.constant 0 : i32
        %dma_start3A_140 = tpu.memref_slice %arg5[%dma_start3A_138, %dma_start3A_139] : memref<224x128xf32, #tpu.memory_space<hbm>> -> memref<224x128xf32, #tpu.memory_space<hbm>>
        tpu.enqueue_dma source(%dma_start3A_140 : memref<224x128xf32, #tpu.memory_space<hbm>>) target(%dma_start3A_137 : memref<224x128xf32, #tpu.memory_space<vmem_shared>>) target_semaphore(%run_scoped3A_134 : memref<!tpu.dma_semaphore, #tpu.memory_space<semaphore_mem>>)
        %dma_wait3A = arith.constant 3120 : i32
        %dma_wait3A_141 = arith.constant 0 : i32
        %dma_wait3A_142 = tpu.memref_slice %arg11[%dma_wait3A, %dma_wait3A_141] : memref<3344x128xf32, #tpu.memory_space<vmem_shared>> -> memref<224x128xf32, #tpu.memory_space<vmem_shared>>
        %dma_wait3A_143 = arith.constant 0 : i32
        %dma_wait3A_144 = arith.constant 0 : i32
        %dma_wait3A_145 = tpu.memref_slice %arg5[%dma_wait3A_143, %dma_wait3A_144] : memref<224x128xf32, #tpu.memory_space<hbm>> -> memref<224x128xf32, #tpu.memory_space<hbm>>
        tpu.wait_dma2 semaphore(%run_scoped3A_134 : memref<!tpu.dma_semaphore, #tpu.memory_space<semaphore_mem>>) src(%dma_wait3A_145 : memref<224x128xf32, #tpu.memory_space<hbm>>) dst(%dma_wait3A_142 : memref<224x128xf32, #tpu.memory_space<vmem_shared>>)
        tpu.yield
      }) : () -> ()
    } else {
    }
    %run_scoped3A_48 = arith.constant 1 : i32
    "tpu.region"() ({
      %run_scoped3A_134 = tpu.sem_alloc : memref<!tpu.dma_semaphore, #tpu.memory_space<semaphore_mem>>
      %dma_start3A_135 = arith.constant 0 : i32
      %dma_start3A_136 = arith.constant 0 : i32
      %dma_start3A_137 = tpu.memref_slice %arg3[%arg0, %run_scoped3A_48, %arg1, %dma_start3A_135, %dma_start3A_136] : memref<2x3x16x128x80xi32, #tpu.memory_space<hbm>> -> memref<1x1x1x128x80xi32, #tpu.memory_space<hbm>>
      %dma_start3A_138 = tpu.memref_squeeze %dma_start3A_137 : memref<1x1x1x128x80xi32, #tpu.memory_space<hbm>> -> memref<128x80xi32, #tpu.memory_space<hbm>>
      %dma_start3A_139 = arith.constant 0 : i32
      %dma_start3A_140 = arith.constant 0 : i32
      %dma_start3A_141 = tpu.memref_slice %arg3[%arg0, %run_scoped3A_48, %arg1, %dma_start3A_139, %dma_start3A_140] : memref<2x3x16x128x80xi32, #tpu.memory_space<hbm>> -> memref<1x1x1x128x80xi32, #tpu.memory_space<hbm>>
      %dma_start3A_142 = tpu.memref_squeeze %dma_start3A_141 : memref<1x1x1x128x80xi32, #tpu.memory_space<hbm>> -> memref<128x80xi32, #tpu.memory_space<hbm>>
      tpu.enqueue_dma source(%dma_start3A_142 : memref<128x80xi32, #tpu.memory_space<hbm>>) target(%arg7 : memref<128x80xi32, #tpu.memory_space<vmem>>) target_semaphore(%run_scoped3A_134 : memref<!tpu.dma_semaphore, #tpu.memory_space<semaphore_mem>>)
      %dma_wait3A = arith.constant 0 : i32
      %dma_wait3A_143 = arith.constant 0 : i32
      %dma_wait3A_144 = tpu.memref_slice %arg3[%arg0, %run_scoped3A_48, %arg1, %dma_wait3A, %dma_wait3A_143] : memref<2x3x16x128x80xi32, #tpu.memory_space<hbm>> -> memref<1x1x1x128x80xi32, #tpu.memory_space<hbm>>
      %dma_wait3A_145 = tpu.memref_squeeze %dma_wait3A_144 : memref<1x1x1x128x80xi32, #tpu.memory_space<hbm>> -> memref<128x80xi32, #tpu.memory_space<hbm>>
      %dma_wait3A_146 = arith.constant 0 : i32
      %dma_wait3A_147 = arith.constant 0 : i32
      %dma_wait3A_148 = tpu.memref_slice %arg3[%arg0, %run_scoped3A_48, %arg1, %dma_wait3A_146, %dma_wait3A_147] : memref<2x3x16x128x80xi32, #tpu.memory_space<hbm>> -> memref<1x1x1x128x80xi32, #tpu.memory_space<hbm>>
      %dma_wait3A_149 = tpu.memref_squeeze %dma_wait3A_148 : memref<1x1x1x128x80xi32, #tpu.memory_space<hbm>> -> memref<128x80xi32, #tpu.memory_space<hbm>>
      tpu.wait_dma2 semaphore(%run_scoped3A_134 : memref<!tpu.dma_semaphore, #tpu.memory_space<semaphore_mem>>) src(%dma_wait3A_149 : memref<128x80xi32, #tpu.memory_space<hbm>>) dst(%arg7 : memref<128x80xi32, #tpu.memory_space<vmem>>)
      tpu.yield
    }) : () -> ()
    %run_scoped3A_49 = arith.constant 1 : i32
    "tpu.region"() ({
      %run_scoped3A_134 = tpu.sem_alloc : memref<!tpu.dma_semaphore, #tpu.memory_space<semaphore_mem>>
      %dma_start3A_135 = arith.constant 0 : i32
      %dma_start3A_136 = arith.constant 0 : i32
      %dma_start3A_137 = tpu.memref_slice %arg4[%run_scoped3A_49, %arg1, %dma_start3A_135, %dma_start3A_136] : memref<3x16x128x80xi32, #tpu.memory_space<hbm>> -> memref<1x1x128x80xi32, #tpu.memory_space<hbm>>
      %dma_start3A_138 = tpu.memref_squeeze %dma_start3A_137 : memref<1x1x128x80xi32, #tpu.memory_space<hbm>> -> memref<128x80xi32, #tpu.memory_space<hbm>>
      %dma_start3A_139 = arith.constant 0 : i32
      %dma_start3A_140 = arith.constant 0 : i32
      %dma_start3A_141 = tpu.memref_slice %arg4[%run_scoped3A_49, %arg1, %dma_start3A_139, %dma_start3A_140] : memref<3x16x128x80xi32, #tpu.memory_space<hbm>> -> memref<1x1x128x80xi32, #tpu.memory_space<hbm>>
      %dma_start3A_142 = tpu.memref_squeeze %dma_start3A_141 : memref<1x1x128x80xi32, #tpu.memory_space<hbm>> -> memref<128x80xi32, #tpu.memory_space<hbm>>
      tpu.enqueue_dma source(%dma_start3A_142 : memref<128x80xi32, #tpu.memory_space<hbm>>) target(%arg8 : memref<128x80xi32, #tpu.memory_space<vmem>>) target_semaphore(%run_scoped3A_134 : memref<!tpu.dma_semaphore, #tpu.memory_space<semaphore_mem>>)
      %dma_wait3A = arith.constant 0 : i32
      %dma_wait3A_143 = arith.constant 0 : i32
      %dma_wait3A_144 = tpu.memref_slice %arg4[%run_scoped3A_49, %arg1, %dma_wait3A, %dma_wait3A_143] : memref<3x16x128x80xi32, #tpu.memory_space<hbm>> -> memref<1x1x128x80xi32, #tpu.memory_space<hbm>>
      %dma_wait3A_145 = tpu.memref_squeeze %dma_wait3A_144 : memref<1x1x128x80xi32, #tpu.memory_space<hbm>> -> memref<128x80xi32, #tpu.memory_space<hbm>>
      %dma_wait3A_146 = arith.constant 0 : i32
      %dma_wait3A_147 = arith.constant 0 : i32
      %dma_wait3A_148 = tpu.memref_slice %arg4[%run_scoped3A_49, %arg1, %dma_wait3A_146, %dma_wait3A_147] : memref<3x16x128x80xi32, #tpu.memory_space<hbm>> -> memref<1x1x128x80xi32, #tpu.memory_space<hbm>>
      %dma_wait3A_149 = tpu.memref_squeeze %dma_wait3A_148 : memref<1x1x128x80xi32, #tpu.memory_space<hbm>> -> memref<128x80xi32, #tpu.memory_space<hbm>>
      tpu.wait_dma2 semaphore(%run_scoped3A_134 : memref<!tpu.dma_semaphore, #tpu.memory_space<semaphore_mem>>) src(%dma_wait3A_149 : memref<128x80xi32, #tpu.memory_space<hbm>>) dst(%arg8 : memref<128x80xi32, #tpu.memory_space<vmem>>)
      tpu.yield
    }) : () -> ()
    %barrier3A_50 = arith.constant 0 : index
    tpu.barrier barrier_id(%barrier3A_50)
    %dma_start3A_51 = arith.constant 0 : i32
    %dma_start3A_52 = arith.constant 0 : i32
    %dma_start3A_53 = tpu.memref_slice %arg7[%dma_start3A_51, %dma_start3A_52] : memref<128x80xi32, #tpu.memory_space<vmem>> -> memref<1x80xi32, #tpu.memory_space<vmem>>
    %dma_start3A_54 = tpu.memref_squeeze %dma_start3A_53 : memref<1x80xi32, #tpu.memory_space<vmem>> -> memref<80xi32, #tpu.memory_space<vmem>>
    %dma_start3A_55 = arith.constant 0 : i32
    %dma_start3A_56 = arith.constant 0 : i32
    %dma_start3A_57 = tpu.memref_slice %arg2[%dma_start3A_55, %dma_start3A_56] : memref<20000x128xf32, #tpu.memory_space<hbm>> -> memref<20000x128xf32, #tpu.memory_space<hbm>>
    tpu.enqueue_indirect_dma source(%dma_start3A_57 : memref<20000x128xf32, #tpu.memory_space<hbm>>) target(%arg9 : memref<80x128xf32, #tpu.memory_space<vmem>>) offsets(%dma_start3A_54 : memref<80xi32, #tpu.memory_space<vmem>>) semaphore(%arg12 : memref<!tpu.dma_semaphore, #tpu.memory_space<semaphore_mem>>)
    %dma_start3A_58 = arith.constant 1 : i32
    %dma_start3A_59 = arith.constant 0 : i32
    %dma_start3A_60 = tpu.memref_slice %arg7[%dma_start3A_58, %dma_start3A_59] : memref<128x80xi32, #tpu.memory_space<vmem>> -> memref<1x80xi32, #tpu.memory_space<vmem>>
    %dma_start3A_61 = tpu.memref_squeeze %dma_start3A_60 : memref<1x80xi32, #tpu.memory_space<vmem>> -> memref<80xi32, #tpu.memory_space<vmem>>
    %dma_start3A_62 = arith.constant 0 : i32
    %dma_start3A_63 = arith.constant 0 : i32
    %dma_start3A_64 = tpu.memref_slice %arg2[%dma_start3A_62, %dma_start3A_63] : memref<20000x128xf32, #tpu.memory_space<hbm>> -> memref<20000x128xf32, #tpu.memory_space<hbm>>
    tpu.enqueue_indirect_dma source(%dma_start3A_64 : memref<20000x128xf32, #tpu.memory_space<hbm>>) target(%arg10 : memref<80x128xf32, #tpu.memory_space<vmem>>) offsets(%dma_start3A_61 : memref<80xi32, #tpu.memory_space<vmem>>) semaphore(%arg13 : memref<!tpu.dma_semaphore, #tpu.memory_space<semaphore_mem>>)
    %scan3A_65 = arith.constant 0 : i32
    %scan3A_66 = arith.constant 0 : i32
    %scan3A_67 = arith.constant 64 : i32
    %scan3A_68 = arith.addi %scan3A_66, %scan3A_67 : i32
    %scan3A_69 = arith.constant 1 : i32
    scf.for %scan3A_134 = %scan3A_66 to %scan3A_68 step %scan3A_69  : i32 {
      %mul3A_135 = arith.constant 2 : i32
      %mul3A_136 = arith.muli %mul3A_135, %scan3A_134 : i32
      %mul3A_137 = arith.constant 2 : i32
      %mul3A_138 = arith.muli %mul3A_137, %scan3A_134 : i32
      %add3A_139 = arith.constant 1 : i32
      %add3A_140 = arith.addi %mul3A_138, %add3A_139 : i32
      %dma_wait3A = arith.constant 0 : i32
      %dma_wait3A_141 = tpu.memref_slice %arg7[%mul3A_136, %dma_wait3A] : memref<128x80xi32, #tpu.memory_space<vmem>> -> memref<1x80xi32, #tpu.memory_space<vmem>>
      %dma_wait3A_142 = tpu.memref_squeeze %dma_wait3A_141 : memref<1x80xi32, #tpu.memory_space<vmem>> -> memref<80xi32, #tpu.memory_space<vmem>>
      %dma_wait3A_143 = arith.constant 0 : i32
      %dma_wait3A_144 = arith.constant 0 : i32
      %dma_wait3A_145 = tpu.memref_slice %arg2[%dma_wait3A_143, %dma_wait3A_144] : memref<20000x128xf32, #tpu.memory_space<hbm>> -> memref<20000x128xf32, #tpu.memory_space<hbm>>
      tpu.wait_indirect_dma semaphore(%arg12 : memref<!tpu.dma_semaphore, #tpu.memory_space<semaphore_mem>>) src(%dma_wait3A_145 : memref<20000x128xf32, #tpu.memory_space<hbm>>) dst(%arg9 : memref<80x128xf32, #tpu.memory_space<vmem>>)
      "tpu.region"() ({
        %run_scoped3A_166 = tpu.sem_alloc : memref<!tpu.dma_semaphore, #tpu.memory_space<semaphore_mem>>
        %dma_start3A_167 = arith.constant 0 : i32
        %dma_start3A_168 = tpu.memref_slice %arg8[%mul3A_136, %dma_start3A_167] : memref<128x80xi32, #tpu.memory_space<vmem>> -> memref<1x80xi32, #tpu.memory_space<vmem>>
        %dma_start3A_169 = tpu.memref_squeeze %dma_start3A_168 : memref<1x80xi32, #tpu.memory_space<vmem>> -> memref<80xi32, #tpu.memory_space<vmem>>
        %dma_start3A_170 = arith.constant 0 : i32
        %dma_start3A_171 = arith.constant 0 : i32
        %dma_start3A_172 = tpu.memref_slice %arg11[%dma_start3A_170, %dma_start3A_171] : memref<3344x128xf32, #tpu.memory_space<vmem_shared>> -> memref<3344x128xf32, #tpu.memory_space<vmem_shared>>
        tpu.enqueue_indirect_dma source(%arg9 : memref<80x128xf32, #tpu.memory_space<vmem>>) target(%dma_start3A_172 : memref<3344x128xf32, #tpu.memory_space<vmem_shared>>) offsets(%dma_start3A_169 : memref<80xi32, #tpu.memory_space<vmem>>) semaphore(%run_scoped3A_166 : memref<!tpu.dma_semaphore, #tpu.memory_space<semaphore_mem>>) {add = true}
        %dma_wait3A_173 = arith.constant 0 : i32
        %dma_wait3A_174 = tpu.memref_slice %arg8[%mul3A_136, %dma_wait3A_173] : memref<128x80xi32, #tpu.memory_space<vmem>> -> memref<1x80xi32, #tpu.memory_space<vmem>>
        %dma_wait3A_175 = tpu.memref_squeeze %dma_wait3A_174 : memref<1x80xi32, #tpu.memory_space<vmem>> -> memref<80xi32, #tpu.memory_space<vmem>>
        %dma_wait3A_176 = arith.constant 0 : i32
        %dma_wait3A_177 = arith.constant 0 : i32
        %dma_wait3A_178 = tpu.memref_slice %arg11[%dma_wait3A_176, %dma_wait3A_177] : memref<3344x128xf32, #tpu.memory_space<vmem_shared>> -> memref<3344x128xf32, #tpu.memory_space<vmem_shared>>
        tpu.wait_indirect_dma semaphore(%run_scoped3A_166 : memref<!tpu.dma_semaphore, #tpu.memory_space<semaphore_mem>>) src(%arg9 : memref<80x128xf32, #tpu.memory_space<vmem>>) dst(%dma_wait3A_178 : memref<3344x128xf32, #tpu.memory_space<vmem_shared>>)
        tpu.yield
      }) : () -> ()
      %add3A_146 = arith.constant 2 : i32
      %add3A_147 = arith.addi %mul3A_136, %add3A_146 : i32
      %lt3A_148 = arith.constant 128 : i32
      %lt3A_149 = arith.cmpi slt, %add3A_147, %lt3A_148 : i32
      %convert_element_type3A_150 = arith.extui %lt3A_149 : i1 to i32
      %cond3A_151 = arith.constant 0 : i32
      %cond3A_152 = arith.cmpi ne, %convert_element_type3A_150, %cond3A_151 : i32
      scf.if %cond3A_152 {
        %add3A_166 = arith.constant 2 : i32
        %add3A_167 = arith.addi %mul3A_136, %add3A_166 : i32
        %dma_start3A_168 = arith.constant 0 : i32
        %dma_start3A_169 = tpu.memref_slice %arg7[%add3A_167, %dma_start3A_168] : memref<128x80xi32, #tpu.memory_space<vmem>> -> memref<1x80xi32, #tpu.memory_space<vmem>>
        %dma_start3A_170 = tpu.memref_squeeze %dma_start3A_169 : memref<1x80xi32, #tpu.memory_space<vmem>> -> memref<80xi32, #tpu.memory_space<vmem>>
        %dma_start3A_171 = arith.constant 0 : i32
        %dma_start3A_172 = arith.constant 0 : i32
        %dma_start3A_173 = tpu.memref_slice %arg2[%dma_start3A_171, %dma_start3A_172] : memref<20000x128xf32, #tpu.memory_space<hbm>> -> memref<20000x128xf32, #tpu.memory_space<hbm>>
        tpu.enqueue_indirect_dma source(%dma_start3A_173 : memref<20000x128xf32, #tpu.memory_space<hbm>>) target(%arg9 : memref<80x128xf32, #tpu.memory_space<vmem>>) offsets(%dma_start3A_170 : memref<80xi32, #tpu.memory_space<vmem>>) semaphore(%arg12 : memref<!tpu.dma_semaphore, #tpu.memory_space<semaphore_mem>>)
      } else {
      }
      %dma_wait3A_153 = arith.constant 0 : i32
      %dma_wait3A_154 = tpu.memref_slice %arg7[%add3A_140, %dma_wait3A_153] : memref<128x80xi32, #tpu.memory_space<vmem>> -> memref<1x80xi32, #tpu.memory_space<vmem>>
      %dma_wait3A_155 = tpu.memref_squeeze %dma_wait3A_154 : memref<1x80xi32, #tpu.memory_space<vmem>> -> memref<80xi32, #tpu.memory_space<vmem>>
      %dma_wait3A_156 = arith.constant 0 : i32
      %dma_wait3A_157 = arith.constant 0 : i32
      %dma_wait3A_158 = tpu.memref_slice %arg2[%dma_wait3A_156, %dma_wait3A_157] : memref<20000x128xf32, #tpu.memory_space<hbm>> -> memref<20000x128xf32, #tpu.memory_space<hbm>>
      tpu.wait_indirect_dma semaphore(%arg13 : memref<!tpu.dma_semaphore, #tpu.memory_space<semaphore_mem>>) src(%dma_wait3A_158 : memref<20000x128xf32, #tpu.memory_space<hbm>>) dst(%arg10 : memref<80x128xf32, #tpu.memory_space<vmem>>)
      "tpu.region"() ({
        %run_scoped3A_166 = tpu.sem_alloc : memref<!tpu.dma_semaphore, #tpu.memory_space<semaphore_mem>>
        %dma_start3A_167 = arith.constant 0 : i32
        %dma_start3A_168 = tpu.memref_slice %arg8[%add3A_140, %dma_start3A_167] : memref<128x80xi32, #tpu.memory_space<vmem>> -> memref<1x80xi32, #tpu.memory_space<vmem>>
        %dma_start3A_169 = tpu.memref_squeeze %dma_start3A_168 : memref<1x80xi32, #tpu.memory_space<vmem>> -> memref<80xi32, #tpu.memory_space<vmem>>
        %dma_start3A_170 = arith.constant 0 : i32
        %dma_start3A_171 = arith.constant 0 : i32
        %dma_start3A_172 = tpu.memref_slice %arg11[%dma_start3A_170, %dma_start3A_171] : memref<3344x128xf32, #tpu.memory_space<vmem_shared>> -> memref<3344x128xf32, #tpu.memory_space<vmem_shared>>
        tpu.enqueue_indirect_dma source(%arg10 : memref<80x128xf32, #tpu.memory_space<vmem>>) target(%dma_start3A_172 : memref<3344x128xf32, #tpu.memory_space<vmem_shared>>) offsets(%dma_start3A_169 : memref<80xi32, #tpu.memory_space<vmem>>) semaphore(%run_scoped3A_166 : memref<!tpu.dma_semaphore, #tpu.memory_space<semaphore_mem>>) {add = true}
        %dma_wait3A_173 = arith.constant 0 : i32
        %dma_wait3A_174 = tpu.memref_slice %arg8[%add3A_140, %dma_wait3A_173] : memref<128x80xi32, #tpu.memory_space<vmem>> -> memref<1x80xi32, #tpu.memory_space<vmem>>
        %dma_wait3A_175 = tpu.memref_squeeze %dma_wait3A_174 : memref<1x80xi32, #tpu.memory_space<vmem>> -> memref<80xi32, #tpu.memory_space<vmem>>
        %dma_wait3A_176 = arith.constant 0 : i32
        %dma_wait3A_177 = arith.constant 0 : i32
        %dma_wait3A_178 = tpu.memref_slice %arg11[%dma_wait3A_176, %dma_wait3A_177] : memref<3344x128xf32, #tpu.memory_space<vmem_shared>> -> memref<3344x128xf32, #tpu.memory_space<vmem_shared>>
        tpu.wait_indirect_dma semaphore(%run_scoped3A_166 : memref<!tpu.dma_semaphore, #tpu.memory_space<semaphore_mem>>) src(%arg10 : memref<80x128xf32, #tpu.memory_space<vmem>>) dst(%dma_wait3A_178 : memref<3344x128xf32, #tpu.memory_space<vmem_shared>>)
        tpu.yield
      }) : () -> ()
      %add3A_159 = arith.constant 2 : i32
      %add3A_160 = arith.addi %add3A_140, %add3A_159 : i32
      %lt3A_161 = arith.constant 128 : i32
      %lt3A_162 = arith.cmpi slt, %add3A_160, %lt3A_161 : i32
      %convert_element_type3A_163 = arith.extui %lt3A_162 : i1 to i32
      %cond3A_164 = arith.constant 0 : i32
      %cond3A_165 = arith.cmpi ne, %convert_element_type3A_163, %cond3A_164 : i32
      scf.if %cond3A_165 {
        %add3A_166 = arith.constant 2 : i32
        %add3A_167 = arith.addi %add3A_140, %add3A_166 : i32
        %dma_start3A_168 = arith.constant 0 : i32
        %dma_start3A_169 = tpu.memref_slice %arg7[%add3A_167, %dma_start3A_168] : memref<128x80xi32, #tpu.memory_space<vmem>> -> memref<1x80xi32, #tpu.memory_space<vmem>>
        %dma_start3A_170 = tpu.memref_squeeze %dma_start3A_169 : memref<1x80xi32, #tpu.memory_space<vmem>> -> memref<80xi32, #tpu.memory_space<vmem>>
        %dma_start3A_171 = arith.constant 0 : i32
        %dma_start3A_172 = arith.constant 0 : i32
        %dma_start3A_173 = tpu.memref_slice %arg2[%dma_start3A_171, %dma_start3A_172] : memref<20000x128xf32, #tpu.memory_space<hbm>> -> memref<20000x128xf32, #tpu.memory_space<hbm>>
        tpu.enqueue_indirect_dma source(%dma_start3A_173 : memref<20000x128xf32, #tpu.memory_space<hbm>>) target(%arg10 : memref<80x128xf32, #tpu.memory_space<vmem>>) offsets(%dma_start3A_170 : memref<80xi32, #tpu.memory_space<vmem>>) semaphore(%arg13 : memref<!tpu.dma_semaphore, #tpu.memory_space<semaphore_mem>>)
      } else {
      }
    }
    %scan3A_70 = arith.constant 64 : i32
    %barrier3A_71 = arith.constant 0 : index
    tpu.barrier barrier_id(%barrier3A_71)
    %mul3A_72 = arith.constant 10000 : i32
    %mul3A_73 = arith.muli %arg0, %mul3A_72 : i32
    %add3A_74 = arith.constant 3336 : i32
    %add3A_75 = arith.addi %mul3A_73, %add3A_74 : i32
    %lt3A_76 = arith.constant 15 : i32
    %lt3A_77 = arith.cmpi slt, %arg1, %lt3A_76 : i32
    %convert_element_type3A_78 = arith.extui %lt3A_77 : i1 to i32
    %cond3A_79 = arith.constant 0 : i32
    %cond3A_80 = arith.cmpi ne, %convert_element_type3A_78, %cond3A_79 : i32
    scf.if %cond3A_80 {
      %mul3A_134 = arith.constant 208 : i32
      %mul3A_135 = arith.muli %arg1, %mul3A_134 : i32
      %mul3A_136 = arith.constant 208 : i32
      %mul3A_137 = arith.muli %arg1, %mul3A_136 : i32
      %add3A_138 = arith.addi %add3A_75, %mul3A_137 : i32
      "tpu.region"() ({
        %run_scoped3A_139 = tpu.sem_alloc : memref<!tpu.dma_semaphore, #tpu.memory_space<semaphore_mem>>
        %dma_start3A_140 = arith.constant 0 : i32
        %dma_start3A_141 = tpu.memref_slice %arg6[%add3A_138, %dma_start3A_140] : memref<20000x128xf32, #tpu.memory_space<hbm>> -> memref<208x128xf32, #tpu.memory_space<hbm>>
        %dma_start3A_142 = arith.constant 0 : i32
        %dma_start3A_143 = tpu.memref_slice %arg11[%mul3A_135, %dma_start3A_142] : memref<3344x128xf32, #tpu.memory_space<vmem_shared>> -> memref<208x128xf32, #tpu.memory_space<vmem_shared>>
        tpu.enqueue_dma source(%dma_start3A_143 : memref<208x128xf32, #tpu.memory_space<vmem_shared>>) target(%dma_start3A_141 : memref<208x128xf32, #tpu.memory_space<hbm>>) target_semaphore(%run_scoped3A_139 : memref<!tpu.dma_semaphore, #tpu.memory_space<semaphore_mem>>)
        %dma_wait3A = arith.constant 0 : i32
        %dma_wait3A_144 = tpu.memref_slice %arg6[%add3A_138, %dma_wait3A] : memref<20000x128xf32, #tpu.memory_space<hbm>> -> memref<208x128xf32, #tpu.memory_space<hbm>>
        %dma_wait3A_145 = arith.constant 0 : i32
        %dma_wait3A_146 = tpu.memref_slice %arg11[%mul3A_135, %dma_wait3A_145] : memref<3344x128xf32, #tpu.memory_space<vmem_shared>> -> memref<208x128xf32, #tpu.memory_space<vmem_shared>>
        tpu.wait_dma2 semaphore(%run_scoped3A_139 : memref<!tpu.dma_semaphore, #tpu.memory_space<semaphore_mem>>) src(%dma_wait3A_146 : memref<208x128xf32, #tpu.memory_space<vmem_shared>>) dst(%dma_wait3A_144 : memref<208x128xf32, #tpu.memory_space<hbm>>)
        tpu.yield
      }) : () -> ()
    } else {
    }
    %eq3A_81 = arith.constant 15 : i32
    %eq3A_82 = arith.cmpi eq, %arg1, %eq3A_81 : i32
    %convert_element_type3A_83 = arith.extui %eq3A_82 : i1 to i32
    %cond3A_84 = arith.constant 0 : i32
    %cond3A_85 = arith.cmpi ne, %convert_element_type3A_83, %cond3A_84 : i32
    scf.if %cond3A_85 {
      %add3A_134 = arith.constant 3120 : i32
      %add3A_135 = arith.addi %add3A_75, %add3A_134 : i32
      "tpu.region"() ({
        %run_scoped3A_136 = tpu.sem_alloc : memref<!tpu.dma_semaphore, #tpu.memory_space<semaphore_mem>>
        %dma_start3A_137 = arith.constant 0 : i32
        %dma_start3A_138 = tpu.memref_slice %arg6[%add3A_135, %dma_start3A_137] : memref<20000x128xf32, #tpu.memory_space<hbm>> -> memref<216x128xf32, #tpu.memory_space<hbm>>
        %dma_start3A_139 = arith.constant 3120 : i32
        %dma_start3A_140 = arith.constant 0 : i32
        %dma_start3A_141 = tpu.memref_slice %arg11[%dma_start3A_139, %dma_start3A_140] : memref<3344x128xf32, #tpu.memory_space<vmem_shared>> -> memref<216x128xf32, #tpu.memory_space<vmem_shared>>
        tpu.enqueue_dma source(%dma_start3A_141 : memref<216x128xf32, #tpu.memory_space<vmem_shared>>) target(%dma_start3A_138 : memref<216x128xf32, #tpu.memory_space<hbm>>) target_semaphore(%run_scoped3A_136 : memref<!tpu.dma_semaphore, #tpu.memory_space<semaphore_mem>>)
        %dma_wait3A = arith.constant 0 : i32
        %dma_wait3A_142 = tpu.memref_slice %arg6[%add3A_135, %dma_wait3A] : memref<20000x128xf32, #tpu.memory_space<hbm>> -> memref<216x128xf32, #tpu.memory_space<hbm>>
        %dma_wait3A_143 = arith.constant 3120 : i32
        %dma_wait3A_144 = arith.constant 0 : i32
        %dma_wait3A_145 = tpu.memref_slice %arg11[%dma_wait3A_143, %dma_wait3A_144] : memref<3344x128xf32, #tpu.memory_space<vmem_shared>> -> memref<216x128xf32, #tpu.memory_space<vmem_shared>>
        tpu.wait_dma2 semaphore(%run_scoped3A_136 : memref<!tpu.dma_semaphore, #tpu.memory_space<semaphore_mem>>) src(%dma_wait3A_145 : memref<216x128xf32, #tpu.memory_space<vmem_shared>>) dst(%dma_wait3A_142 : memref<216x128xf32, #tpu.memory_space<hbm>>)
        tpu.yield
      }) : () -> ()
    } else {
    }
    %lt3A_86 = arith.constant 15 : i32
    %lt3A_87 = arith.cmpi slt, %arg1, %lt3A_86 : i32
    %convert_element_type3A_88 = arith.extui %lt3A_87 : i1 to i32
    %cond3A_89 = arith.constant 0 : i32
    %cond3A_90 = arith.cmpi ne, %convert_element_type3A_88, %cond3A_89 : i32
    scf.if %cond3A_90 {
      %mul3A_134 = arith.constant 208 : i32
      %mul3A_135 = arith.muli %arg1, %mul3A_134 : i32
      "tpu.region"() ({
        %run_scoped3A_136 = tpu.sem_alloc : memref<!tpu.dma_semaphore, #tpu.memory_space<semaphore_mem>>
        %dma_start3A_137 = arith.constant 0 : i32
        %dma_start3A_138 = tpu.memref_slice %arg11[%mul3A_135, %dma_start3A_137] : memref<3344x128xf32, #tpu.memory_space<vmem_shared>> -> memref<208x128xf32, #tpu.memory_space<vmem_shared>>
        %dma_start3A_139 = arith.constant 0 : i32
        %dma_start3A_140 = arith.constant 0 : i32
        %dma_start3A_141 = tpu.memref_slice %arg5[%dma_start3A_139, %dma_start3A_140] : memref<224x128xf32, #tpu.memory_space<hbm>> -> memref<208x128xf32, #tpu.memory_space<hbm>>
        tpu.enqueue_dma source(%dma_start3A_141 : memref<208x128xf32, #tpu.memory_space<hbm>>) target(%dma_start3A_138 : memref<208x128xf32, #tpu.memory_space<vmem_shared>>) target_semaphore(%run_scoped3A_136 : memref<!tpu.dma_semaphore, #tpu.memory_space<semaphore_mem>>)
        %dma_wait3A = arith.constant 0 : i32
        %dma_wait3A_142 = tpu.memref_slice %arg11[%mul3A_135, %dma_wait3A] : memref<3344x128xf32, #tpu.memory_space<vmem_shared>> -> memref<208x128xf32, #tpu.memory_space<vmem_shared>>
        %dma_wait3A_143 = arith.constant 0 : i32
        %dma_wait3A_144 = arith.constant 0 : i32
        %dma_wait3A_145 = tpu.memref_slice %arg5[%dma_wait3A_143, %dma_wait3A_144] : memref<224x128xf32, #tpu.memory_space<hbm>> -> memref<208x128xf32, #tpu.memory_space<hbm>>
        tpu.wait_dma2 semaphore(%run_scoped3A_136 : memref<!tpu.dma_semaphore, #tpu.memory_space<semaphore_mem>>) src(%dma_wait3A_145 : memref<208x128xf32, #tpu.memory_space<hbm>>) dst(%dma_wait3A_142 : memref<208x128xf32, #tpu.memory_space<vmem_shared>>)
        tpu.yield
      }) : () -> ()
    } else {
    }
    %eq3A_91 = arith.constant 15 : i32
    %eq3A_92 = arith.cmpi eq, %arg1, %eq3A_91 : i32
    %convert_element_type3A_93 = arith.extui %eq3A_92 : i1 to i32
    %cond3A_94 = arith.constant 0 : i32
    %cond3A_95 = arith.cmpi ne, %convert_element_type3A_93, %cond3A_94 : i32
    scf.if %cond3A_95 {
      "tpu.region"() ({
        %run_scoped3A_134 = tpu.sem_alloc : memref<!tpu.dma_semaphore, #tpu.memory_space<semaphore_mem>>
        %dma_start3A_135 = arith.constant 3120 : i32
        %dma_start3A_136 = arith.constant 0 : i32
        %dma_start3A_137 = tpu.memref_slice %arg11[%dma_start3A_135, %dma_start3A_136] : memref<3344x128xf32, #tpu.memory_space<vmem_shared>> -> memref<224x128xf32, #tpu.memory_space<vmem_shared>>
        %dma_start3A_138 = arith.constant 0 : i32
        %dma_start3A_139 = arith.constant 0 : i32
        %dma_start3A_140 = tpu.memref_slice %arg5[%dma_start3A_138, %dma_start3A_139] : memref<224x128xf32, #tpu.memory_space<hbm>> -> memref<224x128xf32, #tpu.memory_space<hbm>>
        tpu.enqueue_dma source(%dma_start3A_140 : memref<224x128xf32, #tpu.memory_space<hbm>>) target(%dma_start3A_137 : memref<224x128xf32, #tpu.memory_space<vmem_shared>>) target_semaphore(%run_scoped3A_134 : memref<!tpu.dma_semaphore, #tpu.memory_space<semaphore_mem>>)
        %dma_wait3A = arith.constant 3120 : i32
        %dma_wait3A_141 = arith.constant 0 : i32
        %dma_wait3A_142 = tpu.memref_slice %arg11[%dma_wait3A, %dma_wait3A_141] : memref<3344x128xf32, #tpu.memory_space<vmem_shared>> -> memref<224x128xf32, #tpu.memory_space<vmem_shared>>
        %dma_wait3A_143 = arith.constant 0 : i32
        %dma_wait3A_144 = arith.constant 0 : i32
        %dma_wait3A_145 = tpu.memref_slice %arg5[%dma_wait3A_143, %dma_wait3A_144] : memref<224x128xf32, #tpu.memory_space<hbm>> -> memref<224x128xf32, #tpu.memory_space<hbm>>
        tpu.wait_dma2 semaphore(%run_scoped3A_134 : memref<!tpu.dma_semaphore, #tpu.memory_space<semaphore_mem>>) src(%dma_wait3A_145 : memref<224x128xf32, #tpu.memory_space<hbm>>) dst(%dma_wait3A_142 : memref<224x128xf32, #tpu.memory_space<vmem_shared>>)
        tpu.yield
      }) : () -> ()
    } else {
    }
    %run_scoped3A_96 = arith.constant 2 : i32
    "tpu.region"() ({
      %run_scoped3A_134 = tpu.sem_alloc : memref<!tpu.dma_semaphore, #tpu.memory_space<semaphore_mem>>
      %dma_start3A_135 = arith.constant 0 : i32
      %dma_start3A_136 = arith.constant 0 : i32
      %dma_start3A_137 = tpu.memref_slice %arg3[%arg0, %run_scoped3A_96, %arg1, %dma_start3A_135, %dma_start3A_136] : memref<2x3x16x128x80xi32, #tpu.memory_space<hbm>> -> memref<1x1x1x128x80xi32, #tpu.memory_space<hbm>>
      %dma_start3A_138 = tpu.memref_squeeze %dma_start3A_137 : memref<1x1x1x128x80xi32, #tpu.memory_space<hbm>> -> memref<128x80xi32, #tpu.memory_space<hbm>>
      %dma_start3A_139 = arith.constant 0 : i32
      %dma_start3A_140 = arith.constant 0 : i32
      %dma_start3A_141 = tpu.memref_slice %arg3[%arg0, %run_scoped3A_96, %arg1, %dma_start3A_139, %dma_start3A_140] : memref<2x3x16x128x80xi32, #tpu.memory_space<hbm>> -> memref<1x1x1x128x80xi32, #tpu.memory_space<hbm>>
      %dma_start3A_142 = tpu.memref_squeeze %dma_start3A_141 : memref<1x1x1x128x80xi32, #tpu.memory_space<hbm>> -> memref<128x80xi32, #tpu.memory_space<hbm>>
      tpu.enqueue_dma source(%dma_start3A_142 : memref<128x80xi32, #tpu.memory_space<hbm>>) target(%arg7 : memref<128x80xi32, #tpu.memory_space<vmem>>) target_semaphore(%run_scoped3A_134 : memref<!tpu.dma_semaphore, #tpu.memory_space<semaphore_mem>>)
      %dma_wait3A = arith.constant 0 : i32
      %dma_wait3A_143 = arith.constant 0 : i32
      %dma_wait3A_144 = tpu.memref_slice %arg3[%arg0, %run_scoped3A_96, %arg1, %dma_wait3A, %dma_wait3A_143] : memref<2x3x16x128x80xi32, #tpu.memory_space<hbm>> -> memref<1x1x1x128x80xi32, #tpu.memory_space<hbm>>
      %dma_wait3A_145 = tpu.memref_squeeze %dma_wait3A_144 : memref<1x1x1x128x80xi32, #tpu.memory_space<hbm>> -> memref<128x80xi32, #tpu.memory_space<hbm>>
      %dma_wait3A_146 = arith.constant 0 : i32
      %dma_wait3A_147 = arith.constant 0 : i32
      %dma_wait3A_148 = tpu.memref_slice %arg3[%arg0, %run_scoped3A_96, %arg1, %dma_wait3A_146, %dma_wait3A_147] : memref<2x3x16x128x80xi32, #tpu.memory_space<hbm>> -> memref<1x1x1x128x80xi32, #tpu.memory_space<hbm>>
      %dma_wait3A_149 = tpu.memref_squeeze %dma_wait3A_148 : memref<1x1x1x128x80xi32, #tpu.memory_space<hbm>> -> memref<128x80xi32, #tpu.memory_space<hbm>>
      tpu.wait_dma2 semaphore(%run_scoped3A_134 : memref<!tpu.dma_semaphore, #tpu.memory_space<semaphore_mem>>) src(%dma_wait3A_149 : memref<128x80xi32, #tpu.memory_space<hbm>>) dst(%arg7 : memref<128x80xi32, #tpu.memory_space<vmem>>)
      tpu.yield
    }) : () -> ()
    %run_scoped3A_97 = arith.constant 2 : i32
    "tpu.region"() ({
      %run_scoped3A_134 = tpu.sem_alloc : memref<!tpu.dma_semaphore, #tpu.memory_space<semaphore_mem>>
      %dma_start3A_135 = arith.constant 0 : i32
      %dma_start3A_136 = arith.constant 0 : i32
      %dma_start3A_137 = tpu.memref_slice %arg4[%run_scoped3A_97, %arg1, %dma_start3A_135, %dma_start3A_136] : memref<3x16x128x80xi32, #tpu.memory_space<hbm>> -> memref<1x1x128x80xi32, #tpu.memory_space<hbm>>
      %dma_start3A_138 = tpu.memref_squeeze %dma_start3A_137 : memref<1x1x128x80xi32, #tpu.memory_space<hbm>> -> memref<128x80xi32, #tpu.memory_space<hbm>>
      %dma_start3A_139 = arith.constant 0 : i32
      %dma_start3A_140 = arith.constant 0 : i32
      %dma_start3A_141 = tpu.memref_slice %arg4[%run_scoped3A_97, %arg1, %dma_start3A_139, %dma_start3A_140] : memref<3x16x128x80xi32, #tpu.memory_space<hbm>> -> memref<1x1x128x80xi32, #tpu.memory_space<hbm>>
      %dma_start3A_142 = tpu.memref_squeeze %dma_start3A_141 : memref<1x1x128x80xi32, #tpu.memory_space<hbm>> -> memref<128x80xi32, #tpu.memory_space<hbm>>
      tpu.enqueue_dma source(%dma_start3A_142 : memref<128x80xi32, #tpu.memory_space<hbm>>) target(%arg8 : memref<128x80xi32, #tpu.memory_space<vmem>>) target_semaphore(%run_scoped3A_134 : memref<!tpu.dma_semaphore, #tpu.memory_space<semaphore_mem>>)
      %dma_wait3A = arith.constant 0 : i32
      %dma_wait3A_143 = arith.constant 0 : i32
      %dma_wait3A_144 = tpu.memref_slice %arg4[%run_scoped3A_97, %arg1, %dma_wait3A, %dma_wait3A_143] : memref<3x16x128x80xi32, #tpu.memory_space<hbm>> -> memref<1x1x128x80xi32, #tpu.memory_space<hbm>>
      %dma_wait3A_145 = tpu.memref_squeeze %dma_wait3A_144 : memref<1x1x128x80xi32, #tpu.memory_space<hbm>> -> memref<128x80xi32, #tpu.memory_space<hbm>>
      %dma_wait3A_146 = arith.constant 0 : i32
      %dma_wait3A_147 = arith.constant 0 : i32
      %dma_wait3A_148 = tpu.memref_slice %arg4[%run_scoped3A_97, %arg1, %dma_wait3A_146, %dma_wait3A_147] : memref<3x16x128x80xi32, #tpu.memory_space<hbm>> -> memref<1x1x128x80xi32, #tpu.memory_space<hbm>>
      %dma_wait3A_149 = tpu.memref_squeeze %dma_wait3A_148 : memref<1x1x128x80xi32, #tpu.memory_space<hbm>> -> memref<128x80xi32, #tpu.memory_space<hbm>>
      tpu.wait_dma2 semaphore(%run_scoped3A_134 : memref<!tpu.dma_semaphore, #tpu.memory_space<semaphore_mem>>) src(%dma_wait3A_149 : memref<128x80xi32, #tpu.memory_space<hbm>>) dst(%arg8 : memref<128x80xi32, #tpu.memory_space<vmem>>)
      tpu.yield
    }) : () -> ()
    %barrier3A_98 = arith.constant 0 : index
    tpu.barrier barrier_id(%barrier3A_98)
    %dma_start3A_99 = arith.constant 0 : i32
    %dma_start3A_100 = arith.constant 0 : i32
    %dma_start3A_101 = tpu.memref_slice %arg7[%dma_start3A_99, %dma_start3A_100] : memref<128x80xi32, #tpu.memory_space<vmem>> -> memref<1x80xi32, #tpu.memory_space<vmem>>
    %dma_start3A_102 = tpu.memref_squeeze %dma_start3A_101 : memref<1x80xi32, #tpu.memory_space<vmem>> -> memref<80xi32, #tpu.memory_space<vmem>>
    %dma_start3A_103 = arith.constant 0 : i32
    %dma_start3A_104 = arith.constant 0 : i32
    %dma_start3A_105 = tpu.memref_slice %arg2[%dma_start3A_103, %dma_start3A_104] : memref<20000x128xf32, #tpu.memory_space<hbm>> -> memref<20000x128xf32, #tpu.memory_space<hbm>>
    tpu.enqueue_indirect_dma source(%dma_start3A_105 : memref<20000x128xf32, #tpu.memory_space<hbm>>) target(%arg9 : memref<80x128xf32, #tpu.memory_space<vmem>>) offsets(%dma_start3A_102 : memref<80xi32, #tpu.memory_space<vmem>>) semaphore(%arg12 : memref<!tpu.dma_semaphore, #tpu.memory_space<semaphore_mem>>)
    %dma_start3A_106 = arith.constant 1 : i32
    %dma_start3A_107 = arith.constant 0 : i32
    %dma_start3A_108 = tpu.memref_slice %arg7[%dma_start3A_106, %dma_start3A_107] : memref<128x80xi32, #tpu.memory_space<vmem>> -> memref<1x80xi32, #tpu.memory_space<vmem>>
    %dma_start3A_109 = tpu.memref_squeeze %dma_start3A_108 : memref<1x80xi32, #tpu.memory_space<vmem>> -> memref<80xi32, #tpu.memory_space<vmem>>
    %dma_start3A_110 = arith.constant 0 : i32
    %dma_start3A_111 = arith.constant 0 : i32
    %dma_start3A_112 = tpu.memref_slice %arg2[%dma_start3A_110, %dma_start3A_111] : memref<20000x128xf32, #tpu.memory_space<hbm>> -> memref<20000x128xf32, #tpu.memory_space<hbm>>
    tpu.enqueue_indirect_dma source(%dma_start3A_112 : memref<20000x128xf32, #tpu.memory_space<hbm>>) target(%arg10 : memref<80x128xf32, #tpu.memory_space<vmem>>) offsets(%dma_start3A_109 : memref<80xi32, #tpu.memory_space<vmem>>) semaphore(%arg13 : memref<!tpu.dma_semaphore, #tpu.memory_space<semaphore_mem>>)
    %scan3A_113 = arith.constant 0 : i32
    %scan3A_114 = arith.constant 0 : i32
    %scan3A_115 = arith.constant 64 : i32
    %scan3A_116 = arith.addi %scan3A_114, %scan3A_115 : i32
    %scan3A_117 = arith.constant 1 : i32
    scf.for %scan3A_134 = %scan3A_114 to %scan3A_116 step %scan3A_117  : i32 {
      %mul3A_135 = arith.constant 2 : i32
      %mul3A_136 = arith.muli %mul3A_135, %scan3A_134 : i32
      %mul3A_137 = arith.constant 2 : i32
      %mul3A_138 = arith.muli %mul3A_137, %scan3A_134 : i32
      %add3A_139 = arith.constant 1 : i32
      %add3A_140 = arith.addi %mul3A_138, %add3A_139 : i32
      %dma_wait3A = arith.constant 0 : i32
      %dma_wait3A_141 = tpu.memref_slice %arg7[%mul3A_136, %dma_wait3A] : memref<128x80xi32, #tpu.memory_space<vmem>> -> memref<1x80xi32, #tpu.memory_space<vmem>>
      %dma_wait3A_142 = tpu.memref_squeeze %dma_wait3A_141 : memref<1x80xi32, #tpu.memory_space<vmem>> -> memref<80xi32, #tpu.memory_space<vmem>>
      %dma_wait3A_143 = arith.constant 0 : i32
      %dma_wait3A_144 = arith.constant 0 : i32
      %dma_wait3A_145 = tpu.memref_slice %arg2[%dma_wait3A_143, %dma_wait3A_144] : memref<20000x128xf32, #tpu.memory_space<hbm>> -> memref<20000x128xf32, #tpu.memory_space<hbm>>
      tpu.wait_indirect_dma semaphore(%arg12 : memref<!tpu.dma_semaphore, #tpu.memory_space<semaphore_mem>>) src(%dma_wait3A_145 : memref<20000x128xf32, #tpu.memory_space<hbm>>) dst(%arg9 : memref<80x128xf32, #tpu.memory_space<vmem>>)
      "tpu.region"() ({
        %run_scoped3A_166 = tpu.sem_alloc : memref<!tpu.dma_semaphore, #tpu.memory_space<semaphore_mem>>
        %dma_start3A_167 = arith.constant 0 : i32
        %dma_start3A_168 = tpu.memref_slice %arg8[%mul3A_136, %dma_start3A_167] : memref<128x80xi32, #tpu.memory_space<vmem>> -> memref<1x80xi32, #tpu.memory_space<vmem>>
        %dma_start3A_169 = tpu.memref_squeeze %dma_start3A_168 : memref<1x80xi32, #tpu.memory_space<vmem>> -> memref<80xi32, #tpu.memory_space<vmem>>
        %dma_start3A_170 = arith.constant 0 : i32
        %dma_start3A_171 = arith.constant 0 : i32
        %dma_start3A_172 = tpu.memref_slice %arg11[%dma_start3A_170, %dma_start3A_171] : memref<3344x128xf32, #tpu.memory_space<vmem_shared>> -> memref<3344x128xf32, #tpu.memory_space<vmem_shared>>
        tpu.enqueue_indirect_dma source(%arg9 : memref<80x128xf32, #tpu.memory_space<vmem>>) target(%dma_start3A_172 : memref<3344x128xf32, #tpu.memory_space<vmem_shared>>) offsets(%dma_start3A_169 : memref<80xi32, #tpu.memory_space<vmem>>) semaphore(%run_scoped3A_166 : memref<!tpu.dma_semaphore, #tpu.memory_space<semaphore_mem>>) {add = true}
        %dma_wait3A_173 = arith.constant 0 : i32
        %dma_wait3A_174 = tpu.memref_slice %arg8[%mul3A_136, %dma_wait3A_173] : memref<128x80xi32, #tpu.memory_space<vmem>> -> memref<1x80xi32, #tpu.memory_space<vmem>>
        %dma_wait3A_175 = tpu.memref_squeeze %dma_wait3A_174 : memref<1x80xi32, #tpu.memory_space<vmem>> -> memref<80xi32, #tpu.memory_space<vmem>>
        %dma_wait3A_176 = arith.constant 0 : i32
        %dma_wait3A_177 = arith.constant 0 : i32
        %dma_wait3A_178 = tpu.memref_slice %arg11[%dma_wait3A_176, %dma_wait3A_177] : memref<3344x128xf32, #tpu.memory_space<vmem_shared>> -> memref<3344x128xf32, #tpu.memory_space<vmem_shared>>
        tpu.wait_indirect_dma semaphore(%run_scoped3A_166 : memref<!tpu.dma_semaphore, #tpu.memory_space<semaphore_mem>>) src(%arg9 : memref<80x128xf32, #tpu.memory_space<vmem>>) dst(%dma_wait3A_178 : memref<3344x128xf32, #tpu.memory_space<vmem_shared>>)
        tpu.yield
      }) : () -> ()
      %add3A_146 = arith.constant 2 : i32
      %add3A_147 = arith.addi %mul3A_136, %add3A_146 : i32
      %lt3A_148 = arith.constant 128 : i32
      %lt3A_149 = arith.cmpi slt, %add3A_147, %lt3A_148 : i32
      %convert_element_type3A_150 = arith.extui %lt3A_149 : i1 to i32
      %cond3A_151 = arith.constant 0 : i32
      %cond3A_152 = arith.cmpi ne, %convert_element_type3A_150, %cond3A_151 : i32
      scf.if %cond3A_152 {
        %add3A_166 = arith.constant 2 : i32
        %add3A_167 = arith.addi %mul3A_136, %add3A_166 : i32
        %dma_start3A_168 = arith.constant 0 : i32
        %dma_start3A_169 = tpu.memref_slice %arg7[%add3A_167, %dma_start3A_168] : memref<128x80xi32, #tpu.memory_space<vmem>> -> memref<1x80xi32, #tpu.memory_space<vmem>>
        %dma_start3A_170 = tpu.memref_squeeze %dma_start3A_169 : memref<1x80xi32, #tpu.memory_space<vmem>> -> memref<80xi32, #tpu.memory_space<vmem>>
        %dma_start3A_171 = arith.constant 0 : i32
        %dma_start3A_172 = arith.constant 0 : i32
        %dma_start3A_173 = tpu.memref_slice %arg2[%dma_start3A_171, %dma_start3A_172] : memref<20000x128xf32, #tpu.memory_space<hbm>> -> memref<20000x128xf32, #tpu.memory_space<hbm>>
        tpu.enqueue_indirect_dma source(%dma_start3A_173 : memref<20000x128xf32, #tpu.memory_space<hbm>>) target(%arg9 : memref<80x128xf32, #tpu.memory_space<vmem>>) offsets(%dma_start3A_170 : memref<80xi32, #tpu.memory_space<vmem>>) semaphore(%arg12 : memref<!tpu.dma_semaphore, #tpu.memory_space<semaphore_mem>>)
      } else {
      }
      %dma_wait3A_153 = arith.constant 0 : i32
      %dma_wait3A_154 = tpu.memref_slice %arg7[%add3A_140, %dma_wait3A_153] : memref<128x80xi32, #tpu.memory_space<vmem>> -> memref<1x80xi32, #tpu.memory_space<vmem>>
      %dma_wait3A_155 = tpu.memref_squeeze %dma_wait3A_154 : memref<1x80xi32, #tpu.memory_space<vmem>> -> memref<80xi32, #tpu.memory_space<vmem>>
      %dma_wait3A_156 = arith.constant 0 : i32
      %dma_wait3A_157 = arith.constant 0 : i32
      %dma_wait3A_158 = tpu.memref_slice %arg2[%dma_wait3A_156, %dma_wait3A_157] : memref<20000x128xf32, #tpu.memory_space<hbm>> -> memref<20000x128xf32, #tpu.memory_space<hbm>>
      tpu.wait_indirect_dma semaphore(%arg13 : memref<!tpu.dma_semaphore, #tpu.memory_space<semaphore_mem>>) src(%dma_wait3A_158 : memref<20000x128xf32, #tpu.memory_space<hbm>>) dst(%arg10 : memref<80x128xf32, #tpu.memory_space<vmem>>)
      "tpu.region"() ({
        %run_scoped3A_166 = tpu.sem_alloc : memref<!tpu.dma_semaphore, #tpu.memory_space<semaphore_mem>>
        %dma_start3A_167 = arith.constant 0 : i32
        %dma_start3A_168 = tpu.memref_slice %arg8[%add3A_140, %dma_start3A_167] : memref<128x80xi32, #tpu.memory_space<vmem>> -> memref<1x80xi32, #tpu.memory_space<vmem>>
        %dma_start3A_169 = tpu.memref_squeeze %dma_start3A_168 : memref<1x80xi32, #tpu.memory_space<vmem>> -> memref<80xi32, #tpu.memory_space<vmem>>
        %dma_start3A_170 = arith.constant 0 : i32
        %dma_start3A_171 = arith.constant 0 : i32
        %dma_start3A_172 = tpu.memref_slice %arg11[%dma_start3A_170, %dma_start3A_171] : memref<3344x128xf32, #tpu.memory_space<vmem_shared>> -> memref<3344x128xf32, #tpu.memory_space<vmem_shared>>
        tpu.enqueue_indirect_dma source(%arg10 : memref<80x128xf32, #tpu.memory_space<vmem>>) target(%dma_start3A_172 : memref<3344x128xf32, #tpu.memory_space<vmem_shared>>) offsets(%dma_start3A_169 : memref<80xi32, #tpu.memory_space<vmem>>) semaphore(%run_scoped3A_166 : memref<!tpu.dma_semaphore, #tpu.memory_space<semaphore_mem>>) {add = true}
        %dma_wait3A_173 = arith.constant 0 : i32
        %dma_wait3A_174 = tpu.memref_slice %arg8[%add3A_140, %dma_wait3A_173] : memref<128x80xi32, #tpu.memory_space<vmem>> -> memref<1x80xi32, #tpu.memory_space<vmem>>
        %dma_wait3A_175 = tpu.memref_squeeze %dma_wait3A_174 : memref<1x80xi32, #tpu.memory_space<vmem>> -> memref<80xi32, #tpu.memory_space<vmem>>
        %dma_wait3A_176 = arith.constant 0 : i32
        %dma_wait3A_177 = arith.constant 0 : i32
        %dma_wait3A_178 = tpu.memref_slice %arg11[%dma_wait3A_176, %dma_wait3A_177] : memref<3344x128xf32, #tpu.memory_space<vmem_shared>> -> memref<3344x128xf32, #tpu.memory_space<vmem_shared>>
        tpu.wait_indirect_dma semaphore(%run_scoped3A_166 : memref<!tpu.dma_semaphore, #tpu.memory_space<semaphore_mem>>) src(%arg10 : memref<80x128xf32, #tpu.memory_space<vmem>>) dst(%dma_wait3A_178 : memref<3344x128xf32, #tpu.memory_space<vmem_shared>>)
        tpu.yield
      }) : () -> ()
      %add3A_159 = arith.constant 2 : i32
      %add3A_160 = arith.addi %add3A_140, %add3A_159 : i32
      %lt3A_161 = arith.constant 128 : i32
      %lt3A_162 = arith.cmpi slt, %add3A_160, %lt3A_161 : i32
      %convert_element_type3A_163 = arith.extui %lt3A_162 : i1 to i32
      %cond3A_164 = arith.constant 0 : i32
      %cond3A_165 = arith.cmpi ne, %convert_element_type3A_163, %cond3A_164 : i32
      scf.if %cond3A_165 {
        %add3A_166 = arith.constant 2 : i32
        %add3A_167 = arith.addi %add3A_140, %add3A_166 : i32
        %dma_start3A_168 = arith.constant 0 : i32
        %dma_start3A_169 = tpu.memref_slice %arg7[%add3A_167, %dma_start3A_168] : memref<128x80xi32, #tpu.memory_space<vmem>> -> memref<1x80xi32, #tpu.memory_space<vmem>>
        %dma_start3A_170 = tpu.memref_squeeze %dma_start3A_169 : memref<1x80xi32, #tpu.memory_space<vmem>> -> memref<80xi32, #tpu.memory_space<vmem>>
        %dma_start3A_171 = arith.constant 0 : i32
        %dma_start3A_172 = arith.constant 0 : i32
        %dma_start3A_173 = tpu.memref_slice %arg2[%dma_start3A_171, %dma_start3A_172] : memref<20000x128xf32, #tpu.memory_space<hbm>> -> memref<20000x128xf32, #tpu.memory_space<hbm>>
        tpu.enqueue_indirect_dma source(%dma_start3A_173 : memref<20000x128xf32, #tpu.memory_space<hbm>>) target(%arg10 : memref<80x128xf32, #tpu.memory_space<vmem>>) offsets(%dma_start3A_170 : memref<80xi32, #tpu.memory_space<vmem>>) semaphore(%arg13 : memref<!tpu.dma_semaphore, #tpu.memory_space<semaphore_mem>>)
      } else {
      }
    }
    %scan3A_118 = arith.constant 64 : i32
    %barrier3A_119 = arith.constant 0 : index
    tpu.barrier barrier_id(%barrier3A_119)
    %mul3A_120 = arith.constant 10000 : i32
    %mul3A_121 = arith.muli %arg0, %mul3A_120 : i32
    %add3A_122 = arith.constant 6672 : i32
    %add3A_123 = arith.addi %mul3A_121, %add3A_122 : i32
    %lt3A_124 = arith.constant 15 : i32
    %lt3A_125 = arith.cmpi slt, %arg1, %lt3A_124 : i32
    %convert_element_type3A_126 = arith.extui %lt3A_125 : i1 to i32
    %cond3A_127 = arith.constant 0 : i32
    %cond3A_128 = arith.cmpi ne, %convert_element_type3A_126, %cond3A_127 : i32
    scf.if %cond3A_128 {
      %mul3A_134 = arith.constant 208 : i32
      %mul3A_135 = arith.muli %arg1, %mul3A_134 : i32
      %mul3A_136 = arith.constant 208 : i32
      %mul3A_137 = arith.muli %arg1, %mul3A_136 : i32
      %add3A_138 = arith.addi %add3A_123, %mul3A_137 : i32
      "tpu.region"() ({
        %run_scoped3A_139 = tpu.sem_alloc : memref<!tpu.dma_semaphore, #tpu.memory_space<semaphore_mem>>
        %dma_start3A_140 = arith.constant 0 : i32
        %dma_start3A_141 = tpu.memref_slice %arg6[%add3A_138, %dma_start3A_140] : memref<20000x128xf32, #tpu.memory_space<hbm>> -> memref<208x128xf32, #tpu.memory_space<hbm>>
        %dma_start3A_142 = arith.constant 0 : i32
        %dma_start3A_143 = tpu.memref_slice %arg11[%mul3A_135, %dma_start3A_142] : memref<3344x128xf32, #tpu.memory_space<vmem_shared>> -> memref<208x128xf32, #tpu.memory_space<vmem_shared>>
        tpu.enqueue_dma source(%dma_start3A_143 : memref<208x128xf32, #tpu.memory_space<vmem_shared>>) target(%dma_start3A_141 : memref<208x128xf32, #tpu.memory_space<hbm>>) target_semaphore(%run_scoped3A_139 : memref<!tpu.dma_semaphore, #tpu.memory_space<semaphore_mem>>)
        %dma_wait3A = arith.constant 0 : i32
        %dma_wait3A_144 = tpu.memref_slice %arg6[%add3A_138, %dma_wait3A] : memref<20000x128xf32, #tpu.memory_space<hbm>> -> memref<208x128xf32, #tpu.memory_space<hbm>>
        %dma_wait3A_145 = arith.constant 0 : i32
        %dma_wait3A_146 = tpu.memref_slice %arg11[%mul3A_135, %dma_wait3A_145] : memref<3344x128xf32, #tpu.memory_space<vmem_shared>> -> memref<208x128xf32, #tpu.memory_space<vmem_shared>>
        tpu.wait_dma2 semaphore(%run_scoped3A_139 : memref<!tpu.dma_semaphore, #tpu.memory_space<semaphore_mem>>) src(%dma_wait3A_146 : memref<208x128xf32, #tpu.memory_space<vmem_shared>>) dst(%dma_wait3A_144 : memref<208x128xf32, #tpu.memory_space<hbm>>)
        tpu.yield
      }) : () -> ()
    } else {
    }
    %eq3A_129 = arith.constant 15 : i32
    %eq3A_130 = arith.cmpi eq, %arg1, %eq3A_129 : i32
    %convert_element_type3A_131 = arith.extui %eq3A_130 : i1 to i32
    %cond3A_132 = arith.constant 0 : i32
    %cond3A_133 = arith.cmpi ne, %convert_element_type3A_131, %cond3A_132 : i32
    scf.if %cond3A_133 {
      %add3A_134 = arith.constant 3120 : i32
      %add3A_135 = arith.addi %add3A_123, %add3A_134 : i32
      "tpu.region"() ({
        %run_scoped3A_136 = tpu.sem_alloc : memref<!tpu.dma_semaphore, #tpu.memory_space<semaphore_mem>>
        %dma_start3A_137 = arith.constant 0 : i32
        %dma_start3A_138 = tpu.memref_slice %arg6[%add3A_135, %dma_start3A_137] : memref<20000x128xf32, #tpu.memory_space<hbm>> -> memref<208x128xf32, #tpu.memory_space<hbm>>
        %dma_start3A_139 = arith.constant 3120 : i32
        %dma_start3A_140 = arith.constant 0 : i32
        %dma_start3A_141 = tpu.memref_slice %arg11[%dma_start3A_139, %dma_start3A_140] : memref<3344x128xf32, #tpu.memory_space<vmem_shared>> -> memref<208x128xf32, #tpu.memory_space<vmem_shared>>
        tpu.enqueue_dma source(%dma_start3A_141 : memref<208x128xf32, #tpu.memory_space<vmem_shared>>) target(%dma_start3A_138 : memref<208x128xf32, #tpu.memory_space<hbm>>) target_semaphore(%run_scoped3A_136 : memref<!tpu.dma_semaphore, #tpu.memory_space<semaphore_mem>>)
        %dma_wait3A = arith.constant 0 : i32
        %dma_wait3A_142 = tpu.memref_slice %arg6[%add3A_135, %dma_wait3A] : memref<20000x128xf32, #tpu.memory_space<hbm>> -> memref<208x128xf32, #tpu.memory_space<hbm>>
        %dma_wait3A_143 = arith.constant 3120 : i32
        %dma_wait3A_144 = arith.constant 0 : i32
        %dma_wait3A_145 = tpu.memref_slice %arg11[%dma_wait3A_143, %dma_wait3A_144] : memref<3344x128xf32, #tpu.memory_space<vmem_shared>> -> memref<208x128xf32, #tpu.memory_space<vmem_shared>>
        tpu.wait_dma2 semaphore(%run_scoped3A_136 : memref<!tpu.dma_semaphore, #tpu.memory_space<semaphore_mem>>) src(%dma_wait3A_145 : memref<208x128xf32, #tpu.memory_space<vmem_shared>>) dst(%dma_wait3A_142 : memref<208x128xf32, #tpu.memory_space<hbm>>)
        tpu.yield
      }) : () -> ()
    } else {
    }
    return
  }
}

#map = affine_map<(d0, d1) -> (0, 0)>
#map1 = affine_map<(d0, d1) -> (0, 0, 0, 0, 0)>
#map2 = affine_map<(d0, d1) -> (0, 0, 0, 0)>
module attributes {stable_mosaic.version = 14 : i64} {
  func.func @sc_edge_segment_sum(%arg0: i32, %arg1: i32, %arg2: memref<20000x128xf32, #tpu.memory_space<hbm>>, %arg3: memref<2x3x16x128x80xi32, #tpu.memory_space<hbm>>, %arg4: memref<3x16x128x80xi32, #tpu.memory_space<hbm>>, %arg5: memref<224x128xf32, #tpu.memory_space<hbm>>, %arg6: memref<20000x128xf32, #tpu.memory_space<hbm>>, %arg7: memref<128x80xi32, #tpu.memory_space<vmem>>, %arg8: memref<128x80xi32, #tpu.memory_space<vmem>>, %arg9: memref<80x128xf32, #tpu.memory_space<vmem>>, %arg10: memref<80x128xf32, #tpu.memory_space<vmem>>, %arg11: memref<3344x128xf32, #tpu.memory_space<vmem_shared>>, %arg12: memref<!tpu.dma_semaphore, #tpu.memory_space<semaphore_mem>>, %arg13: memref<!tpu.dma_semaphore, #tpu.memory_space<semaphore_mem>>) attributes {dimension_semantics = [#tpu.dimension_semantics<core_parallel>, #tpu.dimension_semantics<subcore_parallel>], iteration_bounds = array<i64: 2, 16>, scalar_prefetch = 0 : i64, scratch_operands = 7 : i64, tpu.core_type = #tpu.core_type<sc_vector_subcore>, window_params = [{transform_indices = #map}, {transform_indices = #map1}, {transform_indices = #map2}, {transform_indices = #map}, {transform_indices = #map}]} {
    %lt3A = arith.constant 15 : i32
    %lt3A_0 = arith.cmpi slt, %arg1, %lt3A : i32
    %convert_element_type3A = arith.extui %lt3A_0 : i1 to i32
    %cond3A = arith.constant 0 : i32
    %cond3A_1 = arith.cmpi ne, %convert_element_type3A, %cond3A : i32
    scf.if %cond3A_1 {
      %mul3A_134 = arith.constant 208 : i32
      %mul3A_135 = arith.muli %arg1, %mul3A_134 : i32
      "tpu.region"() ({
        %run_scoped3A_136 = tpu.sem_alloc : memref<!tpu.dma_semaphore, #tpu.memory_space<semaphore_mem>>
        %dma_start3A_137 = arith.constant 0 : i32
        %dma_start3A_138 = tpu.memref_slice %arg11[%mul3A_135, %dma_start3A_137] : memref<3344x128xf32, #tpu.memory_space<vmem_shared>> -> memref<208x128xf32, #tpu.memory_space<vmem_shared>>
        %dma_start3A_139 = arith.constant 0 : i32
        %dma_start3A_140 = arith.constant 0 : i32
        %dma_start3A_141 = tpu.memref_slice %arg5[%dma_start3A_139, %dma_start3A_140] : memref<224x128xf32, #tpu.memory_space<hbm>> -> memref<208x128xf32, #tpu.memory_space<hbm>>
        tpu.enqueue_dma source(%dma_start3A_141 : memref<208x128xf32, #tpu.memory_space<hbm>>) target(%dma_start3A_138 : memref<208x128xf32, #tpu.memory_space<vmem_shared>>) target_semaphore(%run_scoped3A_136 : memref<!tpu.dma_semaphore, #tpu.memory_space<semaphore_mem>>)
        %dma_wait3A = arith.constant 0 : i32
        %dma_wait3A_142 = tpu.memref_slice %arg11[%mul3A_135, %dma_wait3A] : memref<3344x128xf32, #tpu.memory_space<vmem_shared>> -> memref<208x128xf32, #tpu.memory_space<vmem_shared>>
        %dma_wait3A_143 = arith.constant 0 : i32
        %dma_wait3A_144 = arith.constant 0 : i32
        %dma_wait3A_145 = tpu.memref_slice %arg5[%dma_wait3A_143, %dma_wait3A_144] : memref<224x128xf32, #tpu.memory_space<hbm>> -> memref<208x128xf32, #tpu.memory_space<hbm>>
        tpu.wait_dma2 semaphore(%run_scoped3A_136 : memref<!tpu.dma_semaphore, #tpu.memory_space<semaphore_mem>>) src(%dma_wait3A_145 : memref<208x128xf32, #tpu.memory_space<hbm>>) dst(%dma_wait3A_142 : memref<208x128xf32, #tpu.memory_space<vmem_shared>>)
        tpu.yield
      }) : () -> ()
    } else {
    }
    %eq3A = arith.constant 15 : i32
    %eq3A_2 = arith.cmpi eq, %arg1, %eq3A : i32
    %convert_element_type3A_3 = arith.extui %eq3A_2 : i1 to i32
    %cond3A_4 = arith.constant 0 : i32
    %cond3A_5 = arith.cmpi ne, %convert_element_type3A_3, %cond3A_4 : i32
    scf.if %cond3A_5 {
      "tpu.region"() ({
        %run_scoped3A_134 = tpu.sem_alloc : memref<!tpu.dma_semaphore, #tpu.memory_space<semaphore_mem>>
        %dma_start3A_135 = arith.constant 3120 : i32
        %dma_start3A_136 = arith.constant 0 : i32
        %dma_start3A_137 = tpu.memref_slice %arg11[%dma_start3A_135, %dma_start3A_136] : memref<3344x128xf32, #tpu.memory_space<vmem_shared>> -> memref<224x128xf32, #tpu.memory_space<vmem_shared>>
        %dma_start3A_138 = arith.constant 0 : i32
        %dma_start3A_139 = arith.constant 0 : i32
        %dma_start3A_140 = tpu.memref_slice %arg5[%dma_start3A_138, %dma_start3A_139] : memref<224x128xf32, #tpu.memory_space<hbm>> -> memref<224x128xf32, #tpu.memory_space<hbm>>
        tpu.enqueue_dma source(%dma_start3A_140 : memref<224x128xf32, #tpu.memory_space<hbm>>) target(%dma_start3A_137 : memref<224x128xf32, #tpu.memory_space<vmem_shared>>) target_semaphore(%run_scoped3A_134 : memref<!tpu.dma_semaphore, #tpu.memory_space<semaphore_mem>>)
        %dma_wait3A = arith.constant 3120 : i32
        %dma_wait3A_141 = arith.constant 0 : i32
        %dma_wait3A_142 = tpu.memref_slice %arg11[%dma_wait3A, %dma_wait3A_141] : memref<3344x128xf32, #tpu.memory_space<vmem_shared>> -> memref<224x128xf32, #tpu.memory_space<vmem_shared>>
        %dma_wait3A_143 = arith.constant 0 : i32
        %dma_wait3A_144 = arith.constant 0 : i32
        %dma_wait3A_145 = tpu.memref_slice %arg5[%dma_wait3A_143, %dma_wait3A_144] : memref<224x128xf32, #tpu.memory_space<hbm>> -> memref<224x128xf32, #tpu.memory_space<hbm>>
        tpu.wait_dma2 semaphore(%run_scoped3A_134 : memref<!tpu.dma_semaphore, #tpu.memory_space<semaphore_mem>>) src(%dma_wait3A_145 : memref<224x128xf32, #tpu.memory_space<hbm>>) dst(%dma_wait3A_142 : memref<224x128xf32, #tpu.memory_space<vmem_shared>>)
        tpu.yield
      }) : () -> ()
    } else {
    }
    %run_scoped3A = arith.constant 0 : i32
    "tpu.region"() ({
      %run_scoped3A_134 = tpu.sem_alloc : memref<!tpu.dma_semaphore, #tpu.memory_space<semaphore_mem>>
      %dma_start3A_135 = arith.constant 0 : i32
      %dma_start3A_136 = arith.constant 0 : i32
      %dma_start3A_137 = tpu.memref_slice %arg3[%arg0, %run_scoped3A, %arg1, %dma_start3A_135, %dma_start3A_136] : memref<2x3x16x128x80xi32, #tpu.memory_space<hbm>> -> memref<1x1x1x128x80xi32, #tpu.memory_space<hbm>>
      %dma_start3A_138 = tpu.memref_squeeze %dma_start3A_137 : memref<1x1x1x128x80xi32, #tpu.memory_space<hbm>> -> memref<128x80xi32, #tpu.memory_space<hbm>>
      %dma_start3A_139 = arith.constant 0 : i32
      %dma_start3A_140 = arith.constant 0 : i32
      %dma_start3A_141 = tpu.memref_slice %arg3[%arg0, %run_scoped3A, %arg1, %dma_start3A_139, %dma_start3A_140] : memref<2x3x16x128x80xi32, #tpu.memory_space<hbm>> -> memref<1x1x1x128x80xi32, #tpu.memory_space<hbm>>
      %dma_start3A_142 = tpu.memref_squeeze %dma_start3A_141 : memref<1x1x1x128x80xi32, #tpu.memory_space<hbm>> -> memref<128x80xi32, #tpu.memory_space<hbm>>
      tpu.enqueue_dma source(%dma_start3A_142 : memref<128x80xi32, #tpu.memory_space<hbm>>) target(%arg7 : memref<128x80xi32, #tpu.memory_space<vmem>>) target_semaphore(%run_scoped3A_134 : memref<!tpu.dma_semaphore, #tpu.memory_space<semaphore_mem>>)
      %dma_wait3A = arith.constant 0 : i32
      %dma_wait3A_143 = arith.constant 0 : i32
      %dma_wait3A_144 = tpu.memref_slice %arg3[%arg0, %run_scoped3A, %arg1, %dma_wait3A, %dma_wait3A_143] : memref<2x3x16x128x80xi32, #tpu.memory_space<hbm>> -> memref<1x1x1x128x80xi32, #tpu.memory_space<hbm>>
      %dma_wait3A_145 = tpu.memref_squeeze %dma_wait3A_144 : memref<1x1x1x128x80xi32, #tpu.memory_space<hbm>> -> memref<128x80xi32, #tpu.memory_space<hbm>>
      %dma_wait3A_146 = arith.constant 0 : i32
      %dma_wait3A_147 = arith.constant 0 : i32
      %dma_wait3A_148 = tpu.memref_slice %arg3[%arg0, %run_scoped3A, %arg1, %dma_wait3A_146, %dma_wait3A_147] : memref<2x3x16x128x80xi32, #tpu.memory_space<hbm>> -> memref<1x1x1x128x80xi32, #tpu.memory_space<hbm>>
      %dma_wait3A_149 = tpu.memref_squeeze %dma_wait3A_148 : memref<1x1x1x128x80xi32, #tpu.memory_space<hbm>> -> memref<128x80xi32, #tpu.memory_space<hbm>>
      tpu.wait_dma2 semaphore(%run_scoped3A_134 : memref<!tpu.dma_semaphore, #tpu.memory_space<semaphore_mem>>) src(%dma_wait3A_149 : memref<128x80xi32, #tpu.memory_space<hbm>>) dst(%arg7 : memref<128x80xi32, #tpu.memory_space<vmem>>)
      tpu.yield
    }) : () -> ()
    %run_scoped3A_6 = arith.constant 0 : i32
    "tpu.region"() ({
      %run_scoped3A_134 = tpu.sem_alloc : memref<!tpu.dma_semaphore, #tpu.memory_space<semaphore_mem>>
      %dma_start3A_135 = arith.constant 0 : i32
      %dma_start3A_136 = arith.constant 0 : i32
      %dma_start3A_137 = tpu.memref_slice %arg4[%run_scoped3A_6, %arg1, %dma_start3A_135, %dma_start3A_136] : memref<3x16x128x80xi32, #tpu.memory_space<hbm>> -> memref<1x1x128x80xi32, #tpu.memory_space<hbm>>
      %dma_start3A_138 = tpu.memref_squeeze %dma_start3A_137 : memref<1x1x128x80xi32, #tpu.memory_space<hbm>> -> memref<128x80xi32, #tpu.memory_space<hbm>>
      %dma_start3A_139 = arith.constant 0 : i32
      %dma_start3A_140 = arith.constant 0 : i32
      %dma_start3A_141 = tpu.memref_slice %arg4[%run_scoped3A_6, %arg1, %dma_start3A_139, %dma_start3A_140] : memref<3x16x128x80xi32, #tpu.memory_space<hbm>> -> memref<1x1x128x80xi32, #tpu.memory_space<hbm>>
      %dma_start3A_142 = tpu.memref_squeeze %dma_start3A_141 : memref<1x1x128x80xi32, #tpu.memory_space<hbm>> -> memref<128x80xi32, #tpu.memory_space<hbm>>
      tpu.enqueue_dma source(%dma_start3A_142 : memref<128x80xi32, #tpu.memory_space<hbm>>) target(%arg8 : memref<128x80xi32, #tpu.memory_space<vmem>>) target_semaphore(%run_scoped3A_134 : memref<!tpu.dma_semaphore, #tpu.memory_space<semaphore_mem>>)
      %dma_wait3A = arith.constant 0 : i32
      %dma_wait3A_143 = arith.constant 0 : i32
      %dma_wait3A_144 = tpu.memref_slice %arg4[%run_scoped3A_6, %arg1, %dma_wait3A, %dma_wait3A_143] : memref<3x16x128x80xi32, #tpu.memory_space<hbm>> -> memref<1x1x128x80xi32, #tpu.memory_space<hbm>>
      %dma_wait3A_145 = tpu.memref_squeeze %dma_wait3A_144 : memref<1x1x128x80xi32, #tpu.memory_space<hbm>> -> memref<128x80xi32, #tpu.memory_space<hbm>>
      %dma_wait3A_146 = arith.constant 0 : i32
      %dma_wait3A_147 = arith.constant 0 : i32
      %dma_wait3A_148 = tpu.memref_slice %arg4[%run_scoped3A_6, %arg1, %dma_wait3A_146, %dma_wait3A_147] : memref<3x16x128x80xi32, #tpu.memory_space<hbm>> -> memref<1x1x128x80xi32, #tpu.memory_space<hbm>>
      %dma_wait3A_149 = tpu.memref_squeeze %dma_wait3A_148 : memref<1x1x128x80xi32, #tpu.memory_space<hbm>> -> memref<128x80xi32, #tpu.memory_space<hbm>>
      tpu.wait_dma2 semaphore(%run_scoped3A_134 : memref<!tpu.dma_semaphore, #tpu.memory_space<semaphore_mem>>) src(%dma_wait3A_149 : memref<128x80xi32, #tpu.memory_space<hbm>>) dst(%arg8 : memref<128x80xi32, #tpu.memory_space<vmem>>)
      tpu.yield
    }) : () -> ()
    %barrier3A = arith.constant 0 : index
    tpu.barrier barrier_id(%barrier3A)
    %dma_start3A = arith.constant 0 : i32
    %dma_start3A_7 = arith.constant 0 : i32
    %dma_start3A_8 = tpu.memref_slice %arg7[%dma_start3A, %dma_start3A_7] : memref<128x80xi32, #tpu.memory_space<vmem>> -> memref<1x80xi32, #tpu.memory_space<vmem>>
    %dma_start3A_9 = tpu.memref_squeeze %dma_start3A_8 : memref<1x80xi32, #tpu.memory_space<vmem>> -> memref<80xi32, #tpu.memory_space<vmem>>
    %dma_start3A_10 = arith.constant 0 : i32
    %dma_start3A_11 = arith.constant 0 : i32
    %dma_start3A_12 = tpu.memref_slice %arg2[%dma_start3A_10, %dma_start3A_11] : memref<20000x128xf32, #tpu.memory_space<hbm>> -> memref<20000x128xf32, #tpu.memory_space<hbm>>
    tpu.enqueue_indirect_dma source(%dma_start3A_12 : memref<20000x128xf32, #tpu.memory_space<hbm>>) target(%arg9 : memref<80x128xf32, #tpu.memory_space<vmem>>) offsets(%dma_start3A_9 : memref<80xi32, #tpu.memory_space<vmem>>) semaphore(%arg12 : memref<!tpu.dma_semaphore, #tpu.memory_space<semaphore_mem>>)
    %dma_start3A_13 = arith.constant 1 : i32
    %dma_start3A_14 = arith.constant 0 : i32
    %dma_start3A_15 = tpu.memref_slice %arg7[%dma_start3A_13, %dma_start3A_14] : memref<128x80xi32, #tpu.memory_space<vmem>> -> memref<1x80xi32, #tpu.memory_space<vmem>>
    %dma_start3A_16 = tpu.memref_squeeze %dma_start3A_15 : memref<1x80xi32, #tpu.memory_space<vmem>> -> memref<80xi32, #tpu.memory_space<vmem>>
    %dma_start3A_17 = arith.constant 0 : i32
    %dma_start3A_18 = arith.constant 0 : i32
    %dma_start3A_19 = tpu.memref_slice %arg2[%dma_start3A_17, %dma_start3A_18] : memref<20000x128xf32, #tpu.memory_space<hbm>> -> memref<20000x128xf32, #tpu.memory_space<hbm>>
    tpu.enqueue_indirect_dma source(%dma_start3A_19 : memref<20000x128xf32, #tpu.memory_space<hbm>>) target(%arg10 : memref<80x128xf32, #tpu.memory_space<vmem>>) offsets(%dma_start3A_16 : memref<80xi32, #tpu.memory_space<vmem>>) semaphore(%arg13 : memref<!tpu.dma_semaphore, #tpu.memory_space<semaphore_mem>>)
    %scan3A = arith.constant 0 : i32
    %scan3A_20 = arith.constant 0 : i32
    %scan3A_21 = arith.constant 64 : i32
    %scan3A_22 = arith.addi %scan3A_20, %scan3A_21 : i32
    %scan3A_23 = arith.constant 1 : i32
    scf.for %scan3A_134 = %scan3A_20 to %scan3A_22 step %scan3A_23  : i32 {
      %mul3A_135 = arith.constant 2 : i32
      %mul3A_136 = arith.muli %mul3A_135, %scan3A_134 : i32
      %mul3A_137 = arith.constant 2 : i32
      %mul3A_138 = arith.muli %mul3A_137, %scan3A_134 : i32
      %add3A_139 = arith.constant 1 : i32
      %add3A_140 = arith.addi %mul3A_138, %add3A_139 : i32
      %dma_wait3A = arith.constant 0 : i32
      %dma_wait3A_141 = tpu.memref_slice %arg7[%mul3A_136, %dma_wait3A] : memref<128x80xi32, #tpu.memory_space<vmem>> -> memref<1x80xi32, #tpu.memory_space<vmem>>
      %dma_wait3A_142 = tpu.memref_squeeze %dma_wait3A_141 : memref<1x80xi32, #tpu.memory_space<vmem>> -> memref<80xi32, #tpu.memory_space<vmem>>
      %dma_wait3A_143 = arith.constant 0 : i32
      %dma_wait3A_144 = arith.constant 0 : i32
      %dma_wait3A_145 = tpu.memref_slice %arg2[%dma_wait3A_143, %dma_wait3A_144] : memref<20000x128xf32, #tpu.memory_space<hbm>> -> memref<20000x128xf32, #tpu.memory_space<hbm>>
      tpu.wait_indirect_dma semaphore(%arg12 : memref<!tpu.dma_semaphore, #tpu.memory_space<semaphore_mem>>) src(%dma_wait3A_145 : memref<20000x128xf32, #tpu.memory_space<hbm>>) dst(%arg9 : memref<80x128xf32, #tpu.memory_space<vmem>>)
      "tpu.region"() ({
        %run_scoped3A_166 = tpu.sem_alloc : memref<!tpu.dma_semaphore, #tpu.memory_space<semaphore_mem>>
        %dma_start3A_167 = arith.constant 0 : i32
        %dma_start3A_168 = tpu.memref_slice %arg8[%mul3A_136, %dma_start3A_167] : memref<128x80xi32, #tpu.memory_space<vmem>> -> memref<1x80xi32, #tpu.memory_space<vmem>>
        %dma_start3A_169 = tpu.memref_squeeze %dma_start3A_168 : memref<1x80xi32, #tpu.memory_space<vmem>> -> memref<80xi32, #tpu.memory_space<vmem>>
        %dma_start3A_170 = arith.constant 0 : i32
        %dma_start3A_171 = arith.constant 0 : i32
        %dma_start3A_172 = tpu.memref_slice %arg11[%dma_start3A_170, %dma_start3A_171] : memref<3344x128xf32, #tpu.memory_space<vmem_shared>> -> memref<3344x128xf32, #tpu.memory_space<vmem_shared>>
        tpu.enqueue_indirect_dma source(%arg9 : memref<80x128xf32, #tpu.memory_space<vmem>>) target(%dma_start3A_172 : memref<3344x128xf32, #tpu.memory_space<vmem_shared>>) offsets(%dma_start3A_169 : memref<80xi32, #tpu.memory_space<vmem>>) semaphore(%run_scoped3A_166 : memref<!tpu.dma_semaphore, #tpu.memory_space<semaphore_mem>>) {add = true}
        %dma_wait3A_173 = arith.constant 0 : i32
        %dma_wait3A_174 = tpu.memref_slice %arg8[%mul3A_136, %dma_wait3A_173] : memref<128x80xi32, #tpu.memory_space<vmem>> -> memref<1x80xi32, #tpu.memory_space<vmem>>
        %dma_wait3A_175 = tpu.memref_squeeze %dma_wait3A_174 : memref<1x80xi32, #tpu.memory_space<vmem>> -> memref<80xi32, #tpu.memory_space<vmem>>
        %dma_wait3A_176 = arith.constant 0 : i32
        %dma_wait3A_177 = arith.constant 0 : i32
        %dma_wait3A_178 = tpu.memref_slice %arg11[%dma_wait3A_176, %dma_wait3A_177] : memref<3344x128xf32, #tpu.memory_space<vmem_shared>> -> memref<3344x128xf32, #tpu.memory_space<vmem_shared>>
        tpu.wait_indirect_dma semaphore(%run_scoped3A_166 : memref<!tpu.dma_semaphore, #tpu.memory_space<semaphore_mem>>) src(%arg9 : memref<80x128xf32, #tpu.memory_space<vmem>>) dst(%dma_wait3A_178 : memref<3344x128xf32, #tpu.memory_space<vmem_shared>>)
        tpu.yield
      }) : () -> ()
      %add3A_146 = arith.constant 2 : i32
      %add3A_147 = arith.addi %mul3A_136, %add3A_146 : i32
      %lt3A_148 = arith.constant 128 : i32
      %lt3A_149 = arith.cmpi slt, %add3A_147, %lt3A_148 : i32
      %convert_element_type3A_150 = arith.extui %lt3A_149 : i1 to i32
      %cond3A_151 = arith.constant 0 : i32
      %cond3A_152 = arith.cmpi ne, %convert_element_type3A_150, %cond3A_151 : i32
      scf.if %cond3A_152 {
        %add3A_166 = arith.constant 2 : i32
        %add3A_167 = arith.addi %mul3A_136, %add3A_166 : i32
        %dma_start3A_168 = arith.constant 0 : i32
        %dma_start3A_169 = tpu.memref_slice %arg7[%add3A_167, %dma_start3A_168] : memref<128x80xi32, #tpu.memory_space<vmem>> -> memref<1x80xi32, #tpu.memory_space<vmem>>
        %dma_start3A_170 = tpu.memref_squeeze %dma_start3A_169 : memref<1x80xi32, #tpu.memory_space<vmem>> -> memref<80xi32, #tpu.memory_space<vmem>>
        %dma_start3A_171 = arith.constant 0 : i32
        %dma_start3A_172 = arith.constant 0 : i32
        %dma_start3A_173 = tpu.memref_slice %arg2[%dma_start3A_171, %dma_start3A_172] : memref<20000x128xf32, #tpu.memory_space<hbm>> -> memref<20000x128xf32, #tpu.memory_space<hbm>>
        tpu.enqueue_indirect_dma source(%dma_start3A_173 : memref<20000x128xf32, #tpu.memory_space<hbm>>) target(%arg9 : memref<80x128xf32, #tpu.memory_space<vmem>>) offsets(%dma_start3A_170 : memref<80xi32, #tpu.memory_space<vmem>>) semaphore(%arg12 : memref<!tpu.dma_semaphore, #tpu.memory_space<semaphore_mem>>)
      } else {
      }
      %dma_wait3A_153 = arith.constant 0 : i32
      %dma_wait3A_154 = tpu.memref_slice %arg7[%add3A_140, %dma_wait3A_153] : memref<128x80xi32, #tpu.memory_space<vmem>> -> memref<1x80xi32, #tpu.memory_space<vmem>>
      %dma_wait3A_155 = tpu.memref_squeeze %dma_wait3A_154 : memref<1x80xi32, #tpu.memory_space<vmem>> -> memref<80xi32, #tpu.memory_space<vmem>>
      %dma_wait3A_156 = arith.constant 0 : i32
      %dma_wait3A_157 = arith.constant 0 : i32
      %dma_wait3A_158 = tpu.memref_slice %arg2[%dma_wait3A_156, %dma_wait3A_157] : memref<20000x128xf32, #tpu.memory_space<hbm>> -> memref<20000x128xf32, #tpu.memory_space<hbm>>
      tpu.wait_indirect_dma semaphore(%arg13 : memref<!tpu.dma_semaphore, #tpu.memory_space<semaphore_mem>>) src(%dma_wait3A_158 : memref<20000x128xf32, #tpu.memory_space<hbm>>) dst(%arg10 : memref<80x128xf32, #tpu.memory_space<vmem>>)
      "tpu.region"() ({
        %run_scoped3A_166 = tpu.sem_alloc : memref<!tpu.dma_semaphore, #tpu.memory_space<semaphore_mem>>
        %dma_start3A_167 = arith.constant 0 : i32
        %dma_start3A_168 = tpu.memref_slice %arg8[%add3A_140, %dma_start3A_167] : memref<128x80xi32, #tpu.memory_space<vmem>> -> memref<1x80xi32, #tpu.memory_space<vmem>>
        %dma_start3A_169 = tpu.memref_squeeze %dma_start3A_168 : memref<1x80xi32, #tpu.memory_space<vmem>> -> memref<80xi32, #tpu.memory_space<vmem>>
        %dma_start3A_170 = arith.constant 0 : i32
        %dma_start3A_171 = arith.constant 0 : i32
        %dma_start3A_172 = tpu.memref_slice %arg11[%dma_start3A_170, %dma_start3A_171] : memref<3344x128xf32, #tpu.memory_space<vmem_shared>> -> memref<3344x128xf32, #tpu.memory_space<vmem_shared>>
        tpu.enqueue_indirect_dma source(%arg10 : memref<80x128xf32, #tpu.memory_space<vmem>>) target(%dma_start3A_172 : memref<3344x128xf32, #tpu.memory_space<vmem_shared>>) offsets(%dma_start3A_169 : memref<80xi32, #tpu.memory_space<vmem>>) semaphore(%run_scoped3A_166 : memref<!tpu.dma_semaphore, #tpu.memory_space<semaphore_mem>>) {add = true}
        %dma_wait3A_173 = arith.constant 0 : i32
        %dma_wait3A_174 = tpu.memref_slice %arg8[%add3A_140, %dma_wait3A_173] : memref<128x80xi32, #tpu.memory_space<vmem>> -> memref<1x80xi32, #tpu.memory_space<vmem>>
        %dma_wait3A_175 = tpu.memref_squeeze %dma_wait3A_174 : memref<1x80xi32, #tpu.memory_space<vmem>> -> memref<80xi32, #tpu.memory_space<vmem>>
        %dma_wait3A_176 = arith.constant 0 : i32
        %dma_wait3A_177 = arith.constant 0 : i32
        %dma_wait3A_178 = tpu.memref_slice %arg11[%dma_wait3A_176, %dma_wait3A_177] : memref<3344x128xf32, #tpu.memory_space<vmem_shared>> -> memref<3344x128xf32, #tpu.memory_space<vmem_shared>>
        tpu.wait_indirect_dma semaphore(%run_scoped3A_166 : memref<!tpu.dma_semaphore, #tpu.memory_space<semaphore_mem>>) src(%arg10 : memref<80x128xf32, #tpu.memory_space<vmem>>) dst(%dma_wait3A_178 : memref<3344x128xf32, #tpu.memory_space<vmem_shared>>)
        tpu.yield
      }) : () -> ()
      %add3A_159 = arith.constant 2 : i32
      %add3A_160 = arith.addi %add3A_140, %add3A_159 : i32
      %lt3A_161 = arith.constant 128 : i32
      %lt3A_162 = arith.cmpi slt, %add3A_160, %lt3A_161 : i32
      %convert_element_type3A_163 = arith.extui %lt3A_162 : i1 to i32
      %cond3A_164 = arith.constant 0 : i32
      %cond3A_165 = arith.cmpi ne, %convert_element_type3A_163, %cond3A_164 : i32
      scf.if %cond3A_165 {
        %add3A_166 = arith.constant 2 : i32
        %add3A_167 = arith.addi %add3A_140, %add3A_166 : i32
        %dma_start3A_168 = arith.constant 0 : i32
        %dma_start3A_169 = tpu.memref_slice %arg7[%add3A_167, %dma_start3A_168] : memref<128x80xi32, #tpu.memory_space<vmem>> -> memref<1x80xi32, #tpu.memory_space<vmem>>
        %dma_start3A_170 = tpu.memref_squeeze %dma_start3A_169 : memref<1x80xi32, #tpu.memory_space<vmem>> -> memref<80xi32, #tpu.memory_space<vmem>>
        %dma_start3A_171 = arith.constant 0 : i32
        %dma_start3A_172 = arith.constant 0 : i32
        %dma_start3A_173 = tpu.memref_slice %arg2[%dma_start3A_171, %dma_start3A_172] : memref<20000x128xf32, #tpu.memory_space<hbm>> -> memref<20000x128xf32, #tpu.memory_space<hbm>>
        tpu.enqueue_indirect_dma source(%dma_start3A_173 : memref<20000x128xf32, #tpu.memory_space<hbm>>) target(%arg10 : memref<80x128xf32, #tpu.memory_space<vmem>>) offsets(%dma_start3A_170 : memref<80xi32, #tpu.memory_space<vmem>>) semaphore(%arg13 : memref<!tpu.dma_semaphore, #tpu.memory_space<semaphore_mem>>)
      } else {
      }
    }
    %scan3A_24 = arith.constant 64 : i32
    %barrier3A_25 = arith.constant 0 : index
    tpu.barrier barrier_id(%barrier3A_25)
    %mul3A = arith.constant 10000 : i32
    %mul3A_26 = arith.muli %arg0, %mul3A : i32
    %add3A = arith.constant 0 : i32
    %add3A_27 = arith.addi %mul3A_26, %add3A : i32
    %lt3A_28 = arith.constant 15 : i32
    %lt3A_29 = arith.cmpi slt, %arg1, %lt3A_28 : i32
    %convert_element_type3A_30 = arith.extui %lt3A_29 : i1 to i32
    %cond3A_31 = arith.constant 0 : i32
    %cond3A_32 = arith.cmpi ne, %convert_element_type3A_30, %cond3A_31 : i32
    scf.if %cond3A_32 {
      %mul3A_134 = arith.constant 208 : i32
      %mul3A_135 = arith.muli %arg1, %mul3A_134 : i32
      %mul3A_136 = arith.constant 208 : i32
      %mul3A_137 = arith.muli %arg1, %mul3A_136 : i32
      %add3A_138 = arith.addi %add3A_27, %mul3A_137 : i32
      "tpu.region"() ({
        %run_scoped3A_139 = tpu.sem_alloc : memref<!tpu.dma_semaphore, #tpu.memory_space<semaphore_mem>>
        %dma_start3A_140 = arith.constant 0 : i32
        %dma_start3A_141 = tpu.memref_slice %arg6[%add3A_138, %dma_start3A_140] : memref<20000x128xf32, #tpu.memory_space<hbm>> -> memref<208x128xf32, #tpu.memory_space<hbm>>
        %dma_start3A_142 = arith.constant 0 : i32
        %dma_start3A_143 = tpu.memref_slice %arg11[%mul3A_135, %dma_start3A_142] : memref<3344x128xf32, #tpu.memory_space<vmem_shared>> -> memref<208x128xf32, #tpu.memory_space<vmem_shared>>
        tpu.enqueue_dma source(%dma_start3A_143 : memref<208x128xf32, #tpu.memory_space<vmem_shared>>) target(%dma_start3A_141 : memref<208x128xf32, #tpu.memory_space<hbm>>) target_semaphore(%run_scoped3A_139 : memref<!tpu.dma_semaphore, #tpu.memory_space<semaphore_mem>>)
        %dma_wait3A = arith.constant 0 : i32
        %dma_wait3A_144 = tpu.memref_slice %arg6[%add3A_138, %dma_wait3A] : memref<20000x128xf32, #tpu.memory_space<hbm>> -> memref<208x128xf32, #tpu.memory_space<hbm>>
        %dma_wait3A_145 = arith.constant 0 : i32
        %dma_wait3A_146 = tpu.memref_slice %arg11[%mul3A_135, %dma_wait3A_145] : memref<3344x128xf32, #tpu.memory_space<vmem_shared>> -> memref<208x128xf32, #tpu.memory_space<vmem_shared>>
        tpu.wait_dma2 semaphore(%run_scoped3A_139 : memref<!tpu.dma_semaphore, #tpu.memory_space<semaphore_mem>>) src(%dma_wait3A_146 : memref<208x128xf32, #tpu.memory_space<vmem_shared>>) dst(%dma_wait3A_144 : memref<208x128xf32, #tpu.memory_space<hbm>>)
        tpu.yield
      }) : () -> ()
    } else {
    }
    %eq3A_33 = arith.constant 15 : i32
    %eq3A_34 = arith.cmpi eq, %arg1, %eq3A_33 : i32
    %convert_element_type3A_35 = arith.extui %eq3A_34 : i1 to i32
    %cond3A_36 = arith.constant 0 : i32
    %cond3A_37 = arith.cmpi ne, %convert_element_type3A_35, %cond3A_36 : i32
    scf.if %cond3A_37 {
      %add3A_134 = arith.constant 3120 : i32
      %add3A_135 = arith.addi %add3A_27, %add3A_134 : i32
      "tpu.region"() ({
        %run_scoped3A_136 = tpu.sem_alloc : memref<!tpu.dma_semaphore, #tpu.memory_space<semaphore_mem>>
        %dma_start3A_137 = arith.constant 0 : i32
        %dma_start3A_138 = tpu.memref_slice %arg6[%add3A_135, %dma_start3A_137] : memref<20000x128xf32, #tpu.memory_space<hbm>> -> memref<216x128xf32, #tpu.memory_space<hbm>>
        %dma_start3A_139 = arith.constant 3120 : i32
        %dma_start3A_140 = arith.constant 0 : i32
        %dma_start3A_141 = tpu.memref_slice %arg11[%dma_start3A_139, %dma_start3A_140] : memref<3344x128xf32, #tpu.memory_space<vmem_shared>> -> memref<216x128xf32, #tpu.memory_space<vmem_shared>>
        tpu.enqueue_dma source(%dma_start3A_141 : memref<216x128xf32, #tpu.memory_space<vmem_shared>>) target(%dma_start3A_138 : memref<216x128xf32, #tpu.memory_space<hbm>>) target_semaphore(%run_scoped3A_136 : memref<!tpu.dma_semaphore, #tpu.memory_space<semaphore_mem>>)
        %dma_wait3A = arith.constant 0 : i32
        %dma_wait3A_142 = tpu.memref_slice %arg6[%add3A_135, %dma_wait3A] : memref<20000x128xf32, #tpu.memory_space<hbm>> -> memref<216x128xf32, #tpu.memory_space<hbm>>
        %dma_wait3A_143 = arith.constant 3120 : i32
        %dma_wait3A_144 = arith.constant 0 : i32
        %dma_wait3A_145 = tpu.memref_slice %arg11[%dma_wait3A_143, %dma_wait3A_144] : memref<3344x128xf32, #tpu.memory_space<vmem_shared>> -> memref<216x128xf32, #tpu.memory_space<vmem_shared>>
        tpu.wait_dma2 semaphore(%run_scoped3A_136 : memref<!tpu.dma_semaphore, #tpu.memory_space<semaphore_mem>>) src(%dma_wait3A_145 : memref<216x128xf32, #tpu.memory_space<vmem_shared>>) dst(%dma_wait3A_142 : memref<216x128xf32, #tpu.memory_space<hbm>>)
        tpu.yield
      }) : () -> ()
    } else {
    }
    %lt3A_38 = arith.constant 15 : i32
    %lt3A_39 = arith.cmpi slt, %arg1, %lt3A_38 : i32
    %convert_element_type3A_40 = arith.extui %lt3A_39 : i1 to i32
    %cond3A_41 = arith.constant 0 : i32
    %cond3A_42 = arith.cmpi ne, %convert_element_type3A_40, %cond3A_41 : i32
    scf.if %cond3A_42 {
      %mul3A_134 = arith.constant 208 : i32
      %mul3A_135 = arith.muli %arg1, %mul3A_134 : i32
      "tpu.region"() ({
        %run_scoped3A_136 = tpu.sem_alloc : memref<!tpu.dma_semaphore, #tpu.memory_space<semaphore_mem>>
        %dma_start3A_137 = arith.constant 0 : i32
        %dma_start3A_138 = tpu.memref_slice %arg11[%mul3A_135, %dma_start3A_137] : memref<3344x128xf32, #tpu.memory_space<vmem_shared>> -> memref<208x128xf32, #tpu.memory_space<vmem_shared>>
        %dma_start3A_139 = arith.constant 0 : i32
        %dma_start3A_140 = arith.constant 0 : i32
        %dma_start3A_141 = tpu.memref_slice %arg5[%dma_start3A_139, %dma_start3A_140] : memref<224x128xf32, #tpu.memory_space<hbm>> -> memref<208x128xf32, #tpu.memory_space<hbm>>
        tpu.enqueue_dma source(%dma_start3A_141 : memref<208x128xf32, #tpu.memory_space<hbm>>) target(%dma_start3A_138 : memref<208x128xf32, #tpu.memory_space<vmem_shared>>) target_semaphore(%run_scoped3A_136 : memref<!tpu.dma_semaphore, #tpu.memory_space<semaphore_mem>>)
        %dma_wait3A = arith.constant 0 : i32
        %dma_wait3A_142 = tpu.memref_slice %arg11[%mul3A_135, %dma_wait3A] : memref<3344x128xf32, #tpu.memory_space<vmem_shared>> -> memref<208x128xf32, #tpu.memory_space<vmem_shared>>
        %dma_wait3A_143 = arith.constant 0 : i32
        %dma_wait3A_144 = arith.constant 0 : i32
        %dma_wait3A_145 = tpu.memref_slice %arg5[%dma_wait3A_143, %dma_wait3A_144] : memref<224x128xf32, #tpu.memory_space<hbm>> -> memref<208x128xf32, #tpu.memory_space<hbm>>
        tpu.wait_dma2 semaphore(%run_scoped3A_136 : memref<!tpu.dma_semaphore, #tpu.memory_space<semaphore_mem>>) src(%dma_wait3A_145 : memref<208x128xf32, #tpu.memory_space<hbm>>) dst(%dma_wait3A_142 : memref<208x128xf32, #tpu.memory_space<vmem_shared>>)
        tpu.yield
      }) : () -> ()
    } else {
    }
    %eq3A_43 = arith.constant 15 : i32
    %eq3A_44 = arith.cmpi eq, %arg1, %eq3A_43 : i32
    %convert_element_type3A_45 = arith.extui %eq3A_44 : i1 to i32
    %cond3A_46 = arith.constant 0 : i32
    %cond3A_47 = arith.cmpi ne, %convert_element_type3A_45, %cond3A_46 : i32
    scf.if %cond3A_47 {
      "tpu.region"() ({
        %run_scoped3A_134 = tpu.sem_alloc : memref<!tpu.dma_semaphore, #tpu.memory_space<semaphore_mem>>
        %dma_start3A_135 = arith.constant 3120 : i32
        %dma_start3A_136 = arith.constant 0 : i32
        %dma_start3A_137 = tpu.memref_slice %arg11[%dma_start3A_135, %dma_start3A_136] : memref<3344x128xf32, #tpu.memory_space<vmem_shared>> -> memref<224x128xf32, #tpu.memory_space<vmem_shared>>
        %dma_start3A_138 = arith.constant 0 : i32
        %dma_start3A_139 = arith.constant 0 : i32
        %dma_start3A_140 = tpu.memref_slice %arg5[%dma_start3A_138, %dma_start3A_139] : memref<224x128xf32, #tpu.memory_space<hbm>> -> memref<224x128xf32, #tpu.memory_space<hbm>>
        tpu.enqueue_dma source(%dma_start3A_140 : memref<224x128xf32, #tpu.memory_space<hbm>>) target(%dma_start3A_137 : memref<224x128xf32, #tpu.memory_space<vmem_shared>>) target_semaphore(%run_scoped3A_134 : memref<!tpu.dma_semaphore, #tpu.memory_space<semaphore_mem>>)
        %dma_wait3A = arith.constant 3120 : i32
        %dma_wait3A_141 = arith.constant 0 : i32
        %dma_wait3A_142 = tpu.memref_slice %arg11[%dma_wait3A, %dma_wait3A_141] : memref<3344x128xf32, #tpu.memory_space<vmem_shared>> -> memref<224x128xf32, #tpu.memory_space<vmem_shared>>
        %dma_wait3A_143 = arith.constant 0 : i32
        %dma_wait3A_144 = arith.constant 0 : i32
        %dma_wait3A_145 = tpu.memref_slice %arg5[%dma_wait3A_143, %dma_wait3A_144] : memref<224x128xf32, #tpu.memory_space<hbm>> -> memref<224x128xf32, #tpu.memory_space<hbm>>
        tpu.wait_dma2 semaphore(%run_scoped3A_134 : memref<!tpu.dma_semaphore, #tpu.memory_space<semaphore_mem>>) src(%dma_wait3A_145 : memref<224x128xf32, #tpu.memory_space<hbm>>) dst(%dma_wait3A_142 : memref<224x128xf32, #tpu.memory_space<vmem_shared>>)
        tpu.yield
      }) : () -> ()
    } else {
    }
    %run_scoped3A_48 = arith.constant 1 : i32
    "tpu.region"() ({
      %run_scoped3A_134 = tpu.sem_alloc : memref<!tpu.dma_semaphore, #tpu.memory_space<semaphore_mem>>
      %dma_start3A_135 = arith.constant 0 : i32
      %dma_start3A_136 = arith.constant 0 : i32
      %dma_start3A_137 = tpu.memref_slice %arg3[%arg0, %run_scoped3A_48, %arg1, %dma_start3A_135, %dma_start3A_136] : memref<2x3x16x128x80xi32, #tpu.memory_space<hbm>> -> memref<1x1x1x128x80xi32, #tpu.memory_space<hbm>>
      %dma_start3A_138 = tpu.memref_squeeze %dma_start3A_137 : memref<1x1x1x128x80xi32, #tpu.memory_space<hbm>> -> memref<128x80xi32, #tpu.memory_space<hbm>>
      %dma_start3A_139 = arith.constant 0 : i32
      %dma_start3A_140 = arith.constant 0 : i32
      %dma_start3A_141 = tpu.memref_slice %arg3[%arg0, %run_scoped3A_48, %arg1, %dma_start3A_139, %dma_start3A_140] : memref<2x3x16x128x80xi32, #tpu.memory_space<hbm>> -> memref<1x1x1x128x80xi32, #tpu.memory_space<hbm>>
      %dma_start3A_142 = tpu.memref_squeeze %dma_start3A_141 : memref<1x1x1x128x80xi32, #tpu.memory_space<hbm>> -> memref<128x80xi32, #tpu.memory_space<hbm>>
      tpu.enqueue_dma source(%dma_start3A_142 : memref<128x80xi32, #tpu.memory_space<hbm>>) target(%arg7 : memref<128x80xi32, #tpu.memory_space<vmem>>) target_semaphore(%run_scoped3A_134 : memref<!tpu.dma_semaphore, #tpu.memory_space<semaphore_mem>>)
      %dma_wait3A = arith.constant 0 : i32
      %dma_wait3A_143 = arith.constant 0 : i32
      %dma_wait3A_144 = tpu.memref_slice %arg3[%arg0, %run_scoped3A_48, %arg1, %dma_wait3A, %dma_wait3A_143] : memref<2x3x16x128x80xi32, #tpu.memory_space<hbm>> -> memref<1x1x1x128x80xi32, #tpu.memory_space<hbm>>
      %dma_wait3A_145 = tpu.memref_squeeze %dma_wait3A_144 : memref<1x1x1x128x80xi32, #tpu.memory_space<hbm>> -> memref<128x80xi32, #tpu.memory_space<hbm>>
      %dma_wait3A_146 = arith.constant 0 : i32
      %dma_wait3A_147 = arith.constant 0 : i32
      %dma_wait3A_148 = tpu.memref_slice %arg3[%arg0, %run_scoped3A_48, %arg1, %dma_wait3A_146, %dma_wait3A_147] : memref<2x3x16x128x80xi32, #tpu.memory_space<hbm>> -> memref<1x1x1x128x80xi32, #tpu.memory_space<hbm>>
      %dma_wait3A_149 = tpu.memref_squeeze %dma_wait3A_148 : memref<1x1x1x128x80xi32, #tpu.memory_space<hbm>> -> memref<128x80xi32, #tpu.memory_space<hbm>>
      tpu.wait_dma2 semaphore(%run_scoped3A_134 : memref<!tpu.dma_semaphore, #tpu.memory_space<semaphore_mem>>) src(%dma_wait3A_149 : memref<128x80xi32, #tpu.memory_space<hbm>>) dst(%arg7 : memref<128x80xi32, #tpu.memory_space<vmem>>)
      tpu.yield
    }) : () -> ()
    %run_scoped3A_49 = arith.constant 1 : i32
    "tpu.region"() ({
      %run_scoped3A_134 = tpu.sem_alloc : memref<!tpu.dma_semaphore, #tpu.memory_space<semaphore_mem>>
      %dma_start3A_135 = arith.constant 0 : i32
      %dma_start3A_136 = arith.constant 0 : i32
      %dma_start3A_137 = tpu.memref_slice %arg4[%run_scoped3A_49, %arg1, %dma_start3A_135, %dma_start3A_136] : memref<3x16x128x80xi32, #tpu.memory_space<hbm>> -> memref<1x1x128x80xi32, #tpu.memory_space<hbm>>
      %dma_start3A_138 = tpu.memref_squeeze %dma_start3A_137 : memref<1x1x128x80xi32, #tpu.memory_space<hbm>> -> memref<128x80xi32, #tpu.memory_space<hbm>>
      %dma_start3A_139 = arith.constant 0 : i32
      %dma_start3A_140 = arith.constant 0 : i32
      %dma_start3A_141 = tpu.memref_slice %arg4[%run_scoped3A_49, %arg1, %dma_start3A_139, %dma_start3A_140] : memref<3x16x128x80xi32, #tpu.memory_space<hbm>> -> memref<1x1x128x80xi32, #tpu.memory_space<hbm>>
      %dma_start3A_142 = tpu.memref_squeeze %dma_start3A_141 : memref<1x1x128x80xi32, #tpu.memory_space<hbm>> -> memref<128x80xi32, #tpu.memory_space<hbm>>
      tpu.enqueue_dma source(%dma_start3A_142 : memref<128x80xi32, #tpu.memory_space<hbm>>) target(%arg8 : memref<128x80xi32, #tpu.memory_space<vmem>>) target_semaphore(%run_scoped3A_134 : memref<!tpu.dma_semaphore, #tpu.memory_space<semaphore_mem>>)
      %dma_wait3A = arith.constant 0 : i32
      %dma_wait3A_143 = arith.constant 0 : i32
      %dma_wait3A_144 = tpu.memref_slice %arg4[%run_scoped3A_49, %arg1, %dma_wait3A, %dma_wait3A_143] : memref<3x16x128x80xi32, #tpu.memory_space<hbm>> -> memref<1x1x128x80xi32, #tpu.memory_space<hbm>>
      %dma_wait3A_145 = tpu.memref_squeeze %dma_wait3A_144 : memref<1x1x128x80xi32, #tpu.memory_space<hbm>> -> memref<128x80xi32, #tpu.memory_space<hbm>>
      %dma_wait3A_146 = arith.constant 0 : i32
      %dma_wait3A_147 = arith.constant 0 : i32
      %dma_wait3A_148 = tpu.memref_slice %arg4[%run_scoped3A_49, %arg1, %dma_wait3A_146, %dma_wait3A_147] : memref<3x16x128x80xi32, #tpu.memory_space<hbm>> -> memref<1x1x128x80xi32, #tpu.memory_space<hbm>>
      %dma_wait3A_149 = tpu.memref_squeeze %dma_wait3A_148 : memref<1x1x128x80xi32, #tpu.memory_space<hbm>> -> memref<128x80xi32, #tpu.memory_space<hbm>>
      tpu.wait_dma2 semaphore(%run_scoped3A_134 : memref<!tpu.dma_semaphore, #tpu.memory_space<semaphore_mem>>) src(%dma_wait3A_149 : memref<128x80xi32, #tpu.memory_space<hbm>>) dst(%arg8 : memref<128x80xi32, #tpu.memory_space<vmem>>)
      tpu.yield
    }) : () -> ()
    %barrier3A_50 = arith.constant 0 : index
    tpu.barrier barrier_id(%barrier3A_50)
    %dma_start3A_51 = arith.constant 0 : i32
    %dma_start3A_52 = arith.constant 0 : i32
    %dma_start3A_53 = tpu.memref_slice %arg7[%dma_start3A_51, %dma_start3A_52] : memref<128x80xi32, #tpu.memory_space<vmem>> -> memref<1x80xi32, #tpu.memory_space<vmem>>
    %dma_start3A_54 = tpu.memref_squeeze %dma_start3A_53 : memref<1x80xi32, #tpu.memory_space<vmem>> -> memref<80xi32, #tpu.memory_space<vmem>>
    %dma_start3A_55 = arith.constant 0 : i32
    %dma_start3A_56 = arith.constant 0 : i32
    %dma_start3A_57 = tpu.memref_slice %arg2[%dma_start3A_55, %dma_start3A_56] : memref<20000x128xf32, #tpu.memory_space<hbm>> -> memref<20000x128xf32, #tpu.memory_space<hbm>>
    tpu.enqueue_indirect_dma source(%dma_start3A_57 : memref<20000x128xf32, #tpu.memory_space<hbm>>) target(%arg9 : memref<80x128xf32, #tpu.memory_space<vmem>>) offsets(%dma_start3A_54 : memref<80xi32, #tpu.memory_space<vmem>>) semaphore(%arg12 : memref<!tpu.dma_semaphore, #tpu.memory_space<semaphore_mem>>)
    %dma_start3A_58 = arith.constant 1 : i32
    %dma_start3A_59 = arith.constant 0 : i32
    %dma_start3A_60 = tpu.memref_slice %arg7[%dma_start3A_58, %dma_start3A_59] : memref<128x80xi32, #tpu.memory_space<vmem>> -> memref<1x80xi32, #tpu.memory_space<vmem>>
    %dma_start3A_61 = tpu.memref_squeeze %dma_start3A_60 : memref<1x80xi32, #tpu.memory_space<vmem>> -> memref<80xi32, #tpu.memory_space<vmem>>
    %dma_start3A_62 = arith.constant 0 : i32
    %dma_start3A_63 = arith.constant 0 : i32
    %dma_start3A_64 = tpu.memref_slice %arg2[%dma_start3A_62, %dma_start3A_63] : memref<20000x128xf32, #tpu.memory_space<hbm>> -> memref<20000x128xf32, #tpu.memory_space<hbm>>
    tpu.enqueue_indirect_dma source(%dma_start3A_64 : memref<20000x128xf32, #tpu.memory_space<hbm>>) target(%arg10 : memref<80x128xf32, #tpu.memory_space<vmem>>) offsets(%dma_start3A_61 : memref<80xi32, #tpu.memory_space<vmem>>) semaphore(%arg13 : memref<!tpu.dma_semaphore, #tpu.memory_space<semaphore_mem>>)
    %scan3A_65 = arith.constant 0 : i32
    %scan3A_66 = arith.constant 0 : i32
    %scan3A_67 = arith.constant 64 : i32
    %scan3A_68 = arith.addi %scan3A_66, %scan3A_67 : i32
    %scan3A_69 = arith.constant 1 : i32
    scf.for %scan3A_134 = %scan3A_66 to %scan3A_68 step %scan3A_69  : i32 {
      %mul3A_135 = arith.constant 2 : i32
      %mul3A_136 = arith.muli %mul3A_135, %scan3A_134 : i32
      %mul3A_137 = arith.constant 2 : i32
      %mul3A_138 = arith.muli %mul3A_137, %scan3A_134 : i32
      %add3A_139 = arith.constant 1 : i32
      %add3A_140 = arith.addi %mul3A_138, %add3A_139 : i32
      %dma_wait3A = arith.constant 0 : i32
      %dma_wait3A_141 = tpu.memref_slice %arg7[%mul3A_136, %dma_wait3A] : memref<128x80xi32, #tpu.memory_space<vmem>> -> memref<1x80xi32, #tpu.memory_space<vmem>>
      %dma_wait3A_142 = tpu.memref_squeeze %dma_wait3A_141 : memref<1x80xi32, #tpu.memory_space<vmem>> -> memref<80xi32, #tpu.memory_space<vmem>>
      %dma_wait3A_143 = arith.constant 0 : i32
      %dma_wait3A_144 = arith.constant 0 : i32
      %dma_wait3A_145 = tpu.memref_slice %arg2[%dma_wait3A_143, %dma_wait3A_144] : memref<20000x128xf32, #tpu.memory_space<hbm>> -> memref<20000x128xf32, #tpu.memory_space<hbm>>
      tpu.wait_indirect_dma semaphore(%arg12 : memref<!tpu.dma_semaphore, #tpu.memory_space<semaphore_mem>>) src(%dma_wait3A_145 : memref<20000x128xf32, #tpu.memory_space<hbm>>) dst(%arg9 : memref<80x128xf32, #tpu.memory_space<vmem>>)
      "tpu.region"() ({
        %run_scoped3A_166 = tpu.sem_alloc : memref<!tpu.dma_semaphore, #tpu.memory_space<semaphore_mem>>
        %dma_start3A_167 = arith.constant 0 : i32
        %dma_start3A_168 = tpu.memref_slice %arg8[%mul3A_136, %dma_start3A_167] : memref<128x80xi32, #tpu.memory_space<vmem>> -> memref<1x80xi32, #tpu.memory_space<vmem>>
        %dma_start3A_169 = tpu.memref_squeeze %dma_start3A_168 : memref<1x80xi32, #tpu.memory_space<vmem>> -> memref<80xi32, #tpu.memory_space<vmem>>
        %dma_start3A_170 = arith.constant 0 : i32
        %dma_start3A_171 = arith.constant 0 : i32
        %dma_start3A_172 = tpu.memref_slice %arg11[%dma_start3A_170, %dma_start3A_171] : memref<3344x128xf32, #tpu.memory_space<vmem_shared>> -> memref<3344x128xf32, #tpu.memory_space<vmem_shared>>
        tpu.enqueue_indirect_dma source(%arg9 : memref<80x128xf32, #tpu.memory_space<vmem>>) target(%dma_start3A_172 : memref<3344x128xf32, #tpu.memory_space<vmem_shared>>) offsets(%dma_start3A_169 : memref<80xi32, #tpu.memory_space<vmem>>) semaphore(%run_scoped3A_166 : memref<!tpu.dma_semaphore, #tpu.memory_space<semaphore_mem>>) {add = true}
        %dma_wait3A_173 = arith.constant 0 : i32
        %dma_wait3A_174 = tpu.memref_slice %arg8[%mul3A_136, %dma_wait3A_173] : memref<128x80xi32, #tpu.memory_space<vmem>> -> memref<1x80xi32, #tpu.memory_space<vmem>>
        %dma_wait3A_175 = tpu.memref_squeeze %dma_wait3A_174 : memref<1x80xi32, #tpu.memory_space<vmem>> -> memref<80xi32, #tpu.memory_space<vmem>>
        %dma_wait3A_176 = arith.constant 0 : i32
        %dma_wait3A_177 = arith.constant 0 : i32
        %dma_wait3A_178 = tpu.memref_slice %arg11[%dma_wait3A_176, %dma_wait3A_177] : memref<3344x128xf32, #tpu.memory_space<vmem_shared>> -> memref<3344x128xf32, #tpu.memory_space<vmem_shared>>
        tpu.wait_indirect_dma semaphore(%run_scoped3A_166 : memref<!tpu.dma_semaphore, #tpu.memory_space<semaphore_mem>>) src(%arg9 : memref<80x128xf32, #tpu.memory_space<vmem>>) dst(%dma_wait3A_178 : memref<3344x128xf32, #tpu.memory_space<vmem_shared>>)
        tpu.yield
      }) : () -> ()
      %add3A_146 = arith.constant 2 : i32
      %add3A_147 = arith.addi %mul3A_136, %add3A_146 : i32
      %lt3A_148 = arith.constant 128 : i32
      %lt3A_149 = arith.cmpi slt, %add3A_147, %lt3A_148 : i32
      %convert_element_type3A_150 = arith.extui %lt3A_149 : i1 to i32
      %cond3A_151 = arith.constant 0 : i32
      %cond3A_152 = arith.cmpi ne, %convert_element_type3A_150, %cond3A_151 : i32
      scf.if %cond3A_152 {
        %add3A_166 = arith.constant 2 : i32
        %add3A_167 = arith.addi %mul3A_136, %add3A_166 : i32
        %dma_start3A_168 = arith.constant 0 : i32
        %dma_start3A_169 = tpu.memref_slice %arg7[%add3A_167, %dma_start3A_168] : memref<128x80xi32, #tpu.memory_space<vmem>> -> memref<1x80xi32, #tpu.memory_space<vmem>>
        %dma_start3A_170 = tpu.memref_squeeze %dma_start3A_169 : memref<1x80xi32, #tpu.memory_space<vmem>> -> memref<80xi32, #tpu.memory_space<vmem>>
        %dma_start3A_171 = arith.constant 0 : i32
        %dma_start3A_172 = arith.constant 0 : i32
        %dma_start3A_173 = tpu.memref_slice %arg2[%dma_start3A_171, %dma_start3A_172] : memref<20000x128xf32, #tpu.memory_space<hbm>> -> memref<20000x128xf32, #tpu.memory_space<hbm>>
        tpu.enqueue_indirect_dma source(%dma_start3A_173 : memref<20000x128xf32, #tpu.memory_space<hbm>>) target(%arg9 : memref<80x128xf32, #tpu.memory_space<vmem>>) offsets(%dma_start3A_170 : memref<80xi32, #tpu.memory_space<vmem>>) semaphore(%arg12 : memref<!tpu.dma_semaphore, #tpu.memory_space<semaphore_mem>>)
      } else {
      }
      %dma_wait3A_153 = arith.constant 0 : i32
      %dma_wait3A_154 = tpu.memref_slice %arg7[%add3A_140, %dma_wait3A_153] : memref<128x80xi32, #tpu.memory_space<vmem>> -> memref<1x80xi32, #tpu.memory_space<vmem>>
      %dma_wait3A_155 = tpu.memref_squeeze %dma_wait3A_154 : memref<1x80xi32, #tpu.memory_space<vmem>> -> memref<80xi32, #tpu.memory_space<vmem>>
      %dma_wait3A_156 = arith.constant 0 : i32
      %dma_wait3A_157 = arith.constant 0 : i32
      %dma_wait3A_158 = tpu.memref_slice %arg2[%dma_wait3A_156, %dma_wait3A_157] : memref<20000x128xf32, #tpu.memory_space<hbm>> -> memref<20000x128xf32, #tpu.memory_space<hbm>>
      tpu.wait_indirect_dma semaphore(%arg13 : memref<!tpu.dma_semaphore, #tpu.memory_space<semaphore_mem>>) src(%dma_wait3A_158 : memref<20000x128xf32, #tpu.memory_space<hbm>>) dst(%arg10 : memref<80x128xf32, #tpu.memory_space<vmem>>)
      "tpu.region"() ({
        %run_scoped3A_166 = tpu.sem_alloc : memref<!tpu.dma_semaphore, #tpu.memory_space<semaphore_mem>>
        %dma_start3A_167 = arith.constant 0 : i32
        %dma_start3A_168 = tpu.memref_slice %arg8[%add3A_140, %dma_start3A_167] : memref<128x80xi32, #tpu.memory_space<vmem>> -> memref<1x80xi32, #tpu.memory_space<vmem>>
        %dma_start3A_169 = tpu.memref_squeeze %dma_start3A_168 : memref<1x80xi32, #tpu.memory_space<vmem>> -> memref<80xi32, #tpu.memory_space<vmem>>
        %dma_start3A_170 = arith.constant 0 : i32
        %dma_start3A_171 = arith.constant 0 : i32
        %dma_start3A_172 = tpu.memref_slice %arg11[%dma_start3A_170, %dma_start3A_171] : memref<3344x128xf32, #tpu.memory_space<vmem_shared>> -> memref<3344x128xf32, #tpu.memory_space<vmem_shared>>
        tpu.enqueue_indirect_dma source(%arg10 : memref<80x128xf32, #tpu.memory_space<vmem>>) target(%dma_start3A_172 : memref<3344x128xf32, #tpu.memory_space<vmem_shared>>) offsets(%dma_start3A_169 : memref<80xi32, #tpu.memory_space<vmem>>) semaphore(%run_scoped3A_166 : memref<!tpu.dma_semaphore, #tpu.memory_space<semaphore_mem>>) {add = true}
        %dma_wait3A_173 = arith.constant 0 : i32
        %dma_wait3A_174 = tpu.memref_slice %arg8[%add3A_140, %dma_wait3A_173] : memref<128x80xi32, #tpu.memory_space<vmem>> -> memref<1x80xi32, #tpu.memory_space<vmem>>
        %dma_wait3A_175 = tpu.memref_squeeze %dma_wait3A_174 : memref<1x80xi32, #tpu.memory_space<vmem>> -> memref<80xi32, #tpu.memory_space<vmem>>
        %dma_wait3A_176 = arith.constant 0 : i32
        %dma_wait3A_177 = arith.constant 0 : i32
        %dma_wait3A_178 = tpu.memref_slice %arg11[%dma_wait3A_176, %dma_wait3A_177] : memref<3344x128xf32, #tpu.memory_space<vmem_shared>> -> memref<3344x128xf32, #tpu.memory_space<vmem_shared>>
        tpu.wait_indirect_dma semaphore(%run_scoped3A_166 : memref<!tpu.dma_semaphore, #tpu.memory_space<semaphore_mem>>) src(%arg10 : memref<80x128xf32, #tpu.memory_space<vmem>>) dst(%dma_wait3A_178 : memref<3344x128xf32, #tpu.memory_space<vmem_shared>>)
        tpu.yield
      }) : () -> ()
      %add3A_159 = arith.constant 2 : i32
      %add3A_160 = arith.addi %add3A_140, %add3A_159 : i32
      %lt3A_161 = arith.constant 128 : i32
      %lt3A_162 = arith.cmpi slt, %add3A_160, %lt3A_161 : i32
      %convert_element_type3A_163 = arith.extui %lt3A_162 : i1 to i32
      %cond3A_164 = arith.constant 0 : i32
      %cond3A_165 = arith.cmpi ne, %convert_element_type3A_163, %cond3A_164 : i32
      scf.if %cond3A_165 {
        %add3A_166 = arith.constant 2 : i32
        %add3A_167 = arith.addi %add3A_140, %add3A_166 : i32
        %dma_start3A_168 = arith.constant 0 : i32
        %dma_start3A_169 = tpu.memref_slice %arg7[%add3A_167, %dma_start3A_168] : memref<128x80xi32, #tpu.memory_space<vmem>> -> memref<1x80xi32, #tpu.memory_space<vmem>>
        %dma_start3A_170 = tpu.memref_squeeze %dma_start3A_169 : memref<1x80xi32, #tpu.memory_space<vmem>> -> memref<80xi32, #tpu.memory_space<vmem>>
        %dma_start3A_171 = arith.constant 0 : i32
        %dma_start3A_172 = arith.constant 0 : i32
        %dma_start3A_173 = tpu.memref_slice %arg2[%dma_start3A_171, %dma_start3A_172] : memref<20000x128xf32, #tpu.memory_space<hbm>> -> memref<20000x128xf32, #tpu.memory_space<hbm>>
        tpu.enqueue_indirect_dma source(%dma_start3A_173 : memref<20000x128xf32, #tpu.memory_space<hbm>>) target(%arg10 : memref<80x128xf32, #tpu.memory_space<vmem>>) offsets(%dma_start3A_170 : memref<80xi32, #tpu.memory_space<vmem>>) semaphore(%arg13 : memref<!tpu.dma_semaphore, #tpu.memory_space<semaphore_mem>>)
      } else {
      }
    }
    %scan3A_70 = arith.constant 64 : i32
    %barrier3A_71 = arith.constant 0 : index
    tpu.barrier barrier_id(%barrier3A_71)
    %mul3A_72 = arith.constant 10000 : i32
    %mul3A_73 = arith.muli %arg0, %mul3A_72 : i32
    %add3A_74 = arith.constant 3336 : i32
    %add3A_75 = arith.addi %mul3A_73, %add3A_74 : i32
    %lt3A_76 = arith.constant 15 : i32
    %lt3A_77 = arith.cmpi slt, %arg1, %lt3A_76 : i32
    %convert_element_type3A_78 = arith.extui %lt3A_77 : i1 to i32
    %cond3A_79 = arith.constant 0 : i32
    %cond3A_80 = arith.cmpi ne, %convert_element_type3A_78, %cond3A_79 : i32
    scf.if %cond3A_80 {
      %mul3A_134 = arith.constant 208 : i32
      %mul3A_135 = arith.muli %arg1, %mul3A_134 : i32
      %mul3A_136 = arith.constant 208 : i32
      %mul3A_137 = arith.muli %arg1, %mul3A_136 : i32
      %add3A_138 = arith.addi %add3A_75, %mul3A_137 : i32
      "tpu.region"() ({
        %run_scoped3A_139 = tpu.sem_alloc : memref<!tpu.dma_semaphore, #tpu.memory_space<semaphore_mem>>
        %dma_start3A_140 = arith.constant 0 : i32
        %dma_start3A_141 = tpu.memref_slice %arg6[%add3A_138, %dma_start3A_140] : memref<20000x128xf32, #tpu.memory_space<hbm>> -> memref<208x128xf32, #tpu.memory_space<hbm>>
        %dma_start3A_142 = arith.constant 0 : i32
        %dma_start3A_143 = tpu.memref_slice %arg11[%mul3A_135, %dma_start3A_142] : memref<3344x128xf32, #tpu.memory_space<vmem_shared>> -> memref<208x128xf32, #tpu.memory_space<vmem_shared>>
        tpu.enqueue_dma source(%dma_start3A_143 : memref<208x128xf32, #tpu.memory_space<vmem_shared>>) target(%dma_start3A_141 : memref<208x128xf32, #tpu.memory_space<hbm>>) target_semaphore(%run_scoped3A_139 : memref<!tpu.dma_semaphore, #tpu.memory_space<semaphore_mem>>)
        %dma_wait3A = arith.constant 0 : i32
        %dma_wait3A_144 = tpu.memref_slice %arg6[%add3A_138, %dma_wait3A] : memref<20000x128xf32, #tpu.memory_space<hbm>> -> memref<208x128xf32, #tpu.memory_space<hbm>>
        %dma_wait3A_145 = arith.constant 0 : i32
        %dma_wait3A_146 = tpu.memref_slice %arg11[%mul3A_135, %dma_wait3A_145] : memref<3344x128xf32, #tpu.memory_space<vmem_shared>> -> memref<208x128xf32, #tpu.memory_space<vmem_shared>>
        tpu.wait_dma2 semaphore(%run_scoped3A_139 : memref<!tpu.dma_semaphore, #tpu.memory_space<semaphore_mem>>) src(%dma_wait3A_146 : memref<208x128xf32, #tpu.memory_space<vmem_shared>>) dst(%dma_wait3A_144 : memref<208x128xf32, #tpu.memory_space<hbm>>)
        tpu.yield
      }) : () -> ()
    } else {
    }
    %eq3A_81 = arith.constant 15 : i32
    %eq3A_82 = arith.cmpi eq, %arg1, %eq3A_81 : i32
    %convert_element_type3A_83 = arith.extui %eq3A_82 : i1 to i32
    %cond3A_84 = arith.constant 0 : i32
    %cond3A_85 = arith.cmpi ne, %convert_element_type3A_83, %cond3A_84 : i32
    scf.if %cond3A_85 {
      %add3A_134 = arith.constant 3120 : i32
      %add3A_135 = arith.addi %add3A_75, %add3A_134 : i32
      "tpu.region"() ({
        %run_scoped3A_136 = tpu.sem_alloc : memref<!tpu.dma_semaphore, #tpu.memory_space<semaphore_mem>>
        %dma_start3A_137 = arith.constant 0 : i32
        %dma_start3A_138 = tpu.memref_slice %arg6[%add3A_135, %dma_start3A_137] : memref<20000x128xf32, #tpu.memory_space<hbm>> -> memref<216x128xf32, #tpu.memory_space<hbm>>
        %dma_start3A_139 = arith.constant 3120 : i32
        %dma_start3A_140 = arith.constant 0 : i32
        %dma_start3A_141 = tpu.memref_slice %arg11[%dma_start3A_139, %dma_start3A_140] : memref<3344x128xf32, #tpu.memory_space<vmem_shared>> -> memref<216x128xf32, #tpu.memory_space<vmem_shared>>
        tpu.enqueue_dma source(%dma_start3A_141 : memref<216x128xf32, #tpu.memory_space<vmem_shared>>) target(%dma_start3A_138 : memref<216x128xf32, #tpu.memory_space<hbm>>) target_semaphore(%run_scoped3A_136 : memref<!tpu.dma_semaphore, #tpu.memory_space<semaphore_mem>>)
        %dma_wait3A = arith.constant 0 : i32
        %dma_wait3A_142 = tpu.memref_slice %arg6[%add3A_135, %dma_wait3A] : memref<20000x128xf32, #tpu.memory_space<hbm>> -> memref<216x128xf32, #tpu.memory_space<hbm>>
        %dma_wait3A_143 = arith.constant 3120 : i32
        %dma_wait3A_144 = arith.constant 0 : i32
        %dma_wait3A_145 = tpu.memref_slice %arg11[%dma_wait3A_143, %dma_wait3A_144] : memref<3344x128xf32, #tpu.memory_space<vmem_shared>> -> memref<216x128xf32, #tpu.memory_space<vmem_shared>>
        tpu.wait_dma2 semaphore(%run_scoped3A_136 : memref<!tpu.dma_semaphore, #tpu.memory_space<semaphore_mem>>) src(%dma_wait3A_145 : memref<216x128xf32, #tpu.memory_space<vmem_shared>>) dst(%dma_wait3A_142 : memref<216x128xf32, #tpu.memory_space<hbm>>)
        tpu.yield
      }) : () -> ()
    } else {
    }
    %lt3A_86 = arith.constant 15 : i32
    %lt3A_87 = arith.cmpi slt, %arg1, %lt3A_86 : i32
    %convert_element_type3A_88 = arith.extui %lt3A_87 : i1 to i32
    %cond3A_89 = arith.constant 0 : i32
    %cond3A_90 = arith.cmpi ne, %convert_element_type3A_88, %cond3A_89 : i32
    scf.if %cond3A_90 {
      %mul3A_134 = arith.constant 208 : i32
      %mul3A_135 = arith.muli %arg1, %mul3A_134 : i32
      "tpu.region"() ({
        %run_scoped3A_136 = tpu.sem_alloc : memref<!tpu.dma_semaphore, #tpu.memory_space<semaphore_mem>>
        %dma_start3A_137 = arith.constant 0 : i32
        %dma_start3A_138 = tpu.memref_slice %arg11[%mul3A_135, %dma_start3A_137] : memref<3344x128xf32, #tpu.memory_space<vmem_shared>> -> memref<208x128xf32, #tpu.memory_space<vmem_shared>>
        %dma_start3A_139 = arith.constant 0 : i32
        %dma_start3A_140 = arith.constant 0 : i32
        %dma_start3A_141 = tpu.memref_slice %arg5[%dma_start3A_139, %dma_start3A_140] : memref<224x128xf32, #tpu.memory_space<hbm>> -> memref<208x128xf32, #tpu.memory_space<hbm>>
        tpu.enqueue_dma source(%dma_start3A_141 : memref<208x128xf32, #tpu.memory_space<hbm>>) target(%dma_start3A_138 : memref<208x128xf32, #tpu.memory_space<vmem_shared>>) target_semaphore(%run_scoped3A_136 : memref<!tpu.dma_semaphore, #tpu.memory_space<semaphore_mem>>)
        %dma_wait3A = arith.constant 0 : i32
        %dma_wait3A_142 = tpu.memref_slice %arg11[%mul3A_135, %dma_wait3A] : memref<3344x128xf32, #tpu.memory_space<vmem_shared>> -> memref<208x128xf32, #tpu.memory_space<vmem_shared>>
        %dma_wait3A_143 = arith.constant 0 : i32
        %dma_wait3A_144 = arith.constant 0 : i32
        %dma_wait3A_145 = tpu.memref_slice %arg5[%dma_wait3A_143, %dma_wait3A_144] : memref<224x128xf32, #tpu.memory_space<hbm>> -> memref<208x128xf32, #tpu.memory_space<hbm>>
        tpu.wait_dma2 semaphore(%run_scoped3A_136 : memref<!tpu.dma_semaphore, #tpu.memory_space<semaphore_mem>>) src(%dma_wait3A_145 : memref<208x128xf32, #tpu.memory_space<hbm>>) dst(%dma_wait3A_142 : memref<208x128xf32, #tpu.memory_space<vmem_shared>>)
        tpu.yield
      }) : () -> ()
    } else {
    }
    %eq3A_91 = arith.constant 15 : i32
    %eq3A_92 = arith.cmpi eq, %arg1, %eq3A_91 : i32
    %convert_element_type3A_93 = arith.extui %eq3A_92 : i1 to i32
    %cond3A_94 = arith.constant 0 : i32
    %cond3A_95 = arith.cmpi ne, %convert_element_type3A_93, %cond3A_94 : i32
    scf.if %cond3A_95 {
      "tpu.region"() ({
        %run_scoped3A_134 = tpu.sem_alloc : memref<!tpu.dma_semaphore, #tpu.memory_space<semaphore_mem>>
        %dma_start3A_135 = arith.constant 3120 : i32
        %dma_start3A_136 = arith.constant 0 : i32
        %dma_start3A_137 = tpu.memref_slice %arg11[%dma_start3A_135, %dma_start3A_136] : memref<3344x128xf32, #tpu.memory_space<vmem_shared>> -> memref<224x128xf32, #tpu.memory_space<vmem_shared>>
        %dma_start3A_138 = arith.constant 0 : i32
        %dma_start3A_139 = arith.constant 0 : i32
        %dma_start3A_140 = tpu.memref_slice %arg5[%dma_start3A_138, %dma_start3A_139] : memref<224x128xf32, #tpu.memory_space<hbm>> -> memref<224x128xf32, #tpu.memory_space<hbm>>
        tpu.enqueue_dma source(%dma_start3A_140 : memref<224x128xf32, #tpu.memory_space<hbm>>) target(%dma_start3A_137 : memref<224x128xf32, #tpu.memory_space<vmem_shared>>) target_semaphore(%run_scoped3A_134 : memref<!tpu.dma_semaphore, #tpu.memory_space<semaphore_mem>>)
        %dma_wait3A = arith.constant 3120 : i32
        %dma_wait3A_141 = arith.constant 0 : i32
        %dma_wait3A_142 = tpu.memref_slice %arg11[%dma_wait3A, %dma_wait3A_141] : memref<3344x128xf32, #tpu.memory_space<vmem_shared>> -> memref<224x128xf32, #tpu.memory_space<vmem_shared>>
        %dma_wait3A_143 = arith.constant 0 : i32
        %dma_wait3A_144 = arith.constant 0 : i32
        %dma_wait3A_145 = tpu.memref_slice %arg5[%dma_wait3A_143, %dma_wait3A_144] : memref<224x128xf32, #tpu.memory_space<hbm>> -> memref<224x128xf32, #tpu.memory_space<hbm>>
        tpu.wait_dma2 semaphore(%run_scoped3A_134 : memref<!tpu.dma_semaphore, #tpu.memory_space<semaphore_mem>>) src(%dma_wait3A_145 : memref<224x128xf32, #tpu.memory_space<hbm>>) dst(%dma_wait3A_142 : memref<224x128xf32, #tpu.memory_space<vmem_shared>>)
        tpu.yield
      }) : () -> ()
    } else {
    }
    %run_scoped3A_96 = arith.constant 2 : i32
    "tpu.region"() ({
      %run_scoped3A_134 = tpu.sem_alloc : memref<!tpu.dma_semaphore, #tpu.memory_space<semaphore_mem>>
      %dma_start3A_135 = arith.constant 0 : i32
      %dma_start3A_136 = arith.constant 0 : i32
      %dma_start3A_137 = tpu.memref_slice %arg3[%arg0, %run_scoped3A_96, %arg1, %dma_start3A_135, %dma_start3A_136] : memref<2x3x16x128x80xi32, #tpu.memory_space<hbm>> -> memref<1x1x1x128x80xi32, #tpu.memory_space<hbm>>
      %dma_start3A_138 = tpu.memref_squeeze %dma_start3A_137 : memref<1x1x1x128x80xi32, #tpu.memory_space<hbm>> -> memref<128x80xi32, #tpu.memory_space<hbm>>
      %dma_start3A_139 = arith.constant 0 : i32
      %dma_start3A_140 = arith.constant 0 : i32
      %dma_start3A_141 = tpu.memref_slice %arg3[%arg0, %run_scoped3A_96, %arg1, %dma_start3A_139, %dma_start3A_140] : memref<2x3x16x128x80xi32, #tpu.memory_space<hbm>> -> memref<1x1x1x128x80xi32, #tpu.memory_space<hbm>>
      %dma_start3A_142 = tpu.memref_squeeze %dma_start3A_141 : memref<1x1x1x128x80xi32, #tpu.memory_space<hbm>> -> memref<128x80xi32, #tpu.memory_space<hbm>>
      tpu.enqueue_dma source(%dma_start3A_142 : memref<128x80xi32, #tpu.memory_space<hbm>>) target(%arg7 : memref<128x80xi32, #tpu.memory_space<vmem>>) target_semaphore(%run_scoped3A_134 : memref<!tpu.dma_semaphore, #tpu.memory_space<semaphore_mem>>)
      %dma_wait3A = arith.constant 0 : i32
      %dma_wait3A_143 = arith.constant 0 : i32
      %dma_wait3A_144 = tpu.memref_slice %arg3[%arg0, %run_scoped3A_96, %arg1, %dma_wait3A, %dma_wait3A_143] : memref<2x3x16x128x80xi32, #tpu.memory_space<hbm>> -> memref<1x1x1x128x80xi32, #tpu.memory_space<hbm>>
      %dma_wait3A_145 = tpu.memref_squeeze %dma_wait3A_144 : memref<1x1x1x128x80xi32, #tpu.memory_space<hbm>> -> memref<128x80xi32, #tpu.memory_space<hbm>>
      %dma_wait3A_146 = arith.constant 0 : i32
      %dma_wait3A_147 = arith.constant 0 : i32
      %dma_wait3A_148 = tpu.memref_slice %arg3[%arg0, %run_scoped3A_96, %arg1, %dma_wait3A_146, %dma_wait3A_147] : memref<2x3x16x128x80xi32, #tpu.memory_space<hbm>> -> memref<1x1x1x128x80xi32, #tpu.memory_space<hbm>>
      %dma_wait3A_149 = tpu.memref_squeeze %dma_wait3A_148 : memref<1x1x1x128x80xi32, #tpu.memory_space<hbm>> -> memref<128x80xi32, #tpu.memory_space<hbm>>
      tpu.wait_dma2 semaphore(%run_scoped3A_134 : memref<!tpu.dma_semaphore, #tpu.memory_space<semaphore_mem>>) src(%dma_wait3A_149 : memref<128x80xi32, #tpu.memory_space<hbm>>) dst(%arg7 : memref<128x80xi32, #tpu.memory_space<vmem>>)
      tpu.yield
    }) : () -> ()
    %run_scoped3A_97 = arith.constant 2 : i32
    "tpu.region"() ({
      %run_scoped3A_134 = tpu.sem_alloc : memref<!tpu.dma_semaphore, #tpu.memory_space<semaphore_mem>>
      %dma_start3A_135 = arith.constant 0 : i32
      %dma_start3A_136 = arith.constant 0 : i32
      %dma_start3A_137 = tpu.memref_slice %arg4[%run_scoped3A_97, %arg1, %dma_start3A_135, %dma_start3A_136] : memref<3x16x128x80xi32, #tpu.memory_space<hbm>> -> memref<1x1x128x80xi32, #tpu.memory_space<hbm>>
      %dma_start3A_138 = tpu.memref_squeeze %dma_start3A_137 : memref<1x1x128x80xi32, #tpu.memory_space<hbm>> -> memref<128x80xi32, #tpu.memory_space<hbm>>
      %dma_start3A_139 = arith.constant 0 : i32
      %dma_start3A_140 = arith.constant 0 : i32
      %dma_start3A_141 = tpu.memref_slice %arg4[%run_scoped3A_97, %arg1, %dma_start3A_139, %dma_start3A_140] : memref<3x16x128x80xi32, #tpu.memory_space<hbm>> -> memref<1x1x128x80xi32, #tpu.memory_space<hbm>>
      %dma_start3A_142 = tpu.memref_squeeze %dma_start3A_141 : memref<1x1x128x80xi32, #tpu.memory_space<hbm>> -> memref<128x80xi32, #tpu.memory_space<hbm>>
      tpu.enqueue_dma source(%dma_start3A_142 : memref<128x80xi32, #tpu.memory_space<hbm>>) target(%arg8 : memref<128x80xi32, #tpu.memory_space<vmem>>) target_semaphore(%run_scoped3A_134 : memref<!tpu.dma_semaphore, #tpu.memory_space<semaphore_mem>>)
      %dma_wait3A = arith.constant 0 : i32
      %dma_wait3A_143 = arith.constant 0 : i32
      %dma_wait3A_144 = tpu.memref_slice %arg4[%run_scoped3A_97, %arg1, %dma_wait3A, %dma_wait3A_143] : memref<3x16x128x80xi32, #tpu.memory_space<hbm>> -> memref<1x1x128x80xi32, #tpu.memory_space<hbm>>
      %dma_wait3A_145 = tpu.memref_squeeze %dma_wait3A_144 : memref<1x1x128x80xi32, #tpu.memory_space<hbm>> -> memref<128x80xi32, #tpu.memory_space<hbm>>
      %dma_wait3A_146 = arith.constant 0 : i32
      %dma_wait3A_147 = arith.constant 0 : i32
      %dma_wait3A_148 = tpu.memref_slice %arg4[%run_scoped3A_97, %arg1, %dma_wait3A_146, %dma_wait3A_147] : memref<3x16x128x80xi32, #tpu.memory_space<hbm>> -> memref<1x1x128x80xi32, #tpu.memory_space<hbm>>
      %dma_wait3A_149 = tpu.memref_squeeze %dma_wait3A_148 : memref<1x1x128x80xi32, #tpu.memory_space<hbm>> -> memref<128x80xi32, #tpu.memory_space<hbm>>
      tpu.wait_dma2 semaphore(%run_scoped3A_134 : memref<!tpu.dma_semaphore, #tpu.memory_space<semaphore_mem>>) src(%dma_wait3A_149 : memref<128x80xi32, #tpu.memory_space<hbm>>) dst(%arg8 : memref<128x80xi32, #tpu.memory_space<vmem>>)
      tpu.yield
    }) : () -> ()
    %barrier3A_98 = arith.constant 0 : index
    tpu.barrier barrier_id(%barrier3A_98)
    %dma_start3A_99 = arith.constant 0 : i32
    %dma_start3A_100 = arith.constant 0 : i32
    %dma_start3A_101 = tpu.memref_slice %arg7[%dma_start3A_99, %dma_start3A_100] : memref<128x80xi32, #tpu.memory_space<vmem>> -> memref<1x80xi32, #tpu.memory_space<vmem>>
    %dma_start3A_102 = tpu.memref_squeeze %dma_start3A_101 : memref<1x80xi32, #tpu.memory_space<vmem>> -> memref<80xi32, #tpu.memory_space<vmem>>
    %dma_start3A_103 = arith.constant 0 : i32
    %dma_start3A_104 = arith.constant 0 : i32
    %dma_start3A_105 = tpu.memref_slice %arg2[%dma_start3A_103, %dma_start3A_104] : memref<20000x128xf32, #tpu.memory_space<hbm>> -> memref<20000x128xf32, #tpu.memory_space<hbm>>
    tpu.enqueue_indirect_dma source(%dma_start3A_105 : memref<20000x128xf32, #tpu.memory_space<hbm>>) target(%arg9 : memref<80x128xf32, #tpu.memory_space<vmem>>) offsets(%dma_start3A_102 : memref<80xi32, #tpu.memory_space<vmem>>) semaphore(%arg12 : memref<!tpu.dma_semaphore, #tpu.memory_space<semaphore_mem>>)
    %dma_start3A_106 = arith.constant 1 : i32
    %dma_start3A_107 = arith.constant 0 : i32
    %dma_start3A_108 = tpu.memref_slice %arg7[%dma_start3A_106, %dma_start3A_107] : memref<128x80xi32, #tpu.memory_space<vmem>> -> memref<1x80xi32, #tpu.memory_space<vmem>>
    %dma_start3A_109 = tpu.memref_squeeze %dma_start3A_108 : memref<1x80xi32, #tpu.memory_space<vmem>> -> memref<80xi32, #tpu.memory_space<vmem>>
    %dma_start3A_110 = arith.constant 0 : i32
    %dma_start3A_111 = arith.constant 0 : i32
    %dma_start3A_112 = tpu.memref_slice %arg2[%dma_start3A_110, %dma_start3A_111] : memref<20000x128xf32, #tpu.memory_space<hbm>> -> memref<20000x128xf32, #tpu.memory_space<hbm>>
    tpu.enqueue_indirect_dma source(%dma_start3A_112 : memref<20000x128xf32, #tpu.memory_space<hbm>>) target(%arg10 : memref<80x128xf32, #tpu.memory_space<vmem>>) offsets(%dma_start3A_109 : memref<80xi32, #tpu.memory_space<vmem>>) semaphore(%arg13 : memref<!tpu.dma_semaphore, #tpu.memory_space<semaphore_mem>>)
    %scan3A_113 = arith.constant 0 : i32
    %scan3A_114 = arith.constant 0 : i32
    %scan3A_115 = arith.constant 64 : i32
    %scan3A_116 = arith.addi %scan3A_114, %scan3A_115 : i32
    %scan3A_117 = arith.constant 1 : i32
    scf.for %scan3A_134 = %scan3A_114 to %scan3A_116 step %scan3A_117  : i32 {
      %mul3A_135 = arith.constant 2 : i32
      %mul3A_136 = arith.muli %mul3A_135, %scan3A_134 : i32
      %mul3A_137 = arith.constant 2 : i32
      %mul3A_138 = arith.muli %mul3A_137, %scan3A_134 : i32
      %add3A_139 = arith.constant 1 : i32
      %add3A_140 = arith.addi %mul3A_138, %add3A_139 : i32
      %dma_wait3A = arith.constant 0 : i32
      %dma_wait3A_141 = tpu.memref_slice %arg7[%mul3A_136, %dma_wait3A] : memref<128x80xi32, #tpu.memory_space<vmem>> -> memref<1x80xi32, #tpu.memory_space<vmem>>
      %dma_wait3A_142 = tpu.memref_squeeze %dma_wait3A_141 : memref<1x80xi32, #tpu.memory_space<vmem>> -> memref<80xi32, #tpu.memory_space<vmem>>
      %dma_wait3A_143 = arith.constant 0 : i32
      %dma_wait3A_144 = arith.constant 0 : i32
      %dma_wait3A_145 = tpu.memref_slice %arg2[%dma_wait3A_143, %dma_wait3A_144] : memref<20000x128xf32, #tpu.memory_space<hbm>> -> memref<20000x128xf32, #tpu.memory_space<hbm>>
      tpu.wait_indirect_dma semaphore(%arg12 : memref<!tpu.dma_semaphore, #tpu.memory_space<semaphore_mem>>) src(%dma_wait3A_145 : memref<20000x128xf32, #tpu.memory_space<hbm>>) dst(%arg9 : memref<80x128xf32, #tpu.memory_space<vmem>>)
      "tpu.region"() ({
        %run_scoped3A_166 = tpu.sem_alloc : memref<!tpu.dma_semaphore, #tpu.memory_space<semaphore_mem>>
        %dma_start3A_167 = arith.constant 0 : i32
        %dma_start3A_168 = tpu.memref_slice %arg8[%mul3A_136, %dma_start3A_167] : memref<128x80xi32, #tpu.memory_space<vmem>> -> memref<1x80xi32, #tpu.memory_space<vmem>>
        %dma_start3A_169 = tpu.memref_squeeze %dma_start3A_168 : memref<1x80xi32, #tpu.memory_space<vmem>> -> memref<80xi32, #tpu.memory_space<vmem>>
        %dma_start3A_170 = arith.constant 0 : i32
        %dma_start3A_171 = arith.constant 0 : i32
        %dma_start3A_172 = tpu.memref_slice %arg11[%dma_start3A_170, %dma_start3A_171] : memref<3344x128xf32, #tpu.memory_space<vmem_shared>> -> memref<3344x128xf32, #tpu.memory_space<vmem_shared>>
        tpu.enqueue_indirect_dma source(%arg9 : memref<80x128xf32, #tpu.memory_space<vmem>>) target(%dma_start3A_172 : memref<3344x128xf32, #tpu.memory_space<vmem_shared>>) offsets(%dma_start3A_169 : memref<80xi32, #tpu.memory_space<vmem>>) semaphore(%run_scoped3A_166 : memref<!tpu.dma_semaphore, #tpu.memory_space<semaphore_mem>>) {add = true}
        %dma_wait3A_173 = arith.constant 0 : i32
        %dma_wait3A_174 = tpu.memref_slice %arg8[%mul3A_136, %dma_wait3A_173] : memref<128x80xi32, #tpu.memory_space<vmem>> -> memref<1x80xi32, #tpu.memory_space<vmem>>
        %dma_wait3A_175 = tpu.memref_squeeze %dma_wait3A_174 : memref<1x80xi32, #tpu.memory_space<vmem>> -> memref<80xi32, #tpu.memory_space<vmem>>
        %dma_wait3A_176 = arith.constant 0 : i32
        %dma_wait3A_177 = arith.constant 0 : i32
        %dma_wait3A_178 = tpu.memref_slice %arg11[%dma_wait3A_176, %dma_wait3A_177] : memref<3344x128xf32, #tpu.memory_space<vmem_shared>> -> memref<3344x128xf32, #tpu.memory_space<vmem_shared>>
        tpu.wait_indirect_dma semaphore(%run_scoped3A_166 : memref<!tpu.dma_semaphore, #tpu.memory_space<semaphore_mem>>) src(%arg9 : memref<80x128xf32, #tpu.memory_space<vmem>>) dst(%dma_wait3A_178 : memref<3344x128xf32, #tpu.memory_space<vmem_shared>>)
        tpu.yield
      }) : () -> ()
      %add3A_146 = arith.constant 2 : i32
      %add3A_147 = arith.addi %mul3A_136, %add3A_146 : i32
      %lt3A_148 = arith.constant 128 : i32
      %lt3A_149 = arith.cmpi slt, %add3A_147, %lt3A_148 : i32
      %convert_element_type3A_150 = arith.extui %lt3A_149 : i1 to i32
      %cond3A_151 = arith.constant 0 : i32
      %cond3A_152 = arith.cmpi ne, %convert_element_type3A_150, %cond3A_151 : i32
      scf.if %cond3A_152 {
        %add3A_166 = arith.constant 2 : i32
        %add3A_167 = arith.addi %mul3A_136, %add3A_166 : i32
        %dma_start3A_168 = arith.constant 0 : i32
        %dma_start3A_169 = tpu.memref_slice %arg7[%add3A_167, %dma_start3A_168] : memref<128x80xi32, #tpu.memory_space<vmem>> -> memref<1x80xi32, #tpu.memory_space<vmem>>
        %dma_start3A_170 = tpu.memref_squeeze %dma_start3A_169 : memref<1x80xi32, #tpu.memory_space<vmem>> -> memref<80xi32, #tpu.memory_space<vmem>>
        %dma_start3A_171 = arith.constant 0 : i32
        %dma_start3A_172 = arith.constant 0 : i32
        %dma_start3A_173 = tpu.memref_slice %arg2[%dma_start3A_171, %dma_start3A_172] : memref<20000x128xf32, #tpu.memory_space<hbm>> -> memref<20000x128xf32, #tpu.memory_space<hbm>>
        tpu.enqueue_indirect_dma source(%dma_start3A_173 : memref<20000x128xf32, #tpu.memory_space<hbm>>) target(%arg9 : memref<80x128xf32, #tpu.memory_space<vmem>>) offsets(%dma_start3A_170 : memref<80xi32, #tpu.memory_space<vmem>>) semaphore(%arg12 : memref<!tpu.dma_semaphore, #tpu.memory_space<semaphore_mem>>)
      } else {
      }
      %dma_wait3A_153 = arith.constant 0 : i32
      %dma_wait3A_154 = tpu.memref_slice %arg7[%add3A_140, %dma_wait3A_153] : memref<128x80xi32, #tpu.memory_space<vmem>> -> memref<1x80xi32, #tpu.memory_space<vmem>>
      %dma_wait3A_155 = tpu.memref_squeeze %dma_wait3A_154 : memref<1x80xi32, #tpu.memory_space<vmem>> -> memref<80xi32, #tpu.memory_space<vmem>>
      %dma_wait3A_156 = arith.constant 0 : i32
      %dma_wait3A_157 = arith.constant 0 : i32
      %dma_wait3A_158 = tpu.memref_slice %arg2[%dma_wait3A_156, %dma_wait3A_157] : memref<20000x128xf32, #tpu.memory_space<hbm>> -> memref<20000x128xf32, #tpu.memory_space<hbm>>
      tpu.wait_indirect_dma semaphore(%arg13 : memref<!tpu.dma_semaphore, #tpu.memory_space<semaphore_mem>>) src(%dma_wait3A_158 : memref<20000x128xf32, #tpu.memory_space<hbm>>) dst(%arg10 : memref<80x128xf32, #tpu.memory_space<vmem>>)
      "tpu.region"() ({
        %run_scoped3A_166 = tpu.sem_alloc : memref<!tpu.dma_semaphore, #tpu.memory_space<semaphore_mem>>
        %dma_start3A_167 = arith.constant 0 : i32
        %dma_start3A_168 = tpu.memref_slice %arg8[%add3A_140, %dma_start3A_167] : memref<128x80xi32, #tpu.memory_space<vmem>> -> memref<1x80xi32, #tpu.memory_space<vmem>>
        %dma_start3A_169 = tpu.memref_squeeze %dma_start3A_168 : memref<1x80xi32, #tpu.memory_space<vmem>> -> memref<80xi32, #tpu.memory_space<vmem>>
        %dma_start3A_170 = arith.constant 0 : i32
        %dma_start3A_171 = arith.constant 0 : i32
        %dma_start3A_172 = tpu.memref_slice %arg11[%dma_start3A_170, %dma_start3A_171] : memref<3344x128xf32, #tpu.memory_space<vmem_shared>> -> memref<3344x128xf32, #tpu.memory_space<vmem_shared>>
        tpu.enqueue_indirect_dma source(%arg10 : memref<80x128xf32, #tpu.memory_space<vmem>>) target(%dma_start3A_172 : memref<3344x128xf32, #tpu.memory_space<vmem_shared>>) offsets(%dma_start3A_169 : memref<80xi32, #tpu.memory_space<vmem>>) semaphore(%run_scoped3A_166 : memref<!tpu.dma_semaphore, #tpu.memory_space<semaphore_mem>>) {add = true}
        %dma_wait3A_173 = arith.constant 0 : i32
        %dma_wait3A_174 = tpu.memref_slice %arg8[%add3A_140, %dma_wait3A_173] : memref<128x80xi32, #tpu.memory_space<vmem>> -> memref<1x80xi32, #tpu.memory_space<vmem>>
        %dma_wait3A_175 = tpu.memref_squeeze %dma_wait3A_174 : memref<1x80xi32, #tpu.memory_space<vmem>> -> memref<80xi32, #tpu.memory_space<vmem>>
        %dma_wait3A_176 = arith.constant 0 : i32
        %dma_wait3A_177 = arith.constant 0 : i32
        %dma_wait3A_178 = tpu.memref_slice %arg11[%dma_wait3A_176, %dma_wait3A_177] : memref<3344x128xf32, #tpu.memory_space<vmem_shared>> -> memref<3344x128xf32, #tpu.memory_space<vmem_shared>>
        tpu.wait_indirect_dma semaphore(%run_scoped3A_166 : memref<!tpu.dma_semaphore, #tpu.memory_space<semaphore_mem>>) src(%arg10 : memref<80x128xf32, #tpu.memory_space<vmem>>) dst(%dma_wait3A_178 : memref<3344x128xf32, #tpu.memory_space<vmem_shared>>)
        tpu.yield
      }) : () -> ()
      %add3A_159 = arith.constant 2 : i32
      %add3A_160 = arith.addi %add3A_140, %add3A_159 : i32
      %lt3A_161 = arith.constant 128 : i32
      %lt3A_162 = arith.cmpi slt, %add3A_160, %lt3A_161 : i32
      %convert_element_type3A_163 = arith.extui %lt3A_162 : i1 to i32
      %cond3A_164 = arith.constant 0 : i32
      %cond3A_165 = arith.cmpi ne, %convert_element_type3A_163, %cond3A_164 : i32
      scf.if %cond3A_165 {
        %add3A_166 = arith.constant 2 : i32
        %add3A_167 = arith.addi %add3A_140, %add3A_166 : i32
        %dma_start3A_168 = arith.constant 0 : i32
        %dma_start3A_169 = tpu.memref_slice %arg7[%add3A_167, %dma_start3A_168] : memref<128x80xi32, #tpu.memory_space<vmem>> -> memref<1x80xi32, #tpu.memory_space<vmem>>
        %dma_start3A_170 = tpu.memref_squeeze %dma_start3A_169 : memref<1x80xi32, #tpu.memory_space<vmem>> -> memref<80xi32, #tpu.memory_space<vmem>>
        %dma_start3A_171 = arith.constant 0 : i32
        %dma_start3A_172 = arith.constant 0 : i32
        %dma_start3A_173 = tpu.memref_slice %arg2[%dma_start3A_171, %dma_start3A_172] : memref<20000x128xf32, #tpu.memory_space<hbm>> -> memref<20000x128xf32, #tpu.memory_space<hbm>>
        tpu.enqueue_indirect_dma source(%dma_start3A_173 : memref<20000x128xf32, #tpu.memory_space<hbm>>) target(%arg10 : memref<80x128xf32, #tpu.memory_space<vmem>>) offsets(%dma_start3A_170 : memref<80xi32, #tpu.memory_space<vmem>>) semaphore(%arg13 : memref<!tpu.dma_semaphore, #tpu.memory_space<semaphore_mem>>)
      } else {
      }
    }
    %scan3A_118 = arith.constant 64 : i32
    %barrier3A_119 = arith.constant 0 : index
    tpu.barrier barrier_id(%barrier3A_119)
    %mul3A_120 = arith.constant 10000 : i32
    %mul3A_121 = arith.muli %arg0, %mul3A_120 : i32
    %add3A_122 = arith.constant 6672 : i32
    %add3A_123 = arith.addi %mul3A_121, %add3A_122 : i32
    %lt3A_124 = arith.constant 15 : i32
    %lt3A_125 = arith.cmpi slt, %arg1, %lt3A_124 : i32
    %convert_element_type3A_126 = arith.extui %lt3A_125 : i1 to i32
    %cond3A_127 = arith.constant 0 : i32
    %cond3A_128 = arith.cmpi ne, %convert_element_type3A_126, %cond3A_127 : i32
    scf.if %cond3A_128 {
      %mul3A_134 = arith.constant 208 : i32
      %mul3A_135 = arith.muli %arg1, %mul3A_134 : i32
      %mul3A_136 = arith.constant 208 : i32
      %mul3A_137 = arith.muli %arg1, %mul3A_136 : i32
      %add3A_138 = arith.addi %add3A_123, %mul3A_137 : i32
      "tpu.region"() ({
        %run_scoped3A_139 = tpu.sem_alloc : memref<!tpu.dma_semaphore, #tpu.memory_space<semaphore_mem>>
        %dma_start3A_140 = arith.constant 0 : i32
        %dma_start3A_141 = tpu.memref_slice %arg6[%add3A_138, %dma_start3A_140] : memref<20000x128xf32, #tpu.memory_space<hbm>> -> memref<208x128xf32, #tpu.memory_space<hbm>>
        %dma_start3A_142 = arith.constant 0 : i32
        %dma_start3A_143 = tpu.memref_slice %arg11[%mul3A_135, %dma_start3A_142] : memref<3344x128xf32, #tpu.memory_space<vmem_shared>> -> memref<208x128xf32, #tpu.memory_space<vmem_shared>>
        tpu.enqueue_dma source(%dma_start3A_143 : memref<208x128xf32, #tpu.memory_space<vmem_shared>>) target(%dma_start3A_141 : memref<208x128xf32, #tpu.memory_space<hbm>>) target_semaphore(%run_scoped3A_139 : memref<!tpu.dma_semaphore, #tpu.memory_space<semaphore_mem>>)
        %dma_wait3A = arith.constant 0 : i32
        %dma_wait3A_144 = tpu.memref_slice %arg6[%add3A_138, %dma_wait3A] : memref<20000x128xf32, #tpu.memory_space<hbm>> -> memref<208x128xf32, #tpu.memory_space<hbm>>
        %dma_wait3A_145 = arith.constant 0 : i32
        %dma_wait3A_146 = tpu.memref_slice %arg11[%mul3A_135, %dma_wait3A_145] : memref<3344x128xf32, #tpu.memory_space<vmem_shared>> -> memref<208x128xf32, #tpu.memory_space<vmem_shared>>
        tpu.wait_dma2 semaphore(%run_scoped3A_139 : memref<!tpu.dma_semaphore, #tpu.memory_space<semaphore_mem>>) src(%dma_wait3A_146 : memref<208x128xf32, #tpu.memory_space<vmem_shared>>) dst(%dma_wait3A_144 : memref<208x128xf32, #tpu.memory_space<hbm>>)
        tpu.yield
      }) : () -> ()
    } else {
    }
    %eq3A_129 = arith.constant 15 : i32
    %eq3A_130 = arith.cmpi eq, %arg1, %eq3A_129 : i32
    %convert_element_type3A_131 = arith.extui %eq3A_130 : i1 to i32
    %cond3A_132 = arith.constant 0 : i32
    %cond3A_133 = arith.cmpi ne, %convert_element_type3A_131, %cond3A_132 : i32
    scf.if %cond3A_133 {
      %add3A_134 = arith.constant 3120 : i32
      %add3A_135 = arith.addi %add3A_123, %add3A_134 : i32
      "tpu.region"() ({
        %run_scoped3A_136 = tpu.sem_alloc : memref<!tpu.dma_semaphore, #tpu.memory_space<semaphore_mem>>
        %dma_start3A_137 = arith.constant 0 : i32
        %dma_start3A_138 = tpu.memref_slice %arg6[%add3A_135, %dma_start3A_137] : memref<20000x128xf32, #tpu.memory_space<hbm>> -> memref<208x128xf32, #tpu.memory_space<hbm>>
        %dma_start3A_139 = arith.constant 3120 : i32
        %dma_start3A_140 = arith.constant 0 : i32
        %dma_start3A_141 = tpu.memref_slice %arg11[%dma_start3A_139, %dma_start3A_140] : memref<3344x128xf32, #tpu.memory_space<vmem_shared>> -> memref<208x128xf32, #tpu.memory_space<vmem_shared>>
        tpu.enqueue_dma source(%dma_start3A_141 : memref<208x128xf32, #tpu.memory_space<vmem_shared>>) target(%dma_start3A_138 : memref<208x128xf32, #tpu.memory_space<hbm>>) target_semaphore(%run_scoped3A_136 : memref<!tpu.dma_semaphore, #tpu.memory_space<semaphore_mem>>)
        %dma_wait3A = arith.constant 0 : i32
        %dma_wait3A_142 = tpu.memref_slice %arg6[%add3A_135, %dma_wait3A] : memref<20000x128xf32, #tpu.memory_space<hbm>> -> memref<208x128xf32, #tpu.memory_space<hbm>>
        %dma_wait3A_143 = arith.constant 3120 : i32
        %dma_wait3A_144 = arith.constant 0 : i32
        %dma_wait3A_145 = tpu.memref_slice %arg11[%dma_wait3A_143, %dma_wait3A_144] : memref<3344x128xf32, #tpu.memory_space<vmem_shared>> -> memref<208x128xf32, #tpu.memory_space<vmem_shared>>
        tpu.wait_dma2 semaphore(%run_scoped3A_136 : memref<!tpu.dma_semaphore, #tpu.memory_space<semaphore_mem>>) src(%dma_wait3A_145 : memref<208x128xf32, #tpu.memory_space<vmem_shared>>) dst(%dma_wait3A_142 : memref<208x128xf32, #tpu.memory_space<hbm>>)
        tpu.yield
      }) : () -> ()
    } else {
    }
    return
  }
}

module attributes {stable_mosaic.version = 14 : i64} {
  func.func @tc_add1(%arg0: i32, %arg1: memref<1000x128xf32, #tpu.memory_space<vmem>>, %arg2: memref<2x1000x128xf32, #tpu.memory_space<vmem>>, %arg3: memref<1000x128xf32, #tpu.memory_space<vmem>>) attributes {dimension_semantics = [#tpu.dimension_semantics<arbitrary>], iteration_bounds = array<i64: 10>, scalar_prefetch = 0 : i64, scratch_operands = 0 : i64, tpu.core_type = #tpu.core_type<tc>, window_params = [{transform_indices = @transform_0, window_bounds = array<i64: 1000, 128>}, {transform_indices = @transform_1, window_bounds = array<i64: 2, 1000, 128>}, {transform_indices = @transform_2, window_bounds = array<i64: 1000, 128>}]} {
    %get3A = arith.constant 0 : index
    %get3A_0 = arith.constant 0 : index
    %get3A_1 = vector.load %arg1[%get3A, %get3A_0] : memref<1000x128xf32, #tpu.memory_space<vmem>>, vector<1000x128xf32>
    %get3A_2 = arith.constant 0 : index
    %get3A_3 = arith.constant 0 : index
    %get3A_4 = arith.constant 0 : index
    %get3A_5 = vector.load %arg2[%get3A_2, %get3A_3, %get3A_4] : memref<2x1000x128xf32, #tpu.memory_space<vmem>>, vector<1x1000x128xf32>
    %get3A_6 = vector.shape_cast %get3A_5 : vector<1x1000x128xf32> to vector<1000x128xf32>
    %add3A = arith.addf %get3A_1, %get3A_6 : vector<1000x128xf32>
    %swap3A = arith.constant 0 : index
    %swap3A_7 = arith.constant 0 : index
    %swap3A_8 = vector.load %arg3[%swap3A, %swap3A_7] : memref<1000x128xf32, #tpu.memory_space<vmem>>, vector<1000x128xf32>
    tpu.vector_store %arg3[%swap3A, %swap3A_7], %add3A {strides = array<i32>} : memref<1000x128xf32, #tpu.memory_space<vmem>>, vector<1000x128xf32>,
    return
  }
  func.func @transform_0(%arg0: i32) -> (i32, i32) {
    %c0_i32 = arith.constant 0 : i32
    %c0_i32_0 = arith.constant 0 : i32
    return %arg0, %c0_i32 : i32, i32
  }
  func.func @transform_1(%arg0: i32) -> (i32, i32, i32) {
    %c0_i32 = arith.constant 0 : i32
    %c0_i32_0 = arith.constant 0 : i32
    %c0_i32_1 = arith.constant 0 : i32
    return %c0_i32, %arg0, %c0_i32_0 : i32, i32, i32
  }
  func.func @transform_2(%arg0: i32) -> (i32, i32) {
    %c0_i32 = arith.constant 0 : i32
    %c0_i32_0 = arith.constant 0 : i32
    return %arg0, %c0_i32 : i32, i32
  }
}

module attributes {stable_mosaic.version = 14 : i64} {
  func.func @tc_dot(%arg0: i32, %arg1: memref<1000x128xf32, #tpu.memory_space<vmem>>, %arg2: memref<128x256xf32, #tpu.memory_space<vmem>>, %arg3: memref<1x256xf32, #tpu.memory_space<vmem>>, %arg4: memref<1000x256xf32, #tpu.memory_space<vmem>>) attributes {dimension_semantics = [#tpu.dimension_semantics<arbitrary>], iteration_bounds = array<i64: 10>, scalar_prefetch = 0 : i64, scratch_operands = 0 : i64, tpu.core_type = #tpu.core_type<tc>, window_params = [{transform_indices = @transform_0, window_bounds = array<i64: 1000, 128>}, {pipeline_mode = #tpu.pipeline_mode<synchronous>, transform_indices = @transform_1, window_bounds = array<i64: 128, 256>}, {pipeline_mode = #tpu.pipeline_mode<synchronous>, transform_indices = @transform_2, window_bounds = array<i64: 1, 256>}, {transform_indices = @transform_3, window_bounds = array<i64: 1000, 256>}]} {
    %get3A = arith.constant 0 : index
    %get3A_0 = arith.constant 0 : index
    %get3A_1 = vector.load %arg1[%get3A, %get3A_0] : memref<1000x128xf32, #tpu.memory_space<vmem>>, vector<1000x128xf32>
    %get3A_2 = arith.constant 0 : index
    %get3A_3 = arith.constant 0 : index
    %get3A_4 = vector.load %arg2[%get3A_2, %get3A_3] : memref<128x256xf32, #tpu.memory_space<vmem>>, vector<128x256xf32>
    %dot_general3A = arith.constant dense<0.000000e+00> : vector<1000x256xf32>
    %dot_general3A_5 = tpu.matmul %get3A_1, %get3A_4, %dot_general3A {dimension_numbers = #tpu.dot_dimension_numbers<[1], [0], [0], [1], [0, 0, 1, 1], [], []>, transpose_lhs_hint = false} : vector<1000x128xf32>, vector<128x256xf32>, vector<1000x256xf32> -> vector<1000x256xf32>
    %get3A_6 = arith.constant 0 : index
    %get3A_7 = arith.constant 0 : index
    %get3A_8 = vector.load %arg3[%get3A_6, %get3A_7] : memref<1x256xf32, #tpu.memory_space<vmem>>, vector<1x256xf32>
    %add3A = vector.broadcast %get3A_8 : vector<1x256xf32> to vector<1000x256xf32>
    %add3A_9 = arith.addf %dot_general3A_5, %add3A : vector<1000x256xf32>
    %max3A = arith.constant 0.000000e+00 : f32
    %max3A_10 = vector.broadcast %max3A : f32 to vector<1000x256xf32>
    %max3A_11 = arith.maximumf %add3A_9, %max3A_10 : vector<1000x256xf32>
    %swap3A = arith.constant 0 : index
    %swap3A_12 = arith.constant 0 : index
    %swap3A_13 = vector.load %arg4[%swap3A, %swap3A_12] : memref<1000x256xf32, #tpu.memory_space<vmem>>, vector<1000x256xf32>
    tpu.vector_store %arg4[%swap3A, %swap3A_12], %max3A_11 {strides = array<i32>} : memref<1000x256xf32, #tpu.memory_space<vmem>>, vector<1000x256xf32>,
    return
  }
  func.func @transform_0(%arg0: i32) -> (i32, i32) {
    %c0_i32 = arith.constant 0 : i32
    %c0_i32_0 = arith.constant 0 : i32
    return %arg0, %c0_i32 : i32, i32
  }
  func.func @transform_1(%arg0: i32) -> (i32, i32) {
    %c0_i32 = arith.constant 0 : i32
    %c0_i32_0 = arith.constant 0 : i32
    %c0_i32_1 = arith.constant 0 : i32
    return %c0_i32, %c0_i32_0 : i32, i32
  }
  func.func @transform_2(%arg0: i32) -> (i32, i32) {
    %c0_i32 = arith.constant 0 : i32
    %c0_i32_0 = arith.constant 0 : i32
    %c0_i32_1 = arith.constant 0 : i32
    return %c0_i32, %c0_i32_0 : i32, i32
  }
  func.func @transform_3(%arg0: i32) -> (i32, i32) {
    %c0_i32 = arith.constant 0 : i32
    %c0_i32_0 = arith.constant 0 : i32
    return %arg0, %c0_i32 : i32, i32
  }
}

module attributes {stable_mosaic.version = 14 : i64} {
  func.func @tc_dot(%arg0: i32, %arg1: memref<1000x256xf32, #tpu.memory_space<vmem>>, %arg2: memref<256x256xf32, #tpu.memory_space<vmem>>, %arg3: memref<1x256xf32, #tpu.memory_space<vmem>>, %arg4: memref<1000x256xf32, #tpu.memory_space<vmem>>) attributes {dimension_semantics = [#tpu.dimension_semantics<arbitrary>], iteration_bounds = array<i64: 10>, scalar_prefetch = 0 : i64, scratch_operands = 0 : i64, tpu.core_type = #tpu.core_type<tc>, window_params = [{transform_indices = @transform_0, window_bounds = array<i64: 1000, 256>}, {pipeline_mode = #tpu.pipeline_mode<synchronous>, transform_indices = @transform_1, window_bounds = array<i64: 256, 256>}, {pipeline_mode = #tpu.pipeline_mode<synchronous>, transform_indices = @transform_2, window_bounds = array<i64: 1, 256>}, {transform_indices = @transform_3, window_bounds = array<i64: 1000, 256>}]} {
    %get3A = arith.constant 0 : index
    %get3A_0 = arith.constant 0 : index
    %get3A_1 = vector.load %arg1[%get3A, %get3A_0] : memref<1000x256xf32, #tpu.memory_space<vmem>>, vector<1000x256xf32>
    %get3A_2 = arith.constant 0 : index
    %get3A_3 = arith.constant 0 : index
    %get3A_4 = vector.load %arg2[%get3A_2, %get3A_3] : memref<256x256xf32, #tpu.memory_space<vmem>>, vector<256x256xf32>
    %dot_general3A = arith.constant dense<0.000000e+00> : vector<1000x256xf32>
    %dot_general3A_5 = tpu.matmul %get3A_1, %get3A_4, %dot_general3A {dimension_numbers = #tpu.dot_dimension_numbers<[1], [0], [0], [1], [0, 0, 1, 1], [], []>, transpose_lhs_hint = false} : vector<1000x256xf32>, vector<256x256xf32>, vector<1000x256xf32> -> vector<1000x256xf32>
    %get3A_6 = arith.constant 0 : index
    %get3A_7 = arith.constant 0 : index
    %get3A_8 = vector.load %arg3[%get3A_6, %get3A_7] : memref<1x256xf32, #tpu.memory_space<vmem>>, vector<1x256xf32>
    %add3A = vector.broadcast %get3A_8 : vector<1x256xf32> to vector<1000x256xf32>
    %add3A_9 = arith.addf %dot_general3A_5, %add3A : vector<1000x256xf32>
    %max3A = arith.constant 0.000000e+00 : f32
    %max3A_10 = vector.broadcast %max3A : f32 to vector<1000x256xf32>
    %max3A_11 = arith.maximumf %add3A_9, %max3A_10 : vector<1000x256xf32>
    %swap3A = arith.constant 0 : index
    %swap3A_12 = arith.constant 0 : index
    %swap3A_13 = vector.load %arg4[%swap3A, %swap3A_12] : memref<1000x256xf32, #tpu.memory_space<vmem>>, vector<1000x256xf32>
    tpu.vector_store %arg4[%swap3A, %swap3A_12], %max3A_11 {strides = array<i32>} : memref<1000x256xf32, #tpu.memory_space<vmem>>, vector<1000x256xf32>,
    return
  }
  func.func @transform_0(%arg0: i32) -> (i32, i32) {
    %c0_i32 = arith.constant 0 : i32
    %c0_i32_0 = arith.constant 0 : i32
    return %arg0, %c0_i32 : i32, i32
  }
  func.func @transform_1(%arg0: i32) -> (i32, i32) {
    %c0_i32 = arith.constant 0 : i32
    %c0_i32_0 = arith.constant 0 : i32
    %c0_i32_1 = arith.constant 0 : i32
    return %c0_i32, %c0_i32_0 : i32, i32
  }
  func.func @transform_2(%arg0: i32) -> (i32, i32) {
    %c0_i32 = arith.constant 0 : i32
    %c0_i32_0 = arith.constant 0 : i32
    %c0_i32_1 = arith.constant 0 : i32
    return %c0_i32, %c0_i32_0 : i32, i32
  }
  func.func @transform_3(%arg0: i32) -> (i32, i32) {
    %c0_i32 = arith.constant 0 : i32
    %c0_i32_0 = arith.constant 0 : i32
    return %arg0, %c0_i32 : i32, i32
  }
}

module attributes {stable_mosaic.version = 14 : i64} {
  func.func @tc_split(%arg0: i32, %arg1: memref<1000x256xf32, #tpu.memory_space<vmem>>, %arg2: memref<2x1000x128xf32, #tpu.memory_space<vmem>>) attributes {dimension_semantics = [#tpu.dimension_semantics<arbitrary>], iteration_bounds = array<i64: 10>, scalar_prefetch = 0 : i64, scratch_operands = 0 : i64, tpu.core_type = #tpu.core_type<tc>, window_params = [{transform_indices = @transform_0, window_bounds = array<i64: 1000, 256>}, {transform_indices = @transform_1, window_bounds = array<i64: 2, 1000, 128>}]} {
    %get3A = arith.constant 0 : index
    %get3A_0 = arith.constant 0 : index
    %get3A_1 = vector.load %arg1[%get3A, %get3A_0] : memref<1000x256xf32, #tpu.memory_space<vmem>>, vector<1000x128xf32>
    %swap3A = arith.constant 0 : index
    %swap3A_2 = arith.constant 0 : index
    %swap3A_3 = arith.constant 0 : index
    %swap3A_4 = vector.load %arg2[%swap3A, %swap3A_2, %swap3A_3] : memref<2x1000x128xf32, #tpu.memory_space<vmem>>, vector<1x1000x128xf32>
    %swap3A_5 = vector.shape_cast %swap3A_4 : vector<1x1000x128xf32> to vector<1000x128xf32>
    %swap3A_6 = vector.shape_cast %get3A_1 : vector<1000x128xf32> to vector<1x1000x128xf32>
    tpu.vector_store %arg2[%swap3A, %swap3A_2, %swap3A_3], %swap3A_6 {strides = array<i32>} : memref<2x1000x128xf32, #tpu.memory_space<vmem>>, vector<1x1000x128xf32>,
    %get3A_7 = arith.constant 0 : index
    %get3A_8 = arith.constant 128 : index
    %get3A_9 = vector.load %arg1[%get3A_7, %get3A_8] : memref<1000x256xf32, #tpu.memory_space<vmem>>, vector<1000x128xf32>
    %swap3A_10 = arith.constant 1 : index
    %swap3A_11 = arith.constant 0 : index
    %swap3A_12 = arith.constant 0 : index
    %swap3A_13 = vector.load %arg2[%swap3A_10, %swap3A_11, %swap3A_12] : memref<2x1000x128xf32, #tpu.memory_space<vmem>>, vector<1x1000x128xf32>
    %swap3A_14 = vector.shape_cast %swap3A_13 : vector<1x1000x128xf32> to vector<1000x128xf32>
    %swap3A_15 = vector.shape_cast %get3A_9 : vector<1000x128xf32> to vector<1x1000x128xf32>
    tpu.vector_store %arg2[%swap3A_10, %swap3A_11, %swap3A_12], %swap3A_15 {strides = array<i32>} : memref<2x1000x128xf32, #tpu.memory_space<vmem>>, vector<1x1000x128xf32>,
    return
  }
  func.func @transform_0(%arg0: i32) -> (i32, i32) {
    %c0_i32 = arith.constant 0 : i32
    %c0_i32_0 = arith.constant 0 : i32
    return %arg0, %c0_i32 : i32, i32
  }
  func.func @transform_1(%arg0: i32) -> (i32, i32, i32) {
    %c0_i32 = arith.constant 0 : i32
    %c0_i32_0 = arith.constant 0 : i32
    %c0_i32_1 = arith.constant 0 : i32
    return %c0_i32, %arg0, %c0_i32_0 : i32, i32, i32
  }
}

module attributes {stable_mosaic.version = 14 : i64} {
  func.func @tc_addg(%arg0: i32, %arg1: memref<1000x256xf32, #tpu.memory_space<vmem>>, %arg2: memref<2x1000x128xf32, #tpu.memory_space<vmem>>, %arg3: memref<1000x256xf32, #tpu.memory_space<vmem>>) attributes {dimension_semantics = [#tpu.dimension_semantics<arbitrary>], iteration_bounds = array<i64: 10>, scalar_prefetch = 0 : i64, scratch_operands = 0 : i64, tpu.core_type = #tpu.core_type<tc>, window_params = [{transform_indices = @transform_0, window_bounds = array<i64: 1000, 256>}, {transform_indices = @transform_1, window_bounds = array<i64: 2, 1000, 128>}, {transform_indices = @transform_2, window_bounds = array<i64: 1000, 256>}]} {
    %get3A = arith.constant 0 : index
    %get3A_0 = arith.constant 0 : index
    %get3A_1 = vector.load %arg1[%get3A, %get3A_0] : memref<1000x256xf32, #tpu.memory_space<vmem>>, vector<1000x256xf32>
    %get3A_2 = arith.constant 0 : index
    %get3A_3 = arith.constant 0 : index
    %get3A_4 = arith.constant 0 : index
    %get3A_5 = vector.load %arg2[%get3A_2, %get3A_3, %get3A_4] : memref<2x1000x128xf32, #tpu.memory_space<vmem>>, vector<1x1000x128xf32>
    %get3A_6 = vector.shape_cast %get3A_5 : vector<1x1000x128xf32> to vector<1000x128xf32>
    %get3A_7 = arith.constant 1 : index
    %get3A_8 = arith.constant 0 : index
    %get3A_9 = arith.constant 0 : index
    %get3A_10 = vector.load %arg2[%get3A_7, %get3A_8, %get3A_9] : memref<2x1000x128xf32, #tpu.memory_space<vmem>>, vector<1x1000x128xf32>
    %get3A_11 = vector.shape_cast %get3A_10 : vector<1x1000x128xf32> to vector<1000x128xf32>
    %concatenate3A = tpu.concatenate %get3A_6, %get3A_11 in 1 : vector<1000x128xf32>, vector<1000x128xf32> -> vector<1000x256xf32>
    %add3A = arith.addf %get3A_1, %concatenate3A : vector<1000x256xf32>
    %swap3A = arith.constant 0 : index
    %swap3A_12 = arith.constant 0 : index
    %swap3A_13 = vector.load %arg3[%swap3A, %swap3A_12] : memref<1000x256xf32, #tpu.memory_space<vmem>>, vector<1000x256xf32>
    tpu.vector_store %arg3[%swap3A, %swap3A_12], %add3A {strides = array<i32>} : memref<1000x256xf32, #tpu.memory_space<vmem>>, vector<1000x256xf32>,
    return
  }
  func.func @transform_0(%arg0: i32) -> (i32, i32) {
    %c0_i32 = arith.constant 0 : i32
    %c0_i32_0 = arith.constant 0 : i32
    return %arg0, %c0_i32 : i32, i32
  }
  func.func @transform_1(%arg0: i32) -> (i32, i32, i32) {
    %c0_i32 = arith.constant 0 : i32
    %c0_i32_0 = arith.constant 0 : i32
    %c0_i32_1 = arith.constant 0 : i32
    return %c0_i32, %arg0, %c0_i32_0 : i32, i32, i32
  }
  func.func @transform_2(%arg0: i32) -> (i32, i32) {
    %c0_i32 = arith.constant 0 : i32
    %c0_i32_0 = arith.constant 0 : i32
    return %arg0, %c0_i32 : i32, i32
  }
}

module attributes {stable_mosaic.version = 14 : i64} {
  func.func @tc_pool(%arg0: i32, %arg1: memref<1000x256xf32, #tpu.memory_space<vmem>>, %arg2: memref<1000x1xi32, #tpu.memory_space<vmem>>, %arg3: memref<384x256xf32, #tpu.memory_space<vmem>>, %arg4: memref<384x256xf32, #tpu.memory_space<vmem>>) attributes {dimension_semantics = [#tpu.dimension_semantics<arbitrary>], iteration_bounds = array<i64: 10>, scalar_prefetch = 0 : i64, scratch_operands = 1 : i64, tpu.core_type = #tpu.core_type<tc>, window_params = [{transform_indices = @transform_0, window_bounds = array<i64: 1000, 256>}, {transform_indices = @transform_1, window_bounds = array<i64: 1000, 1>}, {pipeline_mode = #tpu.pipeline_mode<synchronous>, transform_indices = @transform_2, window_bounds = array<i64: 384, 256>}]} {
    %eq3A = arith.constant 0 : i32
    %eq3A_0 = arith.cmpi eq, %arg0, %eq3A : i32
    %convert_element_type3A = arith.extui %eq3A_0 : i1 to i32
    %cond3A = arith.constant 0 : i32
    %cond3A_1 = arith.cmpi ne, %convert_element_type3A, %cond3A : i32
    scf.if %cond3A_1 {
      %broadcast_in_dim3A = arith.constant 0.000000e+00 : f32
      %broadcast_in_dim3A_22 = vector.broadcast %broadcast_in_dim3A : f32 to vector<384x256xf32>
      %swap3A_23 = arith.constant 0 : index
      %swap3A_24 = arith.constant 0 : index
      %swap3A_25 = vector.load %arg4[%swap3A_23, %swap3A_24] : memref<384x256xf32, #tpu.memory_space<vmem>>, vector<384x256xf32>
      tpu.vector_store %arg4[%swap3A_23, %swap3A_24], %broadcast_in_dim3A_22 {strides = array<i32>} : memref<384x256xf32, #tpu.memory_space<vmem>>, vector<384x256xf32>,
    } else {
    }
    %iota3A = tpu.iota {dimensions = array<i32: 1>} : vector<1000x384xi32>
    %get3A = arith.constant 0 : index
    %get3A_2 = arith.constant 0 : index
    %get3A_3 = vector.load %arg2[%get3A, %get3A_2] : memref<1000x1xi32, #tpu.memory_space<vmem>>, vector<1000x1xi32>
    %eq3A_4 = vector.broadcast %get3A_3 : vector<1000x1xi32> to vector<1000x384xi32>
    %eq3A_5 = arith.cmpi eq, %eq3A_4, %iota3A : vector<1000x384xi32>
    %convert_element_type3A_6 = arith.extui %eq3A_5 : vector<1000x384xi1> to vector<1000x384xi32>
    %convert_element_type3A_7 = arith.sitofp %convert_element_type3A_6 : vector<1000x384xi32> to vector<1000x384xf32>
    %get3A_8 = arith.constant 0 : index
    %get3A_9 = arith.constant 0 : index
    %get3A_10 = vector.load %arg4[%get3A_8, %get3A_9] : memref<384x256xf32, #tpu.memory_space<vmem>>, vector<384x256xf32>
    %get3A_11 = arith.constant 0 : index
    %get3A_12 = arith.constant 0 : index
    %get3A_13 = vector.load %arg1[%get3A_11, %get3A_12] : memref<1000x256xf32, #tpu.memory_space<vmem>>, vector<1000x256xf32>
    %dot_general3A = arith.constant dense<0.000000e+00> : vector<384x256xf32>
    %dot_general3A_14 = tpu.matmul %convert_element_type3A_7, %get3A_13, %dot_general3A {dimension_numbers = #tpu.dot_dimension_numbers<[0], [0], [1], [1], [0, 1, 1, 1], [], []>, precision = #tpu.contract_precision<fp32>, transpose_lhs_hint = false} : vector<1000x384xf32>, vector<1000x256xf32>, vector<384x256xf32> -> vector<384x256xf32>
    %add3A = arith.addf %get3A_10, %dot_general3A_14 : vector<384x256xf32>
    %swap3A = arith.constant 0 : index
    %swap3A_15 = arith.constant 0 : index
    %swap3A_16 = vector.load %arg4[%swap3A, %swap3A_15] : memref<384x256xf32, #tpu.memory_space<vmem>>, vector<384x256xf32>
    tpu.vector_store %arg4[%swap3A, %swap3A_15], %add3A {strides = array<i32>} : memref<384x256xf32, #tpu.memory_space<vmem>>, vector<384x256xf32>,
    %eq3A_17 = arith.constant 9 : i32
    %eq3A_18 = arith.cmpi eq, %arg0, %eq3A_17 : i32
    %convert_element_type3A_19 = arith.extui %eq3A_18 : i1 to i32
    %cond3A_20 = arith.constant 0 : i32
    %cond3A_21 = arith.cmpi ne, %convert_element_type3A_19, %cond3A_20 : i32
    scf.if %cond3A_21 {
      %get3A_22 = arith.constant 0 : index
      %get3A_23 = arith.constant 0 : index
      %get3A_24 = vector.load %arg4[%get3A_22, %get3A_23] : memref<384x256xf32, #tpu.memory_space<vmem>>, vector<384x256xf32>
      %swap3A_25 = arith.constant 0 : index
      %swap3A_26 = arith.constant 0 : index
      %swap3A_27 = vector.load %arg3[%swap3A_25, %swap3A_26] : memref<384x256xf32, #tpu.memory_space<vmem>>, vector<384x256xf32>
      tpu.vector_store %arg3[%swap3A_25, %swap3A_26], %get3A_24 {strides = array<i32>} : memref<384x256xf32, #tpu.memory_space<vmem>>, vector<384x256xf32>,
    } else {
    }
    return
  }
  func.func @transform_0(%arg0: i32) -> (i32, i32) {
    %c0_i32 = arith.constant 0 : i32
    %c0_i32_0 = arith.constant 0 : i32
    return %arg0, %c0_i32 : i32, i32
  }
  func.func @transform_1(%arg0: i32) -> (i32, i32) {
    %c0_i32 = arith.constant 0 : i32
    %c0_i32_0 = arith.constant 0 : i32
    return %arg0, %c0_i32 : i32, i32
  }
  func.func @transform_2(%arg0: i32) -> (i32, i32) {
    %c0_i32 = arith.constant 0 : i32
    %c0_i32_0 = arith.constant 0 : i32
    %c0_i32_1 = arith.constant 0 : i32
    return %c0_i32, %c0_i32_0 : i32, i32
  }
}

module attributes {stable_mosaic.version = 14 : i64} {
  func.func @tc_dot(%arg0: i32, %arg1: memref<384x256xf32, #tpu.memory_space<vmem>>, %arg2: memref<256x128xf32, #tpu.memory_space<vmem>>, %arg3: memref<1x128xf32, #tpu.memory_space<vmem>>, %arg4: memref<384x128xf32, #tpu.memory_space<vmem>>) attributes {dimension_semantics = [#tpu.dimension_semantics<arbitrary>], iteration_bounds = array<i64: 1>, scalar_prefetch = 0 : i64, scratch_operands = 0 : i64, tpu.core_type = #tpu.core_type<tc>, window_params = [{transform_indices = @transform_0, window_bounds = array<i64: 384, 256>}, {pipeline_mode = #tpu.pipeline_mode<synchronous>, transform_indices = @transform_1, window_bounds = array<i64: 256, 128>}, {pipeline_mode = #tpu.pipeline_mode<synchronous>, transform_indices = @transform_2, window_bounds = array<i64: 1, 128>}, {transform_indices = @transform_3, window_bounds = array<i64: 384, 128>}]} {
    %get3A = arith.constant 0 : index
    %get3A_0 = arith.constant 0 : index
    %get3A_1 = vector.load %arg1[%get3A, %get3A_0] : memref<384x256xf32, #tpu.memory_space<vmem>>, vector<384x256xf32>
    %get3A_2 = arith.constant 0 : index
    %get3A_3 = arith.constant 0 : index
    %get3A_4 = vector.load %arg2[%get3A_2, %get3A_3] : memref<256x128xf32, #tpu.memory_space<vmem>>, vector<256x128xf32>
    %dot_general3A = arith.constant dense<0.000000e+00> : vector<384x128xf32>
    %dot_general3A_5 = tpu.matmul %get3A_1, %get3A_4, %dot_general3A {dimension_numbers = #tpu.dot_dimension_numbers<[1], [0], [0], [1], [0, 0, 1, 1], [], []>, transpose_lhs_hint = false} : vector<384x256xf32>, vector<256x128xf32>, vector<384x128xf32> -> vector<384x128xf32>
    %get3A_6 = arith.constant 0 : index
    %get3A_7 = arith.constant 0 : index
    %get3A_8 = vector.load %arg3[%get3A_6, %get3A_7] : memref<1x128xf32, #tpu.memory_space<vmem>>, vector<1x128xf32>
    %add3A = vector.broadcast %get3A_8 : vector<1x128xf32> to vector<384x128xf32>
    %add3A_9 = arith.addf %dot_general3A_5, %add3A : vector<384x128xf32>
    %max3A = arith.constant 0.000000e+00 : f32
    %max3A_10 = vector.broadcast %max3A : f32 to vector<384x128xf32>
    %max3A_11 = arith.maximumf %add3A_9, %max3A_10 : vector<384x128xf32>
    %swap3A = arith.constant 0 : index
    %swap3A_12 = arith.constant 0 : index
    %swap3A_13 = vector.load %arg4[%swap3A, %swap3A_12] : memref<384x128xf32, #tpu.memory_space<vmem>>, vector<384x128xf32>
    tpu.vector_store %arg4[%swap3A, %swap3A_12], %max3A_11 {strides = array<i32>} : memref<384x128xf32, #tpu.memory_space<vmem>>, vector<384x128xf32>,
    return
  }
  func.func @transform_0(%arg0: i32) -> (i32, i32) {
    %c0_i32 = arith.constant 0 : i32
    %c0_i32_0 = arith.constant 0 : i32
    return %arg0, %c0_i32 : i32, i32
  }
  func.func @transform_1(%arg0: i32) -> (i32, i32) {
    %c0_i32 = arith.constant 0 : i32
    %c0_i32_0 = arith.constant 0 : i32
    %c0_i32_1 = arith.constant 0 : i32
    return %c0_i32, %c0_i32_0 : i32, i32
  }
  func.func @transform_2(%arg0: i32) -> (i32, i32) {
    %c0_i32 = arith.constant 0 : i32
    %c0_i32_0 = arith.constant 0 : i32
    %c0_i32_1 = arith.constant 0 : i32
    return %c0_i32, %c0_i32_0 : i32, i32
  }
  func.func @transform_3(%arg0: i32) -> (i32, i32) {
    %c0_i32 = arith.constant 0 : i32
    %c0_i32_0 = arith.constant 0 : i32
    return %arg0, %c0_i32 : i32, i32
  }
}

module attributes {stable_mosaic.version = 14 : i64} {
  func.func @tc_dot(%arg0: i32, %arg1: memref<384x128xf32, #tpu.memory_space<vmem>>, %arg2: memref<128x1024xf32, #tpu.memory_space<vmem>>, %arg3: memref<1x1024xf32, #tpu.memory_space<vmem>>, %arg4: memref<384x1024xf32, #tpu.memory_space<vmem>>) attributes {dimension_semantics = [#tpu.dimension_semantics<arbitrary>], iteration_bounds = array<i64: 1>, scalar_prefetch = 0 : i64, scratch_operands = 0 : i64, tpu.core_type = #tpu.core_type<tc>, window_params = [{transform_indices = @transform_0, window_bounds = array<i64: 384, 128>}, {pipeline_mode = #tpu.pipeline_mode<synchronous>, transform_indices = @transform_1, window_bounds = array<i64: 128, 1024>}, {pipeline_mode = #tpu.pipeline_mode<synchronous>, transform_indices = @transform_2, window_bounds = array<i64: 1, 1024>}, {transform_indices = @transform_3, window_bounds = array<i64: 384, 1024>}]} {
    %get3A = arith.constant 0 : index
    %get3A_0 = arith.constant 0 : index
    %get3A_1 = vector.load %arg1[%get3A, %get3A_0] : memref<384x128xf32, #tpu.memory_space<vmem>>, vector<384x128xf32>
    %get3A_2 = arith.constant 0 : index
    %get3A_3 = arith.constant 0 : index
    %get3A_4 = vector.load %arg2[%get3A_2, %get3A_3] : memref<128x1024xf32, #tpu.memory_space<vmem>>, vector<128x1024xf32>
    %dot_general3A = arith.constant dense<0.000000e+00> : vector<384x1024xf32>
    %dot_general3A_5 = tpu.matmul %get3A_1, %get3A_4, %dot_general3A {dimension_numbers = #tpu.dot_dimension_numbers<[1], [0], [0], [1], [0, 0, 1, 1], [], []>, transpose_lhs_hint = false} : vector<384x128xf32>, vector<128x1024xf32>, vector<384x1024xf32> -> vector<384x1024xf32>
    %get3A_6 = arith.constant 0 : index
    %get3A_7 = arith.constant 0 : index
    %get3A_8 = vector.load %arg3[%get3A_6, %get3A_7] : memref<1x1024xf32, #tpu.memory_space<vmem>>, vector<1x1024xf32>
    %add3A = vector.broadcast %get3A_8 : vector<1x1024xf32> to vector<384x1024xf32>
    %add3A_9 = arith.addf %dot_general3A_5, %add3A : vector<384x1024xf32>
    %max3A = arith.constant 0.000000e+00 : f32
    %max3A_10 = vector.broadcast %max3A : f32 to vector<384x1024xf32>
    %max3A_11 = arith.maximumf %add3A_9, %max3A_10 : vector<384x1024xf32>
    %swap3A = arith.constant 0 : index
    %swap3A_12 = arith.constant 0 : index
    %swap3A_13 = vector.load %arg4[%swap3A, %swap3A_12] : memref<384x1024xf32, #tpu.memory_space<vmem>>, vector<384x1024xf32>
    tpu.vector_store %arg4[%swap3A, %swap3A_12], %max3A_11 {strides = array<i32>} : memref<384x1024xf32, #tpu.memory_space<vmem>>, vector<384x1024xf32>,
    return
  }
  func.func @transform_0(%arg0: i32) -> (i32, i32) {
    %c0_i32 = arith.constant 0 : i32
    %c0_i32_0 = arith.constant 0 : i32
    return %arg0, %c0_i32 : i32, i32
  }
  func.func @transform_1(%arg0: i32) -> (i32, i32) {
    %c0_i32 = arith.constant 0 : i32
    %c0_i32_0 = arith.constant 0 : i32
    %c0_i32_1 = arith.constant 0 : i32
    return %c0_i32, %c0_i32_0 : i32, i32
  }
  func.func @transform_2(%arg0: i32) -> (i32, i32) {
    %c0_i32 = arith.constant 0 : i32
    %c0_i32_0 = arith.constant 0 : i32
    %c0_i32_1 = arith.constant 0 : i32
    return %c0_i32, %c0_i32_0 : i32, i32
  }
  func.func @transform_3(%arg0: i32) -> (i32, i32) {
    %c0_i32 = arith.constant 0 : i32
    %c0_i32_0 = arith.constant 0 : i32
    return %arg0, %c0_i32 : i32, i32
  }
}

module attributes {stable_mosaic.version = 14 : i64} {
  func.func @tc_dot(%arg0: i32, %arg1: memref<384x1024xf32, #tpu.memory_space<vmem>>, %arg2: memref<1024x256xf32, #tpu.memory_space<vmem>>, %arg3: memref<1x256xf32, #tpu.memory_space<vmem>>, %arg4: memref<384x256xf32, #tpu.memory_space<vmem>>) attributes {dimension_semantics = [#tpu.dimension_semantics<arbitrary>], iteration_bounds = array<i64: 1>, scalar_prefetch = 0 : i64, scratch_operands = 0 : i64, tpu.core_type = #tpu.core_type<tc>, window_params = [{transform_indices = @transform_0, window_bounds = array<i64: 384, 1024>}, {pipeline_mode = #tpu.pipeline_mode<synchronous>, transform_indices = @transform_1, window_bounds = array<i64: 1024, 256>}, {pipeline_mode = #tpu.pipeline_mode<synchronous>, transform_indices = @transform_2, window_bounds = array<i64: 1, 256>}, {transform_indices = @transform_3, window_bounds = array<i64: 384, 256>}]} {
    %get3A = arith.constant 0 : index
    %get3A_0 = arith.constant 0 : index
    %get3A_1 = vector.load %arg1[%get3A, %get3A_0] : memref<384x1024xf32, #tpu.memory_space<vmem>>, vector<384x1024xf32>
    %get3A_2 = arith.constant 0 : index
    %get3A_3 = arith.constant 0 : index
    %get3A_4 = vector.load %arg2[%get3A_2, %get3A_3] : memref<1024x256xf32, #tpu.memory_space<vmem>>, vector<1024x256xf32>
    %dot_general3A = arith.constant dense<0.000000e+00> : vector<384x256xf32>
    %dot_general3A_5 = tpu.matmul %get3A_1, %get3A_4, %dot_general3A {dimension_numbers = #tpu.dot_dimension_numbers<[1], [0], [0], [1], [0, 0, 1, 1], [], []>, transpose_lhs_hint = false} : vector<384x1024xf32>, vector<1024x256xf32>, vector<384x256xf32> -> vector<384x256xf32>
    %get3A_6 = arith.constant 0 : index
    %get3A_7 = arith.constant 0 : index
    %get3A_8 = vector.load %arg3[%get3A_6, %get3A_7] : memref<1x256xf32, #tpu.memory_space<vmem>>, vector<1x256xf32>
    %add3A = vector.broadcast %get3A_8 : vector<1x256xf32> to vector<384x256xf32>
    %add3A_9 = arith.addf %dot_general3A_5, %add3A : vector<384x256xf32>
    %max3A = arith.constant 0.000000e+00 : f32
    %max3A_10 = vector.broadcast %max3A : f32 to vector<384x256xf32>
    %max3A_11 = arith.maximumf %add3A_9, %max3A_10 : vector<384x256xf32>
    %swap3A = arith.constant 0 : index
    %swap3A_12 = arith.constant 0 : index
    %swap3A_13 = vector.load %arg4[%swap3A, %swap3A_12] : memref<384x256xf32, #tpu.memory_space<vmem>>, vector<384x256xf32>
    tpu.vector_store %arg4[%swap3A, %swap3A_12], %max3A_11 {strides = array<i32>} : memref<384x256xf32, #tpu.memory_space<vmem>>, vector<384x256xf32>,
    return
  }
  func.func @transform_0(%arg0: i32) -> (i32, i32) {
    %c0_i32 = arith.constant 0 : i32
    %c0_i32_0 = arith.constant 0 : i32
    return %arg0, %c0_i32 : i32, i32
  }
  func.func @transform_1(%arg0: i32) -> (i32, i32) {
    %c0_i32 = arith.constant 0 : i32
    %c0_i32_0 = arith.constant 0 : i32
    %c0_i32_1 = arith.constant 0 : i32
    return %c0_i32, %c0_i32_0 : i32, i32
  }
  func.func @transform_2(%arg0: i32) -> (i32, i32) {
    %c0_i32 = arith.constant 0 : i32
    %c0_i32_0 = arith.constant 0 : i32
    %c0_i32_1 = arith.constant 0 : i32
    return %c0_i32, %c0_i32_0 : i32, i32
  }
  func.func @transform_3(%arg0: i32) -> (i32, i32) {
    %c0_i32 = arith.constant 0 : i32
    %c0_i32_0 = arith.constant 0 : i32
    return %arg0, %c0_i32 : i32, i32
  }
}

module attributes {stable_mosaic.version = 14 : i64} {
  func.func @tc_dot(%arg0: i32, %arg1: memref<384x256xf32, #tpu.memory_space<vmem>>, %arg2: memref<256x1xf32, #tpu.memory_space<vmem>>, %arg3: memref<1x1xf32, #tpu.memory_space<vmem>>, %arg4: memref<384x1xf32, #tpu.memory_space<vmem>>) attributes {dimension_semantics = [#tpu.dimension_semantics<arbitrary>], iteration_bounds = array<i64: 1>, scalar_prefetch = 0 : i64, scratch_operands = 0 : i64, tpu.core_type = #tpu.core_type<tc>, window_params = [{transform_indices = @transform_0, window_bounds = array<i64: 384, 256>}, {pipeline_mode = #tpu.pipeline_mode<synchronous>, transform_indices = @transform_1, window_bounds = array<i64: 256, 1>}, {pipeline_mode = #tpu.pipeline_mode<synchronous>, transform_indices = @transform_2, window_bounds = array<i64: 1, 1>}, {transform_indices = @transform_3, window_bounds = array<i64: 384, 1>}]} {
    %get3A = arith.constant 0 : index
    %get3A_0 = arith.constant 0 : index
    %get3A_1 = vector.load %arg1[%get3A, %get3A_0] : memref<384x256xf32, #tpu.memory_space<vmem>>, vector<384x256xf32>
    %get3A_2 = arith.constant 0 : index
    %get3A_3 = arith.constant 0 : index
    %get3A_4 = vector.load %arg2[%get3A_2, %get3A_3] : memref<256x1xf32, #tpu.memory_space<vmem>>, vector<256x1xf32>
    %dot_general3A = arith.constant dense<0.000000e+00> : vector<384x1xf32>
    %dot_general3A_5 = tpu.matmul %get3A_1, %get3A_4, %dot_general3A {dimension_numbers = #tpu.dot_dimension_numbers<[1], [0], [0], [1], [0, 0, 1, 1], [], []>, transpose_lhs_hint = false} : vector<384x256xf32>, vector<256x1xf32>, vector<384x1xf32> -> vector<384x1xf32>
    %get3A_6 = arith.constant 0 : index
    %get3A_7 = arith.constant 0 : index
    %get3A_8 = vector.load %arg3[%get3A_6, %get3A_7] : memref<1x1xf32, #tpu.memory_space<vmem>>, vector<1x1xf32>
    %add3A = vector.broadcast %get3A_8 : vector<1x1xf32> to vector<384x1xf32>
    %add3A_9 = arith.addf %dot_general3A_5, %add3A : vector<384x1xf32>
    %swap3A = arith.constant 0 : index
    %swap3A_10 = arith.constant 0 : index
    %swap3A_11 = vector.load %arg4[%swap3A, %swap3A_10] : memref<384x1xf32, #tpu.memory_space<vmem>>, vector<384x1xf32>
    tpu.vector_store %arg4[%swap3A, %swap3A_10], %add3A_9 {strides = array<i32>} : memref<384x1xf32, #tpu.memory_space<vmem>>, vector<384x1xf32>,
    return
  }
  func.func @transform_0(%arg0: i32) -> (i32, i32) {
    %c0_i32 = arith.constant 0 : i32
    %c0_i32_0 = arith.constant 0 : i32
    return %arg0, %c0_i32 : i32, i32
  }
  func.func @transform_1(%arg0: i32) -> (i32, i32) {
    %c0_i32 = arith.constant 0 : i32
    %c0_i32_0 = arith.constant 0 : i32
    %c0_i32_1 = arith.constant 0 : i32
    return %c0_i32, %c0_i32_0 : i32, i32
  }
  func.func @transform_2(%arg0: i32) -> (i32, i32) {
    %c0_i32 = arith.constant 0 : i32
    %c0_i32_0 = arith.constant 0 : i32
    %c0_i32_1 = arith.constant 0 : i32
    return %c0_i32, %c0_i32_0 : i32, i32
  }
  func.func @transform_3(%arg0: i32) -> (i32, i32) {
    %c0_i32 = arith.constant 0 : i32
    %c0_i32_0 = arith.constant 0 : i32
    return %arg0, %c0_i32 : i32, i32
  }
}

</mosaic_0001>

<sc_bundles>
// kernel: gather_offload_async_start.1
scs
__scs_entry_jumppad:
0x0: {  	(pc) =	sbr.rel $0x88, $3  }
0x1: {  	(tag) =	ssettag $0x0;
	lr =	simm.s32 $0x1  }
0x2: {  	[smem:$0x3F72] =	sst lr;
	_ =	strace $0xD0000000  }
0x3: {  	_ = 	snop  }
0x4: {  	_ = 	snop  }
0x5: {  	_ = 	snop  }
0x6: {  	_ = 	snop  }
0x7: {  	_ = 	snop  }
__scs_overlays_trampoline_lowered:
0x8: {  	[smem:$0x3F81] =	sst s0  }
0x9: {  	[smem:$0x3F82] =	sst s1  }
0xa: {  	[smem:$0x3F83] =	sst s2  }
0xb: {  	[smem:$0x3F84] =	sst s3  }
0xc: {  	[smem:$0x3F85] =	sst s4  }
0xd: {  	[smem:$0x3F86] =	sst s5  }
0xe: {  	[smem:$0x3F87] =	sst s6  }
0xf: {  	[smem:$0x3F88] =	sst s7  }
0x10: {  	[smem:$0x3F89] =	sst s8  }
0x11: {  	[smem:$0x3F8A] =	sst s9;
	s0 =	simm.s32 @!p0 $0x0  }
0x12: {  	s1 =	sld [smem:$0x3F70];
	s0 =	simm.s32 @p0 $0x1  }
0x13: {  	[smem:$0x3F8B] =	sst s0;
	s0 =	simm.s32 @!p1 $0x0  }
0x14: {  	s2 =	sld [smem:$0x3F6F];
	s0 =	simm.s32 @p1 $0x1  }
0x15: {  	[smem:$0x3F8C] =	sst s0;
	s0 =	simm.s32 @!p2 $0x0  }
0x16: {  	s3 =	sld [smem:$0x3FDB];
	s0 =	simm.s32 @p2 $0x1  }
0x17: {  	s4 =	simm.s32 $0x1BF5;
	[smem:$0x3F8E] =	sst s0  }
0x18: {  	s0 =	sld [smem:$0x3F71];
	_ =	swait.ge [sflag:s4], $0x0  }
0x19: {  	s7 =	sld [smem:$0x3F72]  }
0x1a: {  	s8 =	sadd.s32 $0xFFFFE003, lr  }
0x1b: {  	s9 =	sadd.s32 $0xFFFFFEF7, lr;
	s5 =	simm.s32 $0xFFFFFFFF;
	p2 =	slt.u32 s8, $0xFFFFF086  }
0x1c: {  	p1 =	slt.u32 s9, $0xF7A;
	s5 =	simm.s32 @!p2 $0x0  }
0x1d: {  	s5 =	simm.s32 @p1 $0x1;
	p0 =	seq.s32 s7, s2  }
0x1e: {  	s7 =	smul.u32 @!p0 $0xF7A, s2;
	p2 =	seq.s32 @!p0 s5, $0x0  }
0x1f: {  	s9 =	smul.u32 $0xF7A, s1;
	s8 =	simm.s32 @!p0 $0x1BF5;
	p2 =	por !p2, p0  }
0x20: {  	[sflag:s8] =	ssyncset.s32 @!p0 $0xFFFFF086;
	s6 =	sadd.s32 @!p0 s3, s7;
	s7 =	simm.s32 @!p0 $0x108  }
0x21: {  	s3 =	sadd.s32 s3, s9;
	s6 =	sadd.s32 @!p0 $0x88, s6;
	s7 =	simm.s32 @p2 $0x1082  }
0x22: {  	[simem:s7], [sflag:s8] =	dma.local @!p0 [hbm:s6], $0xF7A  }
0x23: {  	s9 =	sor.u32 $0xD0000000, s2;
	s6 =	simm.s32 $0x108;
	_ =	swait.ge @!p0 [sflag:s8], $0x0  }
0x24: {  	s3 =	sadd.s32 $0x88, s3;
	s6 =	simm.s32 @!p1 $0x1082;
	[sflag:s4] =	ssyncset.s32 $0xFFFFF086  }
0x25: {  	[simem:s6], [sflag:s4] =	dma.local [hbm:s3], $0xF7A  }
0x26: {  	[smem:$0x3F72] =	sst s1;
	(tag) =	ssettag s2;
	_ =	strace s9  }
0x27: {  	s1 =	sld [smem:$0x3F82]  }
0x28: {  	s2 =	sld [smem:$0x3F83]  }
0x29: {  	s4 =	sld [smem:$0x3F85]  }
0x2a: {  	p0 =	seq.s32 s5, $0x0;
	s5 =	sld [smem:$0x3F86]  }
0x2b: {  	s6 =	sld [smem:$0x3F87]  }
0x2c: {  	s7 =	sld [smem:$0x3F88]  }
0x2d: {  	s3 =	simm.s32 $0x108;
	s8 =	sld [smem:$0x3F89]  }
0x2e: {  	s3 =	simm.s32 @!p0 $0x1082;
	s9 =	sld [smem:$0x3F8A]  }
0x2f: {  	lr =	sadd.s32 s0, s3;
	s0 =	sld [smem:$0x3F81]  }
0x30: {  	s3 =	sld [smem:$0x3F84]  }
0x31: {  	[smem:$0x3F8D] =	sst s10  }
0x32: {  	s10 =	sld [smem:$0x3F8B];
	_ =	sdelay $0x3  }
0x33: {  	p0 =	seq.s32 s10, $0x1;
	s10 =	sld [smem:$0x3F8D];
	_ =	sdelay $0x3  }
0x34: {  	[smem:$0x3F8D] =	sst s10  }
0x35: {  	s10 =	sld [smem:$0x3F8C];
	_ =	sdelay $0x3  }
0x36: {  	p1 =	seq.s32 s10, $0x1;
	s10 =	sld [smem:$0x3F8D];
	_ =	sdelay $0x3  }
0x37: {  	[smem:$0x3F8D] =	sst s10  }
0x38: {  	s10 =	sld [smem:$0x3F8E]  }
0x39: {  	_ = 	snop;
	(pc) =	sbr.ind lr, $3  }
0x3a: {  	_ = 	snop  }
0x3b: {  	_ = 	snop  }
0x3c: {  	p2 =	seq.s32 s10, $0x1;
	s10 =	sld [smem:$0x3F8D]  }
0x3d: {  	_ =	shalt  }
0x3e: {  	_ =	shalt  }
0x3f: {  	_ =	shalt  }
0x40: {  	_ =	shalt  }
0x41: {  	_ =	shalt  }
0x42: {  	_ =	shalt  }
0x43: {  	_ =	shalt  }
0x44: {  	_ =	shalt  }
0x45: {  	_ =	shalt  }
0x46: {  	_ =	shalt  }
0x47: {  	_ =	shalt  }
0x48: {  	_ =	shalt  }
0x49: {  	_ =	shalt  }
0x4a: {  	_ =	shalt  }
0x4b: {  	_ =	shalt  }
0x4c: {  	_ =	shalt  }
0x4d: {  	_ =	shalt  }
0x4e: {  	_ =	shalt  }
0x4f: {  	_ =	shalt  }
0x50: {  	_ =	shalt  }
0x51: {  	_ =	shalt  }
0x52: {  	_ =	shalt  }
0x53: {  	_ =	shalt  }
0x54: {  	_ =	shalt  }
0x55: {  	_ =	shalt  }
0x56: {  	_ =	shalt  }
0x57: {  	_ =	shalt  }
0x58: {  	_ =	shalt  }
0x59: {  	_ =	shalt  }
0x5a: {  	_ =	shalt  }
0x5b: {  	_ =	shalt  }
0x5c: {  	_ =	shalt  }
0x5d: {  	_ =	shalt  }
0x5e: {  	_ =	shalt  }
0x5f: {  	_ =	shalt  }
0x60: {  	_ =	shalt  }
0x61: {  	_ =	shalt  }
0x62: {  	_ =	shalt  }
0x63: {  	_ =	shalt  }
0x64: {  	_ =	shalt  }
0x65: {  	_ =	shalt  }
0x66: {  	_ =	shalt  }
0x67: {  	_ =	shalt  }
0x68: {  	_ =	shalt  }
0x69: {  	_ =	shalt  }
0x6a: {  	_ =	shalt  }
0x6b: {  	_ =	shalt  }
0x6c: {  	_ =	shalt  }
0x6d: {  	_ =	shalt  }
0x6e: {  	_ =	shalt  }
0x6f: {  	_ =	shalt  }
0x70: {  	_ =	shalt  }
0x71: {  	_ =	shalt  }
0x72: {  	_ =	shalt  }
0x73: {  	_ =	shalt  }
0x74: {  	_ =	shalt  }
0x75: {  	_ =	shalt  }
0x76: {  	_ =	shalt  }
0x77: {  	_ =	shalt  }
0x78: {  	_ =	shalt  }
0x79: {  	_ =	shalt  }
0x7a: {  	_ =	shalt  }
0x7b: {  	_ =	shalt  }
0x7c: {  	_ =	shalt  }
0x7d: {  	_ =	shalt  }
0x7e: {  	_ =	shalt  }
0x7f: {  	_ =	shalt  }
0x80: {  	_ =	shalt  }
0x81: {  	_ =	shalt  }
0x82: {  	_ =	shalt  }
0x83: {  	_ =	shalt  }
0x84: {  	_ =	shalt  }
0x85: {  	_ =	shalt  }
0x86: {  	_ =	shalt  }
0x87: {  	_ =	shalt  }
.Lfunc_end0:
.L_simem_size_0:
called_computation.1_lowered:
.L_overlay_start_0:
0x88: {  	s2 =	sld [smem:$0x3FD9]  }
0x89: {  	s3 =	sld [smem:$0x3FFE];
	_ =	sdelay $0x1  }
0x8a: {  	s1 =	srdreg.scid  }
0x8b: {  	s0 =	sand.u32 $0x1, s1  }
0x8c: {  	s16 =	sshll.u32 s0, $0xA;
	s2 =	sadd.s32 s3, s2  }
0x8d: {  	s2 =	sadd.s32 s2, s16  }
0x8e: {  	[smem:$0x3F99] =	sst s2  }
0x8f: {  	_ = 	snop  }
0x90: {  	(tm) =	ssettm $0x1  }
0x91: {  	s17 =	sld [smem:$0x3FFB];
	_ =	sdelay $0x3  }
0x92: {  	_ =	strace s17  }
0x93: {  	s2 =	sld [smem:$0x3FFC];
	_ =	sdelay $0x3  }
0x94: {  	_ =	strace s2  }
0x95: {  	s2 =	sld [smem:$0x3FFD];
	_ =	sdelay $0x3  }
0x96: {  	_ =	strace s2  }
0x97: {  	_ =	strace $0x8FFFFFFF  }
0x98: {  	s18 =	sld [smem:$0x3FDB];
	_ =	sdelay $0x1  }
0x99: {  	s19 =	simm.s32 $_scs_section_size  }
0x9a: {  	s4 =	simm.s32 $_size__tile_overlayer_lowered;
	s5 =	simm.s32 $_tile_overlayer_lowered  }
0x9b: {  	s22 =	simm.s32 $0x1BFF;
	s21 =	sshll.u32 s5, $0x1;
	s2 =	sadd.s32 s19, s18  }
0x9c: {  	s6 =	simm.s32 $0x0;
	s20 =	sshll.u32 s4, $0x1;
	s4 =	sadd.s32 s21, s2  }
0x9d: {  	[timem:s6], [sflag:s22] =	dma.local [hbm:s4], s20  }
0x9e: {  	_ =	swait.ge [sflag:s22], s20  }
0x9f: {  	s3 =	ssub.s32 $0x0, s20;
	[sflag:s22] =	ssyncset.done $0x0  }
0xa0: {  	[sflag:s22] =	ssyncadd.s32 s3;
	_ =	sdelay $0x1  }
0xa1: {  	s23 =	simm.s32 $0x1B8B  }
0xa2: {  	_ =	swait.ge [sflag:s23], $0x1  }
0xa3: {  	[sflag:s23] =	ssyncset.done $0x0  }
0xa4: {  	s25 =	simm.s32 $0x1B8E;
	s24 =	sld [smem:$0x3FFE];
	[sflag:s23] =	ssyncadd.s32 $0xFFFFFFFF  }
0xa5: {  	s26 =	simm.s32 $execute0_lowered;
	[smem:$0x3FD2] =	sst s25  }
0xa6: {  	s4 =	sshll.u32 s26, $0x1;
	_ =	strace $0x80000049;
	[dreg:$0x1] =	wrdreg $0xFFFFFFFF  }
0xa7: {  	s28 =	simm.s32 $_size_execute0_lowered;
	s2 =	sadd.s32 s2, s4;
	[dreg:$0x0] =	wrdreg $0x0  }
0xa8: {  	s4 =	sshll.u32 s28, $0x1;
	[dreg:$0x2] =	wrdreg s2  }
0xa9: {  	[dreg:$0x3] =	wrdreg s4  }
0xaa: {  	[dreg:$0x4] =	wrdreg $0xC0  }
0xab: {  	_ =	task [dreg:s6], $0x5FFFF  }
0xac: {  	[dreg:$0x1] =	wrdreg $0xFFFFFFFF  }
0xad: {  	[dreg:$0x0] =	wrdreg $0x60  }
0xae: {  	[dreg:$0x2] =	wrdreg s24  }
0xaf: {  	[dreg:$0x3] =	wrdreg $0x9  }
0xb0: {  	_ =	task.clear_ibuf [dreg:s6], $0x4FFFF;
	_ =	strace $0x90000049  }
0xb1: {  	s29 =	simm.s32 $0x9;
	_ =	strace $0x8000004B  }
0xb2: {  	_ =	swait.ge [sflag:s29], $0x1  }
0xb3: {  	[sflag:s29] =	ssyncadd.s32 $0xFFFFFFFF  }
0xb4: {  	_ =	strace $0x9000004B  }
0xb5: {  	_ =	sfence  }
0xb6: {  	s30 =	sld [smem:$0x0];
	_ =	sdelay $0x2  }
0xb7: {  	s31 =	sshll.u32 s1, $0xD;
	s1 =	sshrl.u32 s1, $0x2  }
0xb8: {  	s3 =	sand.u32 $0x4000, s31;
	s1 =	sadd.s32 s1, s30  }
0xb9: {  	s0 =	sor.u32 s3, s0;
	s1 =	sshll.u32 s1, $0x11  }
0xba: {  	s0 =	sor.u32 s1, s0  }
0xbb: {  	s0 =	sadd.s32 $0x8F2B, s0  }
0xbc: {  	[sflag:s0] =	ssyncadd.remote.s32 $0x1  }
0xbd: {  	_ =	sfence.sel $0xFFFF  }
0xbe: {  	[dreg:$0x0] =	wrdreg $0xFFFFFFFF;
	(pc) =	sbr.abs _section_cstart, $3  }
0xbf: {  	[dreg:$0x1] =	wrdreg $0xFFFFFFFF  }
0xc0: {  	_ =	task.clear_ibuf [dreg:s6], $0x2FFFF;
	_ =	strace $0x9FFFFFFF  }
0xc1: {  	(tm) =	ssettm $0x7FFFFFFF  }
tec
execute0_lowered:
.L_overlay_start_1:
0x0: {  	(tag) =	ssettag $0x1  }
0x1: {  	s8 =	rddreg [dreg:$0x0]  }
0x2: {  	s0 =	rddreg [dreg:$0x1];
	_ =	strace $0x8000004A;
	s1 =	stileid.u32  }
0x3: {  	s3 =	srdreg.scid;
	s4 =	simm.s32 $0x1;
	s7 =	simm.s32 $0x1  }
0x4: {  	s9 =	simm.s32 $0x1;
	s10 =	simm.s32 $0x3;
	s13 =	simm.s32 $0x0  }
0x5: {  	s12 =	simm.s32 $0x0;
	s5 =	sand.u32 $0x1, s3;
	s6 =	sshll.u32 s1, $0x1  }
0x6: {  	s2 =	sadd.s32 $0x4E600, s8;
	s3 =	sadd.s32 $0x6C000, s8;
	s5 =	sor.u32 s6, s5  }
.Ltmp0:
0x7: {  	[sflag:s4] =	ssyncpa.u1 $0x0;
	p0 =	slt.u32 s5, $0x9;
	(pc) =	sbr.rel .LBB2_1-.Ltmp0, $4  }
0x8: {  	s6 =	simm.s32 $0x2;
	s7 =	simm.s32 @!p0 $0x0;
	p0 =	sne.s32 s5, $0x8  }
0x9: {  	[sflag:s6] =	ssyncpa.u1 $0x0;
	s5 =	smul.u32 $0x1F40, s5;
	s9 =	simm.s32 @!p0 $0x0  }
0xa: {  	s8 =	sadd.s32 $0x62200, s8;
	[sflag:s10] =	ssyncpa.u1 $0x0;
	s7 =	sadd.s32 s9, s7  }
0xb: {  	vm0 =	vmmov $0xffff;
	s10 =	simm.s32 $0x0;
	s11 =	smov.u32 s5;
	s9 =	sadd.s32 $0x1, s7  }
.LBB2_4:
0xc: {  	v2 =	vnsel vm1, $0x0, v2  }
0xd: {  	vm1 =	vgt.s32 v0, $0x0;
	v2 =	vmin.u32 v2, $0x4E1FF  }
0xe: {  	v0 =	vnsel vm1, $0x0, v0  }
0xf: {  	v0 =	vmin.u32 v0, $0x4E1FF  }
0x10: {  	[tilespmem:s18], [sflag:$0x1] =	stream.indirect_vreg.gather [hbm4b:s2+s10], $0x1, v1, vm0, $0x4038;
	[tilespmem:$0x7D00] =	vst v63  }
0x11: {  	(ifvalue) =	ssetifvalue $0x7FFFFFFF  }
0x12: {  	[tilespmem:s15], [sflag:$0x1] =	stream.indirect_vreg.gather [hbm4b:s2+s10], $0x1, v2, vm0, $0x4038;
	[tilespmem:$0x7D00] =	vst v63  }
0x13: {  	s29 =	sadd.s32 $0x10, s15;
	(ifvalue) =	ssetifvalue $0x7FFFFFFF  }
0x14: {  	[tilespmem:s29], [sflag:$0x1] =	stream.indirect_vreg.gather [hbm4b:s2+s10], $0x1, v0, vm0, $0x4038;
	[tilespmem:$0x7D00] =	vst v63  }
0x15: {  	_ =	swait.ge [sflag:s4], $0x1F40  }
0x16: {  	s30 =	sshrl.u32 s13, $0x3;
	[sflag:s4] =	ssyncset.done $0x0  }
0x17: {  	s31 =	sand.u32 $0x7, s13;
	s15 =	sadd.s32 s8, s30;
	[sflag:s4] =	ssyncadd.s32 $0xFFFFE0C0  }
0x18: {  	[hbm4b:s15+s31] =	stream.linear.scatter [tilespmem:s14], [sflag:$0x3], $0x1F40, $0x38;
	[tilespmem:$0x7D00] =	vst v63  }
.LBB2_5:
0x19: {  	s15 =	sadd.s32 $0x3E800, s11  }
0x1a: {  	p1 =	sgt.s32 s15, $0x4E1FF  }
0x1b: {  	s15 =	smov.u32 @p1 s5;
	p1 =	sne.s32 s12, s9  }
.Ltmp1:
0x1c: {  	p0 =	slt.u32 s12, $0x2;
	(pc) =	sbr.rel @!p1 .LBB2_6-.Ltmp1, $4  }
0x1d: {  	s14 =	simm.s32 @!p0 $0x3  }
0x1e: {  	_ =	swait.ge @!p0 [sflag:s14], $0x1F40  }
0x1f: {  	s16 =	sadd.s32 $0x1, s12;
	s13 =	smov.u32 s11;
	[sflag:s14] =	ssyncset.done @!p0 $0x0  }
0x20: {  	s12 =	smov.u32 s16;
	s11 =	smov.u32 s15;
	[sflag:s14] =	ssyncadd.s32 @!p0 $0xFFFFE0C0  }
.LBB2_1:
0x21: {  	p0 =	sge.u32 s12, s7  }
0x22: {  	s14 =	sxor.u32 @!p0 $0x1, s12  }
0x23: {  	s14 =	smul.u32 @!p0 $0x7D00, s14  }
0x24: {  	s31 =	sadd.s32 $0xFFFFFFFF, s12;
	s15 =	sshrl.u32 @!p0 s11, $0x3  }
0x25: {  	s16 =	sand.u32 @!p0 $0x7, s11;
	s15 =	sadd.s32 @!p0 s3, s15;
	s14 =	sshra.s32 @!p0 s14, $0x2  }
0x26: {  	[tilespmem:s14], [sflag:$0x2] =	stream.linear.gather @!p0 [hbm4b:s15+s16], $0x1F40, $0x38;
	[tilespmem:$0x7D00] =	vst v63  }
0x27: {  	p0 =	sge.u32 s31, s7  }
.Ltmp2:
0x28: {  	_ = 	snop;
	(pc) =	sbr.rel @p0 .LBB2_5-.Ltmp2, $1  }
0x29: {  	_ =	sdelay $0x3  }
0x2a: {  	s14 =	sand.u32 $0x1, s12  }
0x2b: {  	_ =	swait.ge [sflag:s6], $0x1F40;
	p0 =	seq.s32 s14, $0x1;
	s14 =	simm.s32 $0x1F40  }
0x2c: {  	[sflag:s6] =	ssyncset.done $0x0;
	s14 =	simm.s32 @!p0 $0x0  }
0x2d: {  	[sflag:s6] =	ssyncadd.s32 $0xFFFFE0C0;
	(ifvalue) =	ssetifvalue $0x7FFFFFFF;
	v0 =	vld.msk [tilespmem:s14+$0x0 ss:$0x1], $0xffff;
	_ =	sdelay $0x4  }
0x2e: {  	s15 =	sadd.s32 $0x10, s14;
	vm1 =	vgt.s32 v0, $0x0  }
0x2f: {  	v2 =	vld.msk [tilespmem:s15+$0x0 ss:$0x1], $0xffff;
	v1 =	vnsel vm1, $0x0, v0  }
0x30: {  	v1 =	vmin.u32 v1, $0x4E1FF;
	_ =	sdelay $0x2  }
0x31: {  	s17 =	simm.s32 $0x20;
	s14 =	sadd.s32 $0x3E80, s14;
	s16 =	sadd.s32 $0x10, s15  }
0x32: {  	s15 =	sadd.s32 $0x10, s14;
	s18 =	smov.u32 s14;
	v0 =	vld.msk [tilespmem:s16+$0x0 ss:$0x1], $0xffff;
	vm1 =	vgt.s32 v2, $0x0;
	(ifvalue) =	ssetifvalue $0x7FFFFFFF  }
.LBB2_3:
0x33: {  	[tilespmem:s18], [sflag:$0x1] =	stream.indirect_vreg.gather [hbm4b:s2+s10], $0x1, v1, vm0, $0x4038;
	[tilespmem:$0x7D00] =	vst v63  }
0x34: {  	s17 =	sadd.s32 $0x10, s17  }
0x35: {  	v2 =	vnsel vm1, $0x0, v2;
	p0 =	slt.u32 s17, $0x1F30  }
.Ltmp3:
0x36: {  	s18 =	smov.u32 s15;
	v1 =	vmin.u32 v2, $0x4E1FF;
	(pc) =	sbr.rel @p0 .LBB2_3-.Ltmp3, $3  }
0x37: {  	_ =	sdelay $0x1  }
0x38: {  	s16 =	sadd.s32 $0x10, s16  }
0x39: {  	vm1 =	vgt.s32 v0, $0x0;
	s15 =	sadd.s32 $0x10, s15;
	v2 =	vmov v0;
	(ifvalue) =	ssetifvalue $0x7FFFFFFF;
	v0 =	vld.msk [tilespmem:s16+$0x0 ss:$0x1], $0xffff  }
.Ltmp4:
0x3a: {  	_ = 	snop;
	(pc) =	sbr.rel .LBB2_4-.Ltmp4, $1  }
0x3b: {  	_ =	sdelay $0x3  }
.LBB2_6:
0x3c: {  	_ =	sfence.sel $0x180000  }
0x3d: {  	s2 =	simm.s32 $0x2;
	[bflag:$0x0] =	sbarrier.arrive $0xFFFF  }
0x3e: {  	s30 =	simm.s32 $0x3;
	[sflag:s2] =	ssyncpa.u1 $0x1  }
0x3f: {  	s31 =	simm.s32 $0x1;
	[sflag:s30] =	ssyncpa.u1 $0x1  }
0x40: {  	[sflag:s31] =	ssyncpa.u1 $0x1  }
0x41: {  	p0 =	sne.s32 s1, $0x0;
	_ =	strace $0x9000004A  }
0x42: {  	s0 =	sadd.s32 @!p0 $0x100000, s0;
	[bflag:$0x2] =	sbarrier.arrive $0xFFFF  }
0x43: {  	[sflag:s0] =	ssyncadd.tile.s32 @!p0 $0x1;
	_ =	shalt  }
.Lfunc_end2:
_tile_overlayer_lowered:
.L_overlay_start_2:
0x44: {  	(tag) =	ssettag $0x2  }
0x45: {  	s0 =	rddreg [dreg:$0x0];
	s2 =	stileid.u32  }
0x46: {  	s1 =	rddreg [dreg:$0x1];
	p0 =	sne.s32 s2, $0x0  }
0x47: {  	s3 =	rddreg [dreg:$0x2];
	[bflag:$0x3] =	sbarrier.arrive $0xFFFF;
	s2 =	simm.s32 @!p0 $0x1C01  }
0x48: {  	[timem:s3], [sflag:s2] =	dma.local @!p0 [hbm:s0], s1  }
0x49: {  	s0 =	simm.s32 @!p0 $0x1  }
0x4a: {  	_ =	swait.ge @!p0 [sflag:s0], s1  }
0x4b: {  	s1 =	ssub.s32 @!p0 $0x0, s1;
	[sflag:s0] =	ssyncset.done @!p0 $0x0  }
0x4c: {  	[sflag:s0] =	ssyncadd.s32 @!p0 s1  }
0x4d: {  	[bflag:$0x3] =	sbarrier.arrive $0xFFFF  }
0x4e: {  	_ =	shalt  }

// kernel: gather_offload_async_start.2
scs
__scs_entry_jumppad:
0x0: {  	(pc) =	sbr.rel $0x88, $3  }
0x1: {  	(tag) =	ssettag $0x0;
	lr =	simm.s32 $0x1  }
0x2: {  	[smem:$0x3F72] =	sst lr;
	_ =	strace $0xD0000000  }
0x3: {  	_ = 	snop  }
0x4: {  	_ = 	snop  }
0x5: {  	_ = 	snop  }
0x6: {  	_ = 	snop  }
0x7: {  	_ = 	snop  }
__scs_overlays_trampoline_lowered:
0x8: {  	[smem:$0x3F81] =	sst s0  }
0x9: {  	[smem:$0x3F82] =	sst s1  }
0xa: {  	[smem:$0x3F83] =	sst s2  }
0xb: {  	[smem:$0x3F84] =	sst s3  }
0xc: {  	[smem:$0x3F85] =	sst s4  }
0xd: {  	[smem:$0x3F86] =	sst s5  }
0xe: {  	[smem:$0x3F87] =	sst s6  }
0xf: {  	[smem:$0x3F88] =	sst s7  }
0x10: {  	[smem:$0x3F89] =	sst s8  }
0x11: {  	[smem:$0x3F8A] =	sst s9;
	s0 =	simm.s32 @!p0 $0x0  }
0x12: {  	s1 =	sld [smem:$0x3F70];
	s0 =	simm.s32 @p0 $0x1  }
0x13: {  	[smem:$0x3F8B] =	sst s0;
	s0 =	simm.s32 @!p1 $0x0  }
0x14: {  	s2 =	sld [smem:$0x3F6F];
	s0 =	simm.s32 @p1 $0x1  }
0x15: {  	[smem:$0x3F8C] =	sst s0;
	s0 =	simm.s32 @!p2 $0x0  }
0x16: {  	s3 =	sld [smem:$0x3FDB];
	s0 =	simm.s32 @p2 $0x1  }
0x17: {  	s4 =	simm.s32 $0x1BF5;
	[smem:$0x3F8E] =	sst s0  }
0x18: {  	s0 =	sld [smem:$0x3F71];
	_ =	swait.ge [sflag:s4], $0x0  }
0x19: {  	s7 =	sld [smem:$0x3F72]  }
0x1a: {  	s8 =	sadd.s32 $0xFFFFE003, lr  }
0x1b: {  	s9 =	sadd.s32 $0xFFFFFEF7, lr;
	s5 =	simm.s32 $0xFFFFFFFF;
	p2 =	slt.u32 s8, $0xFFFFF086  }
0x1c: {  	p1 =	slt.u32 s9, $0xF7A;
	s5 =	simm.s32 @!p2 $0x0  }
0x1d: {  	s5 =	simm.s32 @p1 $0x1;
	p0 =	seq.s32 s7, s2  }
0x1e: {  	s7 =	smul.u32 @!p0 $0xF7A, s2;
	p2 =	seq.s32 @!p0 s5, $0x0  }
0x1f: {  	s9 =	smul.u32 $0xF7A, s1;
	s8 =	simm.s32 @!p0 $0x1BF5;
	p2 =	por !p2, p0  }
0x20: {  	[sflag:s8] =	ssyncset.s32 @!p0 $0xFFFFF086;
	s6 =	sadd.s32 @!p0 s3, s7;
	s7 =	simm.s32 @!p0 $0x108  }
0x21: {  	s3 =	sadd.s32 s3, s9;
	s6 =	sadd.s32 @!p0 $0x88, s6;
	s7 =	simm.s32 @p2 $0x1082  }
0x22: {  	[simem:s7], [sflag:s8] =	dma.local @!p0 [hbm:s6], $0xF7A  }
0x23: {  	s9 =	sor.u32 $0xD0000000, s2;
	s6 =	simm.s32 $0x108;
	_ =	swait.ge @!p0 [sflag:s8], $0x0  }
0x24: {  	s3 =	sadd.s32 $0x88, s3;
	s6 =	simm.s32 @!p1 $0x1082;
	[sflag:s4] =	ssyncset.s32 $0xFFFFF086  }
0x25: {  	[simem:s6], [sflag:s4] =	dma.local [hbm:s3], $0xF7A  }
0x26: {  	[smem:$0x3F72] =	sst s1;
	(tag) =	ssettag s2;
	_ =	strace s9  }
0x27: {  	s1 =	sld [smem:$0x3F82]  }
0x28: {  	s2 =	sld [smem:$0x3F83]  }
0x29: {  	s4 =	sld [smem:$0x3F85]  }
0x2a: {  	p0 =	seq.s32 s5, $0x0;
	s5 =	sld [smem:$0x3F86]  }
0x2b: {  	s6 =	sld [smem:$0x3F87]  }
0x2c: {  	s7 =	sld [smem:$0x3F88]  }
0x2d: {  	s3 =	simm.s32 $0x108;
	s8 =	sld [smem:$0x3F89]  }
0x2e: {  	s3 =	simm.s32 @!p0 $0x1082;
	s9 =	sld [smem:$0x3F8A]  }
0x2f: {  	lr =	sadd.s32 s0, s3;
	s0 =	sld [smem:$0x3F81]  }
0x30: {  	s3 =	sld [smem:$0x3F84]  }
0x31: {  	[smem:$0x3F8D] =	sst s10  }
0x32: {  	s10 =	sld [smem:$0x3F8B];
	_ =	sdelay $0x3  }
0x33: {  	p0 =	seq.s32 s10, $0x1;
	s10 =	sld [smem:$0x3F8D];
	_ =	sdelay $0x3  }
0x34: {  	[smem:$0x3F8D] =	sst s10  }
0x35: {  	s10 =	sld [smem:$0x3F8C];
	_ =	sdelay $0x3  }
0x36: {  	p1 =	seq.s32 s10, $0x1;
	s10 =	sld [smem:$0x3F8D];
	_ =	sdelay $0x3  }
0x37: {  	[smem:$0x3F8D] =	sst s10  }
0x38: {  	s10 =	sld [smem:$0x3F8E]  }
0x39: {  	_ = 	snop;
	(pc) =	sbr.ind lr, $3  }
0x3a: {  	_ = 	snop  }
0x3b: {  	_ = 	snop  }
0x3c: {  	p2 =	seq.s32 s10, $0x1;
	s10 =	sld [smem:$0x3F8D]  }
0x3d: {  	_ =	shalt  }
0x3e: {  	_ =	shalt  }
0x3f: {  	_ =	shalt  }
0x40: {  	_ =	shalt  }
0x41: {  	_ =	shalt  }
0x42: {  	_ =	shalt  }
0x43: {  	_ =	shalt  }
0x44: {  	_ =	shalt  }
0x45: {  	_ =	shalt  }
0x46: {  	_ =	shalt  }
0x47: {  	_ =	shalt  }
0x48: {  	_ =	shalt  }
0x49: {  	_ =	shalt  }
0x4a: {  	_ =	shalt  }
0x4b: {  	_ =	shalt  }
0x4c: {  	_ =	shalt  }
0x4d: {  	_ =	shalt  }
0x4e: {  	_ =	shalt  }
0x4f: {  	_ =	shalt  }
0x50: {  	_ =	shalt  }
0x51: {  	_ =	shalt  }
0x52: {  	_ =	shalt  }
0x53: {  	_ =	shalt  }
0x54: {  	_ =	shalt  }
0x55: {  	_ =	shalt  }
0x56: {  	_ =	shalt  }
0x57: {  	_ =	shalt  }
0x58: {  	_ =	shalt  }
0x59: {  	_ =	shalt  }
0x5a: {  	_ =	shalt  }
0x5b: {  	_ =	shalt  }
0x5c: {  	_ =	shalt  }
0x5d: {  	_ =	shalt  }
0x5e: {  	_ =	shalt  }
0x5f: {  	_ =	shalt  }
0x60: {  	_ =	shalt  }
0x61: {  	_ =	shalt  }
0x62: {  	_ =	shalt  }
0x63: {  	_ =	shalt  }
0x64: {  	_ =	shalt  }
0x65: {  	_ =	shalt  }
0x66: {  	_ =	shalt  }
0x67: {  	_ =	shalt  }
0x68: {  	_ =	shalt  }
0x69: {  	_ =	shalt  }
0x6a: {  	_ =	shalt  }
0x6b: {  	_ =	shalt  }
0x6c: {  	_ =	shalt  }
0x6d: {  	_ =	shalt  }
0x6e: {  	_ =	shalt  }
0x6f: {  	_ =	shalt  }
0x70: {  	_ =	shalt  }
0x71: {  	_ =	shalt  }
0x72: {  	_ =	shalt  }
0x73: {  	_ =	shalt  }
0x74: {  	_ =	shalt  }
0x75: {  	_ =	shalt  }
0x76: {  	_ =	shalt  }
0x77: {  	_ =	shalt  }
0x78: {  	_ =	shalt  }
0x79: {  	_ =	shalt  }
0x7a: {  	_ =	shalt  }
0x7b: {  	_ =	shalt  }
0x7c: {  	_ =	shalt  }
0x7d: {  	_ =	shalt  }
0x7e: {  	_ =	shalt  }
0x7f: {  	_ =	shalt  }
0x80: {  	_ =	shalt  }
0x81: {  	_ =	shalt  }
0x82: {  	_ =	shalt  }
0x83: {  	_ =	shalt  }
0x84: {  	_ =	shalt  }
0x85: {  	_ =	shalt  }
0x86: {  	_ =	shalt  }
0x87: {  	_ =	shalt  }
.Lfunc_end0:
.L_simem_size_0:
called_computation.2_lowered:
.L_overlay_start_0:
0x88: {  	s2 =	sld [smem:$0x3FD9]  }
0x89: {  	s3 =	sld [smem:$0x3FFE];
	_ =	sdelay $0x1  }
0x8a: {  	s1 =	srdreg.scid  }
0x8b: {  	s0 =	sand.u32 $0x1, s1  }
0x8c: {  	s16 =	sshll.u32 s0, $0xA;
	s2 =	sadd.s32 s3, s2  }
0x8d: {  	s2 =	sadd.s32 s2, s16  }
0x8e: {  	[smem:$0x3F99] =	sst s2  }
0x8f: {  	_ = 	snop  }
0x90: {  	(tm) =	ssettm $0x1  }
0x91: {  	s17 =	sld [smem:$0x3FFB];
	_ =	sdelay $0x3  }
0x92: {  	_ =	strace s17  }
0x93: {  	s2 =	sld [smem:$0x3FFC];
	_ =	sdelay $0x3  }
0x94: {  	_ =	strace s2  }
0x95: {  	s2 =	sld [smem:$0x3FFD];
	_ =	sdelay $0x3  }
0x96: {  	_ =	strace s2  }
0x97: {  	_ =	strace $0x8FFFFFFF  }
0x98: {  	s18 =	sld [smem:$0x3FDB];
	_ =	sdelay $0x1  }
0x99: {  	s19 =	simm.s32 $_scs_section_size  }
0x9a: {  	s4 =	simm.s32 $_size__tile_overlayer_lowered;
	s5 =	simm.s32 $_tile_overlayer_lowered  }
0x9b: {  	s22 =	simm.s32 $0x1BFF;
	s21 =	sshll.u32 s5, $0x1;
	s2 =	sadd.s32 s19, s18  }
0x9c: {  	s6 =	simm.s32 $0x0;
	s20 =	sshll.u32 s4, $0x1;
	s4 =	sadd.s32 s21, s2  }
0x9d: {  	[timem:s6], [sflag:s22] =	dma.local [hbm:s4], s20  }
0x9e: {  	_ =	swait.ge [sflag:s22], s20  }
0x9f: {  	s3 =	ssub.s32 $0x0, s20;
	[sflag:s22] =	ssyncset.done $0x0  }
0xa0: {  	[sflag:s22] =	ssyncadd.s32 s3;
	_ =	sdelay $0x1  }
0xa1: {  	s23 =	simm.s32 $0x1B8B  }
0xa2: {  	_ =	swait.ge [sflag:s23], $0x1  }
0xa3: {  	[sflag:s23] =	ssyncset.done $0x0  }
0xa4: {  	s25 =	simm.s32 $0x1B8E;
	s24 =	sld [smem:$0x3FFE];
	[sflag:s23] =	ssyncadd.s32 $0xFFFFFFFF  }
0xa5: {  	s26 =	simm.s32 $execute0_lowered;
	[smem:$0x3FD2] =	sst s25  }
0xa6: {  	s4 =	sshll.u32 s26, $0x1;
	_ =	strace $0x8000004C;
	[dreg:$0x1] =	wrdreg $0xFFFFFFFF  }
0xa7: {  	s28 =	simm.s32 $_size_execute0_lowered;
	s2 =	sadd.s32 s2, s4;
	[dreg:$0x0] =	wrdreg $0x0  }
0xa8: {  	s4 =	sshll.u32 s28, $0x1;
	[dreg:$0x2] =	wrdreg s2  }
0xa9: {  	[dreg:$0x3] =	wrdreg s4  }
0xaa: {  	[dreg:$0x4] =	wrdreg $0xC0  }
0xab: {  	_ =	task [dreg:s6], $0x5FFFF  }
0xac: {  	[dreg:$0x1] =	wrdreg $0xFFFFFFFF  }
0xad: {  	[dreg:$0x0] =	wrdreg $0x60  }
0xae: {  	[dreg:$0x2] =	wrdreg s24  }
0xaf: {  	[dreg:$0x3] =	wrdreg $0x9  }
0xb0: {  	_ =	task.clear_ibuf [dreg:s6], $0x4FFFF;
	_ =	strace $0x9000004C  }
0xb1: {  	s29 =	simm.s32 $0x9;
	_ =	strace $0x8000004E  }
0xb2: {  	_ =	swait.ge [sflag:s29], $0x1  }
0xb3: {  	[sflag:s29] =	ssyncadd.s32 $0xFFFFFFFF  }
0xb4: {  	_ =	strace $0x9000004E  }
0xb5: {  	_ =	sfence  }
0xb6: {  	s30 =	sld [smem:$0x0];
	_ =	sdelay $0x2  }
0xb7: {  	s31 =	sshll.u32 s1, $0xD;
	s1 =	sshrl.u32 s1, $0x2  }
0xb8: {  	s3 =	sand.u32 $0x4000, s31;
	s1 =	sadd.s32 s1, s30  }
0xb9: {  	s0 =	sor.u32 s3, s0;
	s1 =	sshll.u32 s1, $0x11  }
0xba: {  	s0 =	sor.u32 s1, s0  }
0xbb: {  	s0 =	sadd.s32 $0x8F2B, s0  }
0xbc: {  	[sflag:s0] =	ssyncadd.remote.s32 $0x1  }
0xbd: {  	_ =	sfence.sel $0xFFFF  }
0xbe: {  	[dreg:$0x0] =	wrdreg $0xFFFFFFFF;
	(pc) =	sbr.abs _section_cstart, $3  }
0xbf: {  	[dreg:$0x1] =	wrdreg $0xFFFFFFFF  }
0xc0: {  	_ =	task.clear_ibuf [dreg:s6], $0x2FFFF;
	_ =	strace $0x9FFFFFFF  }
0xc1: {  	(tm) =	ssettm $0x7FFFFFFF  }
tec
execute0_lowered:
.L_overlay_start_1:
0x0: {  	(tag) =	ssettag $0x1  }
0x1: {  	s8 =	rddreg [dreg:$0x0]  }
0x2: {  	s0 =	rddreg [dreg:$0x1];
	_ =	strace $0x8000004D;
	s1 =	stileid.u32  }
0x3: {  	s3 =	srdreg.scid;
	s4 =	simm.s32 $0x1;
	s7 =	simm.s32 $0x1  }
0x4: {  	s9 =	simm.s32 $0x1;
	s10 =	simm.s32 $0x3;
	s13 =	simm.s32 $0x0  }
0x5: {  	s12 =	simm.s32 $0x0;
	s5 =	sand.u32 $0x1, s3;
	s6 =	sshll.u32 s1, $0x1  }
0x6: {  	s2 =	sadd.s32 $0x58400, s8;
	s3 =	sadd.s32 $0x6C000, s8;
	s5 =	sor.u32 s6, s5  }
.Ltmp0:
0x7: {  	[sflag:s4] =	ssyncpa.u1 $0x0;
	p0 =	slt.u32 s5, $0x9;
	(pc) =	sbr.rel .LBB2_1-.Ltmp0, $4  }
0x8: {  	s6 =	simm.s32 $0x2;
	s7 =	simm.s32 @!p0 $0x0;
	p0 =	sne.s32 s5, $0x8  }
0x9: {  	[sflag:s6] =	ssyncpa.u1 $0x0;
	s5 =	smul.u32 $0x1F40, s5;
	s9 =	simm.s32 @!p0 $0x0  }
0xa: {  	s8 =	sadd.s32 $0x4E600, s8;
	[sflag:s10] =	ssyncpa.u1 $0x0;
	s7 =	sadd.s32 s9, s7  }
0xb: {  	vm0 =	vmmov $0xffff;
	s10 =	simm.s32 $0x0;
	s11 =	smov.u32 s5;
	s9 =	sadd.s32 $0x1, s7  }
.LBB2_4:
0xc: {  	v2 =	vnsel vm1, $0x0, v2  }
0xd: {  	vm1 =	vgt.s32 v0, $0x0;
	v2 =	vmin.u32 v2, $0x4E1FF  }
0xe: {  	v0 =	vnsel vm1, $0x0, v0  }
0xf: {  	v0 =	vmin.u32 v0, $0x4E1FF  }
0x10: {  	[tilespmem:s18], [sflag:$0x1] =	stream.indirect_vreg.gather [hbm4b:s2+s10], $0x1, v1, vm0, $0x4038;
	[tilespmem:$0x7D00] =	vst v63  }
0x11: {  	(ifvalue) =	ssetifvalue $0x7FFFFFFF  }
0x12: {  	[tilespmem:s15], [sflag:$0x1] =	stream.indirect_vreg.gather [hbm4b:s2+s10], $0x1, v2, vm0, $0x4038;
	[tilespmem:$0x7D00] =	vst v63  }
0x13: {  	s29 =	sadd.s32 $0x10, s15;
	(ifvalue) =	ssetifvalue $0x7FFFFFFF  }
0x14: {  	[tilespmem:s29], [sflag:$0x1] =	stream.indirect_vreg.gather [hbm4b:s2+s10], $0x1, v0, vm0, $0x4038;
	[tilespmem:$0x7D00] =	vst v63  }
0x15: {  	_ =	swait.ge [sflag:s4], $0x1F40  }
0x16: {  	s30 =	sshrl.u32 s13, $0x3;
	[sflag:s4] =	ssyncset.done $0x0  }
0x17: {  	s31 =	sand.u32 $0x7, s13;
	s15 =	sadd.s32 s8, s30;
	[sflag:s4] =	ssyncadd.s32 $0xFFFFE0C0  }
0x18: {  	[hbm4b:s15+s31] =	stream.linear.scatter [tilespmem:s14], [sflag:$0x3], $0x1F40, $0x38;
	[tilespmem:$0x7D00] =	vst v63  }
.LBB2_5:
0x19: {  	s15 =	sadd.s32 $0x3E800, s11  }
0x1a: {  	p1 =	sgt.s32 s15, $0x4E1FF  }
0x1b: {  	s15 =	smov.u32 @p1 s5;
	p1 =	sne.s32 s12, s9  }
.Ltmp1:
0x1c: {  	p0 =	slt.u32 s12, $0x2;
	(pc) =	sbr.rel @!p1 .LBB2_6-.Ltmp1, $4  }
0x1d: {  	s14 =	simm.s32 @!p0 $0x3  }
0x1e: {  	_ =	swait.ge @!p0 [sflag:s14], $0x1F40  }
0x1f: {  	s16 =	sadd.s32 $0x1, s12;
	s13 =	smov.u32 s11;
	[sflag:s14] =	ssyncset.done @!p0 $0x0  }
0x20: {  	s12 =	smov.u32 s16;
	s11 =	smov.u32 s15;
	[sflag:s14] =	ssyncadd.s32 @!p0 $0xFFFFE0C0  }
.LBB2_1:
0x21: {  	p0 =	sge.u32 s12, s7  }
0x22: {  	s14 =	sxor.u32 @!p0 $0x1, s12  }
0x23: {  	s14 =	smul.u32 @!p0 $0x7D00, s14  }
0x24: {  	s31 =	sadd.s32 $0xFFFFFFFF, s12;
	s15 =	sshrl.u32 @!p0 s11, $0x3  }
0x25: {  	s16 =	sand.u32 @!p0 $0x7, s11;
	s15 =	sadd.s32 @!p0 s3, s15;
	s14 =	sshra.s32 @!p0 s14, $0x2  }
0x26: {  	[tilespmem:s14], [sflag:$0x2] =	stream.linear.gather @!p0 [hbm4b:s15+s16], $0x1F40, $0x38;
	[tilespmem:$0x7D00] =	vst v63  }
0x27: {  	p0 =	sge.u32 s31, s7  }
.Ltmp2:
0x28: {  	_ = 	snop;
	(pc) =	sbr.rel @p0 .LBB2_5-.Ltmp2, $1  }
0x29: {  	_ =	sdelay $0x3  }
0x2a: {  	s14 =	sand.u32 $0x1, s12  }
0x2b: {  	_ =	swait.ge [sflag:s6], $0x1F40;
	p0 =	seq.s32 s14, $0x1;
	s14 =	simm.s32 $0x1F40  }
0x2c: {  	[sflag:s6] =	ssyncset.done $0x0;
	s14 =	simm.s32 @!p0 $0x0  }
0x2d: {  	[sflag:s6] =	ssyncadd.s32 $0xFFFFE0C0;
	(ifvalue) =	ssetifvalue $0x7FFFFFFF;
	v0 =	vld.msk [tilespmem:s14+$0x0 ss:$0x1], $0xffff;
	_ =	sdelay $0x4  }
0x2e: {  	s15 =	sadd.s32 $0x10, s14;
	vm1 =	vgt.s32 v0, $0x0  }
0x2f: {  	v2 =	vld.msk [tilespmem:s15+$0x0 ss:$0x1], $0xffff;
	v1 =	vnsel vm1, $0x0, v0  }
0x30: {  	v1 =	vmin.u32 v1, $0x4E1FF;
	_ =	sdelay $0x2  }
0x31: {  	s17 =	simm.s32 $0x20;
	s14 =	sadd.s32 $0x3E80, s14;
	s16 =	sadd.s32 $0x10, s15  }
0x32: {  	s15 =	sadd.s32 $0x10, s14;
	s18 =	smov.u32 s14;
	v0 =	vld.msk [tilespmem:s16+$0x0 ss:$0x1], $0xffff;
	vm1 =	vgt.s32 v2, $0x0;
	(ifvalue) =	ssetifvalue $0x7FFFFFFF  }
.LBB2_3:
0x33: {  	[tilespmem:s18], [sflag:$0x1] =	stream.indirect_vreg.gather [hbm4b:s2+s10], $0x1, v1, vm0, $0x4038;
	[tilespmem:$0x7D00] =	vst v63  }
0x34: {  	s17 =	sadd.s32 $0x10, s17  }
0x35: {  	v2 =	vnsel vm1, $0x0, v2;
	p0 =	slt.u32 s17, $0x1F30  }
.Ltmp3:
0x36: {  	s18 =	smov.u32 s15;
	v1 =	vmin.u32 v2, $0x4E1FF;
	(pc) =	sbr.rel @p0 .LBB2_3-.Ltmp3, $3  }
0x37: {  	_ =	sdelay $0x1  }
0x38: {  	s16 =	sadd.s32 $0x10, s16  }
0x39: {  	vm1 =	vgt.s32 v0, $0x0;
	s15 =	sadd.s32 $0x10, s15;
	v2 =	vmov v0;
	(ifvalue) =	ssetifvalue $0x7FFFFFFF;
	v0 =	vld.msk [tilespmem:s16+$0x0 ss:$0x1], $0xffff  }
.Ltmp4:
0x3a: {  	_ = 	snop;
	(pc) =	sbr.rel .LBB2_4-.Ltmp4, $1  }
0x3b: {  	_ =	sdelay $0x3  }
.LBB2_6:
0x3c: {  	_ =	sfence.sel $0x180000  }
0x3d: {  	s2 =	simm.s32 $0x2;
	[bflag:$0x0] =	sbarrier.arrive $0xFFFF  }
0x3e: {  	s30 =	simm.s32 $0x3;
	[sflag:s2] =	ssyncpa.u1 $0x1  }
0x3f: {  	s31 =	simm.s32 $0x1;
	[sflag:s30] =	ssyncpa.u1 $0x1  }
0x40: {  	[sflag:s31] =	ssyncpa.u1 $0x1  }
0x41: {  	p0 =	sne.s32 s1, $0x0;
	_ =	strace $0x9000004D  }
0x42: {  	s0 =	sadd.s32 @!p0 $0x100000, s0;
	[bflag:$0x2] =	sbarrier.arrive $0xFFFF  }
0x43: {  	[sflag:s0] =	ssyncadd.tile.s32 @!p0 $0x1;
	_ =	shalt  }
.Lfunc_end2:
_tile_overlayer_lowered:
.L_overlay_start_2:
0x44: {  	(tag) =	ssettag $0x2  }
0x45: {  	s0 =	rddreg [dreg:$0x0];
	s2 =	stileid.u32  }
0x46: {  	s1 =	rddreg [dreg:$0x1];
	p0 =	sne.s32 s2, $0x0  }
0x47: {  	s3 =	rddreg [dreg:$0x2];
	[bflag:$0x3] =	sbarrier.arrive $0xFFFF;
	s2 =	simm.s32 @!p0 $0x1C01  }
0x48: {  	[timem:s3], [sflag:s2] =	dma.local @!p0 [hbm:s0], s1  }
0x49: {  	s0 =	simm.s32 @!p0 $0x1  }
0x4a: {  	_ =	swait.ge @!p0 [sflag:s0], s1  }
0x4b: {  	s1 =	ssub.s32 @!p0 $0x0, s1;
	[sflag:s0] =	ssyncset.done @!p0 $0x0  }
0x4c: {  	[sflag:s0] =	ssyncadd.s32 @!p0 s1  }
0x4d: {  	[bflag:$0x3] =	sbarrier.arrive $0xFFFF  }
0x4e: {  	_ =	shalt  }

// kernel: gather_offload_async_start
scs
__scs_entry_jumppad:
0x0: {  	(pc) =	sbr.rel $0x88, $3  }
0x1: {  	(tag) =	ssettag $0x0;
	lr =	simm.s32 $0x1  }
0x2: {  	[smem:$0x3F72] =	sst lr;
	_ =	strace $0xD0000000  }
0x3: {  	_ = 	snop  }
0x4: {  	_ = 	snop  }
0x5: {  	_ = 	snop  }
0x6: {  	_ = 	snop  }
0x7: {  	_ = 	snop  }
__scs_overlays_trampoline_lowered:
0x8: {  	[smem:$0x3F81] =	sst s0  }
0x9: {  	[smem:$0x3F82] =	sst s1  }
0xa: {  	[smem:$0x3F83] =	sst s2  }
0xb: {  	[smem:$0x3F84] =	sst s3  }
0xc: {  	[smem:$0x3F85] =	sst s4  }
0xd: {  	[smem:$0x3F86] =	sst s5  }
0xe: {  	[smem:$0x3F87] =	sst s6  }
0xf: {  	[smem:$0x3F88] =	sst s7  }
0x10: {  	[smem:$0x3F89] =	sst s8  }
0x11: {  	[smem:$0x3F8A] =	sst s9;
	s0 =	simm.s32 @!p0 $0x0  }
0x12: {  	s1 =	sld [smem:$0x3F70];
	s0 =	simm.s32 @p0 $0x1  }
0x13: {  	[smem:$0x3F8B] =	sst s0;
	s0 =	simm.s32 @!p1 $0x0  }
0x14: {  	s2 =	sld [smem:$0x3F6F];
	s0 =	simm.s32 @p1 $0x1  }
0x15: {  	[smem:$0x3F8C] =	sst s0;
	s0 =	simm.s32 @!p2 $0x0  }
0x16: {  	s3 =	sld [smem:$0x3FDB];
	s0 =	simm.s32 @p2 $0x1  }
0x17: {  	s4 =	simm.s32 $0x1BF5;
	[smem:$0x3F8E] =	sst s0  }
0x18: {  	s0 =	sld [smem:$0x3F71];
	_ =	swait.ge [sflag:s4], $0x0  }
0x19: {  	s7 =	sld [smem:$0x3F72]  }
0x1a: {  	s8 =	sadd.s32 $0xFFFFE003, lr  }
0x1b: {  	s9 =	sadd.s32 $0xFFFFFEF7, lr;
	s5 =	simm.s32 $0xFFFFFFFF;
	p2 =	slt.u32 s8, $0xFFFFF086  }
0x1c: {  	p1 =	slt.u32 s9, $0xF7A;
	s5 =	simm.s32 @!p2 $0x0  }
0x1d: {  	s5 =	simm.s32 @p1 $0x1;
	p0 =	seq.s32 s7, s2  }
0x1e: {  	s7 =	smul.u32 @!p0 $0xF7A, s2;
	p2 =	seq.s32 @!p0 s5, $0x0  }
0x1f: {  	s9 =	smul.u32 $0xF7A, s1;
	s8 =	simm.s32 @!p0 $0x1BF5;
	p2 =	por !p2, p0  }
0x20: {  	[sflag:s8] =	ssyncset.s32 @!p0 $0xFFFFF086;
	s6 =	sadd.s32 @!p0 s3, s7;
	s7 =	simm.s32 @!p0 $0x108  }
0x21: {  	s3 =	sadd.s32 s3, s9;
	s6 =	sadd.s32 @!p0 $0x88, s6;
	s7 =	simm.s32 @p2 $0x1082  }
0x22: {  	[simem:s7], [sflag:s8] =	dma.local @!p0 [hbm:s6], $0xF7A  }
0x23: {  	s9 =	sor.u32 $0xD0000000, s2;
	s6 =	simm.s32 $0x108;
	_ =	swait.ge @!p0 [sflag:s8], $0x0  }
0x24: {  	s3 =	sadd.s32 $0x88, s3;
	s6 =	simm.s32 @!p1 $0x1082;
	[sflag:s4] =	ssyncset.s32 $0xFFFFF086  }
0x25: {  	[simem:s6], [sflag:s4] =	dma.local [hbm:s3], $0xF7A  }
0x26: {  	[smem:$0x3F72] =	sst s1;
	(tag) =	ssettag s2;
	_ =	strace s9  }
0x27: {  	s1 =	sld [smem:$0x3F82]  }
0x28: {  	s2 =	sld [smem:$0x3F83]  }
0x29: {  	s4 =	sld [smem:$0x3F85]  }
0x2a: {  	p0 =	seq.s32 s5, $0x0;
	s5 =	sld [smem:$0x3F86]  }
0x2b: {  	s6 =	sld [smem:$0x3F87]  }
0x2c: {  	s7 =	sld [smem:$0x3F88]  }
0x2d: {  	s3 =	simm.s32 $0x108;
	s8 =	sld [smem:$0x3F89]  }
0x2e: {  	s3 =	simm.s32 @!p0 $0x1082;
	s9 =	sld [smem:$0x3F8A]  }
0x2f: {  	lr =	sadd.s32 s0, s3;
	s0 =	sld [smem:$0x3F81]  }
0x30: {  	s3 =	sld [smem:$0x3F84]  }
0x31: {  	[smem:$0x3F8D] =	sst s10  }
0x32: {  	s10 =	sld [smem:$0x3F8B];
	_ =	sdelay $0x3  }
0x33: {  	p0 =	seq.s32 s10, $0x1;
	s10 =	sld [smem:$0x3F8D];
	_ =	sdelay $0x3  }
0x34: {  	[smem:$0x3F8D] =	sst s10  }
0x35: {  	s10 =	sld [smem:$0x3F8C];
	_ =	sdelay $0x3  }
0x36: {  	p1 =	seq.s32 s10, $0x1;
	s10 =	sld [smem:$0x3F8D];
	_ =	sdelay $0x3  }
0x37: {  	[smem:$0x3F8D] =	sst s10  }
0x38: {  	s10 =	sld [smem:$0x3F8E]  }
0x39: {  	_ = 	snop;
	(pc) =	sbr.ind lr, $3  }
0x3a: {  	_ = 	snop  }
0x3b: {  	_ = 	snop  }
0x3c: {  	p2 =	seq.s32 s10, $0x1;
	s10 =	sld [smem:$0x3F8D]  }
0x3d: {  	_ =	shalt  }
0x3e: {  	_ =	shalt  }
0x3f: {  	_ =	shalt  }
0x40: {  	_ =	shalt  }
0x41: {  	_ =	shalt  }
0x42: {  	_ =	shalt  }
0x43: {  	_ =	shalt  }
0x44: {  	_ =	shalt  }
0x45: {  	_ =	shalt  }
0x46: {  	_ =	shalt  }
0x47: {  	_ =	shalt  }
0x48: {  	_ =	shalt  }
0x49: {  	_ =	shalt  }
0x4a: {  	_ =	shalt  }
0x4b: {  	_ =	shalt  }
0x4c: {  	_ =	shalt  }
0x4d: {  	_ =	shalt  }
0x4e: {  	_ =	shalt  }
0x4f: {  	_ =	shalt  }
0x50: {  	_ =	shalt  }
0x51: {  	_ =	shalt  }
0x52: {  	_ =	shalt  }
0x53: {  	_ =	shalt  }
0x54: {  	_ =	shalt  }
0x55: {  	_ =	shalt  }
0x56: {  	_ =	shalt  }
0x57: {  	_ =	shalt  }
0x58: {  	_ =	shalt  }
0x59: {  	_ =	shalt  }
0x5a: {  	_ =	shalt  }
0x5b: {  	_ =	shalt  }
0x5c: {  	_ =	shalt  }
0x5d: {  	_ =	shalt  }
0x5e: {  	_ =	shalt  }
0x5f: {  	_ =	shalt  }
0x60: {  	_ =	shalt  }
0x61: {  	_ =	shalt  }
0x62: {  	_ =	shalt  }
0x63: {  	_ =	shalt  }
0x64: {  	_ =	shalt  }
0x65: {  	_ =	shalt  }
0x66: {  	_ =	shalt  }
0x67: {  	_ =	shalt  }
0x68: {  	_ =	shalt  }
0x69: {  	_ =	shalt  }
0x6a: {  	_ =	shalt  }
0x6b: {  	_ =	shalt  }
0x6c: {  	_ =	shalt  }
0x6d: {  	_ =	shalt  }
0x6e: {  	_ =	shalt  }
0x6f: {  	_ =	shalt  }
0x70: {  	_ =	shalt  }
0x71: {  	_ =	shalt  }
0x72: {  	_ =	shalt  }
0x73: {  	_ =	shalt  }
0x74: {  	_ =	shalt  }
0x75: {  	_ =	shalt  }
0x76: {  	_ =	shalt  }
0x77: {  	_ =	shalt  }
0x78: {  	_ =	shalt  }
0x79: {  	_ =	shalt  }
0x7a: {  	_ =	shalt  }
0x7b: {  	_ =	shalt  }
0x7c: {  	_ =	shalt  }
0x7d: {  	_ =	shalt  }
0x7e: {  	_ =	shalt  }
0x7f: {  	_ =	shalt  }
0x80: {  	_ =	shalt  }
0x81: {  	_ =	shalt  }
0x82: {  	_ =	shalt  }
0x83: {  	_ =	shalt  }
0x84: {  	_ =	shalt  }
0x85: {  	_ =	shalt  }
0x86: {  	_ =	shalt  }
0x87: {  	_ =	shalt  }
.Lfunc_end0:
.L_simem_size_0:
called_computation_lowered:
.L_overlay_start_0:
0x88: {  	s2 =	sld [smem:$0x3FD9]  }
0x89: {  	s3 =	sld [smem:$0x3FFE];
	_ =	sdelay $0x1  }
0x8a: {  	s1 =	srdreg.scid  }
0x8b: {  	s0 =	sand.u32 $0x1, s1  }
0x8c: {  	s16 =	sshll.u32 s0, $0xA;
	s2 =	sadd.s32 s3, s2  }
0x8d: {  	s2 =	sadd.s32 s2, s16  }
0x8e: {  	[smem:$0x3F99] =	sst s2  }
0x8f: {  	_ = 	snop  }
0x90: {  	(tm) =	ssettm $0x1  }
0x91: {  	s17 =	sld [smem:$0x3FFB];
	_ =	sdelay $0x3  }
0x92: {  	_ =	strace s17  }
0x93: {  	s2 =	sld [smem:$0x3FFC];
	_ =	sdelay $0x3  }
0x94: {  	_ =	strace s2  }
0x95: {  	s2 =	sld [smem:$0x3FFD];
	_ =	sdelay $0x3  }
0x96: {  	_ =	strace s2  }
0x97: {  	_ =	strace $0x8FFFFFFF  }
0x98: {  	s18 =	sld [smem:$0x3FDB];
	_ =	sdelay $0x1  }
0x99: {  	s19 =	simm.s32 $_scs_section_size  }
0x9a: {  	s4 =	simm.s32 $_size__tile_overlayer_lowered;
	s5 =	simm.s32 $_tile_overlayer_lowered  }
0x9b: {  	s22 =	simm.s32 $0x1BFF;
	s21 =	sshll.u32 s5, $0x1;
	s2 =	sadd.s32 s19, s18  }
0x9c: {  	s6 =	simm.s32 $0x0;
	s20 =	sshll.u32 s4, $0x1;
	s4 =	sadd.s32 s21, s2  }
0x9d: {  	[timem:s6], [sflag:s22] =	dma.local [hbm:s4], s20  }
0x9e: {  	_ =	swait.ge [sflag:s22], s20  }
0x9f: {  	s3 =	ssub.s32 $0x0, s20;
	[sflag:s22] =	ssyncset.done $0x0  }
0xa0: {  	[sflag:s22] =	ssyncadd.s32 s3;
	_ =	sdelay $0x1  }
0xa1: {  	s23 =	simm.s32 $0x1B8B  }
0xa2: {  	_ =	swait.ge [sflag:s23], $0x1  }
0xa3: {  	[sflag:s23] =	ssyncset.done $0x0  }
0xa4: {  	s25 =	simm.s32 $0x1B8E;
	s24 =	sld [smem:$0x3FFE];
	[sflag:s23] =	ssyncadd.s32 $0xFFFFFFFF  }
0xa5: {  	s26 =	simm.s32 $execute0_lowered;
	[smem:$0x3FD2] =	sst s25  }
0xa6: {  	s4 =	sshll.u32 s26, $0x1;
	_ =	strace $0x80000046;
	[dreg:$0x1] =	wrdreg $0xFFFFFFFF  }
0xa7: {  	s28 =	simm.s32 $_size_execute0_lowered;
	s2 =	sadd.s32 s2, s4;
	[dreg:$0x0] =	wrdreg $0x0  }
0xa8: {  	s4 =	sshll.u32 s28, $0x1;
	[dreg:$0x2] =	wrdreg s2  }
0xa9: {  	[dreg:$0x3] =	wrdreg s4  }
0xaa: {  	[dreg:$0x4] =	wrdreg $0xC0  }
0xab: {  	_ =	task [dreg:s6], $0x5FFFF  }
0xac: {  	[dreg:$0x1] =	wrdreg $0xFFFFFFFF  }
0xad: {  	[dreg:$0x0] =	wrdreg $0x60  }
0xae: {  	[dreg:$0x2] =	wrdreg s24  }
0xaf: {  	[dreg:$0x3] =	wrdreg $0x9  }
0xb0: {  	_ =	task.clear_ibuf [dreg:s6], $0x4FFFF;
	_ =	strace $0x90000046  }
0xb1: {  	s29 =	simm.s32 $0x9;
	_ =	strace $0x80000048  }
0xb2: {  	_ =	swait.ge [sflag:s29], $0x1  }
0xb3: {  	[sflag:s29] =	ssyncadd.s32 $0xFFFFFFFF  }
0xb4: {  	_ =	strace $0x90000048  }
0xb5: {  	_ =	sfence  }
0xb6: {  	s30 =	sld [smem:$0x0];
	_ =	sdelay $0x2  }
0xb7: {  	s31 =	sshll.u32 s1, $0xD;
	s1 =	sshrl.u32 s1, $0x2  }
0xb8: {  	s3 =	sand.u32 $0x4000, s31;
	s1 =	sadd.s32 s1, s30  }
0xb9: {  	s0 =	sor.u32 s3, s0;
	s1 =	sshll.u32 s1, $0x11  }
0xba: {  	s0 =	sor.u32 s1, s0  }
0xbb: {  	s0 =	sadd.s32 $0x8F2B, s0  }
0xbc: {  	[sflag:s0] =	ssyncadd.remote.s32 $0x1  }
0xbd: {  	_ =	sfence.sel $0xFFFF  }
0xbe: {  	[dreg:$0x0] =	wrdreg $0xFFFFFFFF;
	(pc) =	sbr.abs _section_cstart, $3  }
0xbf: {  	[dreg:$0x1] =	wrdreg $0xFFFFFFFF  }
0xc0: {  	_ =	task.clear_ibuf [dreg:s6], $0x2FFFF;
	_ =	strace $0x9FFFFFFF  }
0xc1: {  	(tm) =	ssettm $0x7FFFFFFF  }
tec
execute0_lowered:
.L_overlay_start_1:
0x0: {  	(tag) =	ssettag $0x1  }
0x1: {  	s8 =	rddreg [dreg:$0x0]  }
0x2: {  	s0 =	rddreg [dreg:$0x1];
	_ =	strace $0x80000047;
	s1 =	stileid.u32  }
0x3: {  	s3 =	srdreg.scid;
	s4 =	simm.s32 $0x1;
	s7 =	simm.s32 $0x1  }
0x4: {  	s9 =	simm.s32 $0x1;
	s10 =	simm.s32 $0x3;
	s13 =	simm.s32 $0x0  }
0x5: {  	s12 =	simm.s32 $0x0;
	s5 =	sand.u32 $0x1, s3;
	s6 =	sshll.u32 s1, $0x1  }
0x6: {  	s2 =	sadd.s32 $0x62200, s8;
	s3 =	sadd.s32 $0x6C000, s8;
	s5 =	sor.u32 s6, s5  }
.Ltmp0:
0x7: {  	[sflag:s4] =	ssyncpa.u1 $0x0;
	p0 =	slt.u32 s5, $0x9;
	(pc) =	sbr.rel .LBB2_1-.Ltmp0, $4  }
0x8: {  	s6 =	simm.s32 $0x2;
	s7 =	simm.s32 @!p0 $0x0;
	p0 =	sne.s32 s5, $0x8  }
0x9: {  	[sflag:s6] =	ssyncpa.u1 $0x0;
	s5 =	smul.u32 $0x1F40, s5;
	s9 =	simm.s32 @!p0 $0x0  }
0xa: {  	s8 =	sadd.s32 $0x75E00, s8;
	[sflag:s10] =	ssyncpa.u1 $0x0;
	s7 =	sadd.s32 s9, s7  }
0xb: {  	vm0 =	vmmov $0xffff;
	s10 =	simm.s32 $0x0;
	s11 =	smov.u32 s5;
	s9 =	sadd.s32 $0x1, s7  }
.LBB2_4:
0xc: {  	v2 =	vnsel vm1, $0x0, v2  }
0xd: {  	vm1 =	vgt.s32 v0, $0x0;
	v2 =	vmin.u32 v2, $0x4E1FF  }
0xe: {  	v0 =	vnsel vm1, $0x0, v0  }
0xf: {  	v0 =	vmin.u32 v0, $0x4E1FF  }
0x10: {  	[tilespmem:s18], [sflag:$0x1] =	stream.indirect_vreg.gather [hbm4b:s2+s10], $0x1, v1, vm0, $0x4038;
	[tilespmem:$0x7D00] =	vst v63  }
0x11: {  	(ifvalue) =	ssetifvalue $0x7FFFFFFF  }
0x12: {  	[tilespmem:s15], [sflag:$0x1] =	stream.indirect_vreg.gather [hbm4b:s2+s10], $0x1, v2, vm0, $0x4038;
	[tilespmem:$0x7D00] =	vst v63  }
0x13: {  	s29 =	sadd.s32 $0x10, s15;
	(ifvalue) =	ssetifvalue $0x7FFFFFFF  }
0x14: {  	[tilespmem:s29], [sflag:$0x1] =	stream.indirect_vreg.gather [hbm4b:s2+s10], $0x1, v0, vm0, $0x4038;
	[tilespmem:$0x7D00] =	vst v63  }
0x15: {  	_ =	swait.ge [sflag:s4], $0x1F40  }
0x16: {  	s30 =	sshrl.u32 s13, $0x3;
	[sflag:s4] =	ssyncset.done $0x0  }
0x17: {  	s31 =	sand.u32 $0x7, s13;
	s15 =	sadd.s32 s8, s30;
	[sflag:s4] =	ssyncadd.s32 $0xFFFFE0C0  }
0x18: {  	[hbm4b:s15+s31] =	stream.linear.scatter [tilespmem:s14], [sflag:$0x3], $0x1F40, $0x38;
	[tilespmem:$0x7D00] =	vst v63  }
.LBB2_5:
0x19: {  	s15 =	sadd.s32 $0x3E800, s11  }
0x1a: {  	p1 =	sgt.s32 s15, $0x4E1FF  }
0x1b: {  	s15 =	smov.u32 @p1 s5;
	p1 =	sne.s32 s12, s9  }
.Ltmp1:
0x1c: {  	p0 =	slt.u32 s12, $0x2;
	(pc) =	sbr.rel @!p1 .LBB2_6-.Ltmp1, $4  }
0x1d: {  	s14 =	simm.s32 @!p0 $0x3  }
0x1e: {  	_ =	swait.ge @!p0 [sflag:s14], $0x1F40  }
0x1f: {  	s16 =	sadd.s32 $0x1, s12;
	s13 =	smov.u32 s11;
	[sflag:s14] =	ssyncset.done @!p0 $0x0  }
0x20: {  	s12 =	smov.u32 s16;
	s11 =	smov.u32 s15;
	[sflag:s14] =	ssyncadd.s32 @!p0 $0xFFFFE0C0  }
.LBB2_1:
0x21: {  	p0 =	sge.u32 s12, s7  }
0x22: {  	s14 =	sxor.u32 @!p0 $0x1, s12  }
0x23: {  	s14 =	smul.u32 @!p0 $0x7D00, s14  }
0x24: {  	s31 =	sadd.s32 $0xFFFFFFFF, s12;
	s15 =	sshrl.u32 @!p0 s11, $0x3  }
0x25: {  	s16 =	sand.u32 @!p0 $0x7, s11;
	s15 =	sadd.s32 @!p0 s3, s15;
	s14 =	sshra.s32 @!p0 s14, $0x2  }
0x26: {  	[tilespmem:s14], [sflag:$0x2] =	stream.linear.gather @!p0 [hbm4b:s15+s16], $0x1F40, $0x38;
	[tilespmem:$0x7D00] =	vst v63  }
0x27: {  	p0 =	sge.u32 s31, s7  }
.Ltmp2:
0x28: {  	_ = 	snop;
	(pc) =	sbr.rel @p0 .LBB2_5-.Ltmp2, $1  }
0x29: {  	_ =	sdelay $0x3  }
0x2a: {  	s14 =	sand.u32 $0x1, s12  }
0x2b: {  	_ =	swait.ge [sflag:s6], $0x1F40;
	p0 =	seq.s32 s14, $0x1;
	s14 =	simm.s32 $0x1F40  }
0x2c: {  	[sflag:s6] =	ssyncset.done $0x0;
	s14 =	simm.s32 @!p0 $0x0  }
0x2d: {  	[sflag:s6] =	ssyncadd.s32 $0xFFFFE0C0;
	(ifvalue) =	ssetifvalue $0x7FFFFFFF;
	v0 =	vld.msk [tilespmem:s14+$0x0 ss:$0x1], $0xffff;
	_ =	sdelay $0x4  }
0x2e: {  	s15 =	sadd.s32 $0x10, s14;
	vm1 =	vgt.s32 v0, $0x0  }
0x2f: {  	v2 =	vld.msk [tilespmem:s15+$0x0 ss:$0x1], $0xffff;
	v1 =	vnsel vm1, $0x0, v0  }
0x30: {  	v1 =	vmin.u32 v1, $0x4E1FF;
	_ =	sdelay $0x2  }
0x31: {  	s17 =	simm.s32 $0x20;
	s14 =	sadd.s32 $0x3E80, s14;
	s16 =	sadd.s32 $0x10, s15  }
0x32: {  	s15 =	sadd.s32 $0x10, s14;
	s18 =	smov.u32 s14;
	v0 =	vld.msk [tilespmem:s16+$0x0 ss:$0x1], $0xffff;
	vm1 =	vgt.s32 v2, $0x0;
	(ifvalue) =	ssetifvalue $0x7FFFFFFF  }
.LBB2_3:
0x33: {  	[tilespmem:s18], [sflag:$0x1] =	stream.indirect_vreg.gather [hbm4b:s2+s10], $0x1, v1, vm0, $0x4038;
	[tilespmem:$0x7D00] =	vst v63  }
0x34: {  	s17 =	sadd.s32 $0x10, s17  }
0x35: {  	v2 =	vnsel vm1, $0x0, v2;
	p0 =	slt.u32 s17, $0x1F30  }
.Ltmp3:
0x36: {  	s18 =	smov.u32 s15;
	v1 =	vmin.u32 v2, $0x4E1FF;
	(pc) =	sbr.rel @p0 .LBB2_3-.Ltmp3, $3  }
0x37: {  	_ =	sdelay $0x1  }
0x38: {  	s16 =	sadd.s32 $0x10, s16  }
0x39: {  	vm1 =	vgt.s32 v0, $0x0;
	s15 =	sadd.s32 $0x10, s15;
	v2 =	vmov v0;
	(ifvalue) =	ssetifvalue $0x7FFFFFFF;
	v0 =	vld.msk [tilespmem:s16+$0x0 ss:$0x1], $0xffff  }
.Ltmp4:
0x3a: {  	_ = 	snop;
	(pc) =	sbr.rel .LBB2_4-.Ltmp4, $1  }
0x3b: {  	_ =	sdelay $0x3  }
.LBB2_6:
0x3c: {  	_ =	sfence.sel $0x180000  }
0x3d: {  	s2 =	simm.s32 $0x2;
	[bflag:$0x0] =	sbarrier.arrive $0xFFFF  }
0x3e: {  	s30 =	simm.s32 $0x3;
	[sflag:s2] =	ssyncpa.u1 $0x1  }
0x3f: {  	s31 =	simm.s32 $0x1;
	[sflag:s30] =	ssyncpa.u1 $0x1  }
0x40: {  	[sflag:s31] =	ssyncpa.u1 $0x1  }
0x41: {  	p0 =	sne.s32 s1, $0x0;
	_ =	strace $0x90000047  }
0x42: {  	s0 =	sadd.s32 @!p0 $0x100000, s0;
	[bflag:$0x2] =	sbarrier.arrive $0xFFFF  }
0x43: {  	[sflag:s0] =	ssyncadd.tile.s32 @!p0 $0x1;
	_ =	shalt  }
.Lfunc_end2:
_tile_overlayer_lowered:
.L_overlay_start_2:
0x44: {  	(tag) =	ssettag $0x2  }
0x45: {  	s0 =	rddreg [dreg:$0x0];
	s2 =	stileid.u32  }
0x46: {  	s1 =	rddreg [dreg:$0x1];
	p0 =	sne.s32 s2, $0x0  }
0x47: {  	s3 =	rddreg [dreg:$0x2];
	[bflag:$0x3] =	sbarrier.arrive $0xFFFF;
	s2 =	simm.s32 @!p0 $0x1C01  }
0x48: {  	[timem:s3], [sflag:s2] =	dma.local @!p0 [hbm:s0], s1  }
0x49: {  	s0 =	simm.s32 @!p0 $0x1  }
0x4a: {  	_ =	swait.ge @!p0 [sflag:s0], s1  }
0x4b: {  	s1 =	ssub.s32 @!p0 $0x0, s1;
	[sflag:s0] =	ssyncset.done @!p0 $0x0  }
0x4c: {  	[sflag:s0] =	ssyncadd.s32 @!p0 s1  }
0x4d: {  	[bflag:$0x3] =	sbarrier.arrive $0xFFFF  }
0x4e: {  	_ =	shalt  }

// kernel: sc_edge_segment_sum.6.cloned.1.call-start
scs
__scs_entry_jumppad:
0x0: {  	(pc) =	sbr.rel $0x88, $3  }
0x1: {  	(tag) =	ssettag $0x0;
	lr =	simm.s32 $0x1  }
0x2: {  	[smem:$0x3F72] =	sst lr;
	_ =	strace $0xD0000000  }
0x3: {  	_ = 	snop  }
0x4: {  	_ = 	snop  }
0x5: {  	_ = 	snop  }
0x6: {  	_ = 	snop  }
0x7: {  	_ = 	snop  }
__scs_overlays_trampoline_lowered:
0x8: {  	[smem:$0x3F81] =	sst s0  }
0x9: {  	[smem:$0x3F82] =	sst s1  }
0xa: {  	[smem:$0x3F83] =	sst s2  }
0xb: {  	[smem:$0x3F84] =	sst s3  }
0xc: {  	[smem:$0x3F85] =	sst s4  }
0xd: {  	[smem:$0x3F86] =	sst s5  }
0xe: {  	[smem:$0x3F87] =	sst s6  }
0xf: {  	[smem:$0x3F88] =	sst s7  }
0x10: {  	[smem:$0x3F89] =	sst s8  }
0x11: {  	[smem:$0x3F8A] =	sst s9;
	s0 =	simm.s32 @!p0 $0x0  }
0x12: {  	s1 =	sld [smem:$0x3F70];
	s0 =	simm.s32 @p0 $0x1  }
0x13: {  	[smem:$0x3F8B] =	sst s0;
	s0 =	simm.s32 @!p1 $0x0  }
0x14: {  	s2 =	sld [smem:$0x3F6F];
	s0 =	simm.s32 @p1 $0x1  }
0x15: {  	[smem:$0x3F8C] =	sst s0;
	s0 =	simm.s32 @!p2 $0x0  }
0x16: {  	s3 =	sld [smem:$0x3FDB];
	s0 =	simm.s32 @p2 $0x1  }
0x17: {  	s4 =	simm.s32 $0x1BF5;
	[smem:$0x3F8E] =	sst s0  }
0x18: {  	s0 =	sld [smem:$0x3F71];
	_ =	swait.ge [sflag:s4], $0x0  }
0x19: {  	s7 =	sld [smem:$0x3F72]  }
0x1a: {  	s8 =	sadd.s32 $0xFFFFE003, lr  }
0x1b: {  	s9 =	sadd.s32 $0xFFFFFEF7, lr;
	s5 =	simm.s32 $0xFFFFFFFF;
	p2 =	slt.u32 s8, $0xFFFFF086  }
0x1c: {  	p1 =	slt.u32 s9, $0xF7A;
	s5 =	simm.s32 @!p2 $0x0  }
0x1d: {  	s5 =	simm.s32 @p1 $0x1;
	p0 =	seq.s32 s7, s2  }
0x1e: {  	s7 =	smul.u32 @!p0 $0xF7A, s2;
	p2 =	seq.s32 @!p0 s5, $0x0  }
0x1f: {  	s9 =	smul.u32 $0xF7A, s1;
	s8 =	simm.s32 @!p0 $0x1BF5;
	p2 =	por !p2, p0  }
0x20: {  	[sflag:s8] =	ssyncset.s32 @!p0 $0xFFFFF086;
	s6 =	sadd.s32 @!p0 s3, s7;
	s7 =	simm.s32 @!p0 $0x108  }
0x21: {  	s3 =	sadd.s32 s3, s9;
	s6 =	sadd.s32 @!p0 $0x88, s6;
	s7 =	simm.s32 @p2 $0x1082  }
0x22: {  	[simem:s7], [sflag:s8] =	dma.local @!p0 [hbm:s6], $0xF7A  }
0x23: {  	s9 =	sor.u32 $0xD0000000, s2;
	s6 =	simm.s32 $0x108;
	_ =	swait.ge @!p0 [sflag:s8], $0x0  }
0x24: {  	s3 =	sadd.s32 $0x88, s3;
	s6 =	simm.s32 @!p1 $0x1082;
	[sflag:s4] =	ssyncset.s32 $0xFFFFF086  }
0x25: {  	[simem:s6], [sflag:s4] =	dma.local [hbm:s3], $0xF7A  }
0x26: {  	[smem:$0x3F72] =	sst s1;
	(tag) =	ssettag s2;
	_ =	strace s9  }
0x27: {  	s1 =	sld [smem:$0x3F82]  }
0x28: {  	s2 =	sld [smem:$0x3F83]  }
0x29: {  	s4 =	sld [smem:$0x3F85]  }
0x2a: {  	p0 =	seq.s32 s5, $0x0;
	s5 =	sld [smem:$0x3F86]  }
0x2b: {  	s6 =	sld [smem:$0x3F87]  }
0x2c: {  	s7 =	sld [smem:$0x3F88]  }
0x2d: {  	s3 =	simm.s32 $0x108;
	s8 =	sld [smem:$0x3F89]  }
0x2e: {  	s3 =	simm.s32 @!p0 $0x1082;
	s9 =	sld [smem:$0x3F8A]  }
0x2f: {  	lr =	sadd.s32 s0, s3;
	s0 =	sld [smem:$0x3F81]  }
0x30: {  	s3 =	sld [smem:$0x3F84]  }
0x31: {  	[smem:$0x3F8D] =	sst s10  }
0x32: {  	s10 =	sld [smem:$0x3F8B];
	_ =	sdelay $0x3  }
0x33: {  	p0 =	seq.s32 s10, $0x1;
	s10 =	sld [smem:$0x3F8D];
	_ =	sdelay $0x3  }
0x34: {  	[smem:$0x3F8D] =	sst s10  }
0x35: {  	s10 =	sld [smem:$0x3F8C];
	_ =	sdelay $0x3  }
0x36: {  	p1 =	seq.s32 s10, $0x1;
	s10 =	sld [smem:$0x3F8D];
	_ =	sdelay $0x3  }
0x37: {  	[smem:$0x3F8D] =	sst s10  }
0x38: {  	s10 =	sld [smem:$0x3F8E]  }
0x39: {  	_ = 	snop;
	(pc) =	sbr.ind lr, $3  }
0x3a: {  	_ = 	snop  }
0x3b: {  	_ = 	snop  }
0x3c: {  	p2 =	seq.s32 s10, $0x1;
	s10 =	sld [smem:$0x3F8D]  }
0x3d: {  	_ =	shalt  }
0x3e: {  	_ =	shalt  }
0x3f: {  	_ =	shalt  }
0x40: {  	_ =	shalt  }
0x41: {  	_ =	shalt  }
0x42: {  	_ =	shalt  }
0x43: {  	_ =	shalt  }
0x44: {  	_ =	shalt  }
0x45: {  	_ =	shalt  }
0x46: {  	_ =	shalt  }
0x47: {  	_ =	shalt  }
0x48: {  	_ =	shalt  }
0x49: {  	_ =	shalt  }
0x4a: {  	_ =	shalt  }
0x4b: {  	_ =	shalt  }
0x4c: {  	_ =	shalt  }
0x4d: {  	_ =	shalt  }
0x4e: {  	_ =	shalt  }
0x4f: {  	_ =	shalt  }
0x50: {  	_ =	shalt  }
0x51: {  	_ =	shalt  }
0x52: {  	_ =	shalt  }
0x53: {  	_ =	shalt  }
0x54: {  	_ =	shalt  }
0x55: {  	_ =	shalt  }
0x56: {  	_ =	shalt  }
0x57: {  	_ =	shalt  }
0x58: {  	_ =	shalt  }
0x59: {  	_ =	shalt  }
0x5a: {  	_ =	shalt  }
0x5b: {  	_ =	shalt  }
0x5c: {  	_ =	shalt  }
0x5d: {  	_ =	shalt  }
0x5e: {  	_ =	shalt  }
0x5f: {  	_ =	shalt  }
0x60: {  	_ =	shalt  }
0x61: {  	_ =	shalt  }
0x62: {  	_ =	shalt  }
0x63: {  	_ =	shalt  }
0x64: {  	_ =	shalt  }
0x65: {  	_ =	shalt  }
0x66: {  	_ =	shalt  }
0x67: {  	_ =	shalt  }
0x68: {  	_ =	shalt  }
0x69: {  	_ =	shalt  }
0x6a: {  	_ =	shalt  }
0x6b: {  	_ =	shalt  }
0x6c: {  	_ =	shalt  }
0x6d: {  	_ =	shalt  }
0x6e: {  	_ =	shalt  }
0x6f: {  	_ =	shalt  }
0x70: {  	_ =	shalt  }
0x71: {  	_ =	shalt  }
0x72: {  	_ =	shalt  }
0x73: {  	_ =	shalt  }
0x74: {  	_ =	shalt  }
0x75: {  	_ =	shalt  }
0x76: {  	_ =	shalt  }
0x77: {  	_ =	shalt  }
0x78: {  	_ =	shalt  }
0x79: {  	_ =	shalt  }
0x7a: {  	_ =	shalt  }
0x7b: {  	_ =	shalt  }
0x7c: {  	_ =	shalt  }
0x7d: {  	_ =	shalt  }
0x7e: {  	_ =	shalt  }
0x7f: {  	_ =	shalt  }
0x80: {  	_ =	shalt  }
0x81: {  	_ =	shalt  }
0x82: {  	_ =	shalt  }
0x83: {  	_ =	shalt  }
0x84: {  	_ =	shalt  }
0x85: {  	_ =	shalt  }
0x86: {  	_ =	shalt  }
0x87: {  	_ =	shalt  }
.Lfunc_end0:
.L_simem_size_0:
called_computation.3_lowered:
.L_overlay_start_0:
0x88: {  	s2 =	sld [smem:$0x3FD9]  }
0x89: {  	s3 =	sld [smem:$0x3FFE];
	_ =	sdelay $0x1  }
0x8a: {  	s1 =	srdreg.scid  }
0x8b: {  	s0 =	sand.u32 $0x1, s1  }
0x8c: {  	s16 =	sshll.u32 s0, $0xA;
	s2 =	sadd.s32 s3, s2  }
0x8d: {  	s2 =	sadd.s32 s2, s16  }
0x8e: {  	[smem:$0x3F99] =	sst s2  }
0x8f: {  	_ = 	snop  }
0x90: {  	(tm) =	ssettm $0x1  }
0x91: {  	s17 =	sld [smem:$0x3FFB];
	_ =	sdelay $0x3  }
0x92: {  	_ =	strace s17  }
0x93: {  	s2 =	sld [smem:$0x3FFC];
	_ =	sdelay $0x3  }
0x94: {  	_ =	strace s2  }
0x95: {  	s2 =	sld [smem:$0x3FFD];
	_ =	sdelay $0x3  }
0x96: {  	_ =	strace s2  }
0x97: {  	_ =	strace $0x8FFFFFFF  }
0x98: {  	s18 =	sld [smem:$0x3FDB];
	_ =	sdelay $0x1  }
0x99: {  	s19 =	simm.s32 $_scs_section_size  }
0x9a: {  	s4 =	simm.s32 $_size__tile_overlayer_lowered;
	s5 =	simm.s32 $_tile_overlayer_lowered  }
0x9b: {  	s22 =	simm.s32 $0x1BFF;
	s21 =	sshll.u32 s5, $0x1;
	s2 =	sadd.s32 s19, s18  }
0x9c: {  	s6 =	simm.s32 $0x0;
	s20 =	sshll.u32 s4, $0x1;
	s4 =	sadd.s32 s21, s2  }
0x9d: {  	[timem:s6], [sflag:s22] =	dma.local [hbm:s4], s20  }
0x9e: {  	_ =	swait.ge [sflag:s22], s20  }
0x9f: {  	s3 =	ssub.s32 $0x0, s20;
	[sflag:s22] =	ssyncset.done $0x0  }
0xa0: {  	[sflag:s22] =	ssyncadd.s32 s3;
	_ =	sdelay $0x1  }
0xa1: {  	s23 =	simm.s32 $0x1B8B  }
0xa2: {  	_ =	swait.ge [sflag:s23], $0x1  }
0xa3: {  	[sflag:s23] =	ssyncset.done $0x0  }
0xa4: {  	s25 =	simm.s32 $0x1B8E;
	s24 =	sld [smem:$0x3FFE];
	[sflag:s23] =	ssyncadd.s32 $0xFFFFFFFF  }
0xa5: {  	s26 =	simm.s32 $execute0_lowered;
	[smem:$0x3FD2] =	sst s25  }
0xa6: {  	s4 =	sshll.u32 s26, $0x1;
	_ =	strace $0x80000052;
	[dreg:$0x1] =	wrdreg $0xFFFFFFFF  }
0xa7: {  	s28 =	simm.s32 $_size_execute0_lowered;
	s2 =	sadd.s32 s2, s4;
	[dreg:$0x0] =	wrdreg $0x0  }
0xa8: {  	s4 =	sshll.u32 s28, $0x1;
	[dreg:$0x2] =	wrdreg s2  }
0xa9: {  	[dreg:$0x3] =	wrdreg s4  }
0xaa: {  	[dreg:$0x4] =	wrdreg $0xC0  }
0xab: {  	_ =	task [dreg:s6], $0x5FFFF  }
0xac: {  	[dreg:$0x1] =	wrdreg $0xFFFFFFFF  }
0xad: {  	[dreg:$0x0] =	wrdreg $0x60  }
0xae: {  	[dreg:$0x2] =	wrdreg s24  }
0xaf: {  	[dreg:$0x3] =	wrdreg $0xD0000  }
0xb0: {  	[dreg:$0x4] =	wrdreg $0x9  }
0xb1: {  	_ =	task.clear_ibuf [dreg:s6], $0x5FFFF;
	_ =	strace $0x90000052  }
0xb2: {  	s29 =	simm.s32 $0x9;
	_ =	strace $0x80000054  }
0xb3: {  	_ =	swait.ge [sflag:s29], $0x1  }
0xb4: {  	[sflag:s29] =	ssyncadd.s32 $0xFFFFFFFF  }
0xb5: {  	_ =	strace $0x90000054  }
0xb6: {  	_ =	sfence  }
0xb7: {  	s30 =	sld [smem:$0x0];
	_ =	sdelay $0x2  }
0xb8: {  	s31 =	sshll.u32 s1, $0xD;
	s1 =	sshrl.u32 s1, $0x2  }
0xb9: {  	s3 =	sand.u32 $0x4000, s31;
	s1 =	sadd.s32 s1, s30  }
0xba: {  	s0 =	sor.u32 s3, s0;
	s1 =	sshll.u32 s1, $0x11  }
0xbb: {  	s0 =	sor.u32 s1, s0  }
0xbc: {  	s0 =	sadd.s32 $0x8F2B, s0  }
0xbd: {  	[sflag:s0] =	ssyncadd.remote.s32 $0x1  }
0xbe: {  	_ =	sfence.sel $0xFFFF  }
0xbf: {  	[dreg:$0x0] =	wrdreg $0xFFFFFFFF;
	(pc) =	sbr.abs _section_cstart, $3  }
0xc0: {  	[dreg:$0x1] =	wrdreg $0xFFFFFFFF  }
0xc1: {  	_ =	task.clear_ibuf [dreg:s6], $0x2FFFF;
	_ =	strace $0x9FFFFFFF  }
0xc2: {  	(tm) =	ssettm $0x7FFFFFFF  }
0xc3: {  	_ =	shalt  }
tec
execute0_lowered:
.L_overlay_start_1:
0x0: {  	(tag) =	ssettag $0x1  }
0x1: {  	s0 =	rddreg [dreg:$0x0]  }
0x2: {  	s1 =	rddreg [dreg:$0x1]  }
0x3: {  	s2 =	srdreg.scid;
	s3 =	simm.s32 $0x0;
	s12 =	stileid.u32  }
0x4: {  	s28 =	simm.s32 $0x1;
	s29 =	simm.s32 $0x2;
	s30 =	simm.s32 $0x7F00  }
0x5: {  	s31 =	simm.s32 $0x7F80;
	s2 =	sand.u32 $0x1, s2;
	s20 =	smul.u32 $0x1A000, s12  }
0x6: {  	s5 =	sshll.u32 s12, $0xE;
	s6 =	sshll.u32 s12, $0xB;
	s12 =	smul.u32 $0xD0, s12  }
0x7: {  	[smem:$0x7FF] =	sst s3;
	s19 =	sadd.s32 $0x61800, s1;
	s4 =	smul.u32 $0xC0000, s2  }
0x8: {  	_ =	strace $0x80000053;
	s9 =	ssub.s32 $0x2, s2;
	s10 =	smul.u32 $0x2710, s2  }
0x9: {  	s8 =	sadd.s32 s6, s0;
	s2 =	smul.u32 $0x138800, s2;
	s11 =	sshrl.u32 s9, $0x1  }
0xa: {  	s6 =	sshrl.u32 s20, $0x2;
	s23 =	sadd.s32 $0x4E600, s8;
	s16 =	sadd.s32 $0x5E600, s8  }
0xb: {  	s20 =	simm.s32 $0x3;
	s5 =	sor.u32 s5, s4;
	s4 =	sadd.s32 $0x200, s0  }
0xc: {  	s17 =	ssub.s32 s9, s11;
	s11 =	stileid.u32;
	s6 =	sadd.s32 s6, s1  }
0xd: {  	s22 =	sadd.s32 s12, s10;
	s2 =	sshrl.u32 s2, $0x3;
	[dreg:$0x4] =	wrdreg s23  }
0xe: {  	s12 =	sadd.s32 $0x56600, s8;
	s23 =	simm.s32 $0x8000;
	s5 =	sshrl.u32 s5, $0x3  }
0xf: {  	p0 =	seq.s32 s11, $0xF;
	s24 =	sshll.u32 s22, $0x4;
	s17 =	smax.u32 s17, $0x1  }
0x10: {  	s7 =	sadd.s32 s5, s0;
	s5 =	sadd.s32 $0x96600, s0;
	s0 =	sadd.s32 $0x97400, s0  }
0x11: {  	s22 =	simm.s32 $0x50;
	s21 =	sadd.s32 $0x66600, s7;
	s14 =	sadd.s32 s0, s2  }
0x12: {  	s9 =	sadd.s32 s0, s24;
	s26 =	sadd.s32 $0x6E600, s7;
	s15 =	sadd.s32 $0x76600, s7  }
0x13: {  	s7 =	sadd.s32 $0x1A100, s24;
	s2 =	sadd.s32 $0x26400, s2;
	[dreg:$0x3] =	wrdreg s21  }
0x14: {  	s24 =	simm.s32 $0x80;
	s25 =	sadd.s32 $0xC300, s14;
	[dreg:$0x6] =	wrdreg s26  }
0x15: {  	s13 =	sadd.s32 $0xD080, s9;
	s14 =	sadd.s32 $0x19380, s14;
	s7 =	smov.u32 @p0 s2  }
0x16: {  	s2 =	smov.u32 s6;
	s21 =	simm.s32 $0x4000;
	s26 =	simm.s32 $0xA800  }
0x17: {  	[dreg:$0x5] =	wrdreg s25;
	s18 =	sadd.s32 s0, s7;
	s2 =	smov.u32 @p0 s19  }
0x18: {  	s19 =	sshrl.u32 @p0 s19, $0x3;
	s0 =	simm.s32 $0x0;
	s25 =	sshrl.u32 s2, $0x3  }
.LBB2_1:
0x19: {  	s2 =	simm.s32 @p0 $0x1FC3  }
0x1a: {  	[spmem:s19], [sflag:s2] =	dma.local @p0 [hbm:s5], $0xE00  }
0x1b: {  	s2 =	simm.s32 @p0 $0x3  }
0x1c: {  	_ =	swait.ge @p0 [sflag:s2], $0xE00  }
0x1d: {  	s7 =	sshll.u32 @!p0 s11, $0x6;
	s8 =	simm.s32 @!p0 $0x3;
	[sflag:s2] =	ssyncset.done @p0 $0x0  }
0x1e: {  	s7 =	sor.u32 @!p0 $0x1C03, s7;
	[sflag:s2] =	ssyncadd.s32 @p0 $0xFFFFF200;
	s2 =	sshrl.u32 @!p0 s6, $0x3  }
0x1f: {  	[spmem:s2], [sflag:s7] =	dma.local @!p0 [hbm:s5], $0xD00  }
0x20: {  	_ =	swait.ge @!p0 [sflag:s8], $0xD00  }
0x21: {  	[sflag:s8] =	ssyncset.done @!p0 $0x0  }
0x22: {  	s11 =	rddreg [dreg:$0x3];
	[sflag:s8] =	ssyncadd.s32 @!p0 $0xFFFFF300  }
0x23: {  	[tilespmem:s3], [sflag:$0x3] =	stream.linear.gather [hbm4b:s11+s3], $0x4000, $0x38;
	[tilespmem:$0x13880] =	vst v63  }
0x24: {  	_ =	swait.ge [sflag:s20], $0x4000  }
0x25: {  	[sflag:s20] =	ssyncset.done $0x0  }
0x26: {  	s10 =	rddreg [dreg:$0x4];
	[sflag:s20] =	ssyncadd.s32 $0xFFFFC000  }
0x27: {  	[tilespmem:s21], [sflag:$0x3] =	stream.linear.gather [hbm4b:s10+s3], $0x4000, $0x38;
	[tilespmem:$0x13880] =	vst v63  }
0x28: {  	_ =	swait.ge [sflag:s20], $0x4000  }
0x29: {  	[sflag:s20] =	ssyncset.done $0x0  }
0x2a: {  	[sflag:s20] =	ssyncadd.s32 $0xFFFFC000  }
0x2b: {  	[bflag:$0x0] =	sbarrier.arrive $0xFFFF  }
0x2c: {  	[tilespmem:s23], [sflag:$0x1] =	stream.indirect.gather [hbm4b:s4+s22], $0x80, s3, s22, $0xb8;
	[tilespmem:$0x13880] =	vst v63  }
0x2d: {  	_ = 	snop  }
0x2e: {  	[tilespmem:s26], [sflag:$0x2] =	stream.indirect.gather [hbm4b:s4+s22], $0x80, s24, s22, $0xb8;
	[tilespmem:$0x13880] =	vst v63  }
0x2f: {  	_ =	swait.ge [sflag:s28], $0x2800  }
0x30: {  	[sflag:s28] =	ssyncset.done $0x0  }
0x31: {  	s11 =	simm.s32 $0x4000;
	[sflag:s28] =	ssyncadd.s32 $0xFFFFD800  }
0x32: {  	[spmem:s1] =	stream.indirect.scatter.add.f32 [tilespmem:s23], [sflag:$0x3], $0x80, s11, s22, $0xb8;
	[tilespmem:$0x13880] =	vst v63  }
0x33: {  	_ =	swait.ge [sflag:s20], $0x2800  }
0x34: {  	[sflag:s20] =	ssyncset.done $0x0  }
0x35: {  	s10 =	simm.s32 $0x100;
	[sflag:s20] =	ssyncadd.s32 $0xFFFFD800  }
0x36: {  	[tilespmem:s23], [sflag:$0x1] =	stream.indirect.gather [hbm4b:s4+s22], $0x80, s10, s22, $0xb8;
	[tilespmem:$0x13880] =	vst v63  }
0x37: {  	_ =	swait.ge [sflag:s29], $0x2800  }
0x38: {  	[sflag:s29] =	ssyncset.done $0x0  }
0x39: {  	s11 =	simm.s32 $0x4080;
	[sflag:s29] =	ssyncadd.s32 $0xFFFFD800  }
0x3a: {  	[spmem:s1] =	stream.indirect.scatter.add.f32 [tilespmem:s26], [sflag:$0x3], $0x80, s11, s22, $0xb8;
	[tilespmem:$0x13880] =	vst v63  }
0x3b: {  	_ =	swait.ge [sflag:s20], $0x2800  }
0x3c: {  	[sflag:s20] =	ssyncset.done $0x0  }
0x3d: {  	s8 =	simm.s32 $0x400;
	s10 =	simm.s32 $0x180;
	[sflag:s20] =	ssyncadd.s32 $0xFFFFD800  }
.LBB2_2:
0x3e: {  	[tilespmem:s26], [sflag:$0x2] =	stream.indirect.gather [hbm4b:s4+s22], $0x80, s10, s22, $0xb8;
	[tilespmem:$0x13880] =	vst v63  }
0x3f: {  	s10 =	smov.u32 s8  }
0x40: {  	p1 =	sne.s32 s8, $0xF800;
	s8 =	sadd.s32 $0x400, s8;
	_ =	swait.ge [sflag:s28], $0x2800  }
0x41: {  	s10 =	sshra.s32 s10, $0x2;
	[sflag:s28] =	ssyncset.done $0x0  }
0x42: {  	s11 =	sadd.s32 $0x4000, s10;
	[sflag:s28] =	ssyncadd.s32 $0xFFFFD800  }
0x43: {  	[spmem:s1] =	stream.indirect.scatter.add.f32 [tilespmem:s23], [sflag:$0x3], $0x80, s11, s22, $0xb8;
	[tilespmem:$0x13880] =	vst v63  }
0x44: {  	_ =	swait.ge [sflag:s20], $0x2800  }
0x45: {  	[sflag:s20] =	ssyncset.done $0x0  }
0x46: {  	s11 =	sadd.s32 $0x100, s10;
	[sflag:s20] =	ssyncadd.s32 $0xFFFFD800  }
0x47: {  	[tilespmem:s23], [sflag:$0x1] =	stream.indirect.gather [hbm4b:s4+s22], $0x80, s11, s22, $0xb8;
	[tilespmem:$0x13880] =	vst v63  }
0x48: {  	_ =	swait.ge [sflag:s29], $0x2800  }
0x49: {  	[sflag:s29] =	ssyncset.done $0x0  }
.Ltmp0:
0x4a: {  	s11 =	sadd.s32 $0x4080, s10;
	[sflag:s29] =	ssyncadd.s32 $0xFFFFD800;
	(pc) =	sbr.rel @p1 .LBB2_2-.Ltmp0, $4  }
0x4b: {  	[spmem:s1] =	stream.indirect.scatter.add.f32 [tilespmem:s26], [sflag:$0x3], $0x80, s11, s22, $0xb8;
	[tilespmem:$0x13880] =	vst v63  }
0x4c: {  	_ =	swait.ge [sflag:s20], $0x2800  }
0x4d: {  	[sflag:s20] =	ssyncset.done $0x0  }
0x4e: {  	s10 =	sadd.s32 $0x180, s10;
	[sflag:s20] =	ssyncadd.s32 $0xFFFFD800  }
0x4f: {  	[tilespmem:s26], [sflag:$0x2] =	stream.indirect.gather [hbm4b:s4+s22], $0x80, s10, s22, $0xb8;
	[tilespmem:$0x13880] =	vst v63  }
0x50: {  	_ =	swait.ge [sflag:s28], $0x2800  }
0x51: {  	[sflag:s28] =	ssyncset.done $0x0  }
0x52: {  	[sflag:s28] =	ssyncadd.s32 $0xFFFFD800  }
0x53: {  	[spmem:s1] =	stream.indirect.scatter.add.f32 [tilespmem:s23], [sflag:$0x3], $0x80, s30, s22, $0xb8;
	[tilespmem:$0x13880] =	vst v63  }
0x54: {  	_ =	swait.ge [sflag:s20], $0x2800  }
0x55: {  	[sflag:s20] =	ssyncset.done $0x0  }
0x56: {  	[sflag:s20] =	ssyncadd.s32 $0xFFFFD800  }
0x57: {  	_ =	swait.ge [sflag:s29], $0x2800  }
0x58: {  	[sflag:s29] =	ssyncset.done $0x0  }
0x59: {  	[sflag:s29] =	ssyncadd.s32 $0xFFFFD800  }
0x5a: {  	[spmem:s1] =	stream.indirect.scatter.add.f32 [tilespmem:s26], [sflag:$0x3], $0x80, s31, s22, $0xb8;
	[tilespmem:$0x13880] =	vst v63  }
0x5b: {  	_ =	swait.ge [sflag:s20], $0x2800  }
0x5c: {  	[sflag:s20] =	ssyncset.done $0x0  }
0x5d: {  	[sflag:s20] =	ssyncadd.s32 $0xFFFFD800  }
0x5e: {  	[bflag:$0x0] =	sbarrier.arrive $0xFFFF  }
0x5f: {  	s8 =	simm.s32 @p0 $0x1FC3;
	s10 =	rddreg [dreg:$0x5]  }
0x60: {  	[hbm:s10], [sflag:s8] =	dma.local @p0 [spmem:s19], $0xD80  }
0x61: {  	s10 =	simm.s32 @p0 $0x3  }
0x62: {  	_ =	swait.ge @p0 [sflag:s10], $0xD80  }
0x63: {  	[sflag:s10] =	ssyncset.done @p0 $0x0  }
0x64: {  	[sflag:s10] =	ssyncadd.s32 @p0 $0xFFFFF280  }
0x65: {  	[spmem:s19], [sflag:s8] =	dma.local @p0 [hbm:s5], $0xE00  }
0x66: {  	_ =	swait.ge @p0 [sflag:s10], $0xE00  }
0x67: {  	[sflag:s10] =	ssyncset.done @p0 $0x0  }
0x68: {  	s8 =	simm.s32 @!p0 $0x3;
	[sflag:s10] =	ssyncadd.s32 @p0 $0xFFFFF200  }
0x69: {  	[hbm:s9], [sflag:s7] =	dma.local @!p0 [spmem:s2], $0xD00  }
0x6a: {  	_ =	swait.ge @!p0 [sflag:s8], $0xD00  }
0x6b: {  	[sflag:s8] =	ssyncset.done @!p0 $0x0  }
0x6c: {  	[sflag:s8] =	ssyncadd.s32 @!p0 $0xFFFFF300  }
0x6d: {  	[spmem:s2], [sflag:s7] =	dma.local @!p0 [hbm:s5], $0xD00  }
0x6e: {  	_ =	swait.ge @!p0 [sflag:s8], $0xD00  }
0x6f: {  	[sflag:s8] =	ssyncset.done @!p0 $0x0  }
0x70: {  	s11 =	rddreg [dreg:$0x6];
	[sflag:s8] =	ssyncadd.s32 @!p0 $0xFFFFF300;
	s8 =	simm.s32 $0x0  }
0x71: {  	[tilespmem:s8], [sflag:$0x3] =	stream.linear.gather [hbm4b:s11+s8], $0x4000, $0x38;
	[tilespmem:$0x13880] =	vst v63  }
0x72: {  	_ =	swait.ge [sflag:s20], $0x4000  }
0x73: {  	[sflag:s20] =	ssyncset.done $0x0  }
0x74: {  	[sflag:s20] =	ssyncadd.s32 $0xFFFFC000  }
0x75: {  	[tilespmem:s21], [sflag:$0x3] =	stream.linear.gather [hbm4b:s12+s8], $0x4000, $0x38;
	[tilespmem:$0x13880] =	vst v63  }
0x76: {  	_ =	swait.ge [sflag:s20], $0x4000  }
0x77: {  	[sflag:s20] =	ssyncset.done $0x0  }
0x78: {  	[sflag:s20] =	ssyncadd.s32 $0xFFFFC000  }
0x79: {  	[bflag:$0x0] =	sbarrier.arrive $0xFFFF  }
0x7a: {  	[tilespmem:s23], [sflag:$0x1] =	stream.indirect.gather [hbm4b:s4+s22], $0x80, s8, s22, $0xb8;
	[tilespmem:$0x13880] =	vst v63  }
0x7b: {  	_ = 	snop  }
0x7c: {  	[tilespmem:s26], [sflag:$0x2] =	stream.indirect.gather [hbm4b:s4+s22], $0x80, s24, s22, $0xb8;
	[tilespmem:$0x13880] =	vst v63  }
0x7d: {  	_ =	swait.ge [sflag:s28], $0x2800  }
0x7e: {  	[sflag:s28] =	ssyncset.done $0x0  }
0x7f: {  	s11 =	simm.s32 $0x4000;
	[sflag:s28] =	ssyncadd.s32 $0xFFFFD800  }
0x80: {  	[spmem:s1] =	stream.indirect.scatter.add.f32 [tilespmem:s23], [sflag:$0x3], $0x80, s11, s22, $0xb8;
	[tilespmem:$0x13880] =	vst v63  }
0x81: {  	_ =	swait.ge [sflag:s20], $0x2800  }
0x82: {  	[sflag:s20] =	ssyncset.done $0x0  }
0x83: {  	s10 =	simm.s32 $0x100;
	[sflag:s20] =	ssyncadd.s32 $0xFFFFD800  }
0x84: {  	[tilespmem:s23], [sflag:$0x1] =	stream.indirect.gather [hbm4b:s4+s22], $0x80, s10, s22, $0xb8;
	[tilespmem:$0x13880] =	vst v63  }
0x85: {  	_ =	swait.ge [sflag:s29], $0x2800  }
0x86: {  	[sflag:s29] =	ssyncset.done $0x0  }
0x87: {  	s11 =	simm.s32 $0x4080;
	[sflag:s29] =	ssyncadd.s32 $0xFFFFD800  }
0x88: {  	[spmem:s1] =	stream.indirect.scatter.add.f32 [tilespmem:s26], [sflag:$0x3], $0x80, s11, s22, $0xb8;
	[tilespmem:$0x13880] =	vst v63  }
0x89: {  	_ =	swait.ge [sflag:s20], $0x2800  }
0x8a: {  	[sflag:s20] =	ssyncset.done $0x0  }
0x8b: {  	s8 =	simm.s32 $0x400;
	s10 =	simm.s32 $0x180;
	[sflag:s20] =	ssyncadd.s32 $0xFFFFD800  }
.LBB2_4:
0x8c: {  	[tilespmem:s26], [sflag:$0x2] =	stream.indirect.gather [hbm4b:s4+s22], $0x80, s10, s22, $0xb8;
	[tilespmem:$0x13880] =	vst v63  }
0x8d: {  	s10 =	smov.u32 s8  }
0x8e: {  	p1 =	sne.s32 s8, $0xF800;
	s8 =	sadd.s32 $0x400, s8;
	_ =	swait.ge [sflag:s28], $0x2800  }
0x8f: {  	s10 =	sshra.s32 s10, $0x2;
	[sflag:s28] =	ssyncset.done $0x0  }
0x90: {  	s11 =	sadd.s32 $0x4000, s10;
	[sflag:s28] =	ssyncadd.s32 $0xFFFFD800  }
0x91: {  	[spmem:s1] =	stream.indirect.scatter.add.f32 [tilespmem:s23], [sflag:$0x3], $0x80, s11, s22, $0xb8;
	[tilespmem:$0x13880] =	vst v63  }
0x92: {  	_ =	swait.ge [sflag:s20], $0x2800  }
0x93: {  	[sflag:s20] =	ssyncset.done $0x0  }
0x94: {  	s11 =	sadd.s32 $0x100, s10;
	[sflag:s20] =	ssyncadd.s32 $0xFFFFD800  }
0x95: {  	[tilespmem:s23], [sflag:$0x1] =	stream.indirect.gather [hbm4b:s4+s22], $0x80, s11, s22, $0xb8;
	[tilespmem:$0x13880] =	vst v63  }
0x96: {  	_ =	swait.ge [sflag:s29], $0x2800  }
0x97: {  	[sflag:s29] =	ssyncset.done $0x0  }
.Ltmp1:
0x98: {  	s11 =	sadd.s32 $0x4080, s10;
	[sflag:s29] =	ssyncadd.s32 $0xFFFFD800;
	(pc) =	sbr.rel @p1 .LBB2_4-.Ltmp1, $4  }
0x99: {  	[spmem:s1] =	stream.indirect.scatter.add.f32 [tilespmem:s26], [sflag:$0x3], $0x80, s11, s22, $0xb8;
	[tilespmem:$0x13880] =	vst v63  }
0x9a: {  	_ =	swait.ge [sflag:s20], $0x2800  }
0x9b: {  	[sflag:s20] =	ssyncset.done $0x0  }
0x9c: {  	s10 =	sadd.s32 $0x180, s10;
	[sflag:s20] =	ssyncadd.s32 $0xFFFFD800  }
0x9d: {  	[tilespmem:s26], [sflag:$0x2] =	stream.indirect.gather [hbm4b:s4+s22], $0x80, s10, s22, $0xb8;
	[tilespmem:$0x13880] =	vst v63  }
0x9e: {  	_ =	swait.ge [sflag:s28], $0x2800  }
0x9f: {  	[sflag:s28] =	ssyncset.done $0x0  }
0xa0: {  	[sflag:s28] =	ssyncadd.s32 $0xFFFFD800  }
0xa1: {  	[spmem:s1] =	stream.indirect.scatter.add.f32 [tilespmem:s23], [sflag:$0x3], $0x80, s30, s22, $0xb8;
	[tilespmem:$0x13880] =	vst v63  }
0xa2: {  	_ =	swait.ge [sflag:s20], $0x2800  }
0xa3: {  	[sflag:s20] =	ssyncset.done $0x0  }
0xa4: {  	[sflag:s20] =	ssyncadd.s32 $0xFFFFD800  }
0xa5: {  	_ =	swait.ge [sflag:s29], $0x2800  }
0xa6: {  	[sflag:s29] =	ssyncset.done $0x0  }
0xa7: {  	[sflag:s29] =	ssyncadd.s32 $0xFFFFD800  }
0xa8: {  	[spmem:s1] =	stream.indirect.scatter.add.f32 [tilespmem:s26], [sflag:$0x3], $0x80, s31, s22, $0xb8;
	[tilespmem:$0x13880] =	vst v63  }
0xa9: {  	_ =	swait.ge [sflag:s20], $0x2800  }
0xaa: {  	[sflag:s20] =	ssyncset.done $0x0  }
0xab: {  	[sflag:s20] =	ssyncadd.s32 $0xFFFFD800  }
0xac: {  	s8 =	simm.s32 @p0 $0x1FC3;
	s10 =	simm.s32 @p0 $0x3;
	[bflag:$0x0] =	sbarrier.arrive $0xFFFF  }
0xad: {  	[hbm:s14], [sflag:s8] =	dma.local @p0 [spmem:s19], $0xD80  }
0xae: {  	_ =	swait.ge @p0 [sflag:s10], $0xD80  }
0xaf: {  	[sflag:s10] =	ssyncset.done @p0 $0x0  }
0xb0: {  	[sflag:s10] =	ssyncadd.s32 @p0 $0xFFFFF280  }
0xb1: {  	[spmem:s19], [sflag:s8] =	dma.local @p0 [hbm:s5], $0xE00  }
0xb2: {  	_ =	swait.ge @p0 [sflag:s10], $0xE00  }
0xb3: {  	[sflag:s10] =	ssyncset.done @p0 $0x0  }
0xb4: {  	s8 =	simm.s32 @!p0 $0x3;
	[sflag:s10] =	ssyncadd.s32 @p0 $0xFFFFF200  }
0xb5: {  	[hbm:s13], [sflag:s7] =	dma.local @!p0 [spmem:s2], $0xD00  }
0xb6: {  	_ =	swait.ge @!p0 [sflag:s8], $0xD00  }
0xb7: {  	[sflag:s8] =	ssyncset.done @!p0 $0x0  }
0xb8: {  	[sflag:s8] =	ssyncadd.s32 @!p0 $0xFFFFF300  }
0xb9: {  	[spmem:s2], [sflag:s7] =	dma.local @!p0 [hbm:s5], $0xD00  }
0xba: {  	_ =	swait.ge @!p0 [sflag:s8], $0xD00  }
0xbb: {  	[sflag:s8] =	ssyncset.done @!p0 $0x0  }
0xbc: {  	s7 =	simm.s32 $0x0;
	[sflag:s8] =	ssyncadd.s32 @!p0 $0xFFFFF300  }
0xbd: {  	[tilespmem:s7], [sflag:$0x3] =	stream.linear.gather [hbm4b:s15+s7], $0x4000, $0x38;
	[tilespmem:$0x13880] =	vst v63  }
0xbe: {  	_ =	swait.ge [sflag:s20], $0x4000  }
0xbf: {  	[sflag:s20] =	ssyncset.done $0x0  }
0xc0: {  	[sflag:s20] =	ssyncadd.s32 $0xFFFFC000  }
0xc1: {  	[tilespmem:s21], [sflag:$0x3] =	stream.linear.gather [hbm4b:s16+s7], $0x4000, $0x38;
	[tilespmem:$0x13880] =	vst v63  }
0xc2: {  	_ =	swait.ge [sflag:s20], $0x4000  }
0xc3: {  	[sflag:s20] =	ssyncset.done $0x0  }
0xc4: {  	[sflag:s20] =	ssyncadd.s32 $0xFFFFC000  }
0xc5: {  	[bflag:$0x0] =	sbarrier.arrive $0xFFFF  }
0xc6: {  	[tilespmem:s23], [sflag:$0x1] =	stream.indirect.gather [hbm4b:s4+s22], $0x80, s7, s22, $0xb8;
	[tilespmem:$0x13880] =	vst v63  }
0xc7: {  	_ = 	snop  }
0xc8: {  	[tilespmem:s26], [sflag:$0x2] =	stream.indirect.gather [hbm4b:s4+s22], $0x80, s24, s22, $0xb8;
	[tilespmem:$0x13880] =	vst v63  }
0xc9: {  	_ =	swait.ge [sflag:s28], $0x2800  }
0xca: {  	[sflag:s28] =	ssyncset.done $0x0  }
0xcb: {  	s8 =	simm.s32 $0x4000;
	[sflag:s28] =	ssyncadd.s32 $0xFFFFD800  }
0xcc: {  	[spmem:s1] =	stream.indirect.scatter.add.f32 [tilespmem:s23], [sflag:$0x3], $0x80, s8, s22, $0xb8;
	[tilespmem:$0x13880] =	vst v63  }
0xcd: {  	_ =	swait.ge [sflag:s20], $0x2800  }
0xce: {  	[sflag:s20] =	ssyncset.done $0x0  }
0xcf: {  	s10 =	simm.s32 $0x100;
	[sflag:s20] =	ssyncadd.s32 $0xFFFFD800  }
0xd0: {  	[tilespmem:s23], [sflag:$0x1] =	stream.indirect.gather [hbm4b:s4+s22], $0x80, s10, s22, $0xb8;
	[tilespmem:$0x13880] =	vst v63  }
0xd1: {  	_ =	swait.ge [sflag:s29], $0x2800  }
0xd2: {  	[sflag:s29] =	ssyncset.done $0x0  }
0xd3: {  	s11 =	simm.s32 $0x4080;
	[sflag:s29] =	ssyncadd.s32 $0xFFFFD800  }
0xd4: {  	[spmem:s1] =	stream.indirect.scatter.add.f32 [tilespmem:s26], [sflag:$0x3], $0x80, s11, s22, $0xb8;
	[tilespmem:$0x13880] =	vst v63  }
0xd5: {  	_ =	swait.ge [sflag:s20], $0x2800  }
0xd6: {  	s2 =	simm.s32 $0x400;
	[sflag:s20] =	ssyncset.done $0x0  }
0xd7: {  	s7 =	simm.s32 $0x180;
	s11 =	stileid.u32;
	[sflag:s20] =	ssyncadd.s32 $0xFFFFD800  }
.LBB2_6:
0xd8: {  	[tilespmem:s26], [sflag:$0x2] =	stream.indirect.gather [hbm4b:s4+s22], $0x80, s7, s22, $0xb8;
	[tilespmem:$0x13880] =	vst v63  }
0xd9: {  	s7 =	smov.u32 s2  }
0xda: {  	p1 =	sne.s32 s2, $0xF800;
	s2 =	sadd.s32 $0x400, s2;
	_ =	swait.ge [sflag:s28], $0x2800  }
0xdb: {  	s7 =	sshra.s32 s7, $0x2;
	[sflag:s28] =	ssyncset.done $0x0  }
0xdc: {  	s8 =	sadd.s32 $0x4000, s7;
	[sflag:s28] =	ssyncadd.s32 $0xFFFFD800  }
0xdd: {  	[spmem:s1] =	stream.indirect.scatter.add.f32 [tilespmem:s23], [sflag:$0x3], $0x80, s8, s22, $0xb8;
	[tilespmem:$0x13880] =	vst v63  }
0xde: {  	_ =	swait.ge [sflag:s20], $0x2800  }
0xdf: {  	[sflag:s20] =	ssyncset.done $0x0  }
0xe0: {  	s8 =	sadd.s32 $0x100, s7;
	[sflag:s20] =	ssyncadd.s32 $0xFFFFD800  }
0xe1: {  	[tilespmem:s23], [sflag:$0x1] =	stream.indirect.gather [hbm4b:s4+s22], $0x80, s8, s22, $0xb8;
	[tilespmem:$0x13880] =	vst v63  }
0xe2: {  	_ =	swait.ge [sflag:s29], $0x2800  }
0xe3: {  	[sflag:s29] =	ssyncset.done $0x0  }
.Ltmp2:
0xe4: {  	s8 =	sadd.s32 $0x4080, s7;
	[sflag:s29] =	ssyncadd.s32 $0xFFFFD800;
	(pc) =	sbr.rel @p1 .LBB2_6-.Ltmp2, $4  }
0xe5: {  	[spmem:s1] =	stream.indirect.scatter.add.f32 [tilespmem:s26], [sflag:$0x3], $0x80, s8, s22, $0xb8;
	[tilespmem:$0x13880] =	vst v63  }
0xe6: {  	_ =	swait.ge [sflag:s20], $0x2800  }
0xe7: {  	[sflag:s20] =	ssyncset.done $0x0  }
0xe8: {  	s7 =	sadd.s32 $0x180, s7;
	[sflag:s20] =	ssyncadd.s32 $0xFFFFD800  }
0xe9: {  	[tilespmem:s26], [sflag:$0x2] =	stream.indirect.gather [hbm4b:s4+s22], $0x80, s7, s22, $0xb8;
	[tilespmem:$0x13880] =	vst v63  }
0xea: {  	_ =	swait.ge [sflag:s28], $0x2800  }
0xeb: {  	[sflag:s28] =	ssyncset.done $0x0  }
0xec: {  	[sflag:s28] =	ssyncadd.s32 $0xFFFFD800  }
0xed: {  	[spmem:s1] =	stream.indirect.scatter.add.f32 [tilespmem:s23], [sflag:$0x3], $0x80, s30, s22, $0xb8;
	[tilespmem:$0x13880] =	vst v63  }
0xee: {  	_ =	swait.ge [sflag:s20], $0x2800  }
0xef: {  	[sflag:s20] =	ssyncset.done $0x0  }
0xf0: {  	[sflag:s20] =	ssyncadd.s32 $0xFFFFD800  }
0xf1: {  	_ =	swait.ge [sflag:s29], $0x2800  }
0xf2: {  	[sflag:s29] =	ssyncset.done $0x0  }
0xf3: {  	[sflag:s29] =	ssyncadd.s32 $0xFFFFD800  }
0xf4: {  	[spmem:s1] =	stream.indirect.scatter.add.f32 [tilespmem:s26], [sflag:$0x3], $0x80, s31, s22, $0xb8;
	[tilespmem:$0x13880] =	vst v63  }
0xf5: {  	_ =	swait.ge [sflag:s20], $0x2800  }
0xf6: {  	s0 =	sadd.s32 $0x1, s0;
	[sflag:s20] =	ssyncset.done $0x0  }
0xf7: {  	s2 =	sshll.u32 s11, $0x6;
	p1 =	sne.s32 s0, s17;
	[sflag:s20] =	ssyncadd.s32 $0xFFFFD800  }
.Ltmp3:
0xf8: {  	s2 =	sor.u32 $0x1C03, s2;
	[bflag:$0x0] =	sbarrier.arrive $0xFFFF;
	(pc) =	sbr.rel @p1 .LBB2_1-.Ltmp3, $4  }
0xf9: {  	[hbm:s18], [sflag:s2] =	dma.local [spmem:s25], $0xD00  }
0xfa: {  	_ =	swait.ge [sflag:s20], $0xD00  }
0xfb: {  	[sflag:s20] =	ssyncset.done $0x0  }
0xfc: {  	[sflag:s20] =	ssyncadd.s32 $0xFFFFF300  }
0xfd: {  	_ =	sfence.sel $0x180000  }
0xfe: {  	[bflag:$0x0] =	sbarrier.arrive $0xFFFF  }
0xff: {  	_ =	strace $0x90000053  }
0x100: {  	[bflag:$0x2] =	sbarrier.arrive $0xFFFF  }
0x101: {  	p0 =	sne.s32 s11, $0x0;
	s0 =	rddreg [dreg:$0x2]  }
0x102: {  	s0 =	sadd.s32 @!p0 $0x100000, s0  }
0x103: {  	[sflag:s0] =	ssyncadd.tile.s32 @!p0 $0x1;
	_ =	shalt  }
.Lfunc_end2:
_tile_overlayer_lowered:
.L_overlay_start_2:
0x104: {  	(tag) =	ssettag $0x2  }
0x105: {  	s0 =	rddreg [dreg:$0x0];
	s2 =	stileid.u32  }
0x106: {  	s1 =	rddreg [dreg:$0x1];
	p0 =	sne.s32 s2, $0x0  }
0x107: {  	s3 =	rddreg [dreg:$0x2];
	[bflag:$0x3] =	sbarrier.arrive $0xFFFF;
	s2 =	simm.s32 @!p0 $0x1C03  }
0x108: {  	[timem:s3], [sflag:s2] =	dma.local @!p0 [hbm:s0], s1  }
0x109: {  	s0 =	simm.s32 @!p0 $0x3  }
0x10a: {  	_ =	swait.ge @!p0 [sflag:s0], s1  }
0x10b: {  	s1 =	ssub.s32 @!p0 $0x0, s1;
	[sflag:s0] =	ssyncset.done @!p0 $0x0  }
0x10c: {  	[sflag:s0] =	ssyncadd.s32 @!p0 s1  }
0x10d: {  	[bflag:$0x3] =	sbarrier.arrive $0xFFFF  }
0x10e: {  	_ =	shalt  }

// kernel: sc_edge_segment_sum.9.cloned.1.call-start
scs
__scs_entry_jumppad:
0x0: {  	(pc) =	sbr.rel $0x88, $3  }
0x1: {  	(tag) =	ssettag $0x0;
	lr =	simm.s32 $0x1  }
0x2: {  	[smem:$0x3F72] =	sst lr;
	_ =	strace $0xD0000000  }
0x3: {  	_ = 	snop  }
0x4: {  	_ = 	snop  }
0x5: {  	_ = 	snop  }
0x6: {  	_ = 	snop  }
0x7: {  	_ = 	snop  }
__scs_overlays_trampoline_lowered:
0x8: {  	[smem:$0x3F81] =	sst s0  }
0x9: {  	[smem:$0x3F82] =	sst s1  }
0xa: {  	[smem:$0x3F83] =	sst s2  }
0xb: {  	[smem:$0x3F84] =	sst s3  }
0xc: {  	[smem:$0x3F85] =	sst s4  }
0xd: {  	[smem:$0x3F86] =	sst s5  }
0xe: {  	[smem:$0x3F87] =	sst s6  }
0xf: {  	[smem:$0x3F88] =	sst s7  }
0x10: {  	[smem:$0x3F89] =	sst s8  }
0x11: {  	[smem:$0x3F8A] =	sst s9;
	s0 =	simm.s32 @!p0 $0x0  }
0x12: {  	s1 =	sld [smem:$0x3F70];
	s0 =	simm.s32 @p0 $0x1  }
0x13: {  	[smem:$0x3F8B] =	sst s0;
	s0 =	simm.s32 @!p1 $0x0  }
0x14: {  	s2 =	sld [smem:$0x3F6F];
	s0 =	simm.s32 @p1 $0x1  }
0x15: {  	[smem:$0x3F8C] =	sst s0;
	s0 =	simm.s32 @!p2 $0x0  }
0x16: {  	s3 =	sld [smem:$0x3FDB];
	s0 =	simm.s32 @p2 $0x1  }
0x17: {  	s4 =	simm.s32 $0x1BF5;
	[smem:$0x3F8E] =	sst s0  }
0x18: {  	s0 =	sld [smem:$0x3F71];
	_ =	swait.ge [sflag:s4], $0x0  }
0x19: {  	s7 =	sld [smem:$0x3F72]  }
0x1a: {  	s8 =	sadd.s32 $0xFFFFE003, lr  }
0x1b: {  	s9 =	sadd.s32 $0xFFFFFEF7, lr;
	s5 =	simm.s32 $0xFFFFFFFF;
	p2 =	slt.u32 s8, $0xFFFFF086  }
0x1c: {  	p1 =	slt.u32 s9, $0xF7A;
	s5 =	simm.s32 @!p2 $0x0  }
0x1d: {  	s5 =	simm.s32 @p1 $0x1;
	p0 =	seq.s32 s7, s2  }
0x1e: {  	s7 =	smul.u32 @!p0 $0xF7A, s2;
	p2 =	seq.s32 @!p0 s5, $0x0  }
0x1f: {  	s9 =	smul.u32 $0xF7A, s1;
	s8 =	simm.s32 @!p0 $0x1BF5;
	p2 =	por !p2, p0  }
0x20: {  	[sflag:s8] =	ssyncset.s32 @!p0 $0xFFFFF086;
	s6 =	sadd.s32 @!p0 s3, s7;
	s7 =	simm.s32 @!p0 $0x108  }
0x21: {  	s3 =	sadd.s32 s3, s9;
	s6 =	sadd.s32 @!p0 $0x88, s6;
	s7 =	simm.s32 @p2 $0x1082  }
0x22: {  	[simem:s7], [sflag:s8] =	dma.local @!p0 [hbm:s6], $0xF7A  }
0x23: {  	s9 =	sor.u32 $0xD0000000, s2;
	s6 =	simm.s32 $0x108;
	_ =	swait.ge @!p0 [sflag:s8], $0x0  }
0x24: {  	s3 =	sadd.s32 $0x88, s3;
	s6 =	simm.s32 @!p1 $0x1082;
	[sflag:s4] =	ssyncset.s32 $0xFFFFF086  }
0x25: {  	[simem:s6], [sflag:s4] =	dma.local [hbm:s3], $0xF7A  }
0x26: {  	[smem:$0x3F72] =	sst s1;
	(tag) =	ssettag s2;
	_ =	strace s9  }
0x27: {  	s1 =	sld [smem:$0x3F82]  }
0x28: {  	s2 =	sld [smem:$0x3F83]  }
0x29: {  	s4 =	sld [smem:$0x3F85]  }
0x2a: {  	p0 =	seq.s32 s5, $0x0;
	s5 =	sld [smem:$0x3F86]  }
0x2b: {  	s6 =	sld [smem:$0x3F87]  }
0x2c: {  	s7 =	sld [smem:$0x3F88]  }
0x2d: {  	s3 =	simm.s32 $0x108;
	s8 =	sld [smem:$0x3F89]  }
0x2e: {  	s3 =	simm.s32 @!p0 $0x1082;
	s9 =	sld [smem:$0x3F8A]  }
0x2f: {  	lr =	sadd.s32 s0, s3;
	s0 =	sld [smem:$0x3F81]  }
0x30: {  	s3 =	sld [smem:$0x3F84]  }
0x31: {  	[smem:$0x3F8D] =	sst s10  }
0x32: {  	s10 =	sld [smem:$0x3F8B];
	_ =	sdelay $0x3  }
0x33: {  	p0 =	seq.s32 s10, $0x1;
	s10 =	sld [smem:$0x3F8D];
	_ =	sdelay $0x3  }
0x34: {  	[smem:$0x3F8D] =	sst s10  }
0x35: {  	s10 =	sld [smem:$0x3F8C];
	_ =	sdelay $0x3  }
0x36: {  	p1 =	seq.s32 s10, $0x1;
	s10 =	sld [smem:$0x3F8D];
	_ =	sdelay $0x3  }
0x37: {  	[smem:$0x3F8D] =	sst s10  }
0x38: {  	s10 =	sld [smem:$0x3F8E]  }
0x39: {  	_ = 	snop;
	(pc) =	sbr.ind lr, $3  }
0x3a: {  	_ = 	snop  }
0x3b: {  	_ = 	snop  }
0x3c: {  	p2 =	seq.s32 s10, $0x1;
	s10 =	sld [smem:$0x3F8D]  }
0x3d: {  	_ =	shalt  }
0x3e: {  	_ =	shalt  }
0x3f: {  	_ =	shalt  }
0x40: {  	_ =	shalt  }
0x41: {  	_ =	shalt  }
0x42: {  	_ =	shalt  }
0x43: {  	_ =	shalt  }
0x44: {  	_ =	shalt  }
0x45: {  	_ =	shalt  }
0x46: {  	_ =	shalt  }
0x47: {  	_ =	shalt  }
0x48: {  	_ =	shalt  }
0x49: {  	_ =	shalt  }
0x4a: {  	_ =	shalt  }
0x4b: {  	_ =	shalt  }
0x4c: {  	_ =	shalt  }
0x4d: {  	_ =	shalt  }
0x4e: {  	_ =	shalt  }
0x4f: {  	_ =	shalt  }
0x50: {  	_ =	shalt  }
0x51: {  	_ =	shalt  }
0x52: {  	_ =	shalt  }
0x53: {  	_ =	shalt  }
0x54: {  	_ =	shalt  }
0x55: {  	_ =	shalt  }
0x56: {  	_ =	shalt  }
0x57: {  	_ =	shalt  }
0x58: {  	_ =	shalt  }
0x59: {  	_ =	shalt  }
0x5a: {  	_ =	shalt  }
0x5b: {  	_ =	shalt  }
0x5c: {  	_ =	shalt  }
0x5d: {  	_ =	shalt  }
0x5e: {  	_ =	shalt  }
0x5f: {  	_ =	shalt  }
0x60: {  	_ =	shalt  }
0x61: {  	_ =	shalt  }
0x62: {  	_ =	shalt  }
0x63: {  	_ =	shalt  }
0x64: {  	_ =	shalt  }
0x65: {  	_ =	shalt  }
0x66: {  	_ =	shalt  }
0x67: {  	_ =	shalt  }
0x68: {  	_ =	shalt  }
0x69: {  	_ =	shalt  }
0x6a: {  	_ =	shalt  }
0x6b: {  	_ =	shalt  }
0x6c: {  	_ =	shalt  }
0x6d: {  	_ =	shalt  }
0x6e: {  	_ =	shalt  }
0x6f: {  	_ =	shalt  }
0x70: {  	_ =	shalt  }
0x71: {  	_ =	shalt  }
0x72: {  	_ =	shalt  }
0x73: {  	_ =	shalt  }
0x74: {  	_ =	shalt  }
0x75: {  	_ =	shalt  }
0x76: {  	_ =	shalt  }
0x77: {  	_ =	shalt  }
0x78: {  	_ =	shalt  }
0x79: {  	_ =	shalt  }
0x7a: {  	_ =	shalt  }
0x7b: {  	_ =	shalt  }
0x7c: {  	_ =	shalt  }
0x7d: {  	_ =	shalt  }
0x7e: {  	_ =	shalt  }
0x7f: {  	_ =	shalt  }
0x80: {  	_ =	shalt  }
0x81: {  	_ =	shalt  }
0x82: {  	_ =	shalt  }
0x83: {  	_ =	shalt  }
0x84: {  	_ =	shalt  }
0x85: {  	_ =	shalt  }
0x86: {  	_ =	shalt  }
0x87: {  	_ =	shalt  }
.Lfunc_end0:
.L_simem_size_0:
called_computation.4_lowered:
.L_overlay_start_0:
0x88: {  	s2 =	sld [smem:$0x3FD9]  }
0x89: {  	s3 =	sld [smem:$0x3FFE];
	_ =	sdelay $0x1  }
0x8a: {  	s1 =	srdreg.scid  }
0x8b: {  	s0 =	sand.u32 $0x1, s1  }
0x8c: {  	s16 =	sshll.u32 s0, $0xA;
	s2 =	sadd.s32 s3, s2  }
0x8d: {  	s2 =	sadd.s32 s2, s16  }
0x8e: {  	[smem:$0x3F99] =	sst s2  }
0x8f: {  	_ = 	snop  }
0x90: {  	(tm) =	ssettm $0x1  }
0x91: {  	s17 =	sld [smem:$0x3FFB];
	_ =	sdelay $0x3  }
0x92: {  	_ =	strace s17  }
0x93: {  	s2 =	sld [smem:$0x3FFC];
	_ =	sdelay $0x3  }
0x94: {  	_ =	strace s2  }
0x95: {  	s2 =	sld [smem:$0x3FFD];
	_ =	sdelay $0x3  }
0x96: {  	_ =	strace s2  }
0x97: {  	_ =	strace $0x8FFFFFFF  }
0x98: {  	s18 =	sld [smem:$0x3FDB];
	_ =	sdelay $0x1  }
0x99: {  	s19 =	simm.s32 $_scs_section_size  }
0x9a: {  	s4 =	simm.s32 $_size__tile_overlayer_lowered;
	s5 =	simm.s32 $_tile_overlayer_lowered  }
0x9b: {  	s22 =	simm.s32 $0x1BFF;
	s21 =	sshll.u32 s5, $0x1;
	s2 =	sadd.s32 s19, s18  }
0x9c: {  	s6 =	simm.s32 $0x0;
	s20 =	sshll.u32 s4, $0x1;
	s4 =	sadd.s32 s21, s2  }
0x9d: {  	[timem:s6], [sflag:s22] =	dma.local [hbm:s4], s20  }
0x9e: {  	_ =	swait.ge [sflag:s22], s20  }
0x9f: {  	s3 =	ssub.s32 $0x0, s20;
	[sflag:s22] =	ssyncset.done $0x0  }
0xa0: {  	[sflag:s22] =	ssyncadd.s32 s3;
	_ =	sdelay $0x1  }
0xa1: {  	s23 =	simm.s32 $0x1B8B  }
0xa2: {  	_ =	swait.ge [sflag:s23], $0x1  }
0xa3: {  	[sflag:s23] =	ssyncset.done $0x0  }
0xa4: {  	s25 =	simm.s32 $0x1B8E;
	s24 =	sld [smem:$0x3FFE];
	[sflag:s23] =	ssyncadd.s32 $0xFFFFFFFF  }
0xa5: {  	s26 =	simm.s32 $execute0_lowered;
	[smem:$0x3FD2] =	sst s25  }
0xa6: {  	s4 =	sshll.u32 s26, $0x1;
	_ =	strace $0x8000004F;
	[dreg:$0x1] =	wrdreg $0xFFFFFFFF  }
0xa7: {  	s28 =	simm.s32 $_size_execute0_lowered;
	s2 =	sadd.s32 s2, s4;
	[dreg:$0x0] =	wrdreg $0x0  }
0xa8: {  	s4 =	sshll.u32 s28, $0x1;
	[dreg:$0x2] =	wrdreg s2  }
0xa9: {  	[dreg:$0x3] =	wrdreg s4  }
0xaa: {  	[dreg:$0x4] =	wrdreg $0xC0  }
0xab: {  	_ =	task [dreg:s6], $0x5FFFF  }
0xac: {  	[dreg:$0x1] =	wrdreg $0xFFFFFFFF  }
0xad: {  	[dreg:$0x0] =	wrdreg $0x60  }
0xae: {  	[dreg:$0x2] =	wrdreg s24  }
0xaf: {  	[dreg:$0x3] =	wrdreg $0xD0000  }
0xb0: {  	[dreg:$0x4] =	wrdreg $0x9  }
0xb1: {  	_ =	task.clear_ibuf [dreg:s6], $0x5FFFF;
	_ =	strace $0x9000004F  }
0xb2: {  	s29 =	simm.s32 $0x9;
	_ =	strace $0x80000051  }
0xb3: {  	_ =	swait.ge [sflag:s29], $0x1  }
0xb4: {  	[sflag:s29] =	ssyncadd.s32 $0xFFFFFFFF  }
0xb5: {  	_ =	strace $0x90000051  }
0xb6: {  	_ =	sfence  }
0xb7: {  	s30 =	sld [smem:$0x0];
	_ =	sdelay $0x2  }
0xb8: {  	s31 =	sshll.u32 s1, $0xD;
	s1 =	sshrl.u32 s1, $0x2  }
0xb9: {  	s3 =	sand.u32 $0x4000, s31;
	s1 =	sadd.s32 s1, s30  }
0xba: {  	s0 =	sor.u32 s3, s0;
	s1 =	sshll.u32 s1, $0x11  }
0xbb: {  	s0 =	sor.u32 s1, s0  }
0xbc: {  	s0 =	sadd.s32 $0x8F2B, s0  }
0xbd: {  	[sflag:s0] =	ssyncadd.remote.s32 $0x1  }
0xbe: {  	_ =	sfence.sel $0xFFFF  }
0xbf: {  	[dreg:$0x0] =	wrdreg $0xFFFFFFFF;
	(pc) =	sbr.abs _section_cstart, $3  }
0xc0: {  	[dreg:$0x1] =	wrdreg $0xFFFFFFFF  }
0xc1: {  	_ =	task.clear_ibuf [dreg:s6], $0x2FFFF;
	_ =	strace $0x9FFFFFFF  }
0xc2: {  	(tm) =	ssettm $0x7FFFFFFF  }
0xc3: {  	_ =	shalt  }
tec
execute0_lowered:
.L_overlay_start_1:
0x0: {  	(tag) =	ssettag $0x1  }
0x1: {  	s0 =	rddreg [dreg:$0x0]  }
0x2: {  	s1 =	rddreg [dreg:$0x1]  }
0x3: {  	s2 =	srdreg.scid;
	s3 =	simm.s32 $0x0;
	s12 =	stileid.u32  }
0x4: {  	s28 =	simm.s32 $0x1;
	s29 =	simm.s32 $0x2;
	s30 =	simm.s32 $0x7F00  }
0x5: {  	s31 =	simm.s32 $0x7F80;
	s2 =	sand.u32 $0x1, s2;
	s20 =	smul.u32 $0x1A000, s12  }
0x6: {  	s5 =	sshll.u32 s12, $0xE;
	s6 =	sshll.u32 s12, $0xB;
	s12 =	smul.u32 $0xD0, s12  }
0x7: {  	[smem:$0x7FF] =	sst s3;
	s19 =	sadd.s32 $0x61800, s1;
	s4 =	smul.u32 $0xC0000, s2  }
0x8: {  	_ =	strace $0x80000050;
	s9 =	ssub.s32 $0x2, s2;
	s10 =	smul.u32 $0x2710, s2  }
0x9: {  	s8 =	sadd.s32 s6, s0;
	s2 =	smul.u32 $0x138800, s2;
	s11 =	sshrl.u32 s9, $0x1  }
0xa: {  	s6 =	sshrl.u32 s20, $0x2;
	s23 =	sadd.s32 $0x4E600, s8;
	s16 =	sadd.s32 $0x5E600, s8  }
0xb: {  	s20 =	simm.s32 $0x3;
	s5 =	sor.u32 s5, s4;
	s4 =	sadd.s32 $0x400, s0  }
0xc: {  	s17 =	ssub.s32 s9, s11;
	s11 =	stileid.u32;
	s6 =	sadd.s32 s6, s1  }
0xd: {  	s22 =	sadd.s32 s12, s10;
	s2 =	sshrl.u32 s2, $0x3;
	[dreg:$0x4] =	wrdreg s23  }
0xe: {  	s12 =	sadd.s32 $0x56600, s8;
	s23 =	simm.s32 $0x8000;
	s5 =	sshrl.u32 s5, $0x3  }
0xf: {  	p0 =	seq.s32 s11, $0xF;
	s24 =	sshll.u32 s22, $0x4;
	s17 =	smax.u32 s17, $0x1  }
0x10: {  	s7 =	sadd.s32 s5, s0;
	s5 =	sadd.s32 $0x96600, s0;
	s0 =	sadd.s32 $0x97400, s0  }
0x11: {  	s22 =	simm.s32 $0x50;
	s21 =	sadd.s32 $0x66600, s7;
	s14 =	sadd.s32 s0, s2  }
0x12: {  	s9 =	sadd.s32 s0, s24;
	s26 =	sadd.s32 $0x6E600, s7;
	s15 =	sadd.s32 $0x76600, s7  }
0x13: {  	s7 =	sadd.s32 $0x1A100, s24;
	s2 =	sadd.s32 $0x26400, s2;
	[dreg:$0x3] =	wrdreg s21  }
0x14: {  	s24 =	simm.s32 $0x80;
	s25 =	sadd.s32 $0xC300, s14;
	[dreg:$0x6] =	wrdreg s26  }
0x15: {  	s13 =	sadd.s32 $0xD080, s9;
	s14 =	sadd.s32 $0x19380, s14;
	s7 =	smov.u32 @p0 s2  }
0x16: {  	s2 =	smov.u32 s6;
	s21 =	simm.s32 $0x4000;
	s26 =	simm.s32 $0xA800  }
0x17: {  	[dreg:$0x5] =	wrdreg s25;
	s18 =	sadd.s32 s0, s7;
	s2 =	smov.u32 @p0 s19  }
0x18: {  	s19 =	sshrl.u32 @p0 s19, $0x3;
	s0 =	simm.s32 $0x0;
	s25 =	sshrl.u32 s2, $0x3  }
.LBB2_1:
0x19: {  	s2 =	simm.s32 @p0 $0x1FC3  }
0x1a: {  	[spmem:s19], [sflag:s2] =	dma.local @p0 [hbm:s5], $0xE00  }
0x1b: {  	s2 =	simm.s32 @p0 $0x3  }
0x1c: {  	_ =	swait.ge @p0 [sflag:s2], $0xE00  }
0x1d: {  	s7 =	sshll.u32 @!p0 s11, $0x6;
	s8 =	simm.s32 @!p0 $0x3;
	[sflag:s2] =	ssyncset.done @p0 $0x0  }
0x1e: {  	s7 =	sor.u32 @!p0 $0x1C03, s7;
	[sflag:s2] =	ssyncadd.s32 @p0 $0xFFFFF200;
	s2 =	sshrl.u32 @!p0 s6, $0x3  }
0x1f: {  	[spmem:s2], [sflag:s7] =	dma.local @!p0 [hbm:s5], $0xD00  }
0x20: {  	_ =	swait.ge @!p0 [sflag:s8], $0xD00  }
0x21: {  	[sflag:s8] =	ssyncset.done @!p0 $0x0  }
0x22: {  	s11 =	rddreg [dreg:$0x3];
	[sflag:s8] =	ssyncadd.s32 @!p0 $0xFFFFF300  }
0x23: {  	[tilespmem:s3], [sflag:$0x3] =	stream.linear.gather [hbm4b:s11+s3], $0x4000, $0x38;
	[tilespmem:$0x13880] =	vst v63  }
0x24: {  	_ =	swait.ge [sflag:s20], $0x4000  }
0x25: {  	[sflag:s20] =	ssyncset.done $0x0  }
0x26: {  	s10 =	rddreg [dreg:$0x4];
	[sflag:s20] =	ssyncadd.s32 $0xFFFFC000  }
0x27: {  	[tilespmem:s21], [sflag:$0x3] =	stream.linear.gather [hbm4b:s10+s3], $0x4000, $0x38;
	[tilespmem:$0x13880] =	vst v63  }
0x28: {  	_ =	swait.ge [sflag:s20], $0x4000  }
0x29: {  	[sflag:s20] =	ssyncset.done $0x0  }
0x2a: {  	[sflag:s20] =	ssyncadd.s32 $0xFFFFC000  }
0x2b: {  	[bflag:$0x0] =	sbarrier.arrive $0xFFFF  }
0x2c: {  	[tilespmem:s23], [sflag:$0x1] =	stream.indirect.gather [hbm4b:s4+s22], $0x80, s3, s22, $0xb8;
	[tilespmem:$0x13880] =	vst v63  }
0x2d: {  	_ = 	snop  }
0x2e: {  	[tilespmem:s26], [sflag:$0x2] =	stream.indirect.gather [hbm4b:s4+s22], $0x80, s24, s22, $0xb8;
	[tilespmem:$0x13880] =	vst v63  }
0x2f: {  	_ =	swait.ge [sflag:s28], $0x2800  }
0x30: {  	[sflag:s28] =	ssyncset.done $0x0  }
0x31: {  	s11 =	simm.s32 $0x4000;
	[sflag:s28] =	ssyncadd.s32 $0xFFFFD800  }
0x32: {  	[spmem:s1] =	stream.indirect.scatter.add.f32 [tilespmem:s23], [sflag:$0x3], $0x80, s11, s22, $0xb8;
	[tilespmem:$0x13880] =	vst v63  }
0x33: {  	_ =	swait.ge [sflag:s20], $0x2800  }
0x34: {  	[sflag:s20] =	ssyncset.done $0x0  }
0x35: {  	s10 =	simm.s32 $0x100;
	[sflag:s20] =	ssyncadd.s32 $0xFFFFD800  }
0x36: {  	[tilespmem:s23], [sflag:$0x1] =	stream.indirect.gather [hbm4b:s4+s22], $0x80, s10, s22, $0xb8;
	[tilespmem:$0x13880] =	vst v63  }
0x37: {  	_ =	swait.ge [sflag:s29], $0x2800  }
0x38: {  	[sflag:s29] =	ssyncset.done $0x0  }
0x39: {  	s11 =	simm.s32 $0x4080;
	[sflag:s29] =	ssyncadd.s32 $0xFFFFD800  }
0x3a: {  	[spmem:s1] =	stream.indirect.scatter.add.f32 [tilespmem:s26], [sflag:$0x3], $0x80, s11, s22, $0xb8;
	[tilespmem:$0x13880] =	vst v63  }
0x3b: {  	_ =	swait.ge [sflag:s20], $0x2800  }
0x3c: {  	[sflag:s20] =	ssyncset.done $0x0  }
0x3d: {  	s8 =	simm.s32 $0x400;
	s10 =	simm.s32 $0x180;
	[sflag:s20] =	ssyncadd.s32 $0xFFFFD800  }
.LBB2_2:
0x3e: {  	[tilespmem:s26], [sflag:$0x2] =	stream.indirect.gather [hbm4b:s4+s22], $0x80, s10, s22, $0xb8;
	[tilespmem:$0x13880] =	vst v63  }
0x3f: {  	s10 =	smov.u32 s8  }
0x40: {  	p1 =	sne.s32 s8, $0xF800;
	s8 =	sadd.s32 $0x400, s8;
	_ =	swait.ge [sflag:s28], $0x2800  }
0x41: {  	s10 =	sshra.s32 s10, $0x2;
	[sflag:s28] =	ssyncset.done $0x0  }
0x42: {  	s11 =	sadd.s32 $0x4000, s10;
	[sflag:s28] =	ssyncadd.s32 $0xFFFFD800  }
0x43: {  	[spmem:s1] =	stream.indirect.scatter.add.f32 [tilespmem:s23], [sflag:$0x3], $0x80, s11, s22, $0xb8;
	[tilespmem:$0x13880] =	vst v63  }
0x44: {  	_ =	swait.ge [sflag:s20], $0x2800  }
0x45: {  	[sflag:s20] =	ssyncset.done $0x0  }
0x46: {  	s11 =	sadd.s32 $0x100, s10;
	[sflag:s20] =	ssyncadd.s32 $0xFFFFD800  }
0x47: {  	[tilespmem:s23], [sflag:$0x1] =	stream.indirect.gather [hbm4b:s4+s22], $0x80, s11, s22, $0xb8;
	[tilespmem:$0x13880] =	vst v63  }
0x48: {  	_ =	swait.ge [sflag:s29], $0x2800  }
0x49: {  	[sflag:s29] =	ssyncset.done $0x0  }
.Ltmp0:
0x4a: {  	s11 =	sadd.s32 $0x4080, s10;
	[sflag:s29] =	ssyncadd.s32 $0xFFFFD800;
	(pc) =	sbr.rel @p1 .LBB2_2-.Ltmp0, $4  }
0x4b: {  	[spmem:s1] =	stream.indirect.scatter.add.f32 [tilespmem:s26], [sflag:$0x3], $0x80, s11, s22, $0xb8;
	[tilespmem:$0x13880] =	vst v63  }
0x4c: {  	_ =	swait.ge [sflag:s20], $0x2800  }
0x4d: {  	[sflag:s20] =	ssyncset.done $0x0  }
0x4e: {  	s10 =	sadd.s32 $0x180, s10;
	[sflag:s20] =	ssyncadd.s32 $0xFFFFD800  }
0x4f: {  	[tilespmem:s26], [sflag:$0x2] =	stream.indirect.gather [hbm4b:s4+s22], $0x80, s10, s22, $0xb8;
	[tilespmem:$0x13880] =	vst v63  }
0x50: {  	_ =	swait.ge [sflag:s28], $0x2800  }
0x51: {  	[sflag:s28] =	ssyncset.done $0x0  }
0x52: {  	[sflag:s28] =	ssyncadd.s32 $0xFFFFD800  }
0x53: {  	[spmem:s1] =	stream.indirect.scatter.add.f32 [tilespmem:s23], [sflag:$0x3], $0x80, s30, s22, $0xb8;
	[tilespmem:$0x13880] =	vst v63  }
0x54: {  	_ =	swait.ge [sflag:s20], $0x2800  }
0x55: {  	[sflag:s20] =	ssyncset.done $0x0  }
0x56: {  	[sflag:s20] =	ssyncadd.s32 $0xFFFFD800  }
0x57: {  	_ =	swait.ge [sflag:s29], $0x2800  }
0x58: {  	[sflag:s29] =	ssyncset.done $0x0  }
0x59: {  	[sflag:s29] =	ssyncadd.s32 $0xFFFFD800  }
0x5a: {  	[spmem:s1] =	stream.indirect.scatter.add.f32 [tilespmem:s26], [sflag:$0x3], $0x80, s31, s22, $0xb8;
	[tilespmem:$0x13880] =	vst v63  }
0x5b: {  	_ =	swait.ge [sflag:s20], $0x2800  }
0x5c: {  	[sflag:s20] =	ssyncset.done $0x0  }
0x5d: {  	[sflag:s20] =	ssyncadd.s32 $0xFFFFD800  }
0x5e: {  	[bflag:$0x0] =	sbarrier.arrive $0xFFFF  }
0x5f: {  	s8 =	simm.s32 @p0 $0x1FC3;
	s10 =	rddreg [dreg:$0x5]  }
0x60: {  	[hbm:s10], [sflag:s8] =	dma.local @p0 [spmem:s19], $0xD80  }
0x61: {  	s10 =	simm.s32 @p0 $0x3  }
0x62: {  	_ =	swait.ge @p0 [sflag:s10], $0xD80  }
0x63: {  	[sflag:s10] =	ssyncset.done @p0 $0x0  }
0x64: {  	[sflag:s10] =	ssyncadd.s32 @p0 $0xFFFFF280  }
0x65: {  	[spmem:s19], [sflag:s8] =	dma.local @p0 [hbm:s5], $0xE00  }
0x66: {  	_ =	swait.ge @p0 [sflag:s10], $0xE00  }
0x67: {  	[sflag:s10] =	ssyncset.done @p0 $0x0  }
0x68: {  	s8 =	simm.s32 @!p0 $0x3;
	[sflag:s10] =	ssyncadd.s32 @p0 $0xFFFFF200  }
0x69: {  	[hbm:s9], [sflag:s7] =	dma.local @!p0 [spmem:s2], $0xD00  }
0x6a: {  	_ =	swait.ge @!p0 [sflag:s8], $0xD00  }
0x6b: {  	[sflag:s8] =	ssyncset.done @!p0 $0x0  }
0x6c: {  	[sflag:s8] =	ssyncadd.s32 @!p0 $0xFFFFF300  }
0x6d: {  	[spmem:s2], [sflag:s7] =	dma.local @!p0 [hbm:s5], $0xD00  }
0x6e: {  	_ =	swait.ge @!p0 [sflag:s8], $0xD00  }
0x6f: {  	[sflag:s8] =	ssyncset.done @!p0 $0x0  }
0x70: {  	s11 =	rddreg [dreg:$0x6];
	[sflag:s8] =	ssyncadd.s32 @!p0 $0xFFFFF300;
	s8 =	simm.s32 $0x0  }
0x71: {  	[tilespmem:s8], [sflag:$0x3] =	stream.linear.gather [hbm4b:s11+s8], $0x4000, $0x38;
	[tilespmem:$0x13880] =	vst v63  }
0x72: {  	_ =	swait.ge [sflag:s20], $0x4000  }
0x73: {  	[sflag:s20] =	ssyncset.done $0x0  }
0x74: {  	[sflag:s20] =	ssyncadd.s32 $0xFFFFC000  }
0x75: {  	[tilespmem:s21], [sflag:$0x3] =	stream.linear.gather [hbm4b:s12+s8], $0x4000, $0x38;
	[tilespmem:$0x13880] =	vst v63  }
0x76: {  	_ =	swait.ge [sflag:s20], $0x4000  }
0x77: {  	[sflag:s20] =	ssyncset.done $0x0  }
0x78: {  	[sflag:s20] =	ssyncadd.s32 $0xFFFFC000  }
0x79: {  	[bflag:$0x0] =	sbarrier.arrive $0xFFFF  }
0x7a: {  	[tilespmem:s23], [sflag:$0x1] =	stream.indirect.gather [hbm4b:s4+s22], $0x80, s8, s22, $0xb8;
	[tilespmem:$0x13880] =	vst v63  }
0x7b: {  	_ = 	snop  }
0x7c: {  	[tilespmem:s26], [sflag:$0x2] =	stream.indirect.gather [hbm4b:s4+s22], $0x80, s24, s22, $0xb8;
	[tilespmem:$0x13880] =	vst v63  }
0x7d: {  	_ =	swait.ge [sflag:s28], $0x2800  }
0x7e: {  	[sflag:s28] =	ssyncset.done $0x0  }
0x7f: {  	s11 =	simm.s32 $0x4000;
	[sflag:s28] =	ssyncadd.s32 $0xFFFFD800  }
0x80: {  	[spmem:s1] =	stream.indirect.scatter.add.f32 [tilespmem:s23], [sflag:$0x3], $0x80, s11, s22, $0xb8;
	[tilespmem:$0x13880] =	vst v63  }
0x81: {  	_ =	swait.ge [sflag:s20], $0x2800  }
0x82: {  	[sflag:s20] =	ssyncset.done $0x0  }
0x83: {  	s10 =	simm.s32 $0x100;
	[sflag:s20] =	ssyncadd.s32 $0xFFFFD800  }
0x84: {  	[tilespmem:s23], [sflag:$0x1] =	stream.indirect.gather [hbm4b:s4+s22], $0x80, s10, s22, $0xb8;
	[tilespmem:$0x13880] =	vst v63  }
0x85: {  	_ =	swait.ge [sflag:s29], $0x2800  }
0x86: {  	[sflag:s29] =	ssyncset.done $0x0  }
0x87: {  	s11 =	simm.s32 $0x4080;
	[sflag:s29] =	ssyncadd.s32 $0xFFFFD800  }
0x88: {  	[spmem:s1] =	stream.indirect.scatter.add.f32 [tilespmem:s26], [sflag:$0x3], $0x80, s11, s22, $0xb8;
	[tilespmem:$0x13880] =	vst v63  }
0x89: {  	_ =	swait.ge [sflag:s20], $0x2800  }
0x8a: {  	[sflag:s20] =	ssyncset.done $0x0  }
0x8b: {  	s8 =	simm.s32 $0x400;
	s10 =	simm.s32 $0x180;
	[sflag:s20] =	ssyncadd.s32 $0xFFFFD800  }
.LBB2_4:
0x8c: {  	[tilespmem:s26], [sflag:$0x2] =	stream.indirect.gather [hbm4b:s4+s22], $0x80, s10, s22, $0xb8;
	[tilespmem:$0x13880] =	vst v63  }
0x8d: {  	s10 =	smov.u32 s8  }
0x8e: {  	p1 =	sne.s32 s8, $0xF800;
	s8 =	sadd.s32 $0x400, s8;
	_ =	swait.ge [sflag:s28], $0x2800  }
0x8f: {  	s10 =	sshra.s32 s10, $0x2;
	[sflag:s28] =	ssyncset.done $0x0  }
0x90: {  	s11 =	sadd.s32 $0x4000, s10;
	[sflag:s28] =	ssyncadd.s32 $0xFFFFD800  }
0x91: {  	[spmem:s1] =	stream.indirect.scatter.add.f32 [tilespmem:s23], [sflag:$0x3], $0x80, s11, s22, $0xb8;
	[tilespmem:$0x13880] =	vst v63  }
0x92: {  	_ =	swait.ge [sflag:s20], $0x2800  }
0x93: {  	[sflag:s20] =	ssyncset.done $0x0  }
0x94: {  	s11 =	sadd.s32 $0x100, s10;
	[sflag:s20] =	ssyncadd.s32 $0xFFFFD800  }
0x95: {  	[tilespmem:s23], [sflag:$0x1] =	stream.indirect.gather [hbm4b:s4+s22], $0x80, s11, s22, $0xb8;
	[tilespmem:$0x13880] =	vst v63  }
0x96: {  	_ =	swait.ge [sflag:s29], $0x2800  }
0x97: {  	[sflag:s29] =	ssyncset.done $0x0  }
.Ltmp1:
0x98: {  	s11 =	sadd.s32 $0x4080, s10;
	[sflag:s29] =	ssyncadd.s32 $0xFFFFD800;
	(pc) =	sbr.rel @p1 .LBB2_4-.Ltmp1, $4  }
0x99: {  	[spmem:s1] =	stream.indirect.scatter.add.f32 [tilespmem:s26], [sflag:$0x3], $0x80, s11, s22, $0xb8;
	[tilespmem:$0x13880] =	vst v63  }
0x9a: {  	_ =	swait.ge [sflag:s20], $0x2800  }
0x9b: {  	[sflag:s20] =	ssyncset.done $0x0  }
0x9c: {  	s10 =	sadd.s32 $0x180, s10;
	[sflag:s20] =	ssyncadd.s32 $0xFFFFD800  }
0x9d: {  	[tilespmem:s26], [sflag:$0x2] =	stream.indirect.gather [hbm4b:s4+s22], $0x80, s10, s22, $0xb8;
	[tilespmem:$0x13880] =	vst v63  }
0x9e: {  	_ =	swait.ge [sflag:s28], $0x2800  }
0x9f: {  	[sflag:s28] =	ssyncset.done $0x0  }
0xa0: {  	[sflag:s28] =	ssyncadd.s32 $0xFFFFD800  }
0xa1: {  	[spmem:s1] =	stream.indirect.scatter.add.f32 [tilespmem:s23], [sflag:$0x3], $0x80, s30, s22, $0xb8;
	[tilespmem:$0x13880] =	vst v63  }
0xa2: {  	_ =	swait.ge [sflag:s20], $0x2800  }
0xa3: {  	[sflag:s20] =	ssyncset.done $0x0  }
0xa4: {  	[sflag:s20] =	ssyncadd.s32 $0xFFFFD800  }
0xa5: {  	_ =	swait.ge [sflag:s29], $0x2800  }
0xa6: {  	[sflag:s29] =	ssyncset.done $0x0  }
0xa7: {  	[sflag:s29] =	ssyncadd.s32 $0xFFFFD800  }
0xa8: {  	[spmem:s1] =	stream.indirect.scatter.add.f32 [tilespmem:s26], [sflag:$0x3], $0x80, s31, s22, $0xb8;
	[tilespmem:$0x13880] =	vst v63  }
0xa9: {  	_ =	swait.ge [sflag:s20], $0x2800  }
0xaa: {  	[sflag:s20] =	ssyncset.done $0x0  }
0xab: {  	[sflag:s20] =	ssyncadd.s32 $0xFFFFD800  }
0xac: {  	s8 =	simm.s32 @p0 $0x1FC3;
	s10 =	simm.s32 @p0 $0x3;
	[bflag:$0x0] =	sbarrier.arrive $0xFFFF  }
0xad: {  	[hbm:s14], [sflag:s8] =	dma.local @p0 [spmem:s19], $0xD80  }
0xae: {  	_ =	swait.ge @p0 [sflag:s10], $0xD80  }
0xaf: {  	[sflag:s10] =	ssyncset.done @p0 $0x0  }
0xb0: {  	[sflag:s10] =	ssyncadd.s32 @p0 $0xFFFFF280  }
0xb1: {  	[spmem:s19], [sflag:s8] =	dma.local @p0 [hbm:s5], $0xE00  }
0xb2: {  	_ =	swait.ge @p0 [sflag:s10], $0xE00  }
0xb3: {  	[sflag:s10] =	ssyncset.done @p0 $0x0  }
0xb4: {  	s8 =	simm.s32 @!p0 $0x3;
	[sflag:s10] =	ssyncadd.s32 @p0 $0xFFFFF200  }
0xb5: {  	[hbm:s13], [sflag:s7] =	dma.local @!p0 [spmem:s2], $0xD00  }
0xb6: {  	_ =	swait.ge @!p0 [sflag:s8], $0xD00  }
0xb7: {  	[sflag:s8] =	ssyncset.done @!p0 $0x0  }
0xb8: {  	[sflag:s8] =	ssyncadd.s32 @!p0 $0xFFFFF300  }
0xb9: {  	[spmem:s2], [sflag:s7] =	dma.local @!p0 [hbm:s5], $0xD00  }
0xba: {  	_ =	swait.ge @!p0 [sflag:s8], $0xD00  }
0xbb: {  	[sflag:s8] =	ssyncset.done @!p0 $0x0  }
0xbc: {  	s7 =	simm.s32 $0x0;
	[sflag:s8] =	ssyncadd.s32 @!p0 $0xFFFFF300  }
0xbd: {  	[tilespmem:s7], [sflag:$0x3] =	stream.linear.gather [hbm4b:s15+s7], $0x4000, $0x38;
	[tilespmem:$0x13880] =	vst v63  }
0xbe: {  	_ =	swait.ge [sflag:s20], $0x4000  }
0xbf: {  	[sflag:s20] =	ssyncset.done $0x0  }
0xc0: {  	[sflag:s20] =	ssyncadd.s32 $0xFFFFC000  }
0xc1: {  	[tilespmem:s21], [sflag:$0x3] =	stream.linear.gather [hbm4b:s16+s7], $0x4000, $0x38;
	[tilespmem:$0x13880] =	vst v63  }
0xc2: {  	_ =	swait.ge [sflag:s20], $0x4000  }
0xc3: {  	[sflag:s20] =	ssyncset.done $0x0  }
0xc4: {  	[sflag:s20] =	ssyncadd.s32 $0xFFFFC000  }
0xc5: {  	[bflag:$0x0] =	sbarrier.arrive $0xFFFF  }
0xc6: {  	[tilespmem:s23], [sflag:$0x1] =	stream.indirect.gather [hbm4b:s4+s22], $0x80, s7, s22, $0xb8;
	[tilespmem:$0x13880] =	vst v63  }
0xc7: {  	_ = 	snop  }
0xc8: {  	[tilespmem:s26], [sflag:$0x2] =	stream.indirect.gather [hbm4b:s4+s22], $0x80, s24, s22, $0xb8;
	[tilespmem:$0x13880] =	vst v63  }
0xc9: {  	_ =	swait.ge [sflag:s28], $0x2800  }
0xca: {  	[sflag:s28] =	ssyncset.done $0x0  }
0xcb: {  	s8 =	simm.s32 $0x4000;
	[sflag:s28] =	ssyncadd.s32 $0xFFFFD800  }
0xcc: {  	[spmem:s1] =	stream.indirect.scatter.add.f32 [tilespmem:s23], [sflag:$0x3], $0x80, s8, s22, $0xb8;
	[tilespmem:$0x13880] =	vst v63  }
0xcd: {  	_ =	swait.ge [sflag:s20], $0x2800  }
0xce: {  	[sflag:s20] =	ssyncset.done $0x0  }
0xcf: {  	s10 =	simm.s32 $0x100;
	[sflag:s20] =	ssyncadd.s32 $0xFFFFD800  }
0xd0: {  	[tilespmem:s23], [sflag:$0x1] =	stream.indirect.gather [hbm4b:s4+s22], $0x80, s10, s22, $0xb8;
	[tilespmem:$0x13880] =	vst v63  }
0xd1: {  	_ =	swait.ge [sflag:s29], $0x2800  }
0xd2: {  	[sflag:s29] =	ssyncset.done $0x0  }
0xd3: {  	s11 =	simm.s32 $0x4080;
	[sflag:s29] =	ssyncadd.s32 $0xFFFFD800  }
0xd4: {  	[spmem:s1] =	stream.indirect.scatter.add.f32 [tilespmem:s26], [sflag:$0x3], $0x80, s11, s22, $0xb8;
	[tilespmem:$0x13880] =	vst v63  }
0xd5: {  	_ =	swait.ge [sflag:s20], $0x2800  }
0xd6: {  	s2 =	simm.s32 $0x400;
	[sflag:s20] =	ssyncset.done $0x0  }
0xd7: {  	s7 =	simm.s32 $0x180;
	s11 =	stileid.u32;
	[sflag:s20] =	ssyncadd.s32 $0xFFFFD800  }
.LBB2_6:
0xd8: {  	[tilespmem:s26], [sflag:$0x2] =	stream.indirect.gather [hbm4b:s4+s22], $0x80, s7, s22, $0xb8;
	[tilespmem:$0x13880] =	vst v63  }
0xd9: {  	s7 =	smov.u32 s2  }
0xda: {  	p1 =	sne.s32 s2, $0xF800;
	s2 =	sadd.s32 $0x400, s2;
	_ =	swait.ge [sflag:s28], $0x2800  }
0xdb: {  	s7 =	sshra.s32 s7, $0x2;
	[sflag:s28] =	ssyncset.done $0x0  }
0xdc: {  	s8 =	sadd.s32 $0x4000, s7;
	[sflag:s28] =	ssyncadd.s32 $0xFFFFD800  }
0xdd: {  	[spmem:s1] =	stream.indirect.scatter.add.f32 [tilespmem:s23], [sflag:$0x3], $0x80, s8, s22, $0xb8;
	[tilespmem:$0x13880] =	vst v63  }
0xde: {  	_ =	swait.ge [sflag:s20], $0x2800  }
0xdf: {  	[sflag:s20] =	ssyncset.done $0x0  }
0xe0: {  	s8 =	sadd.s32 $0x100, s7;
	[sflag:s20] =	ssyncadd.s32 $0xFFFFD800  }
0xe1: {  	[tilespmem:s23], [sflag:$0x1] =	stream.indirect.gather [hbm4b:s4+s22], $0x80, s8, s22, $0xb8;
	[tilespmem:$0x13880] =	vst v63  }
0xe2: {  	_ =	swait.ge [sflag:s29], $0x2800  }
0xe3: {  	[sflag:s29] =	ssyncset.done $0x0  }
.Ltmp2:
0xe4: {  	s8 =	sadd.s32 $0x4080, s7;
	[sflag:s29] =	ssyncadd.s32 $0xFFFFD800;
	(pc) =	sbr.rel @p1 .LBB2_6-.Ltmp2, $4  }
0xe5: {  	[spmem:s1] =	stream.indirect.scatter.add.f32 [tilespmem:s26], [sflag:$0x3], $0x80, s8, s22, $0xb8;
	[tilespmem:$0x13880] =	vst v63  }
0xe6: {  	_ =	swait.ge [sflag:s20], $0x2800  }
0xe7: {  	[sflag:s20] =	ssyncset.done $0x0  }
0xe8: {  	s7 =	sadd.s32 $0x180, s7;
	[sflag:s20] =	ssyncadd.s32 $0xFFFFD800  }
0xe9: {  	[tilespmem:s26], [sflag:$0x2] =	stream.indirect.gather [hbm4b:s4+s22], $0x80, s7, s22, $0xb8;
	[tilespmem:$0x13880] =	vst v63  }
0xea: {  	_ =	swait.ge [sflag:s28], $0x2800  }
0xeb: {  	[sflag:s28] =	ssyncset.done $0x0  }
0xec: {  	[sflag:s28] =	ssyncadd.s32 $0xFFFFD800  }
0xed: {  	[spmem:s1] =	stream.indirect.scatter.add.f32 [tilespmem:s23], [sflag:$0x3], $0x80, s30, s22, $0xb8;
	[tilespmem:$0x13880] =	vst v63  }
0xee: {  	_ =	swait.ge [sflag:s20], $0x2800  }
0xef: {  	[sflag:s20] =	ssyncset.done $0x0  }
0xf0: {  	[sflag:s20] =	ssyncadd.s32 $0xFFFFD800  }
0xf1: {  	_ =	swait.ge [sflag:s29], $0x2800  }
0xf2: {  	[sflag:s29] =	ssyncset.done $0x0  }
0xf3: {  	[sflag:s29] =	ssyncadd.s32 $0xFFFFD800  }
0xf4: {  	[spmem:s1] =	stream.indirect.scatter.add.f32 [tilespmem:s26], [sflag:$0x3], $0x80, s31, s22, $0xb8;
	[tilespmem:$0x13880] =	vst v63  }
0xf5: {  	_ =	swait.ge [sflag:s20], $0x2800  }
0xf6: {  	s0 =	sadd.s32 $0x1, s0;
	[sflag:s20] =	ssyncset.done $0x0  }
0xf7: {  	s2 =	sshll.u32 s11, $0x6;
	p1 =	sne.s32 s0, s17;
	[sflag:s20] =	ssyncadd.s32 $0xFFFFD800  }
.Ltmp3:
0xf8: {  	s2 =	sor.u32 $0x1C03, s2;
	[bflag:$0x0] =	sbarrier.arrive $0xFFFF;
	(pc) =	sbr.rel @p1 .LBB2_1-.Ltmp3, $4  }
0xf9: {  	[hbm:s18], [sflag:s2] =	dma.local [spmem:s25], $0xD00  }
0xfa: {  	_ =	swait.ge [sflag:s20], $0xD00  }
0xfb: {  	[sflag:s20] =	ssyncset.done $0x0  }
0xfc: {  	[sflag:s20] =	ssyncadd.s32 $0xFFFFF300  }
0xfd: {  	_ =	sfence.sel $0x180000  }
0xfe: {  	[bflag:$0x0] =	sbarrier.arrive $0xFFFF  }
0xff: {  	_ =	strace $0x90000050  }
0x100: {  	[bflag:$0x2] =	sbarrier.arrive $0xFFFF  }
0x101: {  	p0 =	sne.s32 s11, $0x0;
	s0 =	rddreg [dreg:$0x2]  }
0x102: {  	s0 =	sadd.s32 @!p0 $0x100000, s0  }
0x103: {  	[sflag:s0] =	ssyncadd.tile.s32 @!p0 $0x1;
	_ =	shalt  }
.Lfunc_end2:
_tile_overlayer_lowered:
.L_overlay_start_2:
0x104: {  	(tag) =	ssettag $0x2  }
0x105: {  	s0 =	rddreg [dreg:$0x0];
	s2 =	stileid.u32  }
0x106: {  	s1 =	rddreg [dreg:$0x1];
	p0 =	sne.s32 s2, $0x0  }
0x107: {  	s3 =	rddreg [dreg:$0x2];
	[bflag:$0x3] =	sbarrier.arrive $0xFFFF;
	s2 =	simm.s32 @!p0 $0x1C03  }
0x108: {  	[timem:s3], [sflag:s2] =	dma.local @!p0 [hbm:s0], s1  }
0x109: {  	s0 =	simm.s32 @!p0 $0x3  }
0x10a: {  	_ =	swait.ge @!p0 [sflag:s0], s1  }
0x10b: {  	s1 =	ssub.s32 @!p0 $0x0, s1;
	[sflag:s0] =	ssyncset.done @!p0 $0x0  }
0x10c: {  	[sflag:s0] =	ssyncadd.s32 @!p0 s1  }
0x10d: {  	[bflag:$0x3] =	sbarrier.arrive $0xFFFF  }
0x10e: {  	_ =	shalt  }

</sc_bundles>
